<compile_context>
chip_gen: v7x
topology: tpu7x:2x2x1
jax: 0.10.2.dev20260603
libtpu: 0.0.44.dev20260713+nightly
codegen_flags: <defaults>
</compile_context>

<pallas_src>
import functools

import jax
import jax.numpy as jnp
from jax import lax
from jax.experimental import pallas as pl
from jax.experimental.pallas import tpu as pltpu
from jax.experimental.pallas import tpu_sc as plsc

NC = 2
NS = 16
BATCH = 125
KI = 8
KI_DEG = 8

_mesh = plsc.VectorSubcoreMesh(
    core_axis_name="c", subcore_axis_name="s", num_cores=NC, num_subcores=NS)
_sc_params = pltpu.CompilerParams(use_tc_tiling_on_sc=False)


def _deg_body(ei3, zeros8, ones8, out, idx, ones_v, acc, ssem):
    c = lax.axis_index("c")
    s = lax.axis_index("s")
    npad = acc.shape[0]
    tchunk = npad // NS
    rows_half = ei3.shape[1] // NC
    rpt = rows_half // NS
    nblk = rpt // KI_DEG
    pltpu.sync_copy(zeros8.at[pl.ds(s * tchunk, tchunk)],
                    acc.at[pl.ds(s * tchunk, tchunk)])
    pltpu.sync_copy(ones8, ones_v)
    plsc.subcore_barrier()
    row0 = c * rows_half + s * rpt

    def drain_scatters(p):
        for j in range(KI_DEG):
            pltpu.make_async_copy(ones_v, acc.at[idx.at[p].at[j]],
                                  ssem).wait()

    def outer(i2, carry):
        for p in range(2):
            blk = i2 * 2 + p

            @pl.when(blk > 0)
            def _():
                drain_scatters(1 - p)

            pltpu.sync_copy(
                ei3.at[1, pl.ds(row0 + blk * KI_DEG, KI_DEG)], idx.at[p])
            for j in range(KI_DEG):
                pltpu.async_copy(ones_v, acc.at[idx.at[p].at[j]], ssem,
                                 add=True)
        return carry

    lax.fori_loop(0, nblk // 2, outer, 0)
    drain_scatters((nblk - 1) % 2)
    plsc.subcore_barrier()
    pltpu.sync_copy(acc.at[pl.ds(s * tchunk, tchunk)],
                    out.at[pl.ds(c * npad + s * tchunk, tchunk)])


def _agg_body(ei3, ys2, zeros24, out, sidx, didx, rows, acc, gsem, ssem):
    c = lax.axis_index("c")
    s = lax.axis_index("s")
    npad = acc.shape[0]
    tchunk = npad // NS
    nv = ys2.shape[0] // NC
    rows_tot = ei3.shape[1]
    rpt = rows_tot // NS
    nblk = rpt // KI
    table = ys2.at[pl.ds(c * nv, nv)]
    pltpu.sync_copy(zeros24.at[pl.ds(s * tchunk, tchunk)],
                    acc.at[pl.ds(s * tchunk, tchunk)])
    plsc.subcore_barrier()
    row0 = s * rpt

    def load_idx(blk, p):
        pltpu.sync_copy(ei3.at[0, pl.ds(row0 + blk * KI, KI)], sidx.at[p])
        pltpu.sync_copy(ei3.at[1, pl.ds(row0 + blk * KI, KI)], didx.at[p])

    def fire_gathers(p):
        for j in range(KI):
            pltpu.async_copy(table.at[sidx.at[p].at[j]], rows.at[p].at[j],
                             gsem)

    def drain_gathers(p):
        for j in range(KI):
            pltpu.make_async_copy(table.at[sidx.at[p].at[j]],
                                  rows.at[p].at[j], gsem).wait()

    def fire_scatters(p):
        for j in range(KI):
            pltpu.async_copy(rows.at[p].at[j], acc.at[didx.at[p].at[j]],
                             ssem, add=True)

    def drain_scatters(p):
        for j in range(KI):
            pltpu.make_async_copy(rows.at[p].at[j],
                                  acc.at[didx.at[p].at[j]], ssem).wait()

    load_idx(0, 0)
    fire_gathers(0)

    def outer(i2, carry):
        for p in range(2):
            blk = i2 * 2 + p
            drain_gathers(p)
            fire_scatters(p)

            @pl.when(blk > 0)
            def _():
                drain_scatters(1 - p)

            @pl.when(blk + 1 < nblk)
            def _():
                load_idx(blk + 1, 1 - p)
                fire_gathers(1 - p)
        return carry

    lax.fori_loop(0, nblk // 2, outer, 0)
    drain_scatters((nblk - 1) % 2)
    plsc.subcore_barrier()
    pltpu.sync_copy(acc.at[pl.ds(s * tchunk, tchunk)],
                    out.at[pl.ds(c * npad + s * tchunk, tchunk)])


def _proj_body(xs_ref, degn_ref, m_ref, ys_ref, dinv_ref):
    d = degn_ref[0, :, 0] + degn_ref[1, :, 0] + 1.0
    dinv = lax.rsqrt(d)
    dinv_ref[:, 0] = dinv
    xb = xs_ref[...]
    m = m_ref[...]
    t12 = m.shape[1] // 2
    y0 = jnp.dot(xb[0], m, precision=lax.Precision.HIGHEST)
    y1 = jnp.dot(xb[1], m, precision=lax.Precision.HIGHEST)
    sc = dinv[:, None]
    ys_ref[0, :, :] = jnp.concatenate(
        [y0[:, 0:t12], y1[:, 0:t12]], axis=1) * sc
    ys_ref[1, :, :] = jnp.concatenate(
        [y0[:, t12:], y1[:, t12:]], axis=1) * sc


def _final_body(agg_ref, ys_ref, dinv_ref, attw_ref, p_ref, out_ref):
    dinv = dinv_ref[:, 0:1]
    aw = attw_ref[...]
    m = jnp.max(aw)
    e = jnp.exp(aw - m)
    sm = e / jnp.sum(e)
    b_z = p_ref[0]
    b_h = p_ref[1]
    az = p_ref[2]
    cz = p_ref[3]
    ah = p_ref[4]
    ch = p_ref[5]
    gz = dinv * (agg_ref[0] + ys_ref[0]) + b_z
    gh = dinv * (agg_ref[1] + ys_ref[1]) + b_h
    z = jax.nn.sigmoid(az * gz + cz)
    ht = jnp.tanh(ah * gh + ch)
    step = (1.0 - z) * ht * sm
    t12 = step.shape[1] // 2
    h0 = 2.0 * jnp.sum(step[:, 0:t12], axis=1)
    h1 = 2.0 * jnp.sum(step[:, t12:], axis=1)
    out_ref[:, 0] = jax.nn.sigmoid(jnp.maximum(h0, 0.0))
    out_ref[:, 1] = jax.nn.sigmoid(jnp.maximum(h1, 0.0))


def kernel(x, edge_index, att, W_z, b_z, W_r, b_r, W_h, b_h,
           Wl_z, bl_z, Wl_r, bl_r, Wl_h, bl_h):
    B_, N, F, T = x.shape
    E = edge_index.shape[1]
    C = B_ * T
    f32 = jnp.float32

    rows = E // BATCH
    assert rows * BATCH == E and rows % (NC * NS * 2 * KI_DEG) == 0
    NPAD = -(-(N + 1) // (NS * 8)) * (NS * 8)

    ei3 = edge_index.reshape(2, rows, BATCH)

    zeros8 = jnp.zeros((NPAD, 8), f32)
    ones8 = jnp.ones((BATCH, 8), f32)
    zeros24 = jnp.zeros((NPAD, C), f32)

    deg_call = functools.partial(
        pl.kernel,
        out_type=jax.ShapeDtypeStruct((NC * NPAD, 8), f32),
        mesh=_mesh,
        compiler_params=_sc_params,
        scratch_types=[
            pltpu.VMEM((2, KI_DEG, BATCH), jnp.int32),
            pltpu.VMEM((BATCH, 8), f32),
            pltpu.VMEM_SHARED((NPAD, 8), f32),
            pltpu.SemaphoreType.DMA,
        ])(_deg_body)
    deg8 = deg_call(ei3, zeros8, ones8)
    degn = deg8.reshape(NC, NPAD, 8)

    xs = x.reshape(B_, N, F * T)
    wcat = jnp.concatenate([W_z, W_h], axis=1)
    mproj = jnp.kron(wcat, jnp.eye(T, dtype=f32))

    BN = 2048
    grid = -(-N // BN)
    ys, dinv = pl.pallas_call(
        _proj_body,
        grid=(grid,),
        in_specs=[
            pl.BlockSpec((B_, BN, F * T), lambda i: (0, i, 0)),
            pl.BlockSpec((NC, BN, 8), lambda i: (0, i, 0)),
            pl.BlockSpec((F * T, C), lambda i: (0, 0)),
        ],
        out_specs=[
            pl.BlockSpec((2, BN, C), lambda i: (0, i, 0)),
            pl.BlockSpec((BN, 1), lambda i: (i, 0)),
        ],
        out_shape=[
            jax.ShapeDtypeStruct((2, N, C), f32),
            jax.ShapeDtypeStruct((N, 1), f32),
        ],
    )(xs, degn, mproj)

    ys2 = ys.reshape(2 * N, C)

    agg_call = functools.partial(
        pl.kernel,
        out_type=jax.ShapeDtypeStruct((NC * NPAD, C), f32),
        mesh=_mesh,
        compiler_params=_sc_params,
        scratch_types=[
            pltpu.VMEM((2, KI, BATCH), jnp.int32),
            pltpu.VMEM((2, KI, BATCH), jnp.int32),
            pltpu.VMEM((2, KI, BATCH, C), f32),
            pltpu.VMEM_SHARED((NPAD, C), f32),
            pltpu.SemaphoreType.DMA,
            pltpu.SemaphoreType.DMA,
        ])(_agg_body)
    agg = agg_call(ei3, ys2, zeros24)
    aggn = agg.reshape(NC, NPAD, C)

    attw = jnp.concatenate([att, att]).reshape(1, C)
    pvec = jnp.stack([b_z[0], b_h[0], Wl_z[0, 0], bl_z[0],
                      Wl_h[0, 0], bl_h[0]])

    outn = pl.pallas_call(
        _final_body,
        grid=(grid,),
        in_specs=[
            pl.BlockSpec((NC, BN, C), lambda i: (0, i, 0)),
            pl.BlockSpec((2, BN, C), lambda i: (0, i, 0)),
            pl.BlockSpec((BN, 1), lambda i: (i, 0)),
            pl.BlockSpec((1, C), lambda i: (0, 0)),
            pl.BlockSpec(memory_space=pltpu.SMEM),
        ],
        out_specs=pl.BlockSpec((BN, 2), lambda i: (i, 0)),
        out_shape=jax.ShapeDtypeStruct((N, 2), f32),
    )(aggn, ys, dinv, attw, pvec)
    return outn.T

# --- scband reference (transcript-rebuilt; emitter-appended) ---
"""Pipeline reference for scband-temporal-gnn-40209483825425 (READ-ONLY COPY).

The authoritative reference and input builder live on the scoring server;
editing this copy changes nothing except your own understanding.
"""

import jax, jax.numpy as jnp
import numpy as np

N = 50000
B = 2
F_IN = 4
F_OUT = 1
T = 12
E = 1600000


def _glorot(k, shape):
    lim = float(np.sqrt(6.0 / (shape[0] + shape[1])))
    return jax.random.uniform(k, shape, minval=-lim, maxval=lim, dtype=jnp.float32)


def setup_inputs(seed: int = 0):
    key = jax.random.key(seed)
    ks = jax.random.split(key, 16)
    x = jax.random.normal(ks[0], (B, N, F_IN, T), dtype=jnp.float32)
    edge_index = jax.random.randint(ks[1], (2, E), 0, N, dtype=jnp.int32)
    inp = {
        'x': x,
        'edge_index': edge_index,
        'att': jax.random.uniform(ks[2], (T,), dtype=jnp.float32),
        'W_z': _glorot(ks[3], (F_IN, F_OUT)), 'b_z': jnp.zeros((F_OUT,), jnp.float32),
        'W_r': _glorot(ks[4], (F_IN, F_OUT)), 'b_r': jnp.zeros((F_OUT,), jnp.float32),
        'W_h': _glorot(ks[5], (F_IN, F_OUT)), 'b_h': jnp.zeros((F_OUT,), jnp.float32),
        'Wl_z': _glorot(ks[6], (2 * F_OUT, F_OUT)), 'bl_z': jnp.zeros((F_OUT,), jnp.float32),
        'Wl_r': _glorot(ks[7], (2 * F_OUT, F_OUT)), 'bl_r': jnp.zeros((F_OUT,), jnp.float32),
        'Wl_h': _glorot(ks[8], (2 * F_OUT, F_OUT)), 'bl_h': jnp.zeros((F_OUT,), jnp.float32),
    }
    return inp


def reference(x, edge_index, att, W_z, b_z, W_r, b_r, W_h, b_h, Wl_z, bl_z, Wl_r, bl_r, Wl_h, bl_h):
    num_nodes = x.shape[1]
    src = edge_index[0]
    dst = edge_index[1]
    loop = jnp.arange(num_nodes, dtype=src.dtype)
    src_full = jnp.concatenate([src, loop])
    dst_full = jnp.concatenate([dst, loop])
    ew = jnp.ones(src_full.shape[0], dtype=x.dtype)
    deg = jax.ops.segment_sum(ew, dst_full, num_segments=num_nodes)
    dinv = jnp.where(deg > 0, jax.lax.rsqrt(jnp.maximum(deg, 1e-12)), 0.0)
    norm = dinv[src_full] * ew * dinv[dst_full]

    def gconv(Xt, W, b):
        # GCNConv: linear -> normalized gather/scatter-add aggregation -> bias
        xw = jnp.einsum('bnf,fo->bno', Xt, W)
        msg = jnp.take(xw, src_full, axis=1) * norm[None, :, None]
        msg_t = jnp.swapaxes(msg, 0, 1)
        agg = jax.ops.segment_sum(msg_t, dst_full, num_segments=num_nodes)
        return jnp.swapaxes(agg, 0, 1) + b

    def tgcn_step(Xt):
        H = jnp.zeros((Xt.shape[0], num_nodes, W_z.shape[1]), dtype=Xt.dtype)
        Z = jax.nn.sigmoid(jnp.concatenate([gconv(Xt, W_z, b_z), H], axis=2) @ Wl_z + bl_z)
        R = jax.nn.sigmoid(jnp.concatenate([gconv(Xt, W_r, b_r), H], axis=2) @ Wl_r + bl_r)
        Ht = jnp.tanh(jnp.concatenate([gconv(Xt, W_h, b_h), H * R], axis=2) @ Wl_h + bl_h)
        return Z * H + (1.0 - Z) * Ht

    probs = jax.nn.softmax(att, axis=0)
    H_accum = jnp.zeros((x.shape[0], num_nodes, W_z.shape[1]), dtype=x.dtype)
    for t in range(x.shape[3]):
        H_accum = H_accum + probs[t] * tgcn_step(x[:, :, :, t])
    h = jax.nn.relu(H_accum)
    h = jnp.reshape(h, (h.shape[0], h.shape[1]))
    return jax.nn.sigmoid(h)

if __name__ == "__main__":
    import jax
    _d = setup_inputs()
    print(jax.jit(kernel)(*tuple(_d.values())))

</pallas_src>

<mosaic_0001>
#map = affine_map<(d0, d1) -> (0, 0, 0)>
#map1 = affine_map<(d0, d1) -> (0, 0)>
module attributes {stable_mosaic.version = 14 : i64} {
  func.func @_agg_body(%arg0: i32, %arg1: i32, %arg2: memref<2x12800x125xi32, #tpu.memory_space<hbm>>, %arg3: memref<100000x24xf32, #tpu.memory_space<hbm>>, %arg4: memref<50048x24xf32, #tpu.memory_space<hbm>>, %arg5: memref<100096x24xf32, #tpu.memory_space<hbm>>, %arg6: memref<2x8x125xi32, #tpu.memory_space<vmem>>, %arg7: memref<2x8x125xi32, #tpu.memory_space<vmem>>, %arg8: memref<2x8x125x24xf32, #tpu.memory_space<vmem>>, %arg9: memref<50048x24xf32, #tpu.memory_space<vmem_shared>>, %arg10: memref<!tpu.dma_semaphore, #tpu.memory_space<semaphore_mem>>, %arg11: memref<!tpu.dma_semaphore, #tpu.memory_space<semaphore_mem>>) attributes {dimension_semantics = [#tpu.dimension_semantics<core_parallel>, #tpu.dimension_semantics<subcore_parallel>], iteration_bounds = array<i64: 2, 16>, scalar_prefetch = 0 : i64, scratch_operands = 6 : i64, tpu.core_type = #tpu.core_type<sc_vector_subcore>, window_params = [{transform_indices = #map}, {transform_indices = #map1}, {transform_indices = #map1}, {transform_indices = #map1}]} {
    %mul3A = arith.constant 50000 : i32
    %mul3A_0 = arith.muli %arg0, %mul3A : i32
    %mul3A_1 = arith.constant 3128 : i32
    %mul3A_2 = arith.muli %arg1, %mul3A_1 : i32
    %mul3A_3 = arith.constant 3128 : i32
    %mul3A_4 = arith.muli %arg1, %mul3A_3 : i32
    "tpu.region"() ({
      %run_scoped3A_408 = tpu.sem_alloc : memref<!tpu.dma_semaphore, #tpu.memory_space<semaphore_mem>>
      %dma_start3A_409 = arith.constant 0 : i32
      %dma_start3A_410 = tpu.memref_slice %arg9[%mul3A_4, %dma_start3A_409] : memref<50048x24xf32, #tpu.memory_space<vmem_shared>> -> memref<3128x24xf32, #tpu.memory_space<vmem_shared>>
      %dma_start3A_411 = arith.constant 0 : i32
      %dma_start3A_412 = tpu.memref_slice %arg4[%mul3A_2, %dma_start3A_411] : memref<50048x24xf32, #tpu.memory_space<hbm>> -> memref<3128x24xf32, #tpu.memory_space<hbm>>
      tpu.enqueue_dma source(%dma_start3A_412 : memref<3128x24xf32, #tpu.memory_space<hbm>>) target(%dma_start3A_410 : memref<3128x24xf32, #tpu.memory_space<vmem_shared>>) target_semaphore(%run_scoped3A_408 : memref<!tpu.dma_semaphore, #tpu.memory_space<semaphore_mem>>)
      %dma_wait3A_413 = arith.constant 0 : i32
      %dma_wait3A_414 = tpu.memref_slice %arg9[%mul3A_4, %dma_wait3A_413] : memref<50048x24xf32, #tpu.memory_space<vmem_shared>> -> memref<3128x24xf32, #tpu.memory_space<vmem_shared>>
      %dma_wait3A_415 = arith.constant 0 : i32
      %dma_wait3A_416 = tpu.memref_slice %arg4[%mul3A_2, %dma_wait3A_415] : memref<50048x24xf32, #tpu.memory_space<hbm>> -> memref<3128x24xf32, #tpu.memory_space<hbm>>
      tpu.wait_dma2 semaphore(%run_scoped3A_408 : memref<!tpu.dma_semaphore, #tpu.memory_space<semaphore_mem>>) src(%dma_wait3A_416 : memref<3128x24xf32, #tpu.memory_space<hbm>>) dst(%dma_wait3A_414 : memref<3128x24xf32, #tpu.memory_space<vmem_shared>>)
      tpu.yield
    }) : () -> ()
    %barrier3A = arith.constant 0 : index
    tpu.barrier barrier_id(%barrier3A)
    %mul3A_5 = arith.constant 800 : i32
    %mul3A_6 = arith.muli %arg1, %mul3A_5 : i32
    %add3A = arith.constant 0 : i32
    %add3A_7 = arith.addi %mul3A_6, %add3A : i32
    %run_scoped3A = arith.constant 0 : i32
    %run_scoped3A_8 = arith.constant 0 : i32
    "tpu.region"() ({
      %run_scoped3A_408 = tpu.sem_alloc : memref<!tpu.dma_semaphore, #tpu.memory_space<semaphore_mem>>
      %dma_start3A_409 = arith.constant 0 : i32
      %dma_start3A_410 = arith.constant 0 : i32
      %dma_start3A_411 = tpu.memref_slice %arg6[%run_scoped3A_8, %dma_start3A_409, %dma_start3A_410] : memref<2x8x125xi32, #tpu.memory_space<vmem>> -> memref<1x8x125xi32, #tpu.memory_space<vmem>>
      %dma_start3A_412 = tpu.memref_squeeze %dma_start3A_411 : memref<1x8x125xi32, #tpu.memory_space<vmem>> -> memref<8x125xi32, #tpu.memory_space<vmem>>
      %dma_start3A_413 = arith.constant 0 : i32
      %dma_start3A_414 = tpu.memref_slice %arg2[%run_scoped3A, %add3A_7, %dma_start3A_413] : memref<2x12800x125xi32, #tpu.memory_space<hbm>> -> memref<1x8x125xi32, #tpu.memory_space<hbm>>
      %dma_start3A_415 = tpu.memref_squeeze %dma_start3A_414 : memref<1x8x125xi32, #tpu.memory_space<hbm>> -> memref<8x125xi32, #tpu.memory_space<hbm>>
      %dma_start3A_416 = arith.constant 0 : i32
      %dma_start3A_417 = arith.constant 0 : i32
      %dma_start3A_418 = tpu.memref_slice %arg6[%run_scoped3A_8, %dma_start3A_416, %dma_start3A_417] : memref<2x8x125xi32, #tpu.memory_space<vmem>> -> memref<1x8x125xi32, #tpu.memory_space<vmem>>
      %dma_start3A_419 = tpu.memref_squeeze %dma_start3A_418 : memref<1x8x125xi32, #tpu.memory_space<vmem>> -> memref<8x125xi32, #tpu.memory_space<vmem>>
      %dma_start3A_420 = arith.constant 0 : i32
      %dma_start3A_421 = tpu.memref_slice %arg2[%run_scoped3A, %add3A_7, %dma_start3A_420] : memref<2x12800x125xi32, #tpu.memory_space<hbm>> -> memref<1x8x125xi32, #tpu.memory_space<hbm>>
      %dma_start3A_422 = tpu.memref_squeeze %dma_start3A_421 : memref<1x8x125xi32, #tpu.memory_space<hbm>> -> memref<8x125xi32, #tpu.memory_space<hbm>>
      tpu.enqueue_dma source(%dma_start3A_422 : memref<8x125xi32, #tpu.memory_space<hbm>>) target(%dma_start3A_419 : memref<8x125xi32, #tpu.memory_space<vmem>>) target_semaphore(%run_scoped3A_408 : memref<!tpu.dma_semaphore, #tpu.memory_space<semaphore_mem>>)
      %dma_wait3A_423 = arith.constant 0 : i32
      %dma_wait3A_424 = arith.constant 0 : i32
      %dma_wait3A_425 = tpu.memref_slice %arg6[%run_scoped3A_8, %dma_wait3A_423, %dma_wait3A_424] : memref<2x8x125xi32, #tpu.memory_space<vmem>> -> memref<1x8x125xi32, #tpu.memory_space<vmem>>
      %dma_wait3A_426 = tpu.memref_squeeze %dma_wait3A_425 : memref<1x8x125xi32, #tpu.memory_space<vmem>> -> memref<8x125xi32, #tpu.memory_space<vmem>>
      %dma_wait3A_427 = arith.constant 0 : i32
      %dma_wait3A_428 = tpu.memref_slice %arg2[%run_scoped3A, %add3A_7, %dma_wait3A_427] : memref<2x12800x125xi32, #tpu.memory_space<hbm>> -> memref<1x8x125xi32, #tpu.memory_space<hbm>>
      %dma_wait3A_429 = tpu.memref_squeeze %dma_wait3A_428 : memref<1x8x125xi32, #tpu.memory_space<hbm>> -> memref<8x125xi32, #tpu.memory_space<hbm>>
      %dma_wait3A_430 = arith.constant 0 : i32
      %dma_wait3A_431 = arith.constant 0 : i32
      %dma_wait3A_432 = tpu.memref_slice %arg6[%run_scoped3A_8, %dma_wait3A_430, %dma_wait3A_431] : memref<2x8x125xi32, #tpu.memory_space<vmem>> -> memref<1x8x125xi32, #tpu.memory_space<vmem>>
      %dma_wait3A_433 = tpu.memref_squeeze %dma_wait3A_432 : memref<1x8x125xi32, #tpu.memory_space<vmem>> -> memref<8x125xi32, #tpu.memory_space<vmem>>
      %dma_wait3A_434 = arith.constant 0 : i32
      %dma_wait3A_435 = tpu.memref_slice %arg2[%run_scoped3A, %add3A_7, %dma_wait3A_434] : memref<2x12800x125xi32, #tpu.memory_space<hbm>> -> memref<1x8x125xi32, #tpu.memory_space<hbm>>
      %dma_wait3A_436 = tpu.memref_squeeze %dma_wait3A_435 : memref<1x8x125xi32, #tpu.memory_space<hbm>> -> memref<8x125xi32, #tpu.memory_space<hbm>>
      tpu.wait_dma2 semaphore(%run_scoped3A_408 : memref<!tpu.dma_semaphore, #tpu.memory_space<semaphore_mem>>) src(%dma_wait3A_436 : memref<8x125xi32, #tpu.memory_space<hbm>>) dst(%dma_wait3A_433 : memref<8x125xi32, #tpu.memory_space<vmem>>)
      tpu.yield
    }) : () -> ()
    %add3A_9 = arith.constant 0 : i32
    %add3A_10 = arith.addi %mul3A_6, %add3A_9 : i32
    %run_scoped3A_11 = arith.constant 1 : i32
    %run_scoped3A_12 = arith.constant 0 : i32
    "tpu.region"() ({
      %run_scoped3A_408 = tpu.sem_alloc : memref<!tpu.dma_semaphore, #tpu.memory_space<semaphore_mem>>
      %dma_start3A_409 = arith.constant 0 : i32
      %dma_start3A_410 = arith.constant 0 : i32
      %dma_start3A_411 = tpu.memref_slice %arg7[%run_scoped3A_12, %dma_start3A_409, %dma_start3A_410] : memref<2x8x125xi32, #tpu.memory_space<vmem>> -> memref<1x8x125xi32, #tpu.memory_space<vmem>>
      %dma_start3A_412 = tpu.memref_squeeze %dma_start3A_411 : memref<1x8x125xi32, #tpu.memory_space<vmem>> -> memref<8x125xi32, #tpu.memory_space<vmem>>
      %dma_start3A_413 = arith.constant 0 : i32
      %dma_start3A_414 = tpu.memref_slice %arg2[%run_scoped3A_11, %add3A_10, %dma_start3A_413] : memref<2x12800x125xi32, #tpu.memory_space<hbm>> -> memref<1x8x125xi32, #tpu.memory_space<hbm>>
      %dma_start3A_415 = tpu.memref_squeeze %dma_start3A_414 : memref<1x8x125xi32, #tpu.memory_space<hbm>> -> memref<8x125xi32, #tpu.memory_space<hbm>>
      %dma_start3A_416 = arith.constant 0 : i32
      %dma_start3A_417 = arith.constant 0 : i32
      %dma_start3A_418 = tpu.memref_slice %arg7[%run_scoped3A_12, %dma_start3A_416, %dma_start3A_417] : memref<2x8x125xi32, #tpu.memory_space<vmem>> -> memref<1x8x125xi32, #tpu.memory_space<vmem>>
      %dma_start3A_419 = tpu.memref_squeeze %dma_start3A_418 : memref<1x8x125xi32, #tpu.memory_space<vmem>> -> memref<8x125xi32, #tpu.memory_space<vmem>>
      %dma_start3A_420 = arith.constant 0 : i32
      %dma_start3A_421 = tpu.memref_slice %arg2[%run_scoped3A_11, %add3A_10, %dma_start3A_420] : memref<2x12800x125xi32, #tpu.memory_space<hbm>> -> memref<1x8x125xi32, #tpu.memory_space<hbm>>
      %dma_start3A_422 = tpu.memref_squeeze %dma_start3A_421 : memref<1x8x125xi32, #tpu.memory_space<hbm>> -> memref<8x125xi32, #tpu.memory_space<hbm>>
      tpu.enqueue_dma source(%dma_start3A_422 : memref<8x125xi32, #tpu.memory_space<hbm>>) target(%dma_start3A_419 : memref<8x125xi32, #tpu.memory_space<vmem>>) target_semaphore(%run_scoped3A_408 : memref<!tpu.dma_semaphore, #tpu.memory_space<semaphore_mem>>)
      %dma_wait3A_423 = arith.constant 0 : i32
      %dma_wait3A_424 = arith.constant 0 : i32
      %dma_wait3A_425 = tpu.memref_slice %arg7[%run_scoped3A_12, %dma_wait3A_423, %dma_wait3A_424] : memref<2x8x125xi32, #tpu.memory_space<vmem>> -> memref<1x8x125xi32, #tpu.memory_space<vmem>>
      %dma_wait3A_426 = tpu.memref_squeeze %dma_wait3A_425 : memref<1x8x125xi32, #tpu.memory_space<vmem>> -> memref<8x125xi32, #tpu.memory_space<vmem>>
      %dma_wait3A_427 = arith.constant 0 : i32
      %dma_wait3A_428 = tpu.memref_slice %arg2[%run_scoped3A_11, %add3A_10, %dma_wait3A_427] : memref<2x12800x125xi32, #tpu.memory_space<hbm>> -> memref<1x8x125xi32, #tpu.memory_space<hbm>>
      %dma_wait3A_429 = tpu.memref_squeeze %dma_wait3A_428 : memref<1x8x125xi32, #tpu.memory_space<hbm>> -> memref<8x125xi32, #tpu.memory_space<hbm>>
      %dma_wait3A_430 = arith.constant 0 : i32
      %dma_wait3A_431 = arith.constant 0 : i32
      %dma_wait3A_432 = tpu.memref_slice %arg7[%run_scoped3A_12, %dma_wait3A_430, %dma_wait3A_431] : memref<2x8x125xi32, #tpu.memory_space<vmem>> -> memref<1x8x125xi32, #tpu.memory_space<vmem>>
      %dma_wait3A_433 = tpu.memref_squeeze %dma_wait3A_432 : memref<1x8x125xi32, #tpu.memory_space<vmem>> -> memref<8x125xi32, #tpu.memory_space<vmem>>
      %dma_wait3A_434 = arith.constant 0 : i32
      %dma_wait3A_435 = tpu.memref_slice %arg2[%run_scoped3A_11, %add3A_10, %dma_wait3A_434] : memref<2x12800x125xi32, #tpu.memory_space<hbm>> -> memref<1x8x125xi32, #tpu.memory_space<hbm>>
      %dma_wait3A_436 = tpu.memref_squeeze %dma_wait3A_435 : memref<1x8x125xi32, #tpu.memory_space<hbm>> -> memref<8x125xi32, #tpu.memory_space<hbm>>
      tpu.wait_dma2 semaphore(%run_scoped3A_408 : memref<!tpu.dma_semaphore, #tpu.memory_space<semaphore_mem>>) src(%dma_wait3A_436 : memref<8x125xi32, #tpu.memory_space<hbm>>) dst(%dma_wait3A_433 : memref<8x125xi32, #tpu.memory_space<vmem>>)
      tpu.yield
    }) : () -> ()
    %dma_start3A = arith.constant 0 : i32
    %dma_start3A_13 = arith.constant 0 : i32
    %dma_start3A_14 = arith.constant 0 : i32
    %dma_start3A_15 = arith.constant 0 : i32
    %dma_start3A_16 = arith.constant 0 : i32
    %dma_start3A_17 = arith.constant 0 : i32
    %dma_start3A_18 = arith.constant 0 : i32
    %dma_start3A_19 = tpu.memref_slice %arg8[%dma_start3A_14, %dma_start3A_16, %dma_start3A_17, %dma_start3A_18] : memref<2x8x125x24xf32, #tpu.memory_space<vmem>> -> memref<1x8x125x24xf32, #tpu.memory_space<vmem>>
    %dma_start3A_20 = tpu.memref_squeeze %dma_start3A_19 : memref<1x8x125x24xf32, #tpu.memory_space<vmem>> -> memref<8x125x24xf32, #tpu.memory_space<vmem>>
    %dma_start3A_21 = arith.constant 0 : i32
    %dma_start3A_22 = arith.constant 0 : i32
    %dma_start3A_23 = tpu.memref_slice %dma_start3A_20[%dma_start3A_15, %dma_start3A_21, %dma_start3A_22] : memref<8x125x24xf32, #tpu.memory_space<vmem>> -> memref<1x125x24xf32, #tpu.memory_space<vmem>>
    %dma_start3A_24 = tpu.memref_squeeze %dma_start3A_23 : memref<1x125x24xf32, #tpu.memory_space<vmem>> -> memref<125x24xf32, #tpu.memory_space<vmem>>
    %dma_start3A_25 = arith.constant 0 : i32
    %dma_start3A_26 = arith.constant 0 : i32
    %dma_start3A_27 = tpu.memref_slice %arg6[%dma_start3A, %dma_start3A_25, %dma_start3A_26] : memref<2x8x125xi32, #tpu.memory_space<vmem>> -> memref<1x8x125xi32, #tpu.memory_space<vmem>>
    %dma_start3A_28 = tpu.memref_squeeze %dma_start3A_27 : memref<1x8x125xi32, #tpu.memory_space<vmem>> -> memref<8x125xi32, #tpu.memory_space<vmem>>
    %dma_start3A_29 = arith.constant 0 : i32
    %dma_start3A_30 = tpu.memref_slice %dma_start3A_28[%dma_start3A_13, %dma_start3A_29] : memref<8x125xi32, #tpu.memory_space<vmem>> -> memref<1x125xi32, #tpu.memory_space<vmem>>
    %dma_start3A_31 = tpu.memref_squeeze %dma_start3A_30 : memref<1x125xi32, #tpu.memory_space<vmem>> -> memref<125xi32, #tpu.memory_space<vmem>>
    %dma_start3A_32 = arith.constant 0 : i32
    %dma_start3A_33 = tpu.memref_slice %arg3[%mul3A_0, %dma_start3A_32] : memref<100000x24xf32, #tpu.memory_space<hbm>> -> memref<50000x24xf32, #tpu.memory_space<hbm>>
    %dma_start3A_34 = arith.constant 0 : i32
    %dma_start3A_35 = arith.constant 0 : i32
    %dma_start3A_36 = tpu.memref_slice %dma_start3A_33[%dma_start3A_34, %dma_start3A_35] : memref<50000x24xf32, #tpu.memory_space<hbm>> -> memref<50000x24xf32, #tpu.memory_space<hbm>>
    tpu.enqueue_indirect_dma source(%dma_start3A_36 : memref<50000x24xf32, #tpu.memory_space<hbm>>) target(%dma_start3A_24 : memref<125x24xf32, #tpu.memory_space<vmem>>) offsets(%dma_start3A_31 : memref<125xi32, #tpu.memory_space<vmem>>) semaphore(%arg10 : memref<!tpu.dma_semaphore, #tpu.memory_space<semaphore_mem>>)
    %dma_start3A_37 = arith.constant 0 : i32
    %dma_start3A_38 = arith.constant 1 : i32
    %dma_start3A_39 = arith.constant 0 : i32
    %dma_start3A_40 = arith.constant 1 : i32
    %dma_start3A_41 = arith.constant 0 : i32
    %dma_start3A_42 = arith.constant 0 : i32
    %dma_start3A_43 = arith.constant 0 : i32
    %dma_start3A_44 = tpu.memref_slice %arg8[%dma_start3A_39, %dma_start3A_41, %dma_start3A_42, %dma_start3A_43] : memref<2x8x125x24xf32, #tpu.memory_space<vmem>> -> memref<1x8x125x24xf32, #tpu.memory_space<vmem>>
    %dma_start3A_45 = tpu.memref_squeeze %dma_start3A_44 : memref<1x8x125x24xf32, #tpu.memory_space<vmem>> -> memref<8x125x24xf32, #tpu.memory_space<vmem>>
    %dma_start3A_46 = arith.constant 0 : i32
    %dma_start3A_47 = arith.constant 0 : i32
    %dma_start3A_48 = tpu.memref_slice %dma_start3A_45[%dma_start3A_40, %dma_start3A_46, %dma_start3A_47] : memref<8x125x24xf32, #tpu.memory_space<vmem>> -> memref<1x125x24xf32, #tpu.memory_space<vmem>>
    %dma_start3A_49 = tpu.memref_squeeze %dma_start3A_48 : memref<1x125x24xf32, #tpu.memory_space<vmem>> -> memref<125x24xf32, #tpu.memory_space<vmem>>
    %dma_start3A_50 = arith.constant 0 : i32
    %dma_start3A_51 = arith.constant 0 : i32
    %dma_start3A_52 = tpu.memref_slice %arg6[%dma_start3A_37, %dma_start3A_50, %dma_start3A_51] : memref<2x8x125xi32, #tpu.memory_space<vmem>> -> memref<1x8x125xi32, #tpu.memory_space<vmem>>
    %dma_start3A_53 = tpu.memref_squeeze %dma_start3A_52 : memref<1x8x125xi32, #tpu.memory_space<vmem>> -> memref<8x125xi32, #tpu.memory_space<vmem>>
    %dma_start3A_54 = arith.constant 0 : i32
    %dma_start3A_55 = tpu.memref_slice %dma_start3A_53[%dma_start3A_38, %dma_start3A_54] : memref<8x125xi32, #tpu.memory_space<vmem>> -> memref<1x125xi32, #tpu.memory_space<vmem>>
    %dma_start3A_56 = tpu.memref_squeeze %dma_start3A_55 : memref<1x125xi32, #tpu.memory_space<vmem>> -> memref<125xi32, #tpu.memory_space<vmem>>
    %dma_start3A_57 = arith.constant 0 : i32
    %dma_start3A_58 = tpu.memref_slice %arg3[%mul3A_0, %dma_start3A_57] : memref<100000x24xf32, #tpu.memory_space<hbm>> -> memref<50000x24xf32, #tpu.memory_space<hbm>>
    %dma_start3A_59 = arith.constant 0 : i32
    %dma_start3A_60 = arith.constant 0 : i32
    %dma_start3A_61 = tpu.memref_slice %dma_start3A_58[%dma_start3A_59, %dma_start3A_60] : memref<50000x24xf32, #tpu.memory_space<hbm>> -> memref<50000x24xf32, #tpu.memory_space<hbm>>
    tpu.enqueue_indirect_dma source(%dma_start3A_61 : memref<50000x24xf32, #tpu.memory_space<hbm>>) target(%dma_start3A_49 : memref<125x24xf32, #tpu.memory_space<vmem>>) offsets(%dma_start3A_56 : memref<125xi32, #tpu.memory_space<vmem>>) semaphore(%arg10 : memref<!tpu.dma_semaphore, #tpu.memory_space<semaphore_mem>>)
    %dma_start3A_62 = arith.constant 0 : i32
    %dma_start3A_63 = arith.constant 2 : i32
    %dma_start3A_64 = arith.constant 0 : i32
    %dma_start3A_65 = arith.constant 2 : i32
    %dma_start3A_66 = arith.constant 0 : i32
    %dma_start3A_67 = arith.constant 0 : i32
    %dma_start3A_68 = arith.constant 0 : i32
    %dma_start3A_69 = tpu.memref_slice %arg8[%dma_start3A_64, %dma_start3A_66, %dma_start3A_67, %dma_start3A_68] : memref<2x8x125x24xf32, #tpu.memory_space<vmem>> -> memref<1x8x125x24xf32, #tpu.memory_space<vmem>>
    %dma_start3A_70 = tpu.memref_squeeze %dma_start3A_69 : memref<1x8x125x24xf32, #tpu.memory_space<vmem>> -> memref<8x125x24xf32, #tpu.memory_space<vmem>>
    %dma_start3A_71 = arith.constant 0 : i32
    %dma_start3A_72 = arith.constant 0 : i32
    %dma_start3A_73 = tpu.memref_slice %dma_start3A_70[%dma_start3A_65, %dma_start3A_71, %dma_start3A_72] : memref<8x125x24xf32, #tpu.memory_space<vmem>> -> memref<1x125x24xf32, #tpu.memory_space<vmem>>
    %dma_start3A_74 = tpu.memref_squeeze %dma_start3A_73 : memref<1x125x24xf32, #tpu.memory_space<vmem>> -> memref<125x24xf32, #tpu.memory_space<vmem>>
    %dma_start3A_75 = arith.constant 0 : i32
    %dma_start3A_76 = arith.constant 0 : i32
    %dma_start3A_77 = tpu.memref_slice %arg6[%dma_start3A_62, %dma_start3A_75, %dma_start3A_76] : memref<2x8x125xi32, #tpu.memory_space<vmem>> -> memref<1x8x125xi32, #tpu.memory_space<vmem>>
    %dma_start3A_78 = tpu.memref_squeeze %dma_start3A_77 : memref<1x8x125xi32, #tpu.memory_space<vmem>> -> memref<8x125xi32, #tpu.memory_space<vmem>>
    %dma_start3A_79 = arith.constant 0 : i32
    %dma_start3A_80 = tpu.memref_slice %dma_start3A_78[%dma_start3A_63, %dma_start3A_79] : memref<8x125xi32, #tpu.memory_space<vmem>> -> memref<1x125xi32, #tpu.memory_space<vmem>>
    %dma_start3A_81 = tpu.memref_squeeze %dma_start3A_80 : memref<1x125xi32, #tpu.memory_space<vmem>> -> memref<125xi32, #tpu.memory_space<vmem>>
    %dma_start3A_82 = arith.constant 0 : i32
    %dma_start3A_83 = tpu.memref_slice %arg3[%mul3A_0, %dma_start3A_82] : memref<100000x24xf32, #tpu.memory_space<hbm>> -> memref<50000x24xf32, #tpu.memory_space<hbm>>
    %dma_start3A_84 = arith.constant 0 : i32
    %dma_start3A_85 = arith.constant 0 : i32
    %dma_start3A_86 = tpu.memref_slice %dma_start3A_83[%dma_start3A_84, %dma_start3A_85] : memref<50000x24xf32, #tpu.memory_space<hbm>> -> memref<50000x24xf32, #tpu.memory_space<hbm>>
    tpu.enqueue_indirect_dma source(%dma_start3A_86 : memref<50000x24xf32, #tpu.memory_space<hbm>>) target(%dma_start3A_74 : memref<125x24xf32, #tpu.memory_space<vmem>>) offsets(%dma_start3A_81 : memref<125xi32, #tpu.memory_space<vmem>>) semaphore(%arg10 : memref<!tpu.dma_semaphore, #tpu.memory_space<semaphore_mem>>)
    %dma_start3A_87 = arith.constant 0 : i32
    %dma_start3A_88 = arith.constant 3 : i32
    %dma_start3A_89 = arith.constant 0 : i32
    %dma_start3A_90 = arith.constant 3 : i32
    %dma_start3A_91 = arith.constant 0 : i32
    %dma_start3A_92 = arith.constant 0 : i32
    %dma_start3A_93 = arith.constant 0 : i32
    %dma_start3A_94 = tpu.memref_slice %arg8[%dma_start3A_89, %dma_start3A_91, %dma_start3A_92, %dma_start3A_93] : memref<2x8x125x24xf32, #tpu.memory_space<vmem>> -> memref<1x8x125x24xf32, #tpu.memory_space<vmem>>
    %dma_start3A_95 = tpu.memref_squeeze %dma_start3A_94 : memref<1x8x125x24xf32, #tpu.memory_space<vmem>> -> memref<8x125x24xf32, #tpu.memory_space<vmem>>
    %dma_start3A_96 = arith.constant 0 : i32
    %dma_start3A_97 = arith.constant 0 : i32
    %dma_start3A_98 = tpu.memref_slice %dma_start3A_95[%dma_start3A_90, %dma_start3A_96, %dma_start3A_97] : memref<8x125x24xf32, #tpu.memory_space<vmem>> -> memref<1x125x24xf32, #tpu.memory_space<vmem>>
    %dma_start3A_99 = tpu.memref_squeeze %dma_start3A_98 : memref<1x125x24xf32, #tpu.memory_space<vmem>> -> memref<125x24xf32, #tpu.memory_space<vmem>>
    %dma_start3A_100 = arith.constant 0 : i32
    %dma_start3A_101 = arith.constant 0 : i32
    %dma_start3A_102 = tpu.memref_slice %arg6[%dma_start3A_87, %dma_start3A_100, %dma_start3A_101] : memref<2x8x125xi32, #tpu.memory_space<vmem>> -> memref<1x8x125xi32, #tpu.memory_space<vmem>>
    %dma_start3A_103 = tpu.memref_squeeze %dma_start3A_102 : memref<1x8x125xi32, #tpu.memory_space<vmem>> -> memref<8x125xi32, #tpu.memory_space<vmem>>
    %dma_start3A_104 = arith.constant 0 : i32
    %dma_start3A_105 = tpu.memref_slice %dma_start3A_103[%dma_start3A_88, %dma_start3A_104] : memref<8x125xi32, #tpu.memory_space<vmem>> -> memref<1x125xi32, #tpu.memory_space<vmem>>
    %dma_start3A_106 = tpu.memref_squeeze %dma_start3A_105 : memref<1x125xi32, #tpu.memory_space<vmem>> -> memref<125xi32, #tpu.memory_space<vmem>>
    %dma_start3A_107 = arith.constant 0 : i32
    %dma_start3A_108 = tpu.memref_slice %arg3[%mul3A_0, %dma_start3A_107] : memref<100000x24xf32, #tpu.memory_space<hbm>> -> memref<50000x24xf32, #tpu.memory_space<hbm>>
    %dma_start3A_109 = arith.constant 0 : i32
    %dma_start3A_110 = arith.constant 0 : i32
    %dma_start3A_111 = tpu.memref_slice %dma_start3A_108[%dma_start3A_109, %dma_start3A_110] : memref<50000x24xf32, #tpu.memory_space<hbm>> -> memref<50000x24xf32, #tpu.memory_space<hbm>>
    tpu.enqueue_indirect_dma source(%dma_start3A_111 : memref<50000x24xf32, #tpu.memory_space<hbm>>) target(%dma_start3A_99 : memref<125x24xf32, #tpu.memory_space<vmem>>) offsets(%dma_start3A_106 : memref<125xi32, #tpu.memory_space<vmem>>) semaphore(%arg10 : memref<!tpu.dma_semaphore, #tpu.memory_space<semaphore_mem>>)
    %dma_start3A_112 = arith.constant 0 : i32
    %dma_start3A_113 = arith.constant 4 : i32
    %dma_start3A_114 = arith.constant 0 : i32
    %dma_start3A_115 = arith.constant 4 : i32
    %dma_start3A_116 = arith.constant 0 : i32
    %dma_start3A_117 = arith.constant 0 : i32
    %dma_start3A_118 = arith.constant 0 : i32
    %dma_start3A_119 = tpu.memref_slice %arg8[%dma_start3A_114, %dma_start3A_116, %dma_start3A_117, %dma_start3A_118] : memref<2x8x125x24xf32, #tpu.memory_space<vmem>> -> memref<1x8x125x24xf32, #tpu.memory_space<vmem>>
    %dma_start3A_120 = tpu.memref_squeeze %dma_start3A_119 : memref<1x8x125x24xf32, #tpu.memory_space<vmem>> -> memref<8x125x24xf32, #tpu.memory_space<vmem>>
    %dma_start3A_121 = arith.constant 0 : i32
    %dma_start3A_122 = arith.constant 0 : i32
    %dma_start3A_123 = tpu.memref_slice %dma_start3A_120[%dma_start3A_115, %dma_start3A_121, %dma_start3A_122] : memref<8x125x24xf32, #tpu.memory_space<vmem>> -> memref<1x125x24xf32, #tpu.memory_space<vmem>>
    %dma_start3A_124 = tpu.memref_squeeze %dma_start3A_123 : memref<1x125x24xf32, #tpu.memory_space<vmem>> -> memref<125x24xf32, #tpu.memory_space<vmem>>
    %dma_start3A_125 = arith.constant 0 : i32
    %dma_start3A_126 = arith.constant 0 : i32
    %dma_start3A_127 = tpu.memref_slice %arg6[%dma_start3A_112, %dma_start3A_125, %dma_start3A_126] : memref<2x8x125xi32, #tpu.memory_space<vmem>> -> memref<1x8x125xi32, #tpu.memory_space<vmem>>
    %dma_start3A_128 = tpu.memref_squeeze %dma_start3A_127 : memref<1x8x125xi32, #tpu.memory_space<vmem>> -> memref<8x125xi32, #tpu.memory_space<vmem>>
    %dma_start3A_129 = arith.constant 0 : i32
    %dma_start3A_130 = tpu.memref_slice %dma_start3A_128[%dma_start3A_113, %dma_start3A_129] : memref<8x125xi32, #tpu.memory_space<vmem>> -> memref<1x125xi32, #tpu.memory_space<vmem>>
    %dma_start3A_131 = tpu.memref_squeeze %dma_start3A_130 : memref<1x125xi32, #tpu.memory_space<vmem>> -> memref<125xi32, #tpu.memory_space<vmem>>
    %dma_start3A_132 = arith.constant 0 : i32
    %dma_start3A_133 = tpu.memref_slice %arg3[%mul3A_0, %dma_start3A_132] : memref<100000x24xf32, #tpu.memory_space<hbm>> -> memref<50000x24xf32, #tpu.memory_space<hbm>>
    %dma_start3A_134 = arith.constant 0 : i32
    %dma_start3A_135 = arith.constant 0 : i32
    %dma_start3A_136 = tpu.memref_slice %dma_start3A_133[%dma_start3A_134, %dma_start3A_135] : memref<50000x24xf32, #tpu.memory_space<hbm>> -> memref<50000x24xf32, #tpu.memory_space<hbm>>
    tpu.enqueue_indirect_dma source(%dma_start3A_136 : memref<50000x24xf32, #tpu.memory_space<hbm>>) target(%dma_start3A_124 : memref<125x24xf32, #tpu.memory_space<vmem>>) offsets(%dma_start3A_131 : memref<125xi32, #tpu.memory_space<vmem>>) semaphore(%arg10 : memref<!tpu.dma_semaphore, #tpu.memory_space<semaphore_mem>>)
    %dma_start3A_137 = arith.constant 0 : i32
    %dma_start3A_138 = arith.constant 5 : i32
    %dma_start3A_139 = arith.constant 0 : i32
    %dma_start3A_140 = arith.constant 5 : i32
    %dma_start3A_141 = arith.constant 0 : i32
    %dma_start3A_142 = arith.constant 0 : i32
    %dma_start3A_143 = arith.constant 0 : i32
    %dma_start3A_144 = tpu.memref_slice %arg8[%dma_start3A_139, %dma_start3A_141, %dma_start3A_142, %dma_start3A_143] : memref<2x8x125x24xf32, #tpu.memory_space<vmem>> -> memref<1x8x125x24xf32, #tpu.memory_space<vmem>>
    %dma_start3A_145 = tpu.memref_squeeze %dma_start3A_144 : memref<1x8x125x24xf32, #tpu.memory_space<vmem>> -> memref<8x125x24xf32, #tpu.memory_space<vmem>>
    %dma_start3A_146 = arith.constant 0 : i32
    %dma_start3A_147 = arith.constant 0 : i32
    %dma_start3A_148 = tpu.memref_slice %dma_start3A_145[%dma_start3A_140, %dma_start3A_146, %dma_start3A_147] : memref<8x125x24xf32, #tpu.memory_space<vmem>> -> memref<1x125x24xf32, #tpu.memory_space<vmem>>
    %dma_start3A_149 = tpu.memref_squeeze %dma_start3A_148 : memref<1x125x24xf32, #tpu.memory_space<vmem>> -> memref<125x24xf32, #tpu.memory_space<vmem>>
    %dma_start3A_150 = arith.constant 0 : i32
    %dma_start3A_151 = arith.constant 0 : i32
    %dma_start3A_152 = tpu.memref_slice %arg6[%dma_start3A_137, %dma_start3A_150, %dma_start3A_151] : memref<2x8x125xi32, #tpu.memory_space<vmem>> -> memref<1x8x125xi32, #tpu.memory_space<vmem>>
    %dma_start3A_153 = tpu.memref_squeeze %dma_start3A_152 : memref<1x8x125xi32, #tpu.memory_space<vmem>> -> memref<8x125xi32, #tpu.memory_space<vmem>>
    %dma_start3A_154 = arith.constant 0 : i32
    %dma_start3A_155 = tpu.memref_slice %dma_start3A_153[%dma_start3A_138, %dma_start3A_154] : memref<8x125xi32, #tpu.memory_space<vmem>> -> memref<1x125xi32, #tpu.memory_space<vmem>>
    %dma_start3A_156 = tpu.memref_squeeze %dma_start3A_155 : memref<1x125xi32, #tpu.memory_space<vmem>> -> memref<125xi32, #tpu.memory_space<vmem>>
    %dma_start3A_157 = arith.constant 0 : i32
    %dma_start3A_158 = tpu.memref_slice %arg3[%mul3A_0, %dma_start3A_157] : memref<100000x24xf32, #tpu.memory_space<hbm>> -> memref<50000x24xf32, #tpu.memory_space<hbm>>
    %dma_start3A_159 = arith.constant 0 : i32
    %dma_start3A_160 = arith.constant 0 : i32
    %dma_start3A_161 = tpu.memref_slice %dma_start3A_158[%dma_start3A_159, %dma_start3A_160] : memref<50000x24xf32, #tpu.memory_space<hbm>> -> memref<50000x24xf32, #tpu.memory_space<hbm>>
    tpu.enqueue_indirect_dma source(%dma_start3A_161 : memref<50000x24xf32, #tpu.memory_space<hbm>>) target(%dma_start3A_149 : memref<125x24xf32, #tpu.memory_space<vmem>>) offsets(%dma_start3A_156 : memref<125xi32, #tpu.memory_space<vmem>>) semaphore(%arg10 : memref<!tpu.dma_semaphore, #tpu.memory_space<semaphore_mem>>)
    %dma_start3A_162 = arith.constant 0 : i32
    %dma_start3A_163 = arith.constant 6 : i32
    %dma_start3A_164 = arith.constant 0 : i32
    %dma_start3A_165 = arith.constant 6 : i32
    %dma_start3A_166 = arith.constant 0 : i32
    %dma_start3A_167 = arith.constant 0 : i32
    %dma_start3A_168 = arith.constant 0 : i32
    %dma_start3A_169 = tpu.memref_slice %arg8[%dma_start3A_164, %dma_start3A_166, %dma_start3A_167, %dma_start3A_168] : memref<2x8x125x24xf32, #tpu.memory_space<vmem>> -> memref<1x8x125x24xf32, #tpu.memory_space<vmem>>
    %dma_start3A_170 = tpu.memref_squeeze %dma_start3A_169 : memref<1x8x125x24xf32, #tpu.memory_space<vmem>> -> memref<8x125x24xf32, #tpu.memory_space<vmem>>
    %dma_start3A_171 = arith.constant 0 : i32
    %dma_start3A_172 = arith.constant 0 : i32
    %dma_start3A_173 = tpu.memref_slice %dma_start3A_170[%dma_start3A_165, %dma_start3A_171, %dma_start3A_172] : memref<8x125x24xf32, #tpu.memory_space<vmem>> -> memref<1x125x24xf32, #tpu.memory_space<vmem>>
    %dma_start3A_174 = tpu.memref_squeeze %dma_start3A_173 : memref<1x125x24xf32, #tpu.memory_space<vmem>> -> memref<125x24xf32, #tpu.memory_space<vmem>>
    %dma_start3A_175 = arith.constant 0 : i32
    %dma_start3A_176 = arith.constant 0 : i32
    %dma_start3A_177 = tpu.memref_slice %arg6[%dma_start3A_162, %dma_start3A_175, %dma_start3A_176] : memref<2x8x125xi32, #tpu.memory_space<vmem>> -> memref<1x8x125xi32, #tpu.memory_space<vmem>>
    %dma_start3A_178 = tpu.memref_squeeze %dma_start3A_177 : memref<1x8x125xi32, #tpu.memory_space<vmem>> -> memref<8x125xi32, #tpu.memory_space<vmem>>
    %dma_start3A_179 = arith.constant 0 : i32
    %dma_start3A_180 = tpu.memref_slice %dma_start3A_178[%dma_start3A_163, %dma_start3A_179] : memref<8x125xi32, #tpu.memory_space<vmem>> -> memref<1x125xi32, #tpu.memory_space<vmem>>
    %dma_start3A_181 = tpu.memref_squeeze %dma_start3A_180 : memref<1x125xi32, #tpu.memory_space<vmem>> -> memref<125xi32, #tpu.memory_space<vmem>>
    %dma_start3A_182 = arith.constant 0 : i32
    %dma_start3A_183 = tpu.memref_slice %arg3[%mul3A_0, %dma_start3A_182] : memref<100000x24xf32, #tpu.memory_space<hbm>> -> memref<50000x24xf32, #tpu.memory_space<hbm>>
    %dma_start3A_184 = arith.constant 0 : i32
    %dma_start3A_185 = arith.constant 0 : i32
    %dma_start3A_186 = tpu.memref_slice %dma_start3A_183[%dma_start3A_184, %dma_start3A_185] : memref<50000x24xf32, #tpu.memory_space<hbm>> -> memref<50000x24xf32, #tpu.memory_space<hbm>>
    tpu.enqueue_indirect_dma source(%dma_start3A_186 : memref<50000x24xf32, #tpu.memory_space<hbm>>) target(%dma_start3A_174 : memref<125x24xf32, #tpu.memory_space<vmem>>) offsets(%dma_start3A_181 : memref<125xi32, #tpu.memory_space<vmem>>) semaphore(%arg10 : memref<!tpu.dma_semaphore, #tpu.memory_space<semaphore_mem>>)
    %dma_start3A_187 = arith.constant 0 : i32
    %dma_start3A_188 = arith.constant 7 : i32
    %dma_start3A_189 = arith.constant 0 : i32
    %dma_start3A_190 = arith.constant 7 : i32
    %dma_start3A_191 = arith.constant 0 : i32
    %dma_start3A_192 = arith.constant 0 : i32
    %dma_start3A_193 = arith.constant 0 : i32
    %dma_start3A_194 = tpu.memref_slice %arg8[%dma_start3A_189, %dma_start3A_191, %dma_start3A_192, %dma_start3A_193] : memref<2x8x125x24xf32, #tpu.memory_space<vmem>> -> memref<1x8x125x24xf32, #tpu.memory_space<vmem>>
    %dma_start3A_195 = tpu.memref_squeeze %dma_start3A_194 : memref<1x8x125x24xf32, #tpu.memory_space<vmem>> -> memref<8x125x24xf32, #tpu.memory_space<vmem>>
    %dma_start3A_196 = arith.constant 0 : i32
    %dma_start3A_197 = arith.constant 0 : i32
    %dma_start3A_198 = tpu.memref_slice %dma_start3A_195[%dma_start3A_190, %dma_start3A_196, %dma_start3A_197] : memref<8x125x24xf32, #tpu.memory_space<vmem>> -> memref<1x125x24xf32, #tpu.memory_space<vmem>>
    %dma_start3A_199 = tpu.memref_squeeze %dma_start3A_198 : memref<1x125x24xf32, #tpu.memory_space<vmem>> -> memref<125x24xf32, #tpu.memory_space<vmem>>
    %dma_start3A_200 = arith.constant 0 : i32
    %dma_start3A_201 = arith.constant 0 : i32
    %dma_start3A_202 = tpu.memref_slice %arg6[%dma_start3A_187, %dma_start3A_200, %dma_start3A_201] : memref<2x8x125xi32, #tpu.memory_space<vmem>> -> memref<1x8x125xi32, #tpu.memory_space<vmem>>
    %dma_start3A_203 = tpu.memref_squeeze %dma_start3A_202 : memref<1x8x125xi32, #tpu.memory_space<vmem>> -> memref<8x125xi32, #tpu.memory_space<vmem>>
    %dma_start3A_204 = arith.constant 0 : i32
    %dma_start3A_205 = tpu.memref_slice %dma_start3A_203[%dma_start3A_188, %dma_start3A_204] : memref<8x125xi32, #tpu.memory_space<vmem>> -> memref<1x125xi32, #tpu.memory_space<vmem>>
    %dma_start3A_206 = tpu.memref_squeeze %dma_start3A_205 : memref<1x125xi32, #tpu.memory_space<vmem>> -> memref<125xi32, #tpu.memory_space<vmem>>
    %dma_start3A_207 = arith.constant 0 : i32
    %dma_start3A_208 = tpu.memref_slice %arg3[%mul3A_0, %dma_start3A_207] : memref<100000x24xf32, #tpu.memory_space<hbm>> -> memref<50000x24xf32, #tpu.memory_space<hbm>>
    %dma_start3A_209 = arith.constant 0 : i32
    %dma_start3A_210 = arith.constant 0 : i32
    %dma_start3A_211 = tpu.memref_slice %dma_start3A_208[%dma_start3A_209, %dma_start3A_210] : memref<50000x24xf32, #tpu.memory_space<hbm>> -> memref<50000x24xf32, #tpu.memory_space<hbm>>
    tpu.enqueue_indirect_dma source(%dma_start3A_211 : memref<50000x24xf32, #tpu.memory_space<hbm>>) target(%dma_start3A_199 : memref<125x24xf32, #tpu.memory_space<vmem>>) offsets(%dma_start3A_206 : memref<125xi32, #tpu.memory_space<vmem>>) semaphore(%arg10 : memref<!tpu.dma_semaphore, #tpu.memory_space<semaphore_mem>>)
    %scan3A = arith.constant 0 : i32
    %scan3A_212 = arith.constant 0 : i32
    %scan3A_213 = arith.constant 50 : i32
    %scan3A_214 = arith.addi %scan3A_212, %scan3A_213 : i32
    %scan3A_215 = arith.constant 1 : i32
    scf.for %scan3A_408 = %scan3A_212 to %scan3A_214 step %scan3A_215  : i32 {
      %mul3A_409 = arith.constant 2 : i32
      %mul3A_410 = arith.muli %scan3A_408, %mul3A_409 : i32
      %add3A_411 = arith.constant 0 : i32
      %add3A_412 = arith.addi %mul3A_410, %add3A_411 : i32
      %dma_wait3A_413 = arith.constant 0 : i32
      %dma_wait3A_414 = arith.constant 0 : i32
      %dma_wait3A_415 = arith.constant 0 : i32
      %dma_wait3A_416 = arith.constant 0 : i32
      %dma_wait3A_417 = arith.constant 0 : i32
      %dma_wait3A_418 = arith.constant 0 : i32
      %dma_wait3A_419 = arith.constant 0 : i32
      %dma_wait3A_420 = tpu.memref_slice %arg8[%dma_wait3A_415, %dma_wait3A_417, %dma_wait3A_418, %dma_wait3A_419] : memref<2x8x125x24xf32, #tpu.memory_space<vmem>> -> memref<1x8x125x24xf32, #tpu.memory_space<vmem>>
      %dma_wait3A_421 = tpu.memref_squeeze %dma_wait3A_420 : memref<1x8x125x24xf32, #tpu.memory_space<vmem>> -> memref<8x125x24xf32, #tpu.memory_space<vmem>>
      %dma_wait3A_422 = arith.constant 0 : i32
      %dma_wait3A_423 = arith.constant 0 : i32
      %dma_wait3A_424 = tpu.memref_slice %dma_wait3A_421[%dma_wait3A_416, %dma_wait3A_422, %dma_wait3A_423] : memref<8x125x24xf32, #tpu.memory_space<vmem>> -> memref<1x125x24xf32, #tpu.memory_space<vmem>>
      %dma_wait3A_425 = tpu.memref_squeeze %dma_wait3A_424 : memref<1x125x24xf32, #tpu.memory_space<vmem>> -> memref<125x24xf32, #tpu.memory_space<vmem>>
      %dma_wait3A_426 = arith.constant 0 : i32
      %dma_wait3A_427 = arith.constant 0 : i32
      %dma_wait3A_428 = tpu.memref_slice %arg6[%dma_wait3A_413, %dma_wait3A_426, %dma_wait3A_427] : memref<2x8x125xi32, #tpu.memory_space<vmem>> -> memref<1x8x125xi32, #tpu.memory_space<vmem>>
      %dma_wait3A_429 = tpu.memref_squeeze %dma_wait3A_428 : memref<1x8x125xi32, #tpu.memory_space<vmem>> -> memref<8x125xi32, #tpu.memory_space<vmem>>
      %dma_wait3A_430 = arith.constant 0 : i32
      %dma_wait3A_431 = tpu.memref_slice %dma_wait3A_429[%dma_wait3A_414, %dma_wait3A_430] : memref<8x125xi32, #tpu.memory_space<vmem>> -> memref<1x125xi32, #tpu.memory_space<vmem>>
      %dma_wait3A_432 = tpu.memref_squeeze %dma_wait3A_431 : memref<1x125xi32, #tpu.memory_space<vmem>> -> memref<125xi32, #tpu.memory_space<vmem>>
      %dma_wait3A_433 = arith.constant 0 : i32
      %dma_wait3A_434 = tpu.memref_slice %arg3[%mul3A_0, %dma_wait3A_433] : memref<100000x24xf32, #tpu.memory_space<hbm>> -> memref<50000x24xf32, #tpu.memory_space<hbm>>
      %dma_wait3A_435 = arith.constant 0 : i32
      %dma_wait3A_436 = arith.constant 0 : i32
      %dma_wait3A_437 = tpu.memref_slice %dma_wait3A_434[%dma_wait3A_435, %dma_wait3A_436] : memref<50000x24xf32, #tpu.memory_space<hbm>> -> memref<50000x24xf32, #tpu.memory_space<hbm>>
      tpu.wait_indirect_dma semaphore(%arg10 : memref<!tpu.dma_semaphore, #tpu.memory_space<semaphore_mem>>) src(%dma_wait3A_437 : memref<50000x24xf32, #tpu.memory_space<hbm>>) dst(%dma_wait3A_425 : memref<125x24xf32, #tpu.memory_space<vmem>>)
      %dma_wait3A_438 = arith.constant 0 : i32
      %dma_wait3A_439 = arith.constant 1 : i32
      %dma_wait3A_440 = arith.constant 0 : i32
      %dma_wait3A_441 = arith.constant 1 : i32
      %dma_wait3A_442 = arith.constant 0 : i32
      %dma_wait3A_443 = arith.constant 0 : i32
      %dma_wait3A_444 = arith.constant 0 : i32
      %dma_wait3A_445 = tpu.memref_slice %arg8[%dma_wait3A_440, %dma_wait3A_442, %dma_wait3A_443, %dma_wait3A_444] : memref<2x8x125x24xf32, #tpu.memory_space<vmem>> -> memref<1x8x125x24xf32, #tpu.memory_space<vmem>>
      %dma_wait3A_446 = tpu.memref_squeeze %dma_wait3A_445 : memref<1x8x125x24xf32, #tpu.memory_space<vmem>> -> memref<8x125x24xf32, #tpu.memory_space<vmem>>
      %dma_wait3A_447 = arith.constant 0 : i32
      %dma_wait3A_448 = arith.constant 0 : i32
      %dma_wait3A_449 = tpu.memref_slice %dma_wait3A_446[%dma_wait3A_441, %dma_wait3A_447, %dma_wait3A_448] : memref<8x125x24xf32, #tpu.memory_space<vmem>> -> memref<1x125x24xf32, #tpu.memory_space<vmem>>
      %dma_wait3A_450 = tpu.memref_squeeze %dma_wait3A_449 : memref<1x125x24xf32, #tpu.memory_space<vmem>> -> memref<125x24xf32, #tpu.memory_space<vmem>>
      %dma_wait3A_451 = arith.constant 0 : i32
      %dma_wait3A_452 = arith.constant 0 : i32
      %dma_wait3A_453 = tpu.memref_slice %arg6[%dma_wait3A_438, %dma_wait3A_451, %dma_wait3A_452] : memref<2x8x125xi32, #tpu.memory_space<vmem>> -> memref<1x8x125xi32, #tpu.memory_space<vmem>>
      %dma_wait3A_454 = tpu.memref_squeeze %dma_wait3A_453 : memref<1x8x125xi32, #tpu.memory_space<vmem>> -> memref<8x125xi32, #tpu.memory_space<vmem>>
      %dma_wait3A_455 = arith.constant 0 : i32
      %dma_wait3A_456 = tpu.memref_slice %dma_wait3A_454[%dma_wait3A_439, %dma_wait3A_455] : memref<8x125xi32, #tpu.memory_space<vmem>> -> memref<1x125xi32, #tpu.memory_space<vmem>>
      %dma_wait3A_457 = tpu.memref_squeeze %dma_wait3A_456 : memref<1x125xi32, #tpu.memory_space<vmem>> -> memref<125xi32, #tpu.memory_space<vmem>>
      %dma_wait3A_458 = arith.constant 0 : i32
      %dma_wait3A_459 = tpu.memref_slice %arg3[%mul3A_0, %dma_wait3A_458] : memref<100000x24xf32, #tpu.memory_space<hbm>> -> memref<50000x24xf32, #tpu.memory_space<hbm>>
      %dma_wait3A_460 = arith.constant 0 : i32
      %dma_wait3A_461 = arith.constant 0 : i32
      %dma_wait3A_462 = tpu.memref_slice %dma_wait3A_459[%dma_wait3A_460, %dma_wait3A_461] : memref<50000x24xf32, #tpu.memory_space<hbm>> -> memref<50000x24xf32, #tpu.memory_space<hbm>>
      tpu.wait_indirect_dma semaphore(%arg10 : memref<!tpu.dma_semaphore, #tpu.memory_space<semaphore_mem>>) src(%dma_wait3A_462 : memref<50000x24xf32, #tpu.memory_space<hbm>>) dst(%dma_wait3A_450 : memref<125x24xf32, #tpu.memory_space<vmem>>)
      %dma_wait3A_463 = arith.constant 0 : i32
      %dma_wait3A_464 = arith.constant 2 : i32
      %dma_wait3A_465 = arith.constant 0 : i32
      %dma_wait3A_466 = arith.constant 2 : i32
      %dma_wait3A_467 = arith.constant 0 : i32
      %dma_wait3A_468 = arith.constant 0 : i32
      %dma_wait3A_469 = arith.constant 0 : i32
      %dma_wait3A_470 = tpu.memref_slice %arg8[%dma_wait3A_465, %dma_wait3A_467, %dma_wait3A_468, %dma_wait3A_469] : memref<2x8x125x24xf32, #tpu.memory_space<vmem>> -> memref<1x8x125x24xf32, #tpu.memory_space<vmem>>
      %dma_wait3A_471 = tpu.memref_squeeze %dma_wait3A_470 : memref<1x8x125x24xf32, #tpu.memory_space<vmem>> -> memref<8x125x24xf32, #tpu.memory_space<vmem>>
      %dma_wait3A_472 = arith.constant 0 : i32
      %dma_wait3A_473 = arith.constant 0 : i32
      %dma_wait3A_474 = tpu.memref_slice %dma_wait3A_471[%dma_wait3A_466, %dma_wait3A_472, %dma_wait3A_473] : memref<8x125x24xf32, #tpu.memory_space<vmem>> -> memref<1x125x24xf32, #tpu.memory_space<vmem>>
      %dma_wait3A_475 = tpu.memref_squeeze %dma_wait3A_474 : memref<1x125x24xf32, #tpu.memory_space<vmem>> -> memref<125x24xf32, #tpu.memory_space<vmem>>
      %dma_wait3A_476 = arith.constant 0 : i32
      %dma_wait3A_477 = arith.constant 0 : i32
      %dma_wait3A_478 = tpu.memref_slice %arg6[%dma_wait3A_463, %dma_wait3A_476, %dma_wait3A_477] : memref<2x8x125xi32, #tpu.memory_space<vmem>> -> memref<1x8x125xi32, #tpu.memory_space<vmem>>
      %dma_wait3A_479 = tpu.memref_squeeze %dma_wait3A_478 : memref<1x8x125xi32, #tpu.memory_space<vmem>> -> memref<8x125xi32, #tpu.memory_space<vmem>>
      %dma_wait3A_480 = arith.constant 0 : i32
      %dma_wait3A_481 = tpu.memref_slice %dma_wait3A_479[%dma_wait3A_464, %dma_wait3A_480] : memref<8x125xi32, #tpu.memory_space<vmem>> -> memref<1x125xi32, #tpu.memory_space<vmem>>
      %dma_wait3A_482 = tpu.memref_squeeze %dma_wait3A_481 : memref<1x125xi32, #tpu.memory_space<vmem>> -> memref<125xi32, #tpu.memory_space<vmem>>
      %dma_wait3A_483 = arith.constant 0 : i32
      %dma_wait3A_484 = tpu.memref_slice %arg3[%mul3A_0, %dma_wait3A_483] : memref<100000x24xf32, #tpu.memory_space<hbm>> -> memref<50000x24xf32, #tpu.memory_space<hbm>>
      %dma_wait3A_485 = arith.constant 0 : i32
      %dma_wait3A_486 = arith.constant 0 : i32
      %dma_wait3A_487 = tpu.memref_slice %dma_wait3A_484[%dma_wait3A_485, %dma_wait3A_486] : memref<50000x24xf32, #tpu.memory_space<hbm>> -> memref<50000x24xf32, #tpu.memory_space<hbm>>
      tpu.wait_indirect_dma semaphore(%arg10 : memref<!tpu.dma_semaphore, #tpu.memory_space<semaphore_mem>>) src(%dma_wait3A_487 : memref<50000x24xf32, #tpu.memory_space<hbm>>) dst(%dma_wait3A_475 : memref<125x24xf32, #tpu.memory_space<vmem>>)
      %dma_wait3A_488 = arith.constant 0 : i32
      %dma_wait3A_489 = arith.constant 3 : i32
      %dma_wait3A_490 = arith.constant 0 : i32
      %dma_wait3A_491 = arith.constant 3 : i32
      %dma_wait3A_492 = arith.constant 0 : i32
      %dma_wait3A_493 = arith.constant 0 : i32
      %dma_wait3A_494 = arith.constant 0 : i32
      %dma_wait3A_495 = tpu.memref_slice %arg8[%dma_wait3A_490, %dma_wait3A_492, %dma_wait3A_493, %dma_wait3A_494] : memref<2x8x125x24xf32, #tpu.memory_space<vmem>> -> memref<1x8x125x24xf32, #tpu.memory_space<vmem>>
      %dma_wait3A_496 = tpu.memref_squeeze %dma_wait3A_495 : memref<1x8x125x24xf32, #tpu.memory_space<vmem>> -> memref<8x125x24xf32, #tpu.memory_space<vmem>>
      %dma_wait3A_497 = arith.constant 0 : i32
      %dma_wait3A_498 = arith.constant 0 : i32
      %dma_wait3A_499 = tpu.memref_slice %dma_wait3A_496[%dma_wait3A_491, %dma_wait3A_497, %dma_wait3A_498] : memref<8x125x24xf32, #tpu.memory_space<vmem>> -> memref<1x125x24xf32, #tpu.memory_space<vmem>>
      %dma_wait3A_500 = tpu.memref_squeeze %dma_wait3A_499 : memref<1x125x24xf32, #tpu.memory_space<vmem>> -> memref<125x24xf32, #tpu.memory_space<vmem>>
      %dma_wait3A_501 = arith.constant 0 : i32
      %dma_wait3A_502 = arith.constant 0 : i32
      %dma_wait3A_503 = tpu.memref_slice %arg6[%dma_wait3A_488, %dma_wait3A_501, %dma_wait3A_502] : memref<2x8x125xi32, #tpu.memory_space<vmem>> -> memref<1x8x125xi32, #tpu.memory_space<vmem>>
      %dma_wait3A_504 = tpu.memref_squeeze %dma_wait3A_503 : memref<1x8x125xi32, #tpu.memory_space<vmem>> -> memref<8x125xi32, #tpu.memory_space<vmem>>
      %dma_wait3A_505 = arith.constant 0 : i32
      %dma_wait3A_506 = tpu.memref_slice %dma_wait3A_504[%dma_wait3A_489, %dma_wait3A_505] : memref<8x125xi32, #tpu.memory_space<vmem>> -> memref<1x125xi32, #tpu.memory_space<vmem>>
      %dma_wait3A_507 = tpu.memref_squeeze %dma_wait3A_506 : memref<1x125xi32, #tpu.memory_space<vmem>> -> memref<125xi32, #tpu.memory_space<vmem>>
      %dma_wait3A_508 = arith.constant 0 : i32
      %dma_wait3A_509 = tpu.memref_slice %arg3[%mul3A_0, %dma_wait3A_508] : memref<100000x24xf32, #tpu.memory_space<hbm>> -> memref<50000x24xf32, #tpu.memory_space<hbm>>
      %dma_wait3A_510 = arith.constant 0 : i32
      %dma_wait3A_511 = arith.constant 0 : i32
      %dma_wait3A_512 = tpu.memref_slice %dma_wait3A_509[%dma_wait3A_510, %dma_wait3A_511] : memref<50000x24xf32, #tpu.memory_space<hbm>> -> memref<50000x24xf32, #tpu.memory_space<hbm>>
      tpu.wait_indirect_dma semaphore(%arg10 : memref<!tpu.dma_semaphore, #tpu.memory_space<semaphore_mem>>) src(%dma_wait3A_512 : memref<50000x24xf32, #tpu.memory_space<hbm>>) dst(%dma_wait3A_500 : memref<125x24xf32, #tpu.memory_space<vmem>>)
      %dma_wait3A_513 = arith.constant 0 : i32
      %dma_wait3A_514 = arith.constant 4 : i32
      %dma_wait3A_515 = arith.constant 0 : i32
      %dma_wait3A_516 = arith.constant 4 : i32
      %dma_wait3A_517 = arith.constant 0 : i32
      %dma_wait3A_518 = arith.constant 0 : i32
      %dma_wait3A_519 = arith.constant 0 : i32
      %dma_wait3A_520 = tpu.memref_slice %arg8[%dma_wait3A_515, %dma_wait3A_517, %dma_wait3A_518, %dma_wait3A_519] : memref<2x8x125x24xf32, #tpu.memory_space<vmem>> -> memref<1x8x125x24xf32, #tpu.memory_space<vmem>>
      %dma_wait3A_521 = tpu.memref_squeeze %dma_wait3A_520 : memref<1x8x125x24xf32, #tpu.memory_space<vmem>> -> memref<8x125x24xf32, #tpu.memory_space<vmem>>
      %dma_wait3A_522 = arith.constant 0 : i32
      %dma_wait3A_523 = arith.constant 0 : i32
      %dma_wait3A_524 = tpu.memref_slice %dma_wait3A_521[%dma_wait3A_516, %dma_wait3A_522, %dma_wait3A_523] : memref<8x125x24xf32, #tpu.memory_space<vmem>> -> memref<1x125x24xf32, #tpu.memory_space<vmem>>
      %dma_wait3A_525 = tpu.memref_squeeze %dma_wait3A_524 : memref<1x125x24xf32, #tpu.memory_space<vmem>> -> memref<125x24xf32, #tpu.memory_space<vmem>>
      %dma_wait3A_526 = arith.constant 0 : i32
      %dma_wait3A_527 = arith.constant 0 : i32
      %dma_wait3A_528 = tpu.memref_slice %arg6[%dma_wait3A_513, %dma_wait3A_526, %dma_wait3A_527] : memref<2x8x125xi32, #tpu.memory_space<vmem>> -> memref<1x8x125xi32, #tpu.memory_space<vmem>>
      %dma_wait3A_529 = tpu.memref_squeeze %dma_wait3A_528 : memref<1x8x125xi32, #tpu.memory_space<vmem>> -> memref<8x125xi32, #tpu.memory_space<vmem>>
      %dma_wait3A_530 = arith.constant 0 : i32
      %dma_wait3A_531 = tpu.memref_slice %dma_wait3A_529[%dma_wait3A_514, %dma_wait3A_530] : memref<8x125xi32, #tpu.memory_space<vmem>> -> memref<1x125xi32, #tpu.memory_space<vmem>>
      %dma_wait3A_532 = tpu.memref_squeeze %dma_wait3A_531 : memref<1x125xi32, #tpu.memory_space<vmem>> -> memref<125xi32, #tpu.memory_space<vmem>>
      %dma_wait3A_533 = arith.constant 0 : i32
      %dma_wait3A_534 = tpu.memref_slice %arg3[%mul3A_0, %dma_wait3A_533] : memref<100000x24xf32, #tpu.memory_space<hbm>> -> memref<50000x24xf32, #tpu.memory_space<hbm>>
      %dma_wait3A_535 = arith.constant 0 : i32
      %dma_wait3A_536 = arith.constant 0 : i32
      %dma_wait3A_537 = tpu.memref_slice %dma_wait3A_534[%dma_wait3A_535, %dma_wait3A_536] : memref<50000x24xf32, #tpu.memory_space<hbm>> -> memref<50000x24xf32, #tpu.memory_space<hbm>>
      tpu.wait_indirect_dma semaphore(%arg10 : memref<!tpu.dma_semaphore, #tpu.memory_space<semaphore_mem>>) src(%dma_wait3A_537 : memref<50000x24xf32, #tpu.memory_space<hbm>>) dst(%dma_wait3A_525 : memref<125x24xf32, #tpu.memory_space<vmem>>)
      %dma_wait3A_538 = arith.constant 0 : i32
      %dma_wait3A_539 = arith.constant 5 : i32
      %dma_wait3A_540 = arith.constant 0 : i32
      %dma_wait3A_541 = arith.constant 5 : i32
      %dma_wait3A_542 = arith.constant 0 : i32
      %dma_wait3A_543 = arith.constant 0 : i32
      %dma_wait3A_544 = arith.constant 0 : i32
      %dma_wait3A_545 = tpu.memref_slice %arg8[%dma_wait3A_540, %dma_wait3A_542, %dma_wait3A_543, %dma_wait3A_544] : memref<2x8x125x24xf32, #tpu.memory_space<vmem>> -> memref<1x8x125x24xf32, #tpu.memory_space<vmem>>
      %dma_wait3A_546 = tpu.memref_squeeze %dma_wait3A_545 : memref<1x8x125x24xf32, #tpu.memory_space<vmem>> -> memref<8x125x24xf32, #tpu.memory_space<vmem>>
      %dma_wait3A_547 = arith.constant 0 : i32
      %dma_wait3A_548 = arith.constant 0 : i32
      %dma_wait3A_549 = tpu.memref_slice %dma_wait3A_546[%dma_wait3A_541, %dma_wait3A_547, %dma_wait3A_548] : memref<8x125x24xf32, #tpu.memory_space<vmem>> -> memref<1x125x24xf32, #tpu.memory_space<vmem>>
      %dma_wait3A_550 = tpu.memref_squeeze %dma_wait3A_549 : memref<1x125x24xf32, #tpu.memory_space<vmem>> -> memref<125x24xf32, #tpu.memory_space<vmem>>
      %dma_wait3A_551 = arith.constant 0 : i32
      %dma_wait3A_552 = arith.constant 0 : i32
      %dma_wait3A_553 = tpu.memref_slice %arg6[%dma_wait3A_538, %dma_wait3A_551, %dma_wait3A_552] : memref<2x8x125xi32, #tpu.memory_space<vmem>> -> memref<1x8x125xi32, #tpu.memory_space<vmem>>
      %dma_wait3A_554 = tpu.memref_squeeze %dma_wait3A_553 : memref<1x8x125xi32, #tpu.memory_space<vmem>> -> memref<8x125xi32, #tpu.memory_space<vmem>>
      %dma_wait3A_555 = arith.constant 0 : i32
      %dma_wait3A_556 = tpu.memref_slice %dma_wait3A_554[%dma_wait3A_539, %dma_wait3A_555] : memref<8x125xi32, #tpu.memory_space<vmem>> -> memref<1x125xi32, #tpu.memory_space<vmem>>
      %dma_wait3A_557 = tpu.memref_squeeze %dma_wait3A_556 : memref<1x125xi32, #tpu.memory_space<vmem>> -> memref<125xi32, #tpu.memory_space<vmem>>
      %dma_wait3A_558 = arith.constant 0 : i32
      %dma_wait3A_559 = tpu.memref_slice %arg3[%mul3A_0, %dma_wait3A_558] : memref<100000x24xf32, #tpu.memory_space<hbm>> -> memref<50000x24xf32, #tpu.memory_space<hbm>>
      %dma_wait3A_560 = arith.constant 0 : i32
      %dma_wait3A_561 = arith.constant 0 : i32
      %dma_wait3A_562 = tpu.memref_slice %dma_wait3A_559[%dma_wait3A_560, %dma_wait3A_561] : memref<50000x24xf32, #tpu.memory_space<hbm>> -> memref<50000x24xf32, #tpu.memory_space<hbm>>
      tpu.wait_indirect_dma semaphore(%arg10 : memref<!tpu.dma_semaphore, #tpu.memory_space<semaphore_mem>>) src(%dma_wait3A_562 : memref<50000x24xf32, #tpu.memory_space<hbm>>) dst(%dma_wait3A_550 : memref<125x24xf32, #tpu.memory_space<vmem>>)
      %dma_wait3A_563 = arith.constant 0 : i32
      %dma_wait3A_564 = arith.constant 6 : i32
      %dma_wait3A_565 = arith.constant 0 : i32
      %dma_wait3A_566 = arith.constant 6 : i32
      %dma_wait3A_567 = arith.constant 0 : i32
      %dma_wait3A_568 = arith.constant 0 : i32
      %dma_wait3A_569 = arith.constant 0 : i32
      %dma_wait3A_570 = tpu.memref_slice %arg8[%dma_wait3A_565, %dma_wait3A_567, %dma_wait3A_568, %dma_wait3A_569] : memref<2x8x125x24xf32, #tpu.memory_space<vmem>> -> memref<1x8x125x24xf32, #tpu.memory_space<vmem>>
      %dma_wait3A_571 = tpu.memref_squeeze %dma_wait3A_570 : memref<1x8x125x24xf32, #tpu.memory_space<vmem>> -> memref<8x125x24xf32, #tpu.memory_space<vmem>>
      %dma_wait3A_572 = arith.constant 0 : i32
      %dma_wait3A_573 = arith.constant 0 : i32
      %dma_wait3A_574 = tpu.memref_slice %dma_wait3A_571[%dma_wait3A_566, %dma_wait3A_572, %dma_wait3A_573] : memref<8x125x24xf32, #tpu.memory_space<vmem>> -> memref<1x125x24xf32, #tpu.memory_space<vmem>>
      %dma_wait3A_575 = tpu.memref_squeeze %dma_wait3A_574 : memref<1x125x24xf32, #tpu.memory_space<vmem>> -> memref<125x24xf32, #tpu.memory_space<vmem>>
      %dma_wait3A_576 = arith.constant 0 : i32
      %dma_wait3A_577 = arith.constant 0 : i32
      %dma_wait3A_578 = tpu.memref_slice %arg6[%dma_wait3A_563, %dma_wait3A_576, %dma_wait3A_577] : memref<2x8x125xi32, #tpu.memory_space<vmem>> -> memref<1x8x125xi32, #tpu.memory_space<vmem>>
      %dma_wait3A_579 = tpu.memref_squeeze %dma_wait3A_578 : memref<1x8x125xi32, #tpu.memory_space<vmem>> -> memref<8x125xi32, #tpu.memory_space<vmem>>
      %dma_wait3A_580 = arith.constant 0 : i32
      %dma_wait3A_581 = tpu.memref_slice %dma_wait3A_579[%dma_wait3A_564, %dma_wait3A_580] : memref<8x125xi32, #tpu.memory_space<vmem>> -> memref<1x125xi32, #tpu.memory_space<vmem>>
      %dma_wait3A_582 = tpu.memref_squeeze %dma_wait3A_581 : memref<1x125xi32, #tpu.memory_space<vmem>> -> memref<125xi32, #tpu.memory_space<vmem>>
      %dma_wait3A_583 = arith.constant 0 : i32
      %dma_wait3A_584 = tpu.memref_slice %arg3[%mul3A_0, %dma_wait3A_583] : memref<100000x24xf32, #tpu.memory_space<hbm>> -> memref<50000x24xf32, #tpu.memory_space<hbm>>
      %dma_wait3A_585 = arith.constant 0 : i32
      %dma_wait3A_586 = arith.constant 0 : i32
      %dma_wait3A_587 = tpu.memref_slice %dma_wait3A_584[%dma_wait3A_585, %dma_wait3A_586] : memref<50000x24xf32, #tpu.memory_space<hbm>> -> memref<50000x24xf32, #tpu.memory_space<hbm>>
      tpu.wait_indirect_dma semaphore(%arg10 : memref<!tpu.dma_semaphore, #tpu.memory_space<semaphore_mem>>) src(%dma_wait3A_587 : memref<50000x24xf32, #tpu.memory_space<hbm>>) dst(%dma_wait3A_575 : memref<125x24xf32, #tpu.memory_space<vmem>>)
      %dma_wait3A_588 = arith.constant 0 : i32
      %dma_wait3A_589 = arith.constant 7 : i32
      %dma_wait3A_590 = arith.constant 0 : i32
      %dma_wait3A_591 = arith.constant 7 : i32
      %dma_wait3A_592 = arith.constant 0 : i32
      %dma_wait3A_593 = arith.constant 0 : i32
      %dma_wait3A_594 = arith.constant 0 : i32
      %dma_wait3A_595 = tpu.memref_slice %arg8[%dma_wait3A_590, %dma_wait3A_592, %dma_wait3A_593, %dma_wait3A_594] : memref<2x8x125x24xf32, #tpu.memory_space<vmem>> -> memref<1x8x125x24xf32, #tpu.memory_space<vmem>>
      %dma_wait3A_596 = tpu.memref_squeeze %dma_wait3A_595 : memref<1x8x125x24xf32, #tpu.memory_space<vmem>> -> memref<8x125x24xf32, #tpu.memory_space<vmem>>
      %dma_wait3A_597 = arith.constant 0 : i32
      %dma_wait3A_598 = arith.constant 0 : i32
      %dma_wait3A_599 = tpu.memref_slice %dma_wait3A_596[%dma_wait3A_591, %dma_wait3A_597, %dma_wait3A_598] : memref<8x125x24xf32, #tpu.memory_space<vmem>> -> memref<1x125x24xf32, #tpu.memory_space<vmem>>
      %dma_wait3A_600 = tpu.memref_squeeze %dma_wait3A_599 : memref<1x125x24xf32, #tpu.memory_space<vmem>> -> memref<125x24xf32, #tpu.memory_space<vmem>>
      %dma_wait3A_601 = arith.constant 0 : i32
      %dma_wait3A_602 = arith.constant 0 : i32
      %dma_wait3A_603 = tpu.memref_slice %arg6[%dma_wait3A_588, %dma_wait3A_601, %dma_wait3A_602] : memref<2x8x125xi32, #tpu.memory_space<vmem>> -> memref<1x8x125xi32, #tpu.memory_space<vmem>>
      %dma_wait3A_604 = tpu.memref_squeeze %dma_wait3A_603 : memref<1x8x125xi32, #tpu.memory_space<vmem>> -> memref<8x125xi32, #tpu.memory_space<vmem>>
      %dma_wait3A_605 = arith.constant 0 : i32
      %dma_wait3A_606 = tpu.memref_slice %dma_wait3A_604[%dma_wait3A_589, %dma_wait3A_605] : memref<8x125xi32, #tpu.memory_space<vmem>> -> memref<1x125xi32, #tpu.memory_space<vmem>>
      %dma_wait3A_607 = tpu.memref_squeeze %dma_wait3A_606 : memref<1x125xi32, #tpu.memory_space<vmem>> -> memref<125xi32, #tpu.memory_space<vmem>>
      %dma_wait3A_608 = arith.constant 0 : i32
      %dma_wait3A_609 = tpu.memref_slice %arg3[%mul3A_0, %dma_wait3A_608] : memref<100000x24xf32, #tpu.memory_space<hbm>> -> memref<50000x24xf32, #tpu.memory_space<hbm>>
      %dma_wait3A_610 = arith.constant 0 : i32
      %dma_wait3A_611 = arith.constant 0 : i32
      %dma_wait3A_612 = tpu.memref_slice %dma_wait3A_609[%dma_wait3A_610, %dma_wait3A_611] : memref<50000x24xf32, #tpu.memory_space<hbm>> -> memref<50000x24xf32, #tpu.memory_space<hbm>>
      tpu.wait_indirect_dma semaphore(%arg10 : memref<!tpu.dma_semaphore, #tpu.memory_space<semaphore_mem>>) src(%dma_wait3A_612 : memref<50000x24xf32, #tpu.memory_space<hbm>>) dst(%dma_wait3A_600 : memref<125x24xf32, #tpu.memory_space<vmem>>)
      %dma_start3A_613 = arith.constant 0 : i32
      %dma_start3A_614 = arith.constant 0 : i32
      %dma_start3A_615 = arith.constant 0 : i32
      %dma_start3A_616 = arith.constant 0 : i32
      %dma_start3A_617 = arith.constant 0 : i32
      %dma_start3A_618 = arith.constant 0 : i32
      %dma_start3A_619 = arith.constant 0 : i32
      %dma_start3A_620 = tpu.memref_slice %arg8[%dma_start3A_613, %dma_start3A_617, %dma_start3A_618, %dma_start3A_619] : memref<2x8x125x24xf32, #tpu.memory_space<vmem>> -> memref<1x8x125x24xf32, #tpu.memory_space<vmem>>
      %dma_start3A_621 = tpu.memref_squeeze %dma_start3A_620 : memref<1x8x125x24xf32, #tpu.memory_space<vmem>> -> memref<8x125x24xf32, #tpu.memory_space<vmem>>
      %dma_start3A_622 = arith.constant 0 : i32
      %dma_start3A_623 = arith.constant 0 : i32
      %dma_start3A_624 = tpu.memref_slice %dma_start3A_621[%dma_start3A_614, %dma_start3A_622, %dma_start3A_623] : memref<8x125x24xf32, #tpu.memory_space<vmem>> -> memref<1x125x24xf32, #tpu.memory_space<vmem>>
      %dma_start3A_625 = tpu.memref_squeeze %dma_start3A_624 : memref<1x125x24xf32, #tpu.memory_space<vmem>> -> memref<125x24xf32, #tpu.memory_space<vmem>>
      %dma_start3A_626 = arith.constant 0 : i32
      %dma_start3A_627 = arith.constant 0 : i32
      %dma_start3A_628 = tpu.memref_slice %arg7[%dma_start3A_615, %dma_start3A_626, %dma_start3A_627] : memref<2x8x125xi32, #tpu.memory_space<vmem>> -> memref<1x8x125xi32, #tpu.memory_space<vmem>>
      %dma_start3A_629 = tpu.memref_squeeze %dma_start3A_628 : memref<1x8x125xi32, #tpu.memory_space<vmem>> -> memref<8x125xi32, #tpu.memory_space<vmem>>
      %dma_start3A_630 = arith.constant 0 : i32
      %dma_start3A_631 = tpu.memref_slice %dma_start3A_629[%dma_start3A_616, %dma_start3A_630] : memref<8x125xi32, #tpu.memory_space<vmem>> -> memref<1x125xi32, #tpu.memory_space<vmem>>
      %dma_start3A_632 = tpu.memref_squeeze %dma_start3A_631 : memref<1x125xi32, #tpu.memory_space<vmem>> -> memref<125xi32, #tpu.memory_space<vmem>>
      %dma_start3A_633 = arith.constant 0 : i32
      %dma_start3A_634 = arith.constant 0 : i32
      %dma_start3A_635 = tpu.memref_slice %arg9[%dma_start3A_633, %dma_start3A_634] : memref<50048x24xf32, #tpu.memory_space<vmem_shared>> -> memref<50048x24xf32, #tpu.memory_space<vmem_shared>>
      tpu.enqueue_indirect_dma source(%dma_start3A_625 : memref<125x24xf32, #tpu.memory_space<vmem>>) target(%dma_start3A_635 : memref<50048x24xf32, #tpu.memory_space<vmem_shared>>) offsets(%dma_start3A_632 : memref<125xi32, #tpu.memory_space<vmem>>) semaphore(%arg11 : memref<!tpu.dma_semaphore, #tpu.memory_space<semaphore_mem>>) {add = true}
      %dma_start3A_636 = arith.constant 0 : i32
      %dma_start3A_637 = arith.constant 1 : i32
      %dma_start3A_638 = arith.constant 0 : i32
      %dma_start3A_639 = arith.constant 1 : i32
      %dma_start3A_640 = arith.constant 0 : i32
      %dma_start3A_641 = arith.constant 0 : i32
      %dma_start3A_642 = arith.constant 0 : i32
      %dma_start3A_643 = tpu.memref_slice %arg8[%dma_start3A_636, %dma_start3A_640, %dma_start3A_641, %dma_start3A_642] : memref<2x8x125x24xf32, #tpu.memory_space<vmem>> -> memref<1x8x125x24xf32, #tpu.memory_space<vmem>>
      %dma_start3A_644 = tpu.memref_squeeze %dma_start3A_643 : memref<1x8x125x24xf32, #tpu.memory_space<vmem>> -> memref<8x125x24xf32, #tpu.memory_space<vmem>>
      %dma_start3A_645 = arith.constant 0 : i32
      %dma_start3A_646 = arith.constant 0 : i32
      %dma_start3A_647 = tpu.memref_slice %dma_start3A_644[%dma_start3A_637, %dma_start3A_645, %dma_start3A_646] : memref<8x125x24xf32, #tpu.memory_space<vmem>> -> memref<1x125x24xf32, #tpu.memory_space<vmem>>
      %dma_start3A_648 = tpu.memref_squeeze %dma_start3A_647 : memref<1x125x24xf32, #tpu.memory_space<vmem>> -> memref<125x24xf32, #tpu.memory_space<vmem>>
      %dma_start3A_649 = arith.constant 0 : i32
      %dma_start3A_650 = arith.constant 0 : i32
      %dma_start3A_651 = tpu.memref_slice %arg7[%dma_start3A_638, %dma_start3A_649, %dma_start3A_650] : memref<2x8x125xi32, #tpu.memory_space<vmem>> -> memref<1x8x125xi32, #tpu.memory_space<vmem>>
      %dma_start3A_652 = tpu.memref_squeeze %dma_start3A_651 : memref<1x8x125xi32, #tpu.memory_space<vmem>> -> memref<8x125xi32, #tpu.memory_space<vmem>>
      %dma_start3A_653 = arith.constant 0 : i32
      %dma_start3A_654 = tpu.memref_slice %dma_start3A_652[%dma_start3A_639, %dma_start3A_653] : memref<8x125xi32, #tpu.memory_space<vmem>> -> memref<1x125xi32, #tpu.memory_space<vmem>>
      %dma_start3A_655 = tpu.memref_squeeze %dma_start3A_654 : memref<1x125xi32, #tpu.memory_space<vmem>> -> memref<125xi32, #tpu.memory_space<vmem>>
      %dma_start3A_656 = arith.constant 0 : i32
      %dma_start3A_657 = arith.constant 0 : i32
      %dma_start3A_658 = tpu.memref_slice %arg9[%dma_start3A_656, %dma_start3A_657] : memref<50048x24xf32, #tpu.memory_space<vmem_shared>> -> memref<50048x24xf32, #tpu.memory_space<vmem_shared>>
      tpu.enqueue_indirect_dma source(%dma_start3A_648 : memref<125x24xf32, #tpu.memory_space<vmem>>) target(%dma_start3A_658 : memref<50048x24xf32, #tpu.memory_space<vmem_shared>>) offsets(%dma_start3A_655 : memref<125xi32, #tpu.memory_space<vmem>>) semaphore(%arg11 : memref<!tpu.dma_semaphore, #tpu.memory_space<semaphore_mem>>) {add = true}
      %dma_start3A_659 = arith.constant 0 : i32
      %dma_start3A_660 = arith.constant 2 : i32
      %dma_start3A_661 = arith.constant 0 : i32
      %dma_start3A_662 = arith.constant 2 : i32
      %dma_start3A_663 = arith.constant 0 : i32
      %dma_start3A_664 = arith.constant 0 : i32
      %dma_start3A_665 = arith.constant 0 : i32
      %dma_start3A_666 = tpu.memref_slice %arg8[%dma_start3A_659, %dma_start3A_663, %dma_start3A_664, %dma_start3A_665] : memref<2x8x125x24xf32, #tpu.memory_space<vmem>> -> memref<1x8x125x24xf32, #tpu.memory_space<vmem>>
      %dma_start3A_667 = tpu.memref_squeeze %dma_start3A_666 : memref<1x8x125x24xf32, #tpu.memory_space<vmem>> -> memref<8x125x24xf32, #tpu.memory_space<vmem>>
      %dma_start3A_668 = arith.constant 0 : i32
      %dma_start3A_669 = arith.constant 0 : i32
      %dma_start3A_670 = tpu.memref_slice %dma_start3A_667[%dma_start3A_660, %dma_start3A_668, %dma_start3A_669] : memref<8x125x24xf32, #tpu.memory_space<vmem>> -> memref<1x125x24xf32, #tpu.memory_space<vmem>>
      %dma_start3A_671 = tpu.memref_squeeze %dma_start3A_670 : memref<1x125x24xf32, #tpu.memory_space<vmem>> -> memref<125x24xf32, #tpu.memory_space<vmem>>
      %dma_start3A_672 = arith.constant 0 : i32
      %dma_start3A_673 = arith.constant 0 : i32
      %dma_start3A_674 = tpu.memref_slice %arg7[%dma_start3A_661, %dma_start3A_672, %dma_start3A_673] : memref<2x8x125xi32, #tpu.memory_space<vmem>> -> memref<1x8x125xi32, #tpu.memory_space<vmem>>
      %dma_start3A_675 = tpu.memref_squeeze %dma_start3A_674 : memref<1x8x125xi32, #tpu.memory_space<vmem>> -> memref<8x125xi32, #tpu.memory_space<vmem>>
      %dma_start3A_676 = arith.constant 0 : i32
      %dma_start3A_677 = tpu.memref_slice %dma_start3A_675[%dma_start3A_662, %dma_start3A_676] : memref<8x125xi32, #tpu.memory_space<vmem>> -> memref<1x125xi32, #tpu.memory_space<vmem>>
      %dma_start3A_678 = tpu.memref_squeeze %dma_start3A_677 : memref<1x125xi32, #tpu.memory_space<vmem>> -> memref<125xi32, #tpu.memory_space<vmem>>
      %dma_start3A_679 = arith.constant 0 : i32
      %dma_start3A_680 = arith.constant 0 : i32
      %dma_start3A_681 = tpu.memref_slice %arg9[%dma_start3A_679, %dma_start3A_680] : memref<50048x24xf32, #tpu.memory_space<vmem_shared>> -> memref<50048x24xf32, #tpu.memory_space<vmem_shared>>
      tpu.enqueue_indirect_dma source(%dma_start3A_671 : memref<125x24xf32, #tpu.memory_space<vmem>>) target(%dma_start3A_681 : memref<50048x24xf32, #tpu.memory_space<vmem_shared>>) offsets(%dma_start3A_678 : memref<125xi32, #tpu.memory_space<vmem>>) semaphore(%arg11 : memref<!tpu.dma_semaphore, #tpu.memory_space<semaphore_mem>>) {add = true}
      %dma_start3A_682 = arith.constant 0 : i32
      %dma_start3A_683 = arith.constant 3 : i32
      %dma_start3A_684 = arith.constant 0 : i32
      %dma_start3A_685 = arith.constant 3 : i32
      %dma_start3A_686 = arith.constant 0 : i32
      %dma_start3A_687 = arith.constant 0 : i32
      %dma_start3A_688 = arith.constant 0 : i32
      %dma_start3A_689 = tpu.memref_slice %arg8[%dma_start3A_682, %dma_start3A_686, %dma_start3A_687, %dma_start3A_688] : memref<2x8x125x24xf32, #tpu.memory_space<vmem>> -> memref<1x8x125x24xf32, #tpu.memory_space<vmem>>
      %dma_start3A_690 = tpu.memref_squeeze %dma_start3A_689 : memref<1x8x125x24xf32, #tpu.memory_space<vmem>> -> memref<8x125x24xf32, #tpu.memory_space<vmem>>
      %dma_start3A_691 = arith.constant 0 : i32
      %dma_start3A_692 = arith.constant 0 : i32
      %dma_start3A_693 = tpu.memref_slice %dma_start3A_690[%dma_start3A_683, %dma_start3A_691, %dma_start3A_692] : memref<8x125x24xf32, #tpu.memory_space<vmem>> -> memref<1x125x24xf32, #tpu.memory_space<vmem>>
      %dma_start3A_694 = tpu.memref_squeeze %dma_start3A_693 : memref<1x125x24xf32, #tpu.memory_space<vmem>> -> memref<125x24xf32, #tpu.memory_space<vmem>>
      %dma_start3A_695 = arith.constant 0 : i32
      %dma_start3A_696 = arith.constant 0 : i32
      %dma_start3A_697 = tpu.memref_slice %arg7[%dma_start3A_684, %dma_start3A_695, %dma_start3A_696] : memref<2x8x125xi32, #tpu.memory_space<vmem>> -> memref<1x8x125xi32, #tpu.memory_space<vmem>>
      %dma_start3A_698 = tpu.memref_squeeze %dma_start3A_697 : memref<1x8x125xi32, #tpu.memory_space<vmem>> -> memref<8x125xi32, #tpu.memory_space<vmem>>
      %dma_start3A_699 = arith.constant 0 : i32
      %dma_start3A_700 = tpu.memref_slice %dma_start3A_698[%dma_start3A_685, %dma_start3A_699] : memref<8x125xi32, #tpu.memory_space<vmem>> -> memref<1x125xi32, #tpu.memory_space<vmem>>
      %dma_start3A_701 = tpu.memref_squeeze %dma_start3A_700 : memref<1x125xi32, #tpu.memory_space<vmem>> -> memref<125xi32, #tpu.memory_space<vmem>>
      %dma_start3A_702 = arith.constant 0 : i32
      %dma_start3A_703 = arith.constant 0 : i32
      %dma_start3A_704 = tpu.memref_slice %arg9[%dma_start3A_702, %dma_start3A_703] : memref<50048x24xf32, #tpu.memory_space<vmem_shared>> -> memref<50048x24xf32, #tpu.memory_space<vmem_shared>>
      tpu.enqueue_indirect_dma source(%dma_start3A_694 : memref<125x24xf32, #tpu.memory_space<vmem>>) target(%dma_start3A_704 : memref<50048x24xf32, #tpu.memory_space<vmem_shared>>) offsets(%dma_start3A_701 : memref<125xi32, #tpu.memory_space<vmem>>) semaphore(%arg11 : memref<!tpu.dma_semaphore, #tpu.memory_space<semaphore_mem>>) {add = true}
      %dma_start3A_705 = arith.constant 0 : i32
      %dma_start3A_706 = arith.constant 4 : i32
      %dma_start3A_707 = arith.constant 0 : i32
      %dma_start3A_708 = arith.constant 4 : i32
      %dma_start3A_709 = arith.constant 0 : i32
      %dma_start3A_710 = arith.constant 0 : i32
      %dma_start3A_711 = arith.constant 0 : i32
      %dma_start3A_712 = tpu.memref_slice %arg8[%dma_start3A_705, %dma_start3A_709, %dma_start3A_710, %dma_start3A_711] : memref<2x8x125x24xf32, #tpu.memory_space<vmem>> -> memref<1x8x125x24xf32, #tpu.memory_space<vmem>>
      %dma_start3A_713 = tpu.memref_squeeze %dma_start3A_712 : memref<1x8x125x24xf32, #tpu.memory_space<vmem>> -> memref<8x125x24xf32, #tpu.memory_space<vmem>>
      %dma_start3A_714 = arith.constant 0 : i32
      %dma_start3A_715 = arith.constant 0 : i32
      %dma_start3A_716 = tpu.memref_slice %dma_start3A_713[%dma_start3A_706, %dma_start3A_714, %dma_start3A_715] : memref<8x125x24xf32, #tpu.memory_space<vmem>> -> memref<1x125x24xf32, #tpu.memory_space<vmem>>
      %dma_start3A_717 = tpu.memref_squeeze %dma_start3A_716 : memref<1x125x24xf32, #tpu.memory_space<vmem>> -> memref<125x24xf32, #tpu.memory_space<vmem>>
      %dma_start3A_718 = arith.constant 0 : i32
      %dma_start3A_719 = arith.constant 0 : i32
      %dma_start3A_720 = tpu.memref_slice %arg7[%dma_start3A_707, %dma_start3A_718, %dma_start3A_719] : memref<2x8x125xi32, #tpu.memory_space<vmem>> -> memref<1x8x125xi32, #tpu.memory_space<vmem>>
      %dma_start3A_721 = tpu.memref_squeeze %dma_start3A_720 : memref<1x8x125xi32, #tpu.memory_space<vmem>> -> memref<8x125xi32, #tpu.memory_space<vmem>>
      %dma_start3A_722 = arith.constant 0 : i32
      %dma_start3A_723 = tpu.memref_slice %dma_start3A_721[%dma_start3A_708, %dma_start3A_722] : memref<8x125xi32, #tpu.memory_space<vmem>> -> memref<1x125xi32, #tpu.memory_space<vmem>>
      %dma_start3A_724 = tpu.memref_squeeze %dma_start3A_723 : memref<1x125xi32, #tpu.memory_space<vmem>> -> memref<125xi32, #tpu.memory_space<vmem>>
      %dma_start3A_725 = arith.constant 0 : i32
      %dma_start3A_726 = arith.constant 0 : i32
      %dma_start3A_727 = tpu.memref_slice %arg9[%dma_start3A_725, %dma_start3A_726] : memref<50048x24xf32, #tpu.memory_space<vmem_shared>> -> memref<50048x24xf32, #tpu.memory_space<vmem_shared>>
      tpu.enqueue_indirect_dma source(%dma_start3A_717 : memref<125x24xf32, #tpu.memory_space<vmem>>) target(%dma_start3A_727 : memref<50048x24xf32, #tpu.memory_space<vmem_shared>>) offsets(%dma_start3A_724 : memref<125xi32, #tpu.memory_space<vmem>>) semaphore(%arg11 : memref<!tpu.dma_semaphore, #tpu.memory_space<semaphore_mem>>) {add = true}
      %dma_start3A_728 = arith.constant 0 : i32
      %dma_start3A_729 = arith.constant 5 : i32
      %dma_start3A_730 = arith.constant 0 : i32
      %dma_start3A_731 = arith.constant 5 : i32
      %dma_start3A_732 = arith.constant 0 : i32
      %dma_start3A_733 = arith.constant 0 : i32
      %dma_start3A_734 = arith.constant 0 : i32
      %dma_start3A_735 = tpu.memref_slice %arg8[%dma_start3A_728, %dma_start3A_732, %dma_start3A_733, %dma_start3A_734] : memref<2x8x125x24xf32, #tpu.memory_space<vmem>> -> memref<1x8x125x24xf32, #tpu.memory_space<vmem>>
      %dma_start3A_736 = tpu.memref_squeeze %dma_start3A_735 : memref<1x8x125x24xf32, #tpu.memory_space<vmem>> -> memref<8x125x24xf32, #tpu.memory_space<vmem>>
      %dma_start3A_737 = arith.constant 0 : i32
      %dma_start3A_738 = arith.constant 0 : i32
      %dma_start3A_739 = tpu.memref_slice %dma_start3A_736[%dma_start3A_729, %dma_start3A_737, %dma_start3A_738] : memref<8x125x24xf32, #tpu.memory_space<vmem>> -> memref<1x125x24xf32, #tpu.memory_space<vmem>>
      %dma_start3A_740 = tpu.memref_squeeze %dma_start3A_739 : memref<1x125x24xf32, #tpu.memory_space<vmem>> -> memref<125x24xf32, #tpu.memory_space<vmem>>
      %dma_start3A_741 = arith.constant 0 : i32
      %dma_start3A_742 = arith.constant 0 : i32
      %dma_start3A_743 = tpu.memref_slice %arg7[%dma_start3A_730, %dma_start3A_741, %dma_start3A_742] : memref<2x8x125xi32, #tpu.memory_space<vmem>> -> memref<1x8x125xi32, #tpu.memory_space<vmem>>
      %dma_start3A_744 = tpu.memref_squeeze %dma_start3A_743 : memref<1x8x125xi32, #tpu.memory_space<vmem>> -> memref<8x125xi32, #tpu.memory_space<vmem>>
      %dma_start3A_745 = arith.constant 0 : i32
      %dma_start3A_746 = tpu.memref_slice %dma_start3A_744[%dma_start3A_731, %dma_start3A_745] : memref<8x125xi32, #tpu.memory_space<vmem>> -> memref<1x125xi32, #tpu.memory_space<vmem>>
      %dma_start3A_747 = tpu.memref_squeeze %dma_start3A_746 : memref<1x125xi32, #tpu.memory_space<vmem>> -> memref<125xi32, #tpu.memory_space<vmem>>
      %dma_start3A_748 = arith.constant 0 : i32
      %dma_start3A_749 = arith.constant 0 : i32
      %dma_start3A_750 = tpu.memref_slice %arg9[%dma_start3A_748, %dma_start3A_749] : memref<50048x24xf32, #tpu.memory_space<vmem_shared>> -> memref<50048x24xf32, #tpu.memory_space<vmem_shared>>
      tpu.enqueue_indirect_dma source(%dma_start3A_740 : memref<125x24xf32, #tpu.memory_space<vmem>>) target(%dma_start3A_750 : memref<50048x24xf32, #tpu.memory_space<vmem_shared>>) offsets(%dma_start3A_747 : memref<125xi32, #tpu.memory_space<vmem>>) semaphore(%arg11 : memref<!tpu.dma_semaphore, #tpu.memory_space<semaphore_mem>>) {add = true}
      %dma_start3A_751 = arith.constant 0 : i32
      %dma_start3A_752 = arith.constant 6 : i32
      %dma_start3A_753 = arith.constant 0 : i32
      %dma_start3A_754 = arith.constant 6 : i32
      %dma_start3A_755 = arith.constant 0 : i32
      %dma_start3A_756 = arith.constant 0 : i32
      %dma_start3A_757 = arith.constant 0 : i32
      %dma_start3A_758 = tpu.memref_slice %arg8[%dma_start3A_751, %dma_start3A_755, %dma_start3A_756, %dma_start3A_757] : memref<2x8x125x24xf32, #tpu.memory_space<vmem>> -> memref<1x8x125x24xf32, #tpu.memory_space<vmem>>
      %dma_start3A_759 = tpu.memref_squeeze %dma_start3A_758 : memref<1x8x125x24xf32, #tpu.memory_space<vmem>> -> memref<8x125x24xf32, #tpu.memory_space<vmem>>
      %dma_start3A_760 = arith.constant 0 : i32
      %dma_start3A_761 = arith.constant 0 : i32
      %dma_start3A_762 = tpu.memref_slice %dma_start3A_759[%dma_start3A_752, %dma_start3A_760, %dma_start3A_761] : memref<8x125x24xf32, #tpu.memory_space<vmem>> -> memref<1x125x24xf32, #tpu.memory_space<vmem>>
      %dma_start3A_763 = tpu.memref_squeeze %dma_start3A_762 : memref<1x125x24xf32, #tpu.memory_space<vmem>> -> memref<125x24xf32, #tpu.memory_space<vmem>>
      %dma_start3A_764 = arith.constant 0 : i32
      %dma_start3A_765 = arith.constant 0 : i32
      %dma_start3A_766 = tpu.memref_slice %arg7[%dma_start3A_753, %dma_start3A_764, %dma_start3A_765] : memref<2x8x125xi32, #tpu.memory_space<vmem>> -> memref<1x8x125xi32, #tpu.memory_space<vmem>>
      %dma_start3A_767 = tpu.memref_squeeze %dma_start3A_766 : memref<1x8x125xi32, #tpu.memory_space<vmem>> -> memref<8x125xi32, #tpu.memory_space<vmem>>
      %dma_start3A_768 = arith.constant 0 : i32
      %dma_start3A_769 = tpu.memref_slice %dma_start3A_767[%dma_start3A_754, %dma_start3A_768] : memref<8x125xi32, #tpu.memory_space<vmem>> -> memref<1x125xi32, #tpu.memory_space<vmem>>
      %dma_start3A_770 = tpu.memref_squeeze %dma_start3A_769 : memref<1x125xi32, #tpu.memory_space<vmem>> -> memref<125xi32, #tpu.memory_space<vmem>>
      %dma_start3A_771 = arith.constant 0 : i32
      %dma_start3A_772 = arith.constant 0 : i32
      %dma_start3A_773 = tpu.memref_slice %arg9[%dma_start3A_771, %dma_start3A_772] : memref<50048x24xf32, #tpu.memory_space<vmem_shared>> -> memref<50048x24xf32, #tpu.memory_space<vmem_shared>>
      tpu.enqueue_indirect_dma source(%dma_start3A_763 : memref<125x24xf32, #tpu.memory_space<vmem>>) target(%dma_start3A_773 : memref<50048x24xf32, #tpu.memory_space<vmem_shared>>) offsets(%dma_start3A_770 : memref<125xi32, #tpu.memory_space<vmem>>) semaphore(%arg11 : memref<!tpu.dma_semaphore, #tpu.memory_space<semaphore_mem>>) {add = true}
      %dma_start3A_774 = arith.constant 0 : i32
      %dma_start3A_775 = arith.constant 7 : i32
      %dma_start3A_776 = arith.constant 0 : i32
      %dma_start3A_777 = arith.constant 7 : i32
      %dma_start3A_778 = arith.constant 0 : i32
      %dma_start3A_779 = arith.constant 0 : i32
      %dma_start3A_780 = arith.constant 0 : i32
      %dma_start3A_781 = tpu.memref_slice %arg8[%dma_start3A_774, %dma_start3A_778, %dma_start3A_779, %dma_start3A_780] : memref<2x8x125x24xf32, #tpu.memory_space<vmem>> -> memref<1x8x125x24xf32, #tpu.memory_space<vmem>>
      %dma_start3A_782 = tpu.memref_squeeze %dma_start3A_781 : memref<1x8x125x24xf32, #tpu.memory_space<vmem>> -> memref<8x125x24xf32, #tpu.memory_space<vmem>>
      %dma_start3A_783 = arith.constant 0 : i32
      %dma_start3A_784 = arith.constant 0 : i32
      %dma_start3A_785 = tpu.memref_slice %dma_start3A_782[%dma_start3A_775, %dma_start3A_783, %dma_start3A_784] : memref<8x125x24xf32, #tpu.memory_space<vmem>> -> memref<1x125x24xf32, #tpu.memory_space<vmem>>
      %dma_start3A_786 = tpu.memref_squeeze %dma_start3A_785 : memref<1x125x24xf32, #tpu.memory_space<vmem>> -> memref<125x24xf32, #tpu.memory_space<vmem>>
      %dma_start3A_787 = arith.constant 0 : i32
      %dma_start3A_788 = arith.constant 0 : i32
      %dma_start3A_789 = tpu.memref_slice %arg7[%dma_start3A_776, %dma_start3A_787, %dma_start3A_788] : memref<2x8x125xi32, #tpu.memory_space<vmem>> -> memref<1x8x125xi32, #tpu.memory_space<vmem>>
      %dma_start3A_790 = tpu.memref_squeeze %dma_start3A_789 : memref<1x8x125xi32, #tpu.memory_space<vmem>> -> memref<8x125xi32, #tpu.memory_space<vmem>>
      %dma_start3A_791 = arith.constant 0 : i32
      %dma_start3A_792 = tpu.memref_slice %dma_start3A_790[%dma_start3A_777, %dma_start3A_791] : memref<8x125xi32, #tpu.memory_space<vmem>> -> memref<1x125xi32, #tpu.memory_space<vmem>>
      %dma_start3A_793 = tpu.memref_squeeze %dma_start3A_792 : memref<1x125xi32, #tpu.memory_space<vmem>> -> memref<125xi32, #tpu.memory_space<vmem>>
      %dma_start3A_794 = arith.constant 0 : i32
      %dma_start3A_795 = arith.constant 0 : i32
      %dma_start3A_796 = tpu.memref_slice %arg9[%dma_start3A_794, %dma_start3A_795] : memref<50048x24xf32, #tpu.memory_space<vmem_shared>> -> memref<50048x24xf32, #tpu.memory_space<vmem_shared>>
      tpu.enqueue_indirect_dma source(%dma_start3A_786 : memref<125x24xf32, #tpu.memory_space<vmem>>) target(%dma_start3A_796 : memref<50048x24xf32, #tpu.memory_space<vmem_shared>>) offsets(%dma_start3A_793 : memref<125xi32, #tpu.memory_space<vmem>>) semaphore(%arg11 : memref<!tpu.dma_semaphore, #tpu.memory_space<semaphore_mem>>) {add = true}
      %gt3A = arith.constant 0 : i32
      %gt3A_797 = arith.cmpi sgt, %add3A_412, %gt3A : i32
      %convert_element_type3A = arith.extui %gt3A_797 : i1 to i32
      %cond3A = arith.constant 0 : i32
      %cond3A_798 = arith.cmpi ne, %convert_element_type3A, %cond3A : i32
      scf.if %cond3A_798 {
        %dma_wait3A_1205 = arith.constant 1 : i32
        %dma_wait3A_1206 = arith.constant 0 : i32
        %dma_wait3A_1207 = arith.constant 1 : i32
        %dma_wait3A_1208 = arith.constant 0 : i32
        %dma_wait3A_1209 = arith.constant 0 : i32
        %dma_wait3A_1210 = arith.constant 0 : i32
        %dma_wait3A_1211 = arith.constant 0 : i32
        %dma_wait3A_1212 = tpu.memref_slice %arg8[%dma_wait3A_1205, %dma_wait3A_1209, %dma_wait3A_1210, %dma_wait3A_1211] : memref<2x8x125x24xf32, #tpu.memory_space<vmem>> -> memref<1x8x125x24xf32, #tpu.memory_space<vmem>>
        %dma_wait3A_1213 = tpu.memref_squeeze %dma_wait3A_1212 : memref<1x8x125x24xf32, #tpu.memory_space<vmem>> -> memref<8x125x24xf32, #tpu.memory_space<vmem>>
        %dma_wait3A_1214 = arith.constant 0 : i32
        %dma_wait3A_1215 = arith.constant 0 : i32
        %dma_wait3A_1216 = tpu.memref_slice %dma_wait3A_1213[%dma_wait3A_1206, %dma_wait3A_1214, %dma_wait3A_1215] : memref<8x125x24xf32, #tpu.memory_space<vmem>> -> memref<1x125x24xf32, #tpu.memory_space<vmem>>
        %dma_wait3A_1217 = tpu.memref_squeeze %dma_wait3A_1216 : memref<1x125x24xf32, #tpu.memory_space<vmem>> -> memref<125x24xf32, #tpu.memory_space<vmem>>
        %dma_wait3A_1218 = arith.constant 0 : i32
        %dma_wait3A_1219 = arith.constant 0 : i32
        %dma_wait3A_1220 = tpu.memref_slice %arg7[%dma_wait3A_1207, %dma_wait3A_1218, %dma_wait3A_1219] : memref<2x8x125xi32, #tpu.memory_space<vmem>> -> memref<1x8x125xi32, #tpu.memory_space<vmem>>
        %dma_wait3A_1221 = tpu.memref_squeeze %dma_wait3A_1220 : memref<1x8x125xi32, #tpu.memory_space<vmem>> -> memref<8x125xi32, #tpu.memory_space<vmem>>
        %dma_wait3A_1222 = arith.constant 0 : i32
        %dma_wait3A_1223 = tpu.memref_slice %dma_wait3A_1221[%dma_wait3A_1208, %dma_wait3A_1222] : memref<8x125xi32, #tpu.memory_space<vmem>> -> memref<1x125xi32, #tpu.memory_space<vmem>>
        %dma_wait3A_1224 = tpu.memref_squeeze %dma_wait3A_1223 : memref<1x125xi32, #tpu.memory_space<vmem>> -> memref<125xi32, #tpu.memory_space<vmem>>
        %dma_wait3A_1225 = arith.constant 0 : i32
        %dma_wait3A_1226 = arith.constant 0 : i32
        %dma_wait3A_1227 = tpu.memref_slice %arg9[%dma_wait3A_1225, %dma_wait3A_1226] : memref<50048x24xf32, #tpu.memory_space<vmem_shared>> -> memref<50048x24xf32, #tpu.memory_space<vmem_shared>>
        tpu.wait_indirect_dma semaphore(%arg11 : memref<!tpu.dma_semaphore, #tpu.memory_space<semaphore_mem>>) src(%dma_wait3A_1217 : memref<125x24xf32, #tpu.memory_space<vmem>>) dst(%dma_wait3A_1227 : memref<50048x24xf32, #tpu.memory_space<vmem_shared>>)
        %dma_wait3A_1228 = arith.constant 1 : i32
        %dma_wait3A_1229 = arith.constant 1 : i32
        %dma_wait3A_1230 = arith.constant 1 : i32
        %dma_wait3A_1231 = arith.constant 1 : i32
        %dma_wait3A_1232 = arith.constant 0 : i32
        %dma_wait3A_1233 = arith.constant 0 : i32
        %dma_wait3A_1234 = arith.constant 0 : i32
        %dma_wait3A_1235 = tpu.memref_slice %arg8[%dma_wait3A_1228, %dma_wait3A_1232, %dma_wait3A_1233, %dma_wait3A_1234] : memref<2x8x125x24xf32, #tpu.memory_space<vmem>> -> memref<1x8x125x24xf32, #tpu.memory_space<vmem>>
        %dma_wait3A_1236 = tpu.memref_squeeze %dma_wait3A_1235 : memref<1x8x125x24xf32, #tpu.memory_space<vmem>> -> memref<8x125x24xf32, #tpu.memory_space<vmem>>
        %dma_wait3A_1237 = arith.constant 0 : i32
        %dma_wait3A_1238 = arith.constant 0 : i32
        %dma_wait3A_1239 = tpu.memref_slice %dma_wait3A_1236[%dma_wait3A_1229, %dma_wait3A_1237, %dma_wait3A_1238] : memref<8x125x24xf32, #tpu.memory_space<vmem>> -> memref<1x125x24xf32, #tpu.memory_space<vmem>>
        %dma_wait3A_1240 = tpu.memref_squeeze %dma_wait3A_1239 : memref<1x125x24xf32, #tpu.memory_space<vmem>> -> memref<125x24xf32, #tpu.memory_space<vmem>>
        %dma_wait3A_1241 = arith.constant 0 : i32
        %dma_wait3A_1242 = arith.constant 0 : i32
        %dma_wait3A_1243 = tpu.memref_slice %arg7[%dma_wait3A_1230, %dma_wait3A_1241, %dma_wait3A_1242] : memref<2x8x125xi32, #tpu.memory_space<vmem>> -> memref<1x8x125xi32, #tpu.memory_space<vmem>>
        %dma_wait3A_1244 = tpu.memref_squeeze %dma_wait3A_1243 : memref<1x8x125xi32, #tpu.memory_space<vmem>> -> memref<8x125xi32, #tpu.memory_space<vmem>>
        %dma_wait3A_1245 = arith.constant 0 : i32
        %dma_wait3A_1246 = tpu.memref_slice %dma_wait3A_1244[%dma_wait3A_1231, %dma_wait3A_1245] : memref<8x125xi32, #tpu.memory_space<vmem>> -> memref<1x125xi32, #tpu.memory_space<vmem>>
        %dma_wait3A_1247 = tpu.memref_squeeze %dma_wait3A_1246 : memref<1x125xi32, #tpu.memory_space<vmem>> -> memref<125xi32, #tpu.memory_space<vmem>>
        %dma_wait3A_1248 = arith.constant 0 : i32
        %dma_wait3A_1249 = arith.constant 0 : i32
        %dma_wait3A_1250 = tpu.memref_slice %arg9[%dma_wait3A_1248, %dma_wait3A_1249] : memref<50048x24xf32, #tpu.memory_space<vmem_shared>> -> memref<50048x24xf32, #tpu.memory_space<vmem_shared>>
        tpu.wait_indirect_dma semaphore(%arg11 : memref<!tpu.dma_semaphore, #tpu.memory_space<semaphore_mem>>) src(%dma_wait3A_1240 : memref<125x24xf32, #tpu.memory_space<vmem>>) dst(%dma_wait3A_1250 : memref<50048x24xf32, #tpu.memory_space<vmem_shared>>)
        %dma_wait3A_1251 = arith.constant 1 : i32
        %dma_wait3A_1252 = arith.constant 2 : i32
        %dma_wait3A_1253 = arith.constant 1 : i32
        %dma_wait3A_1254 = arith.constant 2 : i32
        %dma_wait3A_1255 = arith.constant 0 : i32
        %dma_wait3A_1256 = arith.constant 0 : i32
        %dma_wait3A_1257 = arith.constant 0 : i32
        %dma_wait3A_1258 = tpu.memref_slice %arg8[%dma_wait3A_1251, %dma_wait3A_1255, %dma_wait3A_1256, %dma_wait3A_1257] : memref<2x8x125x24xf32, #tpu.memory_space<vmem>> -> memref<1x8x125x24xf32, #tpu.memory_space<vmem>>
        %dma_wait3A_1259 = tpu.memref_squeeze %dma_wait3A_1258 : memref<1x8x125x24xf32, #tpu.memory_space<vmem>> -> memref<8x125x24xf32, #tpu.memory_space<vmem>>
        %dma_wait3A_1260 = arith.constant 0 : i32
        %dma_wait3A_1261 = arith.constant 0 : i32
        %dma_wait3A_1262 = tpu.memref_slice %dma_wait3A_1259[%dma_wait3A_1252, %dma_wait3A_1260, %dma_wait3A_1261] : memref<8x125x24xf32, #tpu.memory_space<vmem>> -> memref<1x125x24xf32, #tpu.memory_space<vmem>>
        %dma_wait3A_1263 = tpu.memref_squeeze %dma_wait3A_1262 : memref<1x125x24xf32, #tpu.memory_space<vmem>> -> memref<125x24xf32, #tpu.memory_space<vmem>>
        %dma_wait3A_1264 = arith.constant 0 : i32
        %dma_wait3A_1265 = arith.constant 0 : i32
        %dma_wait3A_1266 = tpu.memref_slice %arg7[%dma_wait3A_1253, %dma_wait3A_1264, %dma_wait3A_1265] : memref<2x8x125xi32, #tpu.memory_space<vmem>> -> memref<1x8x125xi32, #tpu.memory_space<vmem>>
        %dma_wait3A_1267 = tpu.memref_squeeze %dma_wait3A_1266 : memref<1x8x125xi32, #tpu.memory_space<vmem>> -> memref<8x125xi32, #tpu.memory_space<vmem>>
        %dma_wait3A_1268 = arith.constant 0 : i32
        %dma_wait3A_1269 = tpu.memref_slice %dma_wait3A_1267[%dma_wait3A_1254, %dma_wait3A_1268] : memref<8x125xi32, #tpu.memory_space<vmem>> -> memref<1x125xi32, #tpu.memory_space<vmem>>
        %dma_wait3A_1270 = tpu.memref_squeeze %dma_wait3A_1269 : memref<1x125xi32, #tpu.memory_space<vmem>> -> memref<125xi32, #tpu.memory_space<vmem>>
        %dma_wait3A_1271 = arith.constant 0 : i32
        %dma_wait3A_1272 = arith.constant 0 : i32
        %dma_wait3A_1273 = tpu.memref_slice %arg9[%dma_wait3A_1271, %dma_wait3A_1272] : memref<50048x24xf32, #tpu.memory_space<vmem_shared>> -> memref<50048x24xf32, #tpu.memory_space<vmem_shared>>
        tpu.wait_indirect_dma semaphore(%arg11 : memref<!tpu.dma_semaphore, #tpu.memory_space<semaphore_mem>>) src(%dma_wait3A_1263 : memref<125x24xf32, #tpu.memory_space<vmem>>) dst(%dma_wait3A_1273 : memref<50048x24xf32, #tpu.memory_space<vmem_shared>>)
        %dma_wait3A_1274 = arith.constant 1 : i32
        %dma_wait3A_1275 = arith.constant 3 : i32
        %dma_wait3A_1276 = arith.constant 1 : i32
        %dma_wait3A_1277 = arith.constant 3 : i32
        %dma_wait3A_1278 = arith.constant 0 : i32
        %dma_wait3A_1279 = arith.constant 0 : i32
        %dma_wait3A_1280 = arith.constant 0 : i32
        %dma_wait3A_1281 = tpu.memref_slice %arg8[%dma_wait3A_1274, %dma_wait3A_1278, %dma_wait3A_1279, %dma_wait3A_1280] : memref<2x8x125x24xf32, #tpu.memory_space<vmem>> -> memref<1x8x125x24xf32, #tpu.memory_space<vmem>>
        %dma_wait3A_1282 = tpu.memref_squeeze %dma_wait3A_1281 : memref<1x8x125x24xf32, #tpu.memory_space<vmem>> -> memref<8x125x24xf32, #tpu.memory_space<vmem>>
        %dma_wait3A_1283 = arith.constant 0 : i32
        %dma_wait3A_1284 = arith.constant 0 : i32
        %dma_wait3A_1285 = tpu.memref_slice %dma_wait3A_1282[%dma_wait3A_1275, %dma_wait3A_1283, %dma_wait3A_1284] : memref<8x125x24xf32, #tpu.memory_space<vmem>> -> memref<1x125x24xf32, #tpu.memory_space<vmem>>
        %dma_wait3A_1286 = tpu.memref_squeeze %dma_wait3A_1285 : memref<1x125x24xf32, #tpu.memory_space<vmem>> -> memref<125x24xf32, #tpu.memory_space<vmem>>
        %dma_wait3A_1287 = arith.constant 0 : i32
        %dma_wait3A_1288 = arith.constant 0 : i32
        %dma_wait3A_1289 = tpu.memref_slice %arg7[%dma_wait3A_1276, %dma_wait3A_1287, %dma_wait3A_1288] : memref<2x8x125xi32, #tpu.memory_space<vmem>> -> memref<1x8x125xi32, #tpu.memory_space<vmem>>
        %dma_wait3A_1290 = tpu.memref_squeeze %dma_wait3A_1289 : memref<1x8x125xi32, #tpu.memory_space<vmem>> -> memref<8x125xi32, #tpu.memory_space<vmem>>
        %dma_wait3A_1291 = arith.constant 0 : i32
        %dma_wait3A_1292 = tpu.memref_slice %dma_wait3A_1290[%dma_wait3A_1277, %dma_wait3A_1291] : memref<8x125xi32, #tpu.memory_space<vmem>> -> memref<1x125xi32, #tpu.memory_space<vmem>>
        %dma_wait3A_1293 = tpu.memref_squeeze %dma_wait3A_1292 : memref<1x125xi32, #tpu.memory_space<vmem>> -> memref<125xi32, #tpu.memory_space<vmem>>
        %dma_wait3A_1294 = arith.constant 0 : i32
        %dma_wait3A_1295 = arith.constant 0 : i32
        %dma_wait3A_1296 = tpu.memref_slice %arg9[%dma_wait3A_1294, %dma_wait3A_1295] : memref<50048x24xf32, #tpu.memory_space<vmem_shared>> -> memref<50048x24xf32, #tpu.memory_space<vmem_shared>>
        tpu.wait_indirect_dma semaphore(%arg11 : memref<!tpu.dma_semaphore, #tpu.memory_space<semaphore_mem>>) src(%dma_wait3A_1286 : memref<125x24xf32, #tpu.memory_space<vmem>>) dst(%dma_wait3A_1296 : memref<50048x24xf32, #tpu.memory_space<vmem_shared>>)
        %dma_wait3A_1297 = arith.constant 1 : i32
        %dma_wait3A_1298 = arith.constant 4 : i32
        %dma_wait3A_1299 = arith.constant 1 : i32
        %dma_wait3A_1300 = arith.constant 4 : i32
        %dma_wait3A_1301 = arith.constant 0 : i32
        %dma_wait3A_1302 = arith.constant 0 : i32
        %dma_wait3A_1303 = arith.constant 0 : i32
        %dma_wait3A_1304 = tpu.memref_slice %arg8[%dma_wait3A_1297, %dma_wait3A_1301, %dma_wait3A_1302, %dma_wait3A_1303] : memref<2x8x125x24xf32, #tpu.memory_space<vmem>> -> memref<1x8x125x24xf32, #tpu.memory_space<vmem>>
        %dma_wait3A_1305 = tpu.memref_squeeze %dma_wait3A_1304 : memref<1x8x125x24xf32, #tpu.memory_space<vmem>> -> memref<8x125x24xf32, #tpu.memory_space<vmem>>
        %dma_wait3A_1306 = arith.constant 0 : i32
        %dma_wait3A_1307 = arith.constant 0 : i32
        %dma_wait3A_1308 = tpu.memref_slice %dma_wait3A_1305[%dma_wait3A_1298, %dma_wait3A_1306, %dma_wait3A_1307] : memref<8x125x24xf32, #tpu.memory_space<vmem>> -> memref<1x125x24xf32, #tpu.memory_space<vmem>>
        %dma_wait3A_1309 = tpu.memref_squeeze %dma_wait3A_1308 : memref<1x125x24xf32, #tpu.memory_space<vmem>> -> memref<125x24xf32, #tpu.memory_space<vmem>>
        %dma_wait3A_1310 = arith.constant 0 : i32
        %dma_wait3A_1311 = arith.constant 0 : i32
        %dma_wait3A_1312 = tpu.memref_slice %arg7[%dma_wait3A_1299, %dma_wait3A_1310, %dma_wait3A_1311] : memref<2x8x125xi32, #tpu.memory_space<vmem>> -> memref<1x8x125xi32, #tpu.memory_space<vmem>>
        %dma_wait3A_1313 = tpu.memref_squeeze %dma_wait3A_1312 : memref<1x8x125xi32, #tpu.memory_space<vmem>> -> memref<8x125xi32, #tpu.memory_space<vmem>>
        %dma_wait3A_1314 = arith.constant 0 : i32
        %dma_wait3A_1315 = tpu.memref_slice %dma_wait3A_1313[%dma_wait3A_1300, %dma_wait3A_1314] : memref<8x125xi32, #tpu.memory_space<vmem>> -> memref<1x125xi32, #tpu.memory_space<vmem>>
        %dma_wait3A_1316 = tpu.memref_squeeze %dma_wait3A_1315 : memref<1x125xi32, #tpu.memory_space<vmem>> -> memref<125xi32, #tpu.memory_space<vmem>>
        %dma_wait3A_1317 = arith.constant 0 : i32
        %dma_wait3A_1318 = arith.constant 0 : i32
        %dma_wait3A_1319 = tpu.memref_slice %arg9[%dma_wait3A_1317, %dma_wait3A_1318] : memref<50048x24xf32, #tpu.memory_space<vmem_shared>> -> memref<50048x24xf32, #tpu.memory_space<vmem_shared>>
        tpu.wait_indirect_dma semaphore(%arg11 : memref<!tpu.dma_semaphore, #tpu.memory_space<semaphore_mem>>) src(%dma_wait3A_1309 : memref<125x24xf32, #tpu.memory_space<vmem>>) dst(%dma_wait3A_1319 : memref<50048x24xf32, #tpu.memory_space<vmem_shared>>)
        %dma_wait3A_1320 = arith.constant 1 : i32
        %dma_wait3A_1321 = arith.constant 5 : i32
        %dma_wait3A_1322 = arith.constant 1 : i32
        %dma_wait3A_1323 = arith.constant 5 : i32
        %dma_wait3A_1324 = arith.constant 0 : i32
        %dma_wait3A_1325 = arith.constant 0 : i32
        %dma_wait3A_1326 = arith.constant 0 : i32
        %dma_wait3A_1327 = tpu.memref_slice %arg8[%dma_wait3A_1320, %dma_wait3A_1324, %dma_wait3A_1325, %dma_wait3A_1326] : memref<2x8x125x24xf32, #tpu.memory_space<vmem>> -> memref<1x8x125x24xf32, #tpu.memory_space<vmem>>
        %dma_wait3A_1328 = tpu.memref_squeeze %dma_wait3A_1327 : memref<1x8x125x24xf32, #tpu.memory_space<vmem>> -> memref<8x125x24xf32, #tpu.memory_space<vmem>>
        %dma_wait3A_1329 = arith.constant 0 : i32
        %dma_wait3A_1330 = arith.constant 0 : i32
        %dma_wait3A_1331 = tpu.memref_slice %dma_wait3A_1328[%dma_wait3A_1321, %dma_wait3A_1329, %dma_wait3A_1330] : memref<8x125x24xf32, #tpu.memory_space<vmem>> -> memref<1x125x24xf32, #tpu.memory_space<vmem>>
        %dma_wait3A_1332 = tpu.memref_squeeze %dma_wait3A_1331 : memref<1x125x24xf32, #tpu.memory_space<vmem>> -> memref<125x24xf32, #tpu.memory_space<vmem>>
        %dma_wait3A_1333 = arith.constant 0 : i32
        %dma_wait3A_1334 = arith.constant 0 : i32
        %dma_wait3A_1335 = tpu.memref_slice %arg7[%dma_wait3A_1322, %dma_wait3A_1333, %dma_wait3A_1334] : memref<2x8x125xi32, #tpu.memory_space<vmem>> -> memref<1x8x125xi32, #tpu.memory_space<vmem>>
        %dma_wait3A_1336 = tpu.memref_squeeze %dma_wait3A_1335 : memref<1x8x125xi32, #tpu.memory_space<vmem>> -> memref<8x125xi32, #tpu.memory_space<vmem>>
        %dma_wait3A_1337 = arith.constant 0 : i32
        %dma_wait3A_1338 = tpu.memref_slice %dma_wait3A_1336[%dma_wait3A_1323, %dma_wait3A_1337] : memref<8x125xi32, #tpu.memory_space<vmem>> -> memref<1x125xi32, #tpu.memory_space<vmem>>
        %dma_wait3A_1339 = tpu.memref_squeeze %dma_wait3A_1338 : memref<1x125xi32, #tpu.memory_space<vmem>> -> memref<125xi32, #tpu.memory_space<vmem>>
        %dma_wait3A_1340 = arith.constant 0 : i32
        %dma_wait3A_1341 = arith.constant 0 : i32
        %dma_wait3A_1342 = tpu.memref_slice %arg9[%dma_wait3A_1340, %dma_wait3A_1341] : memref<50048x24xf32, #tpu.memory_space<vmem_shared>> -> memref<50048x24xf32, #tpu.memory_space<vmem_shared>>
        tpu.wait_indirect_dma semaphore(%arg11 : memref<!tpu.dma_semaphore, #tpu.memory_space<semaphore_mem>>) src(%dma_wait3A_1332 : memref<125x24xf32, #tpu.memory_space<vmem>>) dst(%dma_wait3A_1342 : memref<50048x24xf32, #tpu.memory_space<vmem_shared>>)
        %dma_wait3A_1343 = arith.constant 1 : i32
        %dma_wait3A_1344 = arith.constant 6 : i32
        %dma_wait3A_1345 = arith.constant 1 : i32
        %dma_wait3A_1346 = arith.constant 6 : i32
        %dma_wait3A_1347 = arith.constant 0 : i32
        %dma_wait3A_1348 = arith.constant 0 : i32
        %dma_wait3A_1349 = arith.constant 0 : i32
        %dma_wait3A_1350 = tpu.memref_slice %arg8[%dma_wait3A_1343, %dma_wait3A_1347, %dma_wait3A_1348, %dma_wait3A_1349] : memref<2x8x125x24xf32, #tpu.memory_space<vmem>> -> memref<1x8x125x24xf32, #tpu.memory_space<vmem>>
        %dma_wait3A_1351 = tpu.memref_squeeze %dma_wait3A_1350 : memref<1x8x125x24xf32, #tpu.memory_space<vmem>> -> memref<8x125x24xf32, #tpu.memory_space<vmem>>
        %dma_wait3A_1352 = arith.constant 0 : i32
        %dma_wait3A_1353 = arith.constant 0 : i32
        %dma_wait3A_1354 = tpu.memref_slice %dma_wait3A_1351[%dma_wait3A_1344, %dma_wait3A_1352, %dma_wait3A_1353] : memref<8x125x24xf32, #tpu.memory_space<vmem>> -> memref<1x125x24xf32, #tpu.memory_space<vmem>>
        %dma_wait3A_1355 = tpu.memref_squeeze %dma_wait3A_1354 : memref<1x125x24xf32, #tpu.memory_space<vmem>> -> memref<125x24xf32, #tpu.memory_space<vmem>>
        %dma_wait3A_1356 = arith.constant 0 : i32
        %dma_wait3A_1357 = arith.constant 0 : i32
        %dma_wait3A_1358 = tpu.memref_slice %arg7[%dma_wait3A_1345, %dma_wait3A_1356, %dma_wait3A_1357] : memref<2x8x125xi32, #tpu.memory_space<vmem>> -> memref<1x8x125xi32, #tpu.memory_space<vmem>>
        %dma_wait3A_1359 = tpu.memref_squeeze %dma_wait3A_1358 : memref<1x8x125xi32, #tpu.memory_space<vmem>> -> memref<8x125xi32, #tpu.memory_space<vmem>>
        %dma_wait3A_1360 = arith.constant 0 : i32
        %dma_wait3A_1361 = tpu.memref_slice %dma_wait3A_1359[%dma_wait3A_1346, %dma_wait3A_1360] : memref<8x125xi32, #tpu.memory_space<vmem>> -> memref<1x125xi32, #tpu.memory_space<vmem>>
        %dma_wait3A_1362 = tpu.memref_squeeze %dma_wait3A_1361 : memref<1x125xi32, #tpu.memory_space<vmem>> -> memref<125xi32, #tpu.memory_space<vmem>>
        %dma_wait3A_1363 = arith.constant 0 : i32
        %dma_wait3A_1364 = arith.constant 0 : i32
        %dma_wait3A_1365 = tpu.memref_slice %arg9[%dma_wait3A_1363, %dma_wait3A_1364] : memref<50048x24xf32, #tpu.memory_space<vmem_shared>> -> memref<50048x24xf32, #tpu.memory_space<vmem_shared>>
        tpu.wait_indirect_dma semaphore(%arg11 : memref<!tpu.dma_semaphore, #tpu.memory_space<semaphore_mem>>) src(%dma_wait3A_1355 : memref<125x24xf32, #tpu.memory_space<vmem>>) dst(%dma_wait3A_1365 : memref<50048x24xf32, #tpu.memory_space<vmem_shared>>)
        %dma_wait3A_1366 = arith.constant 1 : i32
        %dma_wait3A_1367 = arith.constant 7 : i32
        %dma_wait3A_1368 = arith.constant 1 : i32
        %dma_wait3A_1369 = arith.constant 7 : i32
        %dma_wait3A_1370 = arith.constant 0 : i32
        %dma_wait3A_1371 = arith.constant 0 : i32
        %dma_wait3A_1372 = arith.constant 0 : i32
        %dma_wait3A_1373 = tpu.memref_slice %arg8[%dma_wait3A_1366, %dma_wait3A_1370, %dma_wait3A_1371, %dma_wait3A_1372] : memref<2x8x125x24xf32, #tpu.memory_space<vmem>> -> memref<1x8x125x24xf32, #tpu.memory_space<vmem>>
        %dma_wait3A_1374 = tpu.memref_squeeze %dma_wait3A_1373 : memref<1x8x125x24xf32, #tpu.memory_space<vmem>> -> memref<8x125x24xf32, #tpu.memory_space<vmem>>
        %dma_wait3A_1375 = arith.constant 0 : i32
        %dma_wait3A_1376 = arith.constant 0 : i32
        %dma_wait3A_1377 = tpu.memref_slice %dma_wait3A_1374[%dma_wait3A_1367, %dma_wait3A_1375, %dma_wait3A_1376] : memref<8x125x24xf32, #tpu.memory_space<vmem>> -> memref<1x125x24xf32, #tpu.memory_space<vmem>>
        %dma_wait3A_1378 = tpu.memref_squeeze %dma_wait3A_1377 : memref<1x125x24xf32, #tpu.memory_space<vmem>> -> memref<125x24xf32, #tpu.memory_space<vmem>>
        %dma_wait3A_1379 = arith.constant 0 : i32
        %dma_wait3A_1380 = arith.constant 0 : i32
        %dma_wait3A_1381 = tpu.memref_slice %arg7[%dma_wait3A_1368, %dma_wait3A_1379, %dma_wait3A_1380] : memref<2x8x125xi32, #tpu.memory_space<vmem>> -> memref<1x8x125xi32, #tpu.memory_space<vmem>>
        %dma_wait3A_1382 = tpu.memref_squeeze %dma_wait3A_1381 : memref<1x8x125xi32, #tpu.memory_space<vmem>> -> memref<8x125xi32, #tpu.memory_space<vmem>>
        %dma_wait3A_1383 = arith.constant 0 : i32
        %dma_wait3A_1384 = tpu.memref_slice %dma_wait3A_1382[%dma_wait3A_1369, %dma_wait3A_1383] : memref<8x125xi32, #tpu.memory_space<vmem>> -> memref<1x125xi32, #tpu.memory_space<vmem>>
        %dma_wait3A_1385 = tpu.memref_squeeze %dma_wait3A_1384 : memref<1x125xi32, #tpu.memory_space<vmem>> -> memref<125xi32, #tpu.memory_space<vmem>>
        %dma_wait3A_1386 = arith.constant 0 : i32
        %dma_wait3A_1387 = arith.constant 0 : i32
        %dma_wait3A_1388 = tpu.memref_slice %arg9[%dma_wait3A_1386, %dma_wait3A_1387] : memref<50048x24xf32, #tpu.memory_space<vmem_shared>> -> memref<50048x24xf32, #tpu.memory_space<vmem_shared>>
        tpu.wait_indirect_dma semaphore(%arg11 : memref<!tpu.dma_semaphore, #tpu.memory_space<semaphore_mem>>) src(%dma_wait3A_1378 : memref<125x24xf32, #tpu.memory_space<vmem>>) dst(%dma_wait3A_1388 : memref<50048x24xf32, #tpu.memory_space<vmem_shared>>)
      } else {
      }
      %add3A_799 = arith.constant 1 : i32
      %add3A_800 = arith.addi %add3A_412, %add3A_799 : i32
      %lt3A = arith.constant 100 : i32
      %lt3A_801 = arith.cmpi slt, %add3A_800, %lt3A : i32
      %convert_element_type3A_802 = arith.extui %lt3A_801 : i1 to i32
      %cond3A_803 = arith.constant 0 : i32
      %cond3A_804 = arith.cmpi ne, %convert_element_type3A_802, %cond3A_803 : i32
      scf.if %cond3A_804 {
        %add3A_1205 = arith.constant 1 : i32
        %add3A_1206 = arith.addi %add3A_412, %add3A_1205 : i32
        %mul3A_1207 = arith.constant 8 : i32
        %mul3A_1208 = arith.muli %add3A_1206, %mul3A_1207 : i32
        %add3A_1209 = arith.addi %mul3A_6, %mul3A_1208 : i32
        %run_scoped3A_1210 = arith.constant 0 : i32
        %run_scoped3A_1211 = arith.constant 1 : i32
        "tpu.region"() ({
          %run_scoped3A_1417 = tpu.sem_alloc : memref<!tpu.dma_semaphore, #tpu.memory_space<semaphore_mem>>
          %dma_start3A_1418 = arith.constant 0 : i32
          %dma_start3A_1419 = arith.constant 0 : i32
          %dma_start3A_1420 = tpu.memref_slice %arg6[%run_scoped3A_1211, %dma_start3A_1418, %dma_start3A_1419] : memref<2x8x125xi32, #tpu.memory_space<vmem>> -> memref<1x8x125xi32, #tpu.memory_space<vmem>>
          %dma_start3A_1421 = tpu.memref_squeeze %dma_start3A_1420 : memref<1x8x125xi32, #tpu.memory_space<vmem>> -> memref<8x125xi32, #tpu.memory_space<vmem>>
          %dma_start3A_1422 = arith.constant 0 : i32
          %dma_start3A_1423 = tpu.memref_slice %arg2[%run_scoped3A_1210, %add3A_1209, %dma_start3A_1422] : memref<2x12800x125xi32, #tpu.memory_space<hbm>> -> memref<1x8x125xi32, #tpu.memory_space<hbm>>
          %dma_start3A_1424 = tpu.memref_squeeze %dma_start3A_1423 : memref<1x8x125xi32, #tpu.memory_space<hbm>> -> memref<8x125xi32, #tpu.memory_space<hbm>>
          %dma_start3A_1425 = arith.constant 0 : i32
          %dma_start3A_1426 = arith.constant 0 : i32
          %dma_start3A_1427 = tpu.memref_slice %arg6[%run_scoped3A_1211, %dma_start3A_1425, %dma_start3A_1426] : memref<2x8x125xi32, #tpu.memory_space<vmem>> -> memref<1x8x125xi32, #tpu.memory_space<vmem>>
          %dma_start3A_1428 = tpu.memref_squeeze %dma_start3A_1427 : memref<1x8x125xi32, #tpu.memory_space<vmem>> -> memref<8x125xi32, #tpu.memory_space<vmem>>
          %dma_start3A_1429 = arith.constant 0 : i32
          %dma_start3A_1430 = tpu.memref_slice %arg2[%run_scoped3A_1210, %add3A_1209, %dma_start3A_1429] : memref<2x12800x125xi32, #tpu.memory_space<hbm>> -> memref<1x8x125xi32, #tpu.memory_space<hbm>>
          %dma_start3A_1431 = tpu.memref_squeeze %dma_start3A_1430 : memref<1x8x125xi32, #tpu.memory_space<hbm>> -> memref<8x125xi32, #tpu.memory_space<hbm>>
          tpu.enqueue_dma source(%dma_start3A_1431 : memref<8x125xi32, #tpu.memory_space<hbm>>) target(%dma_start3A_1428 : memref<8x125xi32, #tpu.memory_space<vmem>>) target_semaphore(%run_scoped3A_1417 : memref<!tpu.dma_semaphore, #tpu.memory_space<semaphore_mem>>)
          %dma_wait3A_1432 = arith.constant 0 : i32
          %dma_wait3A_1433 = arith.constant 0 : i32
          %dma_wait3A_1434 = tpu.memref_slice %arg6[%run_scoped3A_1211, %dma_wait3A_1432, %dma_wait3A_1433] : memref<2x8x125xi32, #tpu.memory_space<vmem>> -> memref<1x8x125xi32, #tpu.memory_space<vmem>>
          %dma_wait3A_1435 = tpu.memref_squeeze %dma_wait3A_1434 : memref<1x8x125xi32, #tpu.memory_space<vmem>> -> memref<8x125xi32, #tpu.memory_space<vmem>>
          %dma_wait3A_1436 = arith.constant 0 : i32
          %dma_wait3A_1437 = tpu.memref_slice %arg2[%run_scoped3A_1210, %add3A_1209, %dma_wait3A_1436] : memref<2x12800x125xi32, #tpu.memory_space<hbm>> -> memref<1x8x125xi32, #tpu.memory_space<hbm>>
          %dma_wait3A_1438 = tpu.memref_squeeze %dma_wait3A_1437 : memref<1x8x125xi32, #tpu.memory_space<hbm>> -> memref<8x125xi32, #tpu.memory_space<hbm>>
          %dma_wait3A_1439 = arith.constant 0 : i32
          %dma_wait3A_1440 = arith.constant 0 : i32
          %dma_wait3A_1441 = tpu.memref_slice %arg6[%run_scoped3A_1211, %dma_wait3A_1439, %dma_wait3A_1440] : memref<2x8x125xi32, #tpu.memory_space<vmem>> -> memref<1x8x125xi32, #tpu.memory_space<vmem>>
          %dma_wait3A_1442 = tpu.memref_squeeze %dma_wait3A_1441 : memref<1x8x125xi32, #tpu.memory_space<vmem>> -> memref<8x125xi32, #tpu.memory_space<vmem>>
          %dma_wait3A_1443 = arith.constant 0 : i32
          %dma_wait3A_1444 = tpu.memref_slice %arg2[%run_scoped3A_1210, %add3A_1209, %dma_wait3A_1443] : memref<2x12800x125xi32, #tpu.memory_space<hbm>> -> memref<1x8x125xi32, #tpu.memory_space<hbm>>
          %dma_wait3A_1445 = tpu.memref_squeeze %dma_wait3A_1444 : memref<1x8x125xi32, #tpu.memory_space<hbm>> -> memref<8x125xi32, #tpu.memory_space<hbm>>
          tpu.wait_dma2 semaphore(%run_scoped3A_1417 : memref<!tpu.dma_semaphore, #tpu.memory_space<semaphore_mem>>) src(%dma_wait3A_1445 : memref<8x125xi32, #tpu.memory_space<hbm>>) dst(%dma_wait3A_1442 : memref<8x125xi32, #tpu.memory_space<vmem>>)
          tpu.yield
        }) : () -> ()
        %mul3A_1212 = arith.constant 8 : i32
        %mul3A_1213 = arith.muli %add3A_1206, %mul3A_1212 : i32
        %add3A_1214 = arith.addi %mul3A_6, %mul3A_1213 : i32
        %run_scoped3A_1215 = arith.constant 1 : i32
        %run_scoped3A_1216 = arith.constant 1 : i32
        "tpu.region"() ({
          %run_scoped3A_1417 = tpu.sem_alloc : memref<!tpu.dma_semaphore, #tpu.memory_space<semaphore_mem>>
          %dma_start3A_1418 = arith.constant 0 : i32
          %dma_start3A_1419 = arith.constant 0 : i32
          %dma_start3A_1420 = tpu.memref_slice %arg7[%run_scoped3A_1216, %dma_start3A_1418, %dma_start3A_1419] : memref<2x8x125xi32, #tpu.memory_space<vmem>> -> memref<1x8x125xi32, #tpu.memory_space<vmem>>
          %dma_start3A_1421 = tpu.memref_squeeze %dma_start3A_1420 : memref<1x8x125xi32, #tpu.memory_space<vmem>> -> memref<8x125xi32, #tpu.memory_space<vmem>>
          %dma_start3A_1422 = arith.constant 0 : i32
          %dma_start3A_1423 = tpu.memref_slice %arg2[%run_scoped3A_1215, %add3A_1214, %dma_start3A_1422] : memref<2x12800x125xi32, #tpu.memory_space<hbm>> -> memref<1x8x125xi32, #tpu.memory_space<hbm>>
          %dma_start3A_1424 = tpu.memref_squeeze %dma_start3A_1423 : memref<1x8x125xi32, #tpu.memory_space<hbm>> -> memref<8x125xi32, #tpu.memory_space<hbm>>
          %dma_start3A_1425 = arith.constant 0 : i32
          %dma_start3A_1426 = arith.constant 0 : i32
          %dma_start3A_1427 = tpu.memref_slice %arg7[%run_scoped3A_1216, %dma_start3A_1425, %dma_start3A_1426] : memref<2x8x125xi32, #tpu.memory_space<vmem>> -> memref<1x8x125xi32, #tpu.memory_space<vmem>>
          %dma_start3A_1428 = tpu.memref_squeeze %dma_start3A_1427 : memref<1x8x125xi32, #tpu.memory_space<vmem>> -> memref<8x125xi32, #tpu.memory_space<vmem>>
          %dma_start3A_1429 = arith.constant 0 : i32
          %dma_start3A_1430 = tpu.memref_slice %arg2[%run_scoped3A_1215, %add3A_1214, %dma_start3A_1429] : memref<2x12800x125xi32, #tpu.memory_space<hbm>> -> memref<1x8x125xi32, #tpu.memory_space<hbm>>
          %dma_start3A_1431 = tpu.memref_squeeze %dma_start3A_1430 : memref<1x8x125xi32, #tpu.memory_space<hbm>> -> memref<8x125xi32, #tpu.memory_space<hbm>>
          tpu.enqueue_dma source(%dma_start3A_1431 : memref<8x125xi32, #tpu.memory_space<hbm>>) target(%dma_start3A_1428 : memref<8x125xi32, #tpu.memory_space<vmem>>) target_semaphore(%run_scoped3A_1417 : memref<!tpu.dma_semaphore, #tpu.memory_space<semaphore_mem>>)
          %dma_wait3A_1432 = arith.constant 0 : i32
          %dma_wait3A_1433 = arith.constant 0 : i32
          %dma_wait3A_1434 = tpu.memref_slice %arg7[%run_scoped3A_1216, %dma_wait3A_1432, %dma_wait3A_1433] : memref<2x8x125xi32, #tpu.memory_space<vmem>> -> memref<1x8x125xi32, #tpu.memory_space<vmem>>
          %dma_wait3A_1435 = tpu.memref_squeeze %dma_wait3A_1434 : memref<1x8x125xi32, #tpu.memory_space<vmem>> -> memref<8x125xi32, #tpu.memory_space<vmem>>
          %dma_wait3A_1436 = arith.constant 0 : i32
          %dma_wait3A_1437 = tpu.memref_slice %arg2[%run_scoped3A_1215, %add3A_1214, %dma_wait3A_1436] : memref<2x12800x125xi32, #tpu.memory_space<hbm>> -> memref<1x8x125xi32, #tpu.memory_space<hbm>>
          %dma_wait3A_1438 = tpu.memref_squeeze %dma_wait3A_1437 : memref<1x8x125xi32, #tpu.memory_space<hbm>> -> memref<8x125xi32, #tpu.memory_space<hbm>>
          %dma_wait3A_1439 = arith.constant 0 : i32
          %dma_wait3A_1440 = arith.constant 0 : i32
          %dma_wait3A_1441 = tpu.memref_slice %arg7[%run_scoped3A_1216, %dma_wait3A_1439, %dma_wait3A_1440] : memref<2x8x125xi32, #tpu.memory_space<vmem>> -> memref<1x8x125xi32, #tpu.memory_space<vmem>>
          %dma_wait3A_1442 = tpu.memref_squeeze %dma_wait3A_1441 : memref<1x8x125xi32, #tpu.memory_space<vmem>> -> memref<8x125xi32, #tpu.memory_space<vmem>>
          %dma_wait3A_1443 = arith.constant 0 : i32
          %dma_wait3A_1444 = tpu.memref_slice %arg2[%run_scoped3A_1215, %add3A_1214, %dma_wait3A_1443] : memref<2x12800x125xi32, #tpu.memory_space<hbm>> -> memref<1x8x125xi32, #tpu.memory_space<hbm>>
          %dma_wait3A_1445 = tpu.memref_squeeze %dma_wait3A_1444 : memref<1x8x125xi32, #tpu.memory_space<hbm>> -> memref<8x125xi32, #tpu.memory_space<hbm>>
          tpu.wait_dma2 semaphore(%run_scoped3A_1417 : memref<!tpu.dma_semaphore, #tpu.memory_space<semaphore_mem>>) src(%dma_wait3A_1445 : memref<8x125xi32, #tpu.memory_space<hbm>>) dst(%dma_wait3A_1442 : memref<8x125xi32, #tpu.memory_space<vmem>>)
          tpu.yield
        }) : () -> ()
        %dma_start3A_1217 = arith.constant 1 : i32
        %dma_start3A_1218 = arith.constant 0 : i32
        %dma_start3A_1219 = arith.constant 1 : i32
        %dma_start3A_1220 = arith.constant 0 : i32
        %dma_start3A_1221 = arith.constant 0 : i32
        %dma_start3A_1222 = arith.constant 0 : i32
        %dma_start3A_1223 = arith.constant 0 : i32
        %dma_start3A_1224 = tpu.memref_slice %arg8[%dma_start3A_1219, %dma_start3A_1221, %dma_start3A_1222, %dma_start3A_1223] : memref<2x8x125x24xf32, #tpu.memory_space<vmem>> -> memref<1x8x125x24xf32, #tpu.memory_space<vmem>>
        %dma_start3A_1225 = tpu.memref_squeeze %dma_start3A_1224 : memref<1x8x125x24xf32, #tpu.memory_space<vmem>> -> memref<8x125x24xf32, #tpu.memory_space<vmem>>
        %dma_start3A_1226 = arith.constant 0 : i32
        %dma_start3A_1227 = arith.constant 0 : i32
        %dma_start3A_1228 = tpu.memref_slice %dma_start3A_1225[%dma_start3A_1220, %dma_start3A_1226, %dma_start3A_1227] : memref<8x125x24xf32, #tpu.memory_space<vmem>> -> memref<1x125x24xf32, #tpu.memory_space<vmem>>
        %dma_start3A_1229 = tpu.memref_squeeze %dma_start3A_1228 : memref<1x125x24xf32, #tpu.memory_space<vmem>> -> memref<125x24xf32, #tpu.memory_space<vmem>>
        %dma_start3A_1230 = arith.constant 0 : i32
        %dma_start3A_1231 = arith.constant 0 : i32
        %dma_start3A_1232 = tpu.memref_slice %arg6[%dma_start3A_1217, %dma_start3A_1230, %dma_start3A_1231] : memref<2x8x125xi32, #tpu.memory_space<vmem>> -> memref<1x8x125xi32, #tpu.memory_space<vmem>>
        %dma_start3A_1233 = tpu.memref_squeeze %dma_start3A_1232 : memref<1x8x125xi32, #tpu.memory_space<vmem>> -> memref<8x125xi32, #tpu.memory_space<vmem>>
        %dma_start3A_1234 = arith.constant 0 : i32
        %dma_start3A_1235 = tpu.memref_slice %dma_start3A_1233[%dma_start3A_1218, %dma_start3A_1234] : memref<8x125xi32, #tpu.memory_space<vmem>> -> memref<1x125xi32, #tpu.memory_space<vmem>>
        %dma_start3A_1236 = tpu.memref_squeeze %dma_start3A_1235 : memref<1x125xi32, #tpu.memory_space<vmem>> -> memref<125xi32, #tpu.memory_space<vmem>>
        %dma_start3A_1237 = arith.constant 0 : i32
        %dma_start3A_1238 = tpu.memref_slice %arg3[%mul3A_0, %dma_start3A_1237] : memref<100000x24xf32, #tpu.memory_space<hbm>> -> memref<50000x24xf32, #tpu.memory_space<hbm>>
        %dma_start3A_1239 = arith.constant 0 : i32
        %dma_start3A_1240 = arith.constant 0 : i32
        %dma_start3A_1241 = tpu.memref_slice %dma_start3A_1238[%dma_start3A_1239, %dma_start3A_1240] : memref<50000x24xf32, #tpu.memory_space<hbm>> -> memref<50000x24xf32, #tpu.memory_space<hbm>>
        tpu.enqueue_indirect_dma source(%dma_start3A_1241 : memref<50000x24xf32, #tpu.memory_space<hbm>>) target(%dma_start3A_1229 : memref<125x24xf32, #tpu.memory_space<vmem>>) offsets(%dma_start3A_1236 : memref<125xi32, #tpu.memory_space<vmem>>) semaphore(%arg10 : memref<!tpu.dma_semaphore, #tpu.memory_space<semaphore_mem>>)
        %dma_start3A_1242 = arith.constant 1 : i32
        %dma_start3A_1243 = arith.constant 1 : i32
        %dma_start3A_1244 = arith.constant 1 : i32
        %dma_start3A_1245 = arith.constant 1 : i32
        %dma_start3A_1246 = arith.constant 0 : i32
        %dma_start3A_1247 = arith.constant 0 : i32
        %dma_start3A_1248 = arith.constant 0 : i32
        %dma_start3A_1249 = tpu.memref_slice %arg8[%dma_start3A_1244, %dma_start3A_1246, %dma_start3A_1247, %dma_start3A_1248] : memref<2x8x125x24xf32, #tpu.memory_space<vmem>> -> memref<1x8x125x24xf32, #tpu.memory_space<vmem>>
        %dma_start3A_1250 = tpu.memref_squeeze %dma_start3A_1249 : memref<1x8x125x24xf32, #tpu.memory_space<vmem>> -> memref<8x125x24xf32, #tpu.memory_space<vmem>>
        %dma_start3A_1251 = arith.constant 0 : i32
        %dma_start3A_1252 = arith.constant 0 : i32
        %dma_start3A_1253 = tpu.memref_slice %dma_start3A_1250[%dma_start3A_1245, %dma_start3A_1251, %dma_start3A_1252] : memref<8x125x24xf32, #tpu.memory_space<vmem>> -> memref<1x125x24xf32, #tpu.memory_space<vmem>>
        %dma_start3A_1254 = tpu.memref_squeeze %dma_start3A_1253 : memref<1x125x24xf32, #tpu.memory_space<vmem>> -> memref<125x24xf32, #tpu.memory_space<vmem>>
        %dma_start3A_1255 = arith.constant 0 : i32
        %dma_start3A_1256 = arith.constant 0 : i32
        %dma_start3A_1257 = tpu.memref_slice %arg6[%dma_start3A_1242, %dma_start3A_1255, %dma_start3A_1256] : memref<2x8x125xi32, #tpu.memory_space<vmem>> -> memref<1x8x125xi32, #tpu.memory_space<vmem>>
        %dma_start3A_1258 = tpu.memref_squeeze %dma_start3A_1257 : memref<1x8x125xi32, #tpu.memory_space<vmem>> -> memref<8x125xi32, #tpu.memory_space<vmem>>
        %dma_start3A_1259 = arith.constant 0 : i32
        %dma_start3A_1260 = tpu.memref_slice %dma_start3A_1258[%dma_start3A_1243, %dma_start3A_1259] : memref<8x125xi32, #tpu.memory_space<vmem>> -> memref<1x125xi32, #tpu.memory_space<vmem>>
        %dma_start3A_1261 = tpu.memref_squeeze %dma_start3A_1260 : memref<1x125xi32, #tpu.memory_space<vmem>> -> memref<125xi32, #tpu.memory_space<vmem>>
        %dma_start3A_1262 = arith.constant 0 : i32
        %dma_start3A_1263 = tpu.memref_slice %arg3[%mul3A_0, %dma_start3A_1262] : memref<100000x24xf32, #tpu.memory_space<hbm>> -> memref<50000x24xf32, #tpu.memory_space<hbm>>
        %dma_start3A_1264 = arith.constant 0 : i32
        %dma_start3A_1265 = arith.constant 0 : i32
        %dma_start3A_1266 = tpu.memref_slice %dma_start3A_1263[%dma_start3A_1264, %dma_start3A_1265] : memref<50000x24xf32, #tpu.memory_space<hbm>> -> memref<50000x24xf32, #tpu.memory_space<hbm>>
        tpu.enqueue_indirect_dma source(%dma_start3A_1266 : memref<50000x24xf32, #tpu.memory_space<hbm>>) target(%dma_start3A_1254 : memref<125x24xf32, #tpu.memory_space<vmem>>) offsets(%dma_start3A_1261 : memref<125xi32, #tpu.memory_space<vmem>>) semaphore(%arg10 : memref<!tpu.dma_semaphore, #tpu.memory_space<semaphore_mem>>)
        %dma_start3A_1267 = arith.constant 1 : i32
        %dma_start3A_1268 = arith.constant 2 : i32
        %dma_start3A_1269 = arith.constant 1 : i32
        %dma_start3A_1270 = arith.constant 2 : i32
        %dma_start3A_1271 = arith.constant 0 : i32
        %dma_start3A_1272 = arith.constant 0 : i32
        %dma_start3A_1273 = arith.constant 0 : i32
        %dma_start3A_1274 = tpu.memref_slice %arg8[%dma_start3A_1269, %dma_start3A_1271, %dma_start3A_1272, %dma_start3A_1273] : memref<2x8x125x24xf32, #tpu.memory_space<vmem>> -> memref<1x8x125x24xf32, #tpu.memory_space<vmem>>
        %dma_start3A_1275 = tpu.memref_squeeze %dma_start3A_1274 : memref<1x8x125x24xf32, #tpu.memory_space<vmem>> -> memref<8x125x24xf32, #tpu.memory_space<vmem>>
        %dma_start3A_1276 = arith.constant 0 : i32
        %dma_start3A_1277 = arith.constant 0 : i32
        %dma_start3A_1278 = tpu.memref_slice %dma_start3A_1275[%dma_start3A_1270, %dma_start3A_1276, %dma_start3A_1277] : memref<8x125x24xf32, #tpu.memory_space<vmem>> -> memref<1x125x24xf32, #tpu.memory_space<vmem>>
        %dma_start3A_1279 = tpu.memref_squeeze %dma_start3A_1278 : memref<1x125x24xf32, #tpu.memory_space<vmem>> -> memref<125x24xf32, #tpu.memory_space<vmem>>
        %dma_start3A_1280 = arith.constant 0 : i32
        %dma_start3A_1281 = arith.constant 0 : i32
        %dma_start3A_1282 = tpu.memref_slice %arg6[%dma_start3A_1267, %dma_start3A_1280, %dma_start3A_1281] : memref<2x8x125xi32, #tpu.memory_space<vmem>> -> memref<1x8x125xi32, #tpu.memory_space<vmem>>
        %dma_start3A_1283 = tpu.memref_squeeze %dma_start3A_1282 : memref<1x8x125xi32, #tpu.memory_space<vmem>> -> memref<8x125xi32, #tpu.memory_space<vmem>>
        %dma_start3A_1284 = arith.constant 0 : i32
        %dma_start3A_1285 = tpu.memref_slice %dma_start3A_1283[%dma_start3A_1268, %dma_start3A_1284] : memref<8x125xi32, #tpu.memory_space<vmem>> -> memref<1x125xi32, #tpu.memory_space<vmem>>
        %dma_start3A_1286 = tpu.memref_squeeze %dma_start3A_1285 : memref<1x125xi32, #tpu.memory_space<vmem>> -> memref<125xi32, #tpu.memory_space<vmem>>
        %dma_start3A_1287 = arith.constant 0 : i32
        %dma_start3A_1288 = tpu.memref_slice %arg3[%mul3A_0, %dma_start3A_1287] : memref<100000x24xf32, #tpu.memory_space<hbm>> -> memref<50000x24xf32, #tpu.memory_space<hbm>>
        %dma_start3A_1289 = arith.constant 0 : i32
        %dma_start3A_1290 = arith.constant 0 : i32
        %dma_start3A_1291 = tpu.memref_slice %dma_start3A_1288[%dma_start3A_1289, %dma_start3A_1290] : memref<50000x24xf32, #tpu.memory_space<hbm>> -> memref<50000x24xf32, #tpu.memory_space<hbm>>
        tpu.enqueue_indirect_dma source(%dma_start3A_1291 : memref<50000x24xf32, #tpu.memory_space<hbm>>) target(%dma_start3A_1279 : memref<125x24xf32, #tpu.memory_space<vmem>>) offsets(%dma_start3A_1286 : memref<125xi32, #tpu.memory_space<vmem>>) semaphore(%arg10 : memref<!tpu.dma_semaphore, #tpu.memory_space<semaphore_mem>>)
        %dma_start3A_1292 = arith.constant 1 : i32
        %dma_start3A_1293 = arith.constant 3 : i32
        %dma_start3A_1294 = arith.constant 1 : i32
        %dma_start3A_1295 = arith.constant 3 : i32
        %dma_start3A_1296 = arith.constant 0 : i32
        %dma_start3A_1297 = arith.constant 0 : i32
        %dma_start3A_1298 = arith.constant 0 : i32
        %dma_start3A_1299 = tpu.memref_slice %arg8[%dma_start3A_1294, %dma_start3A_1296, %dma_start3A_1297, %dma_start3A_1298] : memref<2x8x125x24xf32, #tpu.memory_space<vmem>> -> memref<1x8x125x24xf32, #tpu.memory_space<vmem>>
        %dma_start3A_1300 = tpu.memref_squeeze %dma_start3A_1299 : memref<1x8x125x24xf32, #tpu.memory_space<vmem>> -> memref<8x125x24xf32, #tpu.memory_space<vmem>>
        %dma_start3A_1301 = arith.constant 0 : i32
        %dma_start3A_1302 = arith.constant 0 : i32
        %dma_start3A_1303 = tpu.memref_slice %dma_start3A_1300[%dma_start3A_1295, %dma_start3A_1301, %dma_start3A_1302] : memref<8x125x24xf32, #tpu.memory_space<vmem>> -> memref<1x125x24xf32, #tpu.memory_space<vmem>>
        %dma_start3A_1304 = tpu.memref_squeeze %dma_start3A_1303 : memref<1x125x24xf32, #tpu.memory_space<vmem>> -> memref<125x24xf32, #tpu.memory_space<vmem>>
        %dma_start3A_1305 = arith.constant 0 : i32
        %dma_start3A_1306 = arith.constant 0 : i32
        %dma_start3A_1307 = tpu.memref_slice %arg6[%dma_start3A_1292, %dma_start3A_1305, %dma_start3A_1306] : memref<2x8x125xi32, #tpu.memory_space<vmem>> -> memref<1x8x125xi32, #tpu.memory_space<vmem>>
        %dma_start3A_1308 = tpu.memref_squeeze %dma_start3A_1307 : memref<1x8x125xi32, #tpu.memory_space<vmem>> -> memref<8x125xi32, #tpu.memory_space<vmem>>
        %dma_start3A_1309 = arith.constant 0 : i32
        %dma_start3A_1310 = tpu.memref_slice %dma_start3A_1308[%dma_start3A_1293, %dma_start3A_1309] : memref<8x125xi32, #tpu.memory_space<vmem>> -> memref<1x125xi32, #tpu.memory_space<vmem>>
        %dma_start3A_1311 = tpu.memref_squeeze %dma_start3A_1310 : memref<1x125xi32, #tpu.memory_space<vmem>> -> memref<125xi32, #tpu.memory_space<vmem>>
        %dma_start3A_1312 = arith.constant 0 : i32
        %dma_start3A_1313 = tpu.memref_slice %arg3[%mul3A_0, %dma_start3A_1312] : memref<100000x24xf32, #tpu.memory_space<hbm>> -> memref<50000x24xf32, #tpu.memory_space<hbm>>
        %dma_start3A_1314 = arith.constant 0 : i32
        %dma_start3A_1315 = arith.constant 0 : i32
        %dma_start3A_1316 = tpu.memref_slice %dma_start3A_1313[%dma_start3A_1314, %dma_start3A_1315] : memref<50000x24xf32, #tpu.memory_space<hbm>> -> memref<50000x24xf32, #tpu.memory_space<hbm>>
        tpu.enqueue_indirect_dma source(%dma_start3A_1316 : memref<50000x24xf32, #tpu.memory_space<hbm>>) target(%dma_start3A_1304 : memref<125x24xf32, #tpu.memory_space<vmem>>) offsets(%dma_start3A_1311 : memref<125xi32, #tpu.memory_space<vmem>>) semaphore(%arg10 : memref<!tpu.dma_semaphore, #tpu.memory_space<semaphore_mem>>)
        %dma_start3A_1317 = arith.constant 1 : i32
        %dma_start3A_1318 = arith.constant 4 : i32
        %dma_start3A_1319 = arith.constant 1 : i32
        %dma_start3A_1320 = arith.constant 4 : i32
        %dma_start3A_1321 = arith.constant 0 : i32
        %dma_start3A_1322 = arith.constant 0 : i32
        %dma_start3A_1323 = arith.constant 0 : i32
        %dma_start3A_1324 = tpu.memref_slice %arg8[%dma_start3A_1319, %dma_start3A_1321, %dma_start3A_1322, %dma_start3A_1323] : memref<2x8x125x24xf32, #tpu.memory_space<vmem>> -> memref<1x8x125x24xf32, #tpu.memory_space<vmem>>
        %dma_start3A_1325 = tpu.memref_squeeze %dma_start3A_1324 : memref<1x8x125x24xf32, #tpu.memory_space<vmem>> -> memref<8x125x24xf32, #tpu.memory_space<vmem>>
        %dma_start3A_1326 = arith.constant 0 : i32
        %dma_start3A_1327 = arith.constant 0 : i32
        %dma_start3A_1328 = tpu.memref_slice %dma_start3A_1325[%dma_start3A_1320, %dma_start3A_1326, %dma_start3A_1327] : memref<8x125x24xf32, #tpu.memory_space<vmem>> -> memref<1x125x24xf32, #tpu.memory_space<vmem>>
        %dma_start3A_1329 = tpu.memref_squeeze %dma_start3A_1328 : memref<1x125x24xf32, #tpu.memory_space<vmem>> -> memref<125x24xf32, #tpu.memory_space<vmem>>
        %dma_start3A_1330 = arith.constant 0 : i32
        %dma_start3A_1331 = arith.constant 0 : i32
        %dma_start3A_1332 = tpu.memref_slice %arg6[%dma_start3A_1317, %dma_start3A_1330, %dma_start3A_1331] : memref<2x8x125xi32, #tpu.memory_space<vmem>> -> memref<1x8x125xi32, #tpu.memory_space<vmem>>
        %dma_start3A_1333 = tpu.memref_squeeze %dma_start3A_1332 : memref<1x8x125xi32, #tpu.memory_space<vmem>> -> memref<8x125xi32, #tpu.memory_space<vmem>>
        %dma_start3A_1334 = arith.constant 0 : i32
        %dma_start3A_1335 = tpu.memref_slice %dma_start3A_1333[%dma_start3A_1318, %dma_start3A_1334] : memref<8x125xi32, #tpu.memory_space<vmem>> -> memref<1x125xi32, #tpu.memory_space<vmem>>
        %dma_start3A_1336 = tpu.memref_squeeze %dma_start3A_1335 : memref<1x125xi32, #tpu.memory_space<vmem>> -> memref<125xi32, #tpu.memory_space<vmem>>
        %dma_start3A_1337 = arith.constant 0 : i32
        %dma_start3A_1338 = tpu.memref_slice %arg3[%mul3A_0, %dma_start3A_1337] : memref<100000x24xf32, #tpu.memory_space<hbm>> -> memref<50000x24xf32, #tpu.memory_space<hbm>>
        %dma_start3A_1339 = arith.constant 0 : i32
        %dma_start3A_1340 = arith.constant 0 : i32
        %dma_start3A_1341 = tpu.memref_slice %dma_start3A_1338[%dma_start3A_1339, %dma_start3A_1340] : memref<50000x24xf32, #tpu.memory_space<hbm>> -> memref<50000x24xf32, #tpu.memory_space<hbm>>
        tpu.enqueue_indirect_dma source(%dma_start3A_1341 : memref<50000x24xf32, #tpu.memory_space<hbm>>) target(%dma_start3A_1329 : memref<125x24xf32, #tpu.memory_space<vmem>>) offsets(%dma_start3A_1336 : memref<125xi32, #tpu.memory_space<vmem>>) semaphore(%arg10 : memref<!tpu.dma_semaphore, #tpu.memory_space<semaphore_mem>>)
        %dma_start3A_1342 = arith.constant 1 : i32
        %dma_start3A_1343 = arith.constant 5 : i32
        %dma_start3A_1344 = arith.constant 1 : i32
        %dma_start3A_1345 = arith.constant 5 : i32
        %dma_start3A_1346 = arith.constant 0 : i32
        %dma_start3A_1347 = arith.constant 0 : i32
        %dma_start3A_1348 = arith.constant 0 : i32
        %dma_start3A_1349 = tpu.memref_slice %arg8[%dma_start3A_1344, %dma_start3A_1346, %dma_start3A_1347, %dma_start3A_1348] : memref<2x8x125x24xf32, #tpu.memory_space<vmem>> -> memref<1x8x125x24xf32, #tpu.memory_space<vmem>>
        %dma_start3A_1350 = tpu.memref_squeeze %dma_start3A_1349 : memref<1x8x125x24xf32, #tpu.memory_space<vmem>> -> memref<8x125x24xf32, #tpu.memory_space<vmem>>
        %dma_start3A_1351 = arith.constant 0 : i32
        %dma_start3A_1352 = arith.constant 0 : i32
        %dma_start3A_1353 = tpu.memref_slice %dma_start3A_1350[%dma_start3A_1345, %dma_start3A_1351, %dma_start3A_1352] : memref<8x125x24xf32, #tpu.memory_space<vmem>> -> memref<1x125x24xf32, #tpu.memory_space<vmem>>
        %dma_start3A_1354 = tpu.memref_squeeze %dma_start3A_1353 : memref<1x125x24xf32, #tpu.memory_space<vmem>> -> memref<125x24xf32, #tpu.memory_space<vmem>>
        %dma_start3A_1355 = arith.constant 0 : i32
        %dma_start3A_1356 = arith.constant 0 : i32
        %dma_start3A_1357 = tpu.memref_slice %arg6[%dma_start3A_1342, %dma_start3A_1355, %dma_start3A_1356] : memref<2x8x125xi32, #tpu.memory_space<vmem>> -> memref<1x8x125xi32, #tpu.memory_space<vmem>>
        %dma_start3A_1358 = tpu.memref_squeeze %dma_start3A_1357 : memref<1x8x125xi32, #tpu.memory_space<vmem>> -> memref<8x125xi32, #tpu.memory_space<vmem>>
        %dma_start3A_1359 = arith.constant 0 : i32
        %dma_start3A_1360 = tpu.memref_slice %dma_start3A_1358[%dma_start3A_1343, %dma_start3A_1359] : memref<8x125xi32, #tpu.memory_space<vmem>> -> memref<1x125xi32, #tpu.memory_space<vmem>>
        %dma_start3A_1361 = tpu.memref_squeeze %dma_start3A_1360 : memref<1x125xi32, #tpu.memory_space<vmem>> -> memref<125xi32, #tpu.memory_space<vmem>>
        %dma_start3A_1362 = arith.constant 0 : i32
        %dma_start3A_1363 = tpu.memref_slice %arg3[%mul3A_0, %dma_start3A_1362] : memref<100000x24xf32, #tpu.memory_space<hbm>> -> memref<50000x24xf32, #tpu.memory_space<hbm>>
        %dma_start3A_1364 = arith.constant 0 : i32
        %dma_start3A_1365 = arith.constant 0 : i32
        %dma_start3A_1366 = tpu.memref_slice %dma_start3A_1363[%dma_start3A_1364, %dma_start3A_1365] : memref<50000x24xf32, #tpu.memory_space<hbm>> -> memref<50000x24xf32, #tpu.memory_space<hbm>>
        tpu.enqueue_indirect_dma source(%dma_start3A_1366 : memref<50000x24xf32, #tpu.memory_space<hbm>>) target(%dma_start3A_1354 : memref<125x24xf32, #tpu.memory_space<vmem>>) offsets(%dma_start3A_1361 : memref<125xi32, #tpu.memory_space<vmem>>) semaphore(%arg10 : memref<!tpu.dma_semaphore, #tpu.memory_space<semaphore_mem>>)
        %dma_start3A_1367 = arith.constant 1 : i32
        %dma_start3A_1368 = arith.constant 6 : i32
        %dma_start3A_1369 = arith.constant 1 : i32
        %dma_start3A_1370 = arith.constant 6 : i32
        %dma_start3A_1371 = arith.constant 0 : i32
        %dma_start3A_1372 = arith.constant 0 : i32
        %dma_start3A_1373 = arith.constant 0 : i32
        %dma_start3A_1374 = tpu.memref_slice %arg8[%dma_start3A_1369, %dma_start3A_1371, %dma_start3A_1372, %dma_start3A_1373] : memref<2x8x125x24xf32, #tpu.memory_space<vmem>> -> memref<1x8x125x24xf32, #tpu.memory_space<vmem>>
        %dma_start3A_1375 = tpu.memref_squeeze %dma_start3A_1374 : memref<1x8x125x24xf32, #tpu.memory_space<vmem>> -> memref<8x125x24xf32, #tpu.memory_space<vmem>>
        %dma_start3A_1376 = arith.constant 0 : i32
        %dma_start3A_1377 = arith.constant 0 : i32
        %dma_start3A_1378 = tpu.memref_slice %dma_start3A_1375[%dma_start3A_1370, %dma_start3A_1376, %dma_start3A_1377] : memref<8x125x24xf32, #tpu.memory_space<vmem>> -> memref<1x125x24xf32, #tpu.memory_space<vmem>>
        %dma_start3A_1379 = tpu.memref_squeeze %dma_start3A_1378 : memref<1x125x24xf32, #tpu.memory_space<vmem>> -> memref<125x24xf32, #tpu.memory_space<vmem>>
        %dma_start3A_1380 = arith.constant 0 : i32
        %dma_start3A_1381 = arith.constant 0 : i32
        %dma_start3A_1382 = tpu.memref_slice %arg6[%dma_start3A_1367, %dma_start3A_1380, %dma_start3A_1381] : memref<2x8x125xi32, #tpu.memory_space<vmem>> -> memref<1x8x125xi32, #tpu.memory_space<vmem>>
        %dma_start3A_1383 = tpu.memref_squeeze %dma_start3A_1382 : memref<1x8x125xi32, #tpu.memory_space<vmem>> -> memref<8x125xi32, #tpu.memory_space<vmem>>
        %dma_start3A_1384 = arith.constant 0 : i32
        %dma_start3A_1385 = tpu.memref_slice %dma_start3A_1383[%dma_start3A_1368, %dma_start3A_1384] : memref<8x125xi32, #tpu.memory_space<vmem>> -> memref<1x125xi32, #tpu.memory_space<vmem>>
        %dma_start3A_1386 = tpu.memref_squeeze %dma_start3A_1385 : memref<1x125xi32, #tpu.memory_space<vmem>> -> memref<125xi32, #tpu.memory_space<vmem>>
        %dma_start3A_1387 = arith.constant 0 : i32
        %dma_start3A_1388 = tpu.memref_slice %arg3[%mul3A_0, %dma_start3A_1387] : memref<100000x24xf32, #tpu.memory_space<hbm>> -> memref<50000x24xf32, #tpu.memory_space<hbm>>
        %dma_start3A_1389 = arith.constant 0 : i32
        %dma_start3A_1390 = arith.constant 0 : i32
        %dma_start3A_1391 = tpu.memref_slice %dma_start3A_1388[%dma_start3A_1389, %dma_start3A_1390] : memref<50000x24xf32, #tpu.memory_space<hbm>> -> memref<50000x24xf32, #tpu.memory_space<hbm>>
        tpu.enqueue_indirect_dma source(%dma_start3A_1391 : memref<50000x24xf32, #tpu.memory_space<hbm>>) target(%dma_start3A_1379 : memref<125x24xf32, #tpu.memory_space<vmem>>) offsets(%dma_start3A_1386 : memref<125xi32, #tpu.memory_space<vmem>>) semaphore(%arg10 : memref<!tpu.dma_semaphore, #tpu.memory_space<semaphore_mem>>)
        %dma_start3A_1392 = arith.constant 1 : i32
        %dma_start3A_1393 = arith.constant 7 : i32
        %dma_start3A_1394 = arith.constant 1 : i32
        %dma_start3A_1395 = arith.constant 7 : i32
        %dma_start3A_1396 = arith.constant 0 : i32
        %dma_start3A_1397 = arith.constant 0 : i32
        %dma_start3A_1398 = arith.constant 0 : i32
        %dma_start3A_1399 = tpu.memref_slice %arg8[%dma_start3A_1394, %dma_start3A_1396, %dma_start3A_1397, %dma_start3A_1398] : memref<2x8x125x24xf32, #tpu.memory_space<vmem>> -> memref<1x8x125x24xf32, #tpu.memory_space<vmem>>
        %dma_start3A_1400 = tpu.memref_squeeze %dma_start3A_1399 : memref<1x8x125x24xf32, #tpu.memory_space<vmem>> -> memref<8x125x24xf32, #tpu.memory_space<vmem>>
        %dma_start3A_1401 = arith.constant 0 : i32
        %dma_start3A_1402 = arith.constant 0 : i32
        %dma_start3A_1403 = tpu.memref_slice %dma_start3A_1400[%dma_start3A_1395, %dma_start3A_1401, %dma_start3A_1402] : memref<8x125x24xf32, #tpu.memory_space<vmem>> -> memref<1x125x24xf32, #tpu.memory_space<vmem>>
        %dma_start3A_1404 = tpu.memref_squeeze %dma_start3A_1403 : memref<1x125x24xf32, #tpu.memory_space<vmem>> -> memref<125x24xf32, #tpu.memory_space<vmem>>
        %dma_start3A_1405 = arith.constant 0 : i32
        %dma_start3A_1406 = arith.constant 0 : i32
        %dma_start3A_1407 = tpu.memref_slice %arg6[%dma_start3A_1392, %dma_start3A_1405, %dma_start3A_1406] : memref<2x8x125xi32, #tpu.memory_space<vmem>> -> memref<1x8x125xi32, #tpu.memory_space<vmem>>
        %dma_start3A_1408 = tpu.memref_squeeze %dma_start3A_1407 : memref<1x8x125xi32, #tpu.memory_space<vmem>> -> memref<8x125xi32, #tpu.memory_space<vmem>>
        %dma_start3A_1409 = arith.constant 0 : i32
        %dma_start3A_1410 = tpu.memref_slice %dma_start3A_1408[%dma_start3A_1393, %dma_start3A_1409] : memref<8x125xi32, #tpu.memory_space<vmem>> -> memref<1x125xi32, #tpu.memory_space<vmem>>
        %dma_start3A_1411 = tpu.memref_squeeze %dma_start3A_1410 : memref<1x125xi32, #tpu.memory_space<vmem>> -> memref<125xi32, #tpu.memory_space<vmem>>
        %dma_start3A_1412 = arith.constant 0 : i32
        %dma_start3A_1413 = tpu.memref_slice %arg3[%mul3A_0, %dma_start3A_1412] : memref<100000x24xf32, #tpu.memory_space<hbm>> -> memref<50000x24xf32, #tpu.memory_space<hbm>>
        %dma_start3A_1414 = arith.constant 0 : i32
        %dma_start3A_1415 = arith.constant 0 : i32
        %dma_start3A_1416 = tpu.memref_slice %dma_start3A_1413[%dma_start3A_1414, %dma_start3A_1415] : memref<50000x24xf32, #tpu.memory_space<hbm>> -> memref<50000x24xf32, #tpu.memory_space<hbm>>
        tpu.enqueue_indirect_dma source(%dma_start3A_1416 : memref<50000x24xf32, #tpu.memory_space<hbm>>) target(%dma_start3A_1404 : memref<125x24xf32, #tpu.memory_space<vmem>>) offsets(%dma_start3A_1411 : memref<125xi32, #tpu.memory_space<vmem>>) semaphore(%arg10 : memref<!tpu.dma_semaphore, #tpu.memory_space<semaphore_mem>>)
      } else {
      }
      %mul3A_805 = arith.constant 2 : i32
      %mul3A_806 = arith.muli %scan3A_408, %mul3A_805 : i32
      %add3A_807 = arith.constant 1 : i32
      %add3A_808 = arith.addi %mul3A_806, %add3A_807 : i32
      %dma_wait3A_809 = arith.constant 1 : i32
      %dma_wait3A_810 = arith.constant 0 : i32
      %dma_wait3A_811 = arith.constant 1 : i32
      %dma_wait3A_812 = arith.constant 0 : i32
      %dma_wait3A_813 = arith.constant 0 : i32
      %dma_wait3A_814 = arith.constant 0 : i32
      %dma_wait3A_815 = arith.constant 0 : i32
      %dma_wait3A_816 = tpu.memref_slice %arg8[%dma_wait3A_811, %dma_wait3A_813, %dma_wait3A_814, %dma_wait3A_815] : memref<2x8x125x24xf32, #tpu.memory_space<vmem>> -> memref<1x8x125x24xf32, #tpu.memory_space<vmem>>
      %dma_wait3A_817 = tpu.memref_squeeze %dma_wait3A_816 : memref<1x8x125x24xf32, #tpu.memory_space<vmem>> -> memref<8x125x24xf32, #tpu.memory_space<vmem>>
      %dma_wait3A_818 = arith.constant 0 : i32
      %dma_wait3A_819 = arith.constant 0 : i32
      %dma_wait3A_820 = tpu.memref_slice %dma_wait3A_817[%dma_wait3A_812, %dma_wait3A_818, %dma_wait3A_819] : memref<8x125x24xf32, #tpu.memory_space<vmem>> -> memref<1x125x24xf32, #tpu.memory_space<vmem>>
      %dma_wait3A_821 = tpu.memref_squeeze %dma_wait3A_820 : memref<1x125x24xf32, #tpu.memory_space<vmem>> -> memref<125x24xf32, #tpu.memory_space<vmem>>
      %dma_wait3A_822 = arith.constant 0 : i32
      %dma_wait3A_823 = arith.constant 0 : i32
      %dma_wait3A_824 = tpu.memref_slice %arg6[%dma_wait3A_809, %dma_wait3A_822, %dma_wait3A_823] : memref<2x8x125xi32, #tpu.memory_space<vmem>> -> memref<1x8x125xi32, #tpu.memory_space<vmem>>
      %dma_wait3A_825 = tpu.memref_squeeze %dma_wait3A_824 : memref<1x8x125xi32, #tpu.memory_space<vmem>> -> memref<8x125xi32, #tpu.memory_space<vmem>>
      %dma_wait3A_826 = arith.constant 0 : i32
      %dma_wait3A_827 = tpu.memref_slice %dma_wait3A_825[%dma_wait3A_810, %dma_wait3A_826] : memref<8x125xi32, #tpu.memory_space<vmem>> -> memref<1x125xi32, #tpu.memory_space<vmem>>
      %dma_wait3A_828 = tpu.memref_squeeze %dma_wait3A_827 : memref<1x125xi32, #tpu.memory_space<vmem>> -> memref<125xi32, #tpu.memory_space<vmem>>
      %dma_wait3A_829 = arith.constant 0 : i32
      %dma_wait3A_830 = tpu.memref_slice %arg3[%mul3A_0, %dma_wait3A_829] : memref<100000x24xf32, #tpu.memory_space<hbm>> -> memref<50000x24xf32, #tpu.memory_space<hbm>>
      %dma_wait3A_831 = arith.constant 0 : i32
      %dma_wait3A_832 = arith.constant 0 : i32
      %dma_wait3A_833 = tpu.memref_slice %dma_wait3A_830[%dma_wait3A_831, %dma_wait3A_832] : memref<50000x24xf32, #tpu.memory_space<hbm>> -> memref<50000x24xf32, #tpu.memory_space<hbm>>
      tpu.wait_indirect_dma semaphore(%arg10 : memref<!tpu.dma_semaphore, #tpu.memory_space<semaphore_mem>>) src(%dma_wait3A_833 : memref<50000x24xf32, #tpu.memory_space<hbm>>) dst(%dma_wait3A_821 : memref<125x24xf32, #tpu.memory_space<vmem>>)
      %dma_wait3A_834 = arith.constant 1 : i32
      %dma_wait3A_835 = arith.constant 1 : i32
      %dma_wait3A_836 = arith.constant 1 : i32
      %dma_wait3A_837 = arith.constant 1 : i32
      %dma_wait3A_838 = arith.constant 0 : i32
      %dma_wait3A_839 = arith.constant 0 : i32
      %dma_wait3A_840 = arith.constant 0 : i32
      %dma_wait3A_841 = tpu.memref_slice %arg8[%dma_wait3A_836, %dma_wait3A_838, %dma_wait3A_839, %dma_wait3A_840] : memref<2x8x125x24xf32, #tpu.memory_space<vmem>> -> memref<1x8x125x24xf32, #tpu.memory_space<vmem>>
      %dma_wait3A_842 = tpu.memref_squeeze %dma_wait3A_841 : memref<1x8x125x24xf32, #tpu.memory_space<vmem>> -> memref<8x125x24xf32, #tpu.memory_space<vmem>>
      %dma_wait3A_843 = arith.constant 0 : i32
      %dma_wait3A_844 = arith.constant 0 : i32
      %dma_wait3A_845 = tpu.memref_slice %dma_wait3A_842[%dma_wait3A_837, %dma_wait3A_843, %dma_wait3A_844] : memref<8x125x24xf32, #tpu.memory_space<vmem>> -> memref<1x125x24xf32, #tpu.memory_space<vmem>>
      %dma_wait3A_846 = tpu.memref_squeeze %dma_wait3A_845 : memref<1x125x24xf32, #tpu.memory_space<vmem>> -> memref<125x24xf32, #tpu.memory_space<vmem>>
      %dma_wait3A_847 = arith.constant 0 : i32
      %dma_wait3A_848 = arith.constant 0 : i32
      %dma_wait3A_849 = tpu.memref_slice %arg6[%dma_wait3A_834, %dma_wait3A_847, %dma_wait3A_848] : memref<2x8x125xi32, #tpu.memory_space<vmem>> -> memref<1x8x125xi32, #tpu.memory_space<vmem>>
      %dma_wait3A_850 = tpu.memref_squeeze %dma_wait3A_849 : memref<1x8x125xi32, #tpu.memory_space<vmem>> -> memref<8x125xi32, #tpu.memory_space<vmem>>
      %dma_wait3A_851 = arith.constant 0 : i32
      %dma_wait3A_852 = tpu.memref_slice %dma_wait3A_850[%dma_wait3A_835, %dma_wait3A_851] : memref<8x125xi32, #tpu.memory_space<vmem>> -> memref<1x125xi32, #tpu.memory_space<vmem>>
      %dma_wait3A_853 = tpu.memref_squeeze %dma_wait3A_852 : memref<1x125xi32, #tpu.memory_space<vmem>> -> memref<125xi32, #tpu.memory_space<vmem>>
      %dma_wait3A_854 = arith.constant 0 : i32
      %dma_wait3A_855 = tpu.memref_slice %arg3[%mul3A_0, %dma_wait3A_854] : memref<100000x24xf32, #tpu.memory_space<hbm>> -> memref<50000x24xf32, #tpu.memory_space<hbm>>
      %dma_wait3A_856 = arith.constant 0 : i32
      %dma_wait3A_857 = arith.constant 0 : i32
      %dma_wait3A_858 = tpu.memref_slice %dma_wait3A_855[%dma_wait3A_856, %dma_wait3A_857] : memref<50000x24xf32, #tpu.memory_space<hbm>> -> memref<50000x24xf32, #tpu.memory_space<hbm>>
      tpu.wait_indirect_dma semaphore(%arg10 : memref<!tpu.dma_semaphore, #tpu.memory_space<semaphore_mem>>) src(%dma_wait3A_858 : memref<50000x24xf32, #tpu.memory_space<hbm>>) dst(%dma_wait3A_846 : memref<125x24xf32, #tpu.memory_space<vmem>>)
      %dma_wait3A_859 = arith.constant 1 : i32
      %dma_wait3A_860 = arith.constant 2 : i32
      %dma_wait3A_861 = arith.constant 1 : i32
      %dma_wait3A_862 = arith.constant 2 : i32
      %dma_wait3A_863 = arith.constant 0 : i32
      %dma_wait3A_864 = arith.constant 0 : i32
      %dma_wait3A_865 = arith.constant 0 : i32
      %dma_wait3A_866 = tpu.memref_slice %arg8[%dma_wait3A_861, %dma_wait3A_863, %dma_wait3A_864, %dma_wait3A_865] : memref<2x8x125x24xf32, #tpu.memory_space<vmem>> -> memref<1x8x125x24xf32, #tpu.memory_space<vmem>>
      %dma_wait3A_867 = tpu.memref_squeeze %dma_wait3A_866 : memref<1x8x125x24xf32, #tpu.memory_space<vmem>> -> memref<8x125x24xf32, #tpu.memory_space<vmem>>
      %dma_wait3A_868 = arith.constant 0 : i32
      %dma_wait3A_869 = arith.constant 0 : i32
      %dma_wait3A_870 = tpu.memref_slice %dma_wait3A_867[%dma_wait3A_862, %dma_wait3A_868, %dma_wait3A_869] : memref<8x125x24xf32, #tpu.memory_space<vmem>> -> memref<1x125x24xf32, #tpu.memory_space<vmem>>
      %dma_wait3A_871 = tpu.memref_squeeze %dma_wait3A_870 : memref<1x125x24xf32, #tpu.memory_space<vmem>> -> memref<125x24xf32, #tpu.memory_space<vmem>>
      %dma_wait3A_872 = arith.constant 0 : i32
      %dma_wait3A_873 = arith.constant 0 : i32
      %dma_wait3A_874 = tpu.memref_slice %arg6[%dma_wait3A_859, %dma_wait3A_872, %dma_wait3A_873] : memref<2x8x125xi32, #tpu.memory_space<vmem>> -> memref<1x8x125xi32, #tpu.memory_space<vmem>>
      %dma_wait3A_875 = tpu.memref_squeeze %dma_wait3A_874 : memref<1x8x125xi32, #tpu.memory_space<vmem>> -> memref<8x125xi32, #tpu.memory_space<vmem>>
      %dma_wait3A_876 = arith.constant 0 : i32
      %dma_wait3A_877 = tpu.memref_slice %dma_wait3A_875[%dma_wait3A_860, %dma_wait3A_876] : memref<8x125xi32, #tpu.memory_space<vmem>> -> memref<1x125xi32, #tpu.memory_space<vmem>>
      %dma_wait3A_878 = tpu.memref_squeeze %dma_wait3A_877 : memref<1x125xi32, #tpu.memory_space<vmem>> -> memref<125xi32, #tpu.memory_space<vmem>>
      %dma_wait3A_879 = arith.constant 0 : i32
      %dma_wait3A_880 = tpu.memref_slice %arg3[%mul3A_0, %dma_wait3A_879] : memref<100000x24xf32, #tpu.memory_space<hbm>> -> memref<50000x24xf32, #tpu.memory_space<hbm>>
      %dma_wait3A_881 = arith.constant 0 : i32
      %dma_wait3A_882 = arith.constant 0 : i32
      %dma_wait3A_883 = tpu.memref_slice %dma_wait3A_880[%dma_wait3A_881, %dma_wait3A_882] : memref<50000x24xf32, #tpu.memory_space<hbm>> -> memref<50000x24xf32, #tpu.memory_space<hbm>>
      tpu.wait_indirect_dma semaphore(%arg10 : memref<!tpu.dma_semaphore, #tpu.memory_space<semaphore_mem>>) src(%dma_wait3A_883 : memref<50000x24xf32, #tpu.memory_space<hbm>>) dst(%dma_wait3A_871 : memref<125x24xf32, #tpu.memory_space<vmem>>)
      %dma_wait3A_884 = arith.constant 1 : i32
      %dma_wait3A_885 = arith.constant 3 : i32
      %dma_wait3A_886 = arith.constant 1 : i32
      %dma_wait3A_887 = arith.constant 3 : i32
      %dma_wait3A_888 = arith.constant 0 : i32
      %dma_wait3A_889 = arith.constant 0 : i32
      %dma_wait3A_890 = arith.constant 0 : i32
      %dma_wait3A_891 = tpu.memref_slice %arg8[%dma_wait3A_886, %dma_wait3A_888, %dma_wait3A_889, %dma_wait3A_890] : memref<2x8x125x24xf32, #tpu.memory_space<vmem>> -> memref<1x8x125x24xf32, #tpu.memory_space<vmem>>
      %dma_wait3A_892 = tpu.memref_squeeze %dma_wait3A_891 : memref<1x8x125x24xf32, #tpu.memory_space<vmem>> -> memref<8x125x24xf32, #tpu.memory_space<vmem>>
      %dma_wait3A_893 = arith.constant 0 : i32
      %dma_wait3A_894 = arith.constant 0 : i32
      %dma_wait3A_895 = tpu.memref_slice %dma_wait3A_892[%dma_wait3A_887, %dma_wait3A_893, %dma_wait3A_894] : memref<8x125x24xf32, #tpu.memory_space<vmem>> -> memref<1x125x24xf32, #tpu.memory_space<vmem>>
      %dma_wait3A_896 = tpu.memref_squeeze %dma_wait3A_895 : memref<1x125x24xf32, #tpu.memory_space<vmem>> -> memref<125x24xf32, #tpu.memory_space<vmem>>
      %dma_wait3A_897 = arith.constant 0 : i32
      %dma_wait3A_898 = arith.constant 0 : i32
      %dma_wait3A_899 = tpu.memref_slice %arg6[%dma_wait3A_884, %dma_wait3A_897, %dma_wait3A_898] : memref<2x8x125xi32, #tpu.memory_space<vmem>> -> memref<1x8x125xi32, #tpu.memory_space<vmem>>
      %dma_wait3A_900 = tpu.memref_squeeze %dma_wait3A_899 : memref<1x8x125xi32, #tpu.memory_space<vmem>> -> memref<8x125xi32, #tpu.memory_space<vmem>>
      %dma_wait3A_901 = arith.constant 0 : i32
      %dma_wait3A_902 = tpu.memref_slice %dma_wait3A_900[%dma_wait3A_885, %dma_wait3A_901] : memref<8x125xi32, #tpu.memory_space<vmem>> -> memref<1x125xi32, #tpu.memory_space<vmem>>
      %dma_wait3A_903 = tpu.memref_squeeze %dma_wait3A_902 : memref<1x125xi32, #tpu.memory_space<vmem>> -> memref<125xi32, #tpu.memory_space<vmem>>
      %dma_wait3A_904 = arith.constant 0 : i32
      %dma_wait3A_905 = tpu.memref_slice %arg3[%mul3A_0, %dma_wait3A_904] : memref<100000x24xf32, #tpu.memory_space<hbm>> -> memref<50000x24xf32, #tpu.memory_space<hbm>>
      %dma_wait3A_906 = arith.constant 0 : i32
      %dma_wait3A_907 = arith.constant 0 : i32
      %dma_wait3A_908 = tpu.memref_slice %dma_wait3A_905[%dma_wait3A_906, %dma_wait3A_907] : memref<50000x24xf32, #tpu.memory_space<hbm>> -> memref<50000x24xf32, #tpu.memory_space<hbm>>
      tpu.wait_indirect_dma semaphore(%arg10 : memref<!tpu.dma_semaphore, #tpu.memory_space<semaphore_mem>>) src(%dma_wait3A_908 : memref<50000x24xf32, #tpu.memory_space<hbm>>) dst(%dma_wait3A_896 : memref<125x24xf32, #tpu.memory_space<vmem>>)
      %dma_wait3A_909 = arith.constant 1 : i32
      %dma_wait3A_910 = arith.constant 4 : i32
      %dma_wait3A_911 = arith.constant 1 : i32
      %dma_wait3A_912 = arith.constant 4 : i32
      %dma_wait3A_913 = arith.constant 0 : i32
      %dma_wait3A_914 = arith.constant 0 : i32
      %dma_wait3A_915 = arith.constant 0 : i32
      %dma_wait3A_916 = tpu.memref_slice %arg8[%dma_wait3A_911, %dma_wait3A_913, %dma_wait3A_914, %dma_wait3A_915] : memref<2x8x125x24xf32, #tpu.memory_space<vmem>> -> memref<1x8x125x24xf32, #tpu.memory_space<vmem>>
      %dma_wait3A_917 = tpu.memref_squeeze %dma_wait3A_916 : memref<1x8x125x24xf32, #tpu.memory_space<vmem>> -> memref<8x125x24xf32, #tpu.memory_space<vmem>>
      %dma_wait3A_918 = arith.constant 0 : i32
      %dma_wait3A_919 = arith.constant 0 : i32
      %dma_wait3A_920 = tpu.memref_slice %dma_wait3A_917[%dma_wait3A_912, %dma_wait3A_918, %dma_wait3A_919] : memref<8x125x24xf32, #tpu.memory_space<vmem>> -> memref<1x125x24xf32, #tpu.memory_space<vmem>>
      %dma_wait3A_921 = tpu.memref_squeeze %dma_wait3A_920 : memref<1x125x24xf32, #tpu.memory_space<vmem>> -> memref<125x24xf32, #tpu.memory_space<vmem>>
      %dma_wait3A_922 = arith.constant 0 : i32
      %dma_wait3A_923 = arith.constant 0 : i32
      %dma_wait3A_924 = tpu.memref_slice %arg6[%dma_wait3A_909, %dma_wait3A_922, %dma_wait3A_923] : memref<2x8x125xi32, #tpu.memory_space<vmem>> -> memref<1x8x125xi32, #tpu.memory_space<vmem>>
      %dma_wait3A_925 = tpu.memref_squeeze %dma_wait3A_924 : memref<1x8x125xi32, #tpu.memory_space<vmem>> -> memref<8x125xi32, #tpu.memory_space<vmem>>
      %dma_wait3A_926 = arith.constant 0 : i32
      %dma_wait3A_927 = tpu.memref_slice %dma_wait3A_925[%dma_wait3A_910, %dma_wait3A_926] : memref<8x125xi32, #tpu.memory_space<vmem>> -> memref<1x125xi32, #tpu.memory_space<vmem>>
      %dma_wait3A_928 = tpu.memref_squeeze %dma_wait3A_927 : memref<1x125xi32, #tpu.memory_space<vmem>> -> memref<125xi32, #tpu.memory_space<vmem>>
      %dma_wait3A_929 = arith.constant 0 : i32
      %dma_wait3A_930 = tpu.memref_slice %arg3[%mul3A_0, %dma_wait3A_929] : memref<100000x24xf32, #tpu.memory_space<hbm>> -> memref<50000x24xf32, #tpu.memory_space<hbm>>
      %dma_wait3A_931 = arith.constant 0 : i32
      %dma_wait3A_932 = arith.constant 0 : i32
      %dma_wait3A_933 = tpu.memref_slice %dma_wait3A_930[%dma_wait3A_931, %dma_wait3A_932] : memref<50000x24xf32, #tpu.memory_space<hbm>> -> memref<50000x24xf32, #tpu.memory_space<hbm>>
      tpu.wait_indirect_dma semaphore(%arg10 : memref<!tpu.dma_semaphore, #tpu.memory_space<semaphore_mem>>) src(%dma_wait3A_933 : memref<50000x24xf32, #tpu.memory_space<hbm>>) dst(%dma_wait3A_921 : memref<125x24xf32, #tpu.memory_space<vmem>>)
      %dma_wait3A_934 = arith.constant 1 : i32
      %dma_wait3A_935 = arith.constant 5 : i32
      %dma_wait3A_936 = arith.constant 1 : i32
      %dma_wait3A_937 = arith.constant 5 : i32
      %dma_wait3A_938 = arith.constant 0 : i32
      %dma_wait3A_939 = arith.constant 0 : i32
      %dma_wait3A_940 = arith.constant 0 : i32
      %dma_wait3A_941 = tpu.memref_slice %arg8[%dma_wait3A_936, %dma_wait3A_938, %dma_wait3A_939, %dma_wait3A_940] : memref<2x8x125x24xf32, #tpu.memory_space<vmem>> -> memref<1x8x125x24xf32, #tpu.memory_space<vmem>>
      %dma_wait3A_942 = tpu.memref_squeeze %dma_wait3A_941 : memref<1x8x125x24xf32, #tpu.memory_space<vmem>> -> memref<8x125x24xf32, #tpu.memory_space<vmem>>
      %dma_wait3A_943 = arith.constant 0 : i32
      %dma_wait3A_944 = arith.constant 0 : i32
      %dma_wait3A_945 = tpu.memref_slice %dma_wait3A_942[%dma_wait3A_937, %dma_wait3A_943, %dma_wait3A_944] : memref<8x125x24xf32, #tpu.memory_space<vmem>> -> memref<1x125x24xf32, #tpu.memory_space<vmem>>
      %dma_wait3A_946 = tpu.memref_squeeze %dma_wait3A_945 : memref<1x125x24xf32, #tpu.memory_space<vmem>> -> memref<125x24xf32, #tpu.memory_space<vmem>>
      %dma_wait3A_947 = arith.constant 0 : i32
      %dma_wait3A_948 = arith.constant 0 : i32
      %dma_wait3A_949 = tpu.memref_slice %arg6[%dma_wait3A_934, %dma_wait3A_947, %dma_wait3A_948] : memref<2x8x125xi32, #tpu.memory_space<vmem>> -> memref<1x8x125xi32, #tpu.memory_space<vmem>>
      %dma_wait3A_950 = tpu.memref_squeeze %dma_wait3A_949 : memref<1x8x125xi32, #tpu.memory_space<vmem>> -> memref<8x125xi32, #tpu.memory_space<vmem>>
      %dma_wait3A_951 = arith.constant 0 : i32
      %dma_wait3A_952 = tpu.memref_slice %dma_wait3A_950[%dma_wait3A_935, %dma_wait3A_951] : memref<8x125xi32, #tpu.memory_space<vmem>> -> memref<1x125xi32, #tpu.memory_space<vmem>>
      %dma_wait3A_953 = tpu.memref_squeeze %dma_wait3A_952 : memref<1x125xi32, #tpu.memory_space<vmem>> -> memref<125xi32, #tpu.memory_space<vmem>>
      %dma_wait3A_954 = arith.constant 0 : i32
      %dma_wait3A_955 = tpu.memref_slice %arg3[%mul3A_0, %dma_wait3A_954] : memref<100000x24xf32, #tpu.memory_space<hbm>> -> memref<50000x24xf32, #tpu.memory_space<hbm>>
      %dma_wait3A_956 = arith.constant 0 : i32
      %dma_wait3A_957 = arith.constant 0 : i32
      %dma_wait3A_958 = tpu.memref_slice %dma_wait3A_955[%dma_wait3A_956, %dma_wait3A_957] : memref<50000x24xf32, #tpu.memory_space<hbm>> -> memref<50000x24xf32, #tpu.memory_space<hbm>>
      tpu.wait_indirect_dma semaphore(%arg10 : memref<!tpu.dma_semaphore, #tpu.memory_space<semaphore_mem>>) src(%dma_wait3A_958 : memref<50000x24xf32, #tpu.memory_space<hbm>>) dst(%dma_wait3A_946 : memref<125x24xf32, #tpu.memory_space<vmem>>)
      %dma_wait3A_959 = arith.constant 1 : i32
      %dma_wait3A_960 = arith.constant 6 : i32
      %dma_wait3A_961 = arith.constant 1 : i32
      %dma_wait3A_962 = arith.constant 6 : i32
      %dma_wait3A_963 = arith.constant 0 : i32
      %dma_wait3A_964 = arith.constant 0 : i32
      %dma_wait3A_965 = arith.constant 0 : i32
      %dma_wait3A_966 = tpu.memref_slice %arg8[%dma_wait3A_961, %dma_wait3A_963, %dma_wait3A_964, %dma_wait3A_965] : memref<2x8x125x24xf32, #tpu.memory_space<vmem>> -> memref<1x8x125x24xf32, #tpu.memory_space<vmem>>
      %dma_wait3A_967 = tpu.memref_squeeze %dma_wait3A_966 : memref<1x8x125x24xf32, #tpu.memory_space<vmem>> -> memref<8x125x24xf32, #tpu.memory_space<vmem>>
      %dma_wait3A_968 = arith.constant 0 : i32
      %dma_wait3A_969 = arith.constant 0 : i32
      %dma_wait3A_970 = tpu.memref_slice %dma_wait3A_967[%dma_wait3A_962, %dma_wait3A_968, %dma_wait3A_969] : memref<8x125x24xf32, #tpu.memory_space<vmem>> -> memref<1x125x24xf32, #tpu.memory_space<vmem>>
      %dma_wait3A_971 = tpu.memref_squeeze %dma_wait3A_970 : memref<1x125x24xf32, #tpu.memory_space<vmem>> -> memref<125x24xf32, #tpu.memory_space<vmem>>
      %dma_wait3A_972 = arith.constant 0 : i32
      %dma_wait3A_973 = arith.constant 0 : i32
      %dma_wait3A_974 = tpu.memref_slice %arg6[%dma_wait3A_959, %dma_wait3A_972, %dma_wait3A_973] : memref<2x8x125xi32, #tpu.memory_space<vmem>> -> memref<1x8x125xi32, #tpu.memory_space<vmem>>
      %dma_wait3A_975 = tpu.memref_squeeze %dma_wait3A_974 : memref<1x8x125xi32, #tpu.memory_space<vmem>> -> memref<8x125xi32, #tpu.memory_space<vmem>>
      %dma_wait3A_976 = arith.constant 0 : i32
      %dma_wait3A_977 = tpu.memref_slice %dma_wait3A_975[%dma_wait3A_960, %dma_wait3A_976] : memref<8x125xi32, #tpu.memory_space<vmem>> -> memref<1x125xi32, #tpu.memory_space<vmem>>
      %dma_wait3A_978 = tpu.memref_squeeze %dma_wait3A_977 : memref<1x125xi32, #tpu.memory_space<vmem>> -> memref<125xi32, #tpu.memory_space<vmem>>
      %dma_wait3A_979 = arith.constant 0 : i32
      %dma_wait3A_980 = tpu.memref_slice %arg3[%mul3A_0, %dma_wait3A_979] : memref<100000x24xf32, #tpu.memory_space<hbm>> -> memref<50000x24xf32, #tpu.memory_space<hbm>>
      %dma_wait3A_981 = arith.constant 0 : i32
      %dma_wait3A_982 = arith.constant 0 : i32
      %dma_wait3A_983 = tpu.memref_slice %dma_wait3A_980[%dma_wait3A_981, %dma_wait3A_982] : memref<50000x24xf32, #tpu.memory_space<hbm>> -> memref<50000x24xf32, #tpu.memory_space<hbm>>
      tpu.wait_indirect_dma semaphore(%arg10 : memref<!tpu.dma_semaphore, #tpu.memory_space<semaphore_mem>>) src(%dma_wait3A_983 : memref<50000x24xf32, #tpu.memory_space<hbm>>) dst(%dma_wait3A_971 : memref<125x24xf32, #tpu.memory_space<vmem>>)
      %dma_wait3A_984 = arith.constant 1 : i32
      %dma_wait3A_985 = arith.constant 7 : i32
      %dma_wait3A_986 = arith.constant 1 : i32
      %dma_wait3A_987 = arith.constant 7 : i32
      %dma_wait3A_988 = arith.constant 0 : i32
      %dma_wait3A_989 = arith.constant 0 : i32
      %dma_wait3A_990 = arith.constant 0 : i32
      %dma_wait3A_991 = tpu.memref_slice %arg8[%dma_wait3A_986, %dma_wait3A_988, %dma_wait3A_989, %dma_wait3A_990] : memref<2x8x125x24xf32, #tpu.memory_space<vmem>> -> memref<1x8x125x24xf32, #tpu.memory_space<vmem>>
      %dma_wait3A_992 = tpu.memref_squeeze %dma_wait3A_991 : memref<1x8x125x24xf32, #tpu.memory_space<vmem>> -> memref<8x125x24xf32, #tpu.memory_space<vmem>>
      %dma_wait3A_993 = arith.constant 0 : i32
      %dma_wait3A_994 = arith.constant 0 : i32
      %dma_wait3A_995 = tpu.memref_slice %dma_wait3A_992[%dma_wait3A_987, %dma_wait3A_993, %dma_wait3A_994] : memref<8x125x24xf32, #tpu.memory_space<vmem>> -> memref<1x125x24xf32, #tpu.memory_space<vmem>>
      %dma_wait3A_996 = tpu.memref_squeeze %dma_wait3A_995 : memref<1x125x24xf32, #tpu.memory_space<vmem>> -> memref<125x24xf32, #tpu.memory_space<vmem>>
      %dma_wait3A_997 = arith.constant 0 : i32
      %dma_wait3A_998 = arith.constant 0 : i32
      %dma_wait3A_999 = tpu.memref_slice %arg6[%dma_wait3A_984, %dma_wait3A_997, %dma_wait3A_998] : memref<2x8x125xi32, #tpu.memory_space<vmem>> -> memref<1x8x125xi32, #tpu.memory_space<vmem>>
      %dma_wait3A_1000 = tpu.memref_squeeze %dma_wait3A_999 : memref<1x8x125xi32, #tpu.memory_space<vmem>> -> memref<8x125xi32, #tpu.memory_space<vmem>>
      %dma_wait3A_1001 = arith.constant 0 : i32
      %dma_wait3A_1002 = tpu.memref_slice %dma_wait3A_1000[%dma_wait3A_985, %dma_wait3A_1001] : memref<8x125xi32, #tpu.memory_space<vmem>> -> memref<1x125xi32, #tpu.memory_space<vmem>>
      %dma_wait3A_1003 = tpu.memref_squeeze %dma_wait3A_1002 : memref<1x125xi32, #tpu.memory_space<vmem>> -> memref<125xi32, #tpu.memory_space<vmem>>
      %dma_wait3A_1004 = arith.constant 0 : i32
      %dma_wait3A_1005 = tpu.memref_slice %arg3[%mul3A_0, %dma_wait3A_1004] : memref<100000x24xf32, #tpu.memory_space<hbm>> -> memref<50000x24xf32, #tpu.memory_space<hbm>>
      %dma_wait3A_1006 = arith.constant 0 : i32
      %dma_wait3A_1007 = arith.constant 0 : i32
      %dma_wait3A_1008 = tpu.memref_slice %dma_wait3A_1005[%dma_wait3A_1006, %dma_wait3A_1007] : memref<50000x24xf32, #tpu.memory_space<hbm>> -> memref<50000x24xf32, #tpu.memory_space<hbm>>
      tpu.wait_indirect_dma semaphore(%arg10 : memref<!tpu.dma_semaphore, #tpu.memory_space<semaphore_mem>>) src(%dma_wait3A_1008 : memref<50000x24xf32, #tpu.memory_space<hbm>>) dst(%dma_wait3A_996 : memref<125x24xf32, #tpu.memory_space<vmem>>)
      %dma_start3A_1009 = arith.constant 1 : i32
      %dma_start3A_1010 = arith.constant 0 : i32
      %dma_start3A_1011 = arith.constant 1 : i32
      %dma_start3A_1012 = arith.constant 0 : i32
      %dma_start3A_1013 = arith.constant 0 : i32
      %dma_start3A_1014 = arith.constant 0 : i32
      %dma_start3A_1015 = arith.constant 0 : i32
      %dma_start3A_1016 = tpu.memref_slice %arg8[%dma_start3A_1009, %dma_start3A_1013, %dma_start3A_1014, %dma_start3A_1015] : memref<2x8x125x24xf32, #tpu.memory_space<vmem>> -> memref<1x8x125x24xf32, #tpu.memory_space<vmem>>
      %dma_start3A_1017 = tpu.memref_squeeze %dma_start3A_1016 : memref<1x8x125x24xf32, #tpu.memory_space<vmem>> -> memref<8x125x24xf32, #tpu.memory_space<vmem>>
      %dma_start3A_1018 = arith.constant 0 : i32
      %dma_start3A_1019 = arith.constant 0 : i32
      %dma_start3A_1020 = tpu.memref_slice %dma_start3A_1017[%dma_start3A_1010, %dma_start3A_1018, %dma_start3A_1019] : memref<8x125x24xf32, #tpu.memory_space<vmem>> -> memref<1x125x24xf32, #tpu.memory_space<vmem>>
      %dma_start3A_1021 = tpu.memref_squeeze %dma_start3A_1020 : memref<1x125x24xf32, #tpu.memory_space<vmem>> -> memref<125x24xf32, #tpu.memory_space<vmem>>
      %dma_start3A_1022 = arith.constant 0 : i32
      %dma_start3A_1023 = arith.constant 0 : i32
      %dma_start3A_1024 = tpu.memref_slice %arg7[%dma_start3A_1011, %dma_start3A_1022, %dma_start3A_1023] : memref<2x8x125xi32, #tpu.memory_space<vmem>> -> memref<1x8x125xi32, #tpu.memory_space<vmem>>
      %dma_start3A_1025 = tpu.memref_squeeze %dma_start3A_1024 : memref<1x8x125xi32, #tpu.memory_space<vmem>> -> memref<8x125xi32, #tpu.memory_space<vmem>>
      %dma_start3A_1026 = arith.constant 0 : i32
      %dma_start3A_1027 = tpu.memref_slice %dma_start3A_1025[%dma_start3A_1012, %dma_start3A_1026] : memref<8x125xi32, #tpu.memory_space<vmem>> -> memref<1x125xi32, #tpu.memory_space<vmem>>
      %dma_start3A_1028 = tpu.memref_squeeze %dma_start3A_1027 : memref<1x125xi32, #tpu.memory_space<vmem>> -> memref<125xi32, #tpu.memory_space<vmem>>
      %dma_start3A_1029 = arith.constant 0 : i32
      %dma_start3A_1030 = arith.constant 0 : i32
      %dma_start3A_1031 = tpu.memref_slice %arg9[%dma_start3A_1029, %dma_start3A_1030] : memref<50048x24xf32, #tpu.memory_space<vmem_shared>> -> memref<50048x24xf32, #tpu.memory_space<vmem_shared>>
      tpu.enqueue_indirect_dma source(%dma_start3A_1021 : memref<125x24xf32, #tpu.memory_space<vmem>>) target(%dma_start3A_1031 : memref<50048x24xf32, #tpu.memory_space<vmem_shared>>) offsets(%dma_start3A_1028 : memref<125xi32, #tpu.memory_space<vmem>>) semaphore(%arg11 : memref<!tpu.dma_semaphore, #tpu.memory_space<semaphore_mem>>) {add = true}
      %dma_start3A_1032 = arith.constant 1 : i32
      %dma_start3A_1033 = arith.constant 1 : i32
      %dma_start3A_1034 = arith.constant 1 : i32
      %dma_start3A_1035 = arith.constant 1 : i32
      %dma_start3A_1036 = arith.constant 0 : i32
      %dma_start3A_1037 = arith.constant 0 : i32
      %dma_start3A_1038 = arith.constant 0 : i32
      %dma_start3A_1039 = tpu.memref_slice %arg8[%dma_start3A_1032, %dma_start3A_1036, %dma_start3A_1037, %dma_start3A_1038] : memref<2x8x125x24xf32, #tpu.memory_space<vmem>> -> memref<1x8x125x24xf32, #tpu.memory_space<vmem>>
      %dma_start3A_1040 = tpu.memref_squeeze %dma_start3A_1039 : memref<1x8x125x24xf32, #tpu.memory_space<vmem>> -> memref<8x125x24xf32, #tpu.memory_space<vmem>>
      %dma_start3A_1041 = arith.constant 0 : i32
      %dma_start3A_1042 = arith.constant 0 : i32
      %dma_start3A_1043 = tpu.memref_slice %dma_start3A_1040[%dma_start3A_1033, %dma_start3A_1041, %dma_start3A_1042] : memref<8x125x24xf32, #tpu.memory_space<vmem>> -> memref<1x125x24xf32, #tpu.memory_space<vmem>>
      %dma_start3A_1044 = tpu.memref_squeeze %dma_start3A_1043 : memref<1x125x24xf32, #tpu.memory_space<vmem>> -> memref<125x24xf32, #tpu.memory_space<vmem>>
      %dma_start3A_1045 = arith.constant 0 : i32
      %dma_start3A_1046 = arith.constant 0 : i32
      %dma_start3A_1047 = tpu.memref_slice %arg7[%dma_start3A_1034, %dma_start3A_1045, %dma_start3A_1046] : memref<2x8x125xi32, #tpu.memory_space<vmem>> -> memref<1x8x125xi32, #tpu.memory_space<vmem>>
      %dma_start3A_1048 = tpu.memref_squeeze %dma_start3A_1047 : memref<1x8x125xi32, #tpu.memory_space<vmem>> -> memref<8x125xi32, #tpu.memory_space<vmem>>
      %dma_start3A_1049 = arith.constant 0 : i32
      %dma_start3A_1050 = tpu.memref_slice %dma_start3A_1048[%dma_start3A_1035, %dma_start3A_1049] : memref<8x125xi32, #tpu.memory_space<vmem>> -> memref<1x125xi32, #tpu.memory_space<vmem>>
      %dma_start3A_1051 = tpu.memref_squeeze %dma_start3A_1050 : memref<1x125xi32, #tpu.memory_space<vmem>> -> memref<125xi32, #tpu.memory_space<vmem>>
      %dma_start3A_1052 = arith.constant 0 : i32
      %dma_start3A_1053 = arith.constant 0 : i32
      %dma_start3A_1054 = tpu.memref_slice %arg9[%dma_start3A_1052, %dma_start3A_1053] : memref<50048x24xf32, #tpu.memory_space<vmem_shared>> -> memref<50048x24xf32, #tpu.memory_space<vmem_shared>>
      tpu.enqueue_indirect_dma source(%dma_start3A_1044 : memref<125x24xf32, #tpu.memory_space<vmem>>) target(%dma_start3A_1054 : memref<50048x24xf32, #tpu.memory_space<vmem_shared>>) offsets(%dma_start3A_1051 : memref<125xi32, #tpu.memory_space<vmem>>) semaphore(%arg11 : memref<!tpu.dma_semaphore, #tpu.memory_space<semaphore_mem>>) {add = true}
      %dma_start3A_1055 = arith.constant 1 : i32
      %dma_start3A_1056 = arith.constant 2 : i32
      %dma_start3A_1057 = arith.constant 1 : i32
      %dma_start3A_1058 = arith.constant 2 : i32
      %dma_start3A_1059 = arith.constant 0 : i32
      %dma_start3A_1060 = arith.constant 0 : i32
      %dma_start3A_1061 = arith.constant 0 : i32
      %dma_start3A_1062 = tpu.memref_slice %arg8[%dma_start3A_1055, %dma_start3A_1059, %dma_start3A_1060, %dma_start3A_1061] : memref<2x8x125x24xf32, #tpu.memory_space<vmem>> -> memref<1x8x125x24xf32, #tpu.memory_space<vmem>>
      %dma_start3A_1063 = tpu.memref_squeeze %dma_start3A_1062 : memref<1x8x125x24xf32, #tpu.memory_space<vmem>> -> memref<8x125x24xf32, #tpu.memory_space<vmem>>
      %dma_start3A_1064 = arith.constant 0 : i32
      %dma_start3A_1065 = arith.constant 0 : i32
      %dma_start3A_1066 = tpu.memref_slice %dma_start3A_1063[%dma_start3A_1056, %dma_start3A_1064, %dma_start3A_1065] : memref<8x125x24xf32, #tpu.memory_space<vmem>> -> memref<1x125x24xf32, #tpu.memory_space<vmem>>
      %dma_start3A_1067 = tpu.memref_squeeze %dma_start3A_1066 : memref<1x125x24xf32, #tpu.memory_space<vmem>> -> memref<125x24xf32, #tpu.memory_space<vmem>>
      %dma_start3A_1068 = arith.constant 0 : i32
      %dma_start3A_1069 = arith.constant 0 : i32
      %dma_start3A_1070 = tpu.memref_slice %arg7[%dma_start3A_1057, %dma_start3A_1068, %dma_start3A_1069] : memref<2x8x125xi32, #tpu.memory_space<vmem>> -> memref<1x8x125xi32, #tpu.memory_space<vmem>>
      %dma_start3A_1071 = tpu.memref_squeeze %dma_start3A_1070 : memref<1x8x125xi32, #tpu.memory_space<vmem>> -> memref<8x125xi32, #tpu.memory_space<vmem>>
      %dma_start3A_1072 = arith.constant 0 : i32
      %dma_start3A_1073 = tpu.memref_slice %dma_start3A_1071[%dma_start3A_1058, %dma_start3A_1072] : memref<8x125xi32, #tpu.memory_space<vmem>> -> memref<1x125xi32, #tpu.memory_space<vmem>>
      %dma_start3A_1074 = tpu.memref_squeeze %dma_start3A_1073 : memref<1x125xi32, #tpu.memory_space<vmem>> -> memref<125xi32, #tpu.memory_space<vmem>>
      %dma_start3A_1075 = arith.constant 0 : i32
      %dma_start3A_1076 = arith.constant 0 : i32
      %dma_start3A_1077 = tpu.memref_slice %arg9[%dma_start3A_1075, %dma_start3A_1076] : memref<50048x24xf32, #tpu.memory_space<vmem_shared>> -> memref<50048x24xf32, #tpu.memory_space<vmem_shared>>
      tpu.enqueue_indirect_dma source(%dma_start3A_1067 : memref<125x24xf32, #tpu.memory_space<vmem>>) target(%dma_start3A_1077 : memref<50048x24xf32, #tpu.memory_space<vmem_shared>>) offsets(%dma_start3A_1074 : memref<125xi32, #tpu.memory_space<vmem>>) semaphore(%arg11 : memref<!tpu.dma_semaphore, #tpu.memory_space<semaphore_mem>>) {add = true}
      %dma_start3A_1078 = arith.constant 1 : i32
      %dma_start3A_1079 = arith.constant 3 : i32
      %dma_start3A_1080 = arith.constant 1 : i32
      %dma_start3A_1081 = arith.constant 3 : i32
      %dma_start3A_1082 = arith.constant 0 : i32
      %dma_start3A_1083 = arith.constant 0 : i32
      %dma_start3A_1084 = arith.constant 0 : i32
      %dma_start3A_1085 = tpu.memref_slice %arg8[%dma_start3A_1078, %dma_start3A_1082, %dma_start3A_1083, %dma_start3A_1084] : memref<2x8x125x24xf32, #tpu.memory_space<vmem>> -> memref<1x8x125x24xf32, #tpu.memory_space<vmem>>
      %dma_start3A_1086 = tpu.memref_squeeze %dma_start3A_1085 : memref<1x8x125x24xf32, #tpu.memory_space<vmem>> -> memref<8x125x24xf32, #tpu.memory_space<vmem>>
      %dma_start3A_1087 = arith.constant 0 : i32
      %dma_start3A_1088 = arith.constant 0 : i32
      %dma_start3A_1089 = tpu.memref_slice %dma_start3A_1086[%dma_start3A_1079, %dma_start3A_1087, %dma_start3A_1088] : memref<8x125x24xf32, #tpu.memory_space<vmem>> -> memref<1x125x24xf32, #tpu.memory_space<vmem>>
      %dma_start3A_1090 = tpu.memref_squeeze %dma_start3A_1089 : memref<1x125x24xf32, #tpu.memory_space<vmem>> -> memref<125x24xf32, #tpu.memory_space<vmem>>
      %dma_start3A_1091 = arith.constant 0 : i32
      %dma_start3A_1092 = arith.constant 0 : i32
      %dma_start3A_1093 = tpu.memref_slice %arg7[%dma_start3A_1080, %dma_start3A_1091, %dma_start3A_1092] : memref<2x8x125xi32, #tpu.memory_space<vmem>> -> memref<1x8x125xi32, #tpu.memory_space<vmem>>
      %dma_start3A_1094 = tpu.memref_squeeze %dma_start3A_1093 : memref<1x8x125xi32, #tpu.memory_space<vmem>> -> memref<8x125xi32, #tpu.memory_space<vmem>>
      %dma_start3A_1095 = arith.constant 0 : i32
      %dma_start3A_1096 = tpu.memref_slice %dma_start3A_1094[%dma_start3A_1081, %dma_start3A_1095] : memref<8x125xi32, #tpu.memory_space<vmem>> -> memref<1x125xi32, #tpu.memory_space<vmem>>
      %dma_start3A_1097 = tpu.memref_squeeze %dma_start3A_1096 : memref<1x125xi32, #tpu.memory_space<vmem>> -> memref<125xi32, #tpu.memory_space<vmem>>
      %dma_start3A_1098 = arith.constant 0 : i32
      %dma_start3A_1099 = arith.constant 0 : i32
      %dma_start3A_1100 = tpu.memref_slice %arg9[%dma_start3A_1098, %dma_start3A_1099] : memref<50048x24xf32, #tpu.memory_space<vmem_shared>> -> memref<50048x24xf32, #tpu.memory_space<vmem_shared>>
      tpu.enqueue_indirect_dma source(%dma_start3A_1090 : memref<125x24xf32, #tpu.memory_space<vmem>>) target(%dma_start3A_1100 : memref<50048x24xf32, #tpu.memory_space<vmem_shared>>) offsets(%dma_start3A_1097 : memref<125xi32, #tpu.memory_space<vmem>>) semaphore(%arg11 : memref<!tpu.dma_semaphore, #tpu.memory_space<semaphore_mem>>) {add = true}
      %dma_start3A_1101 = arith.constant 1 : i32
      %dma_start3A_1102 = arith.constant 4 : i32
      %dma_start3A_1103 = arith.constant 1 : i32
      %dma_start3A_1104 = arith.constant 4 : i32
      %dma_start3A_1105 = arith.constant 0 : i32
      %dma_start3A_1106 = arith.constant 0 : i32
      %dma_start3A_1107 = arith.constant 0 : i32
      %dma_start3A_1108 = tpu.memref_slice %arg8[%dma_start3A_1101, %dma_start3A_1105, %dma_start3A_1106, %dma_start3A_1107] : memref<2x8x125x24xf32, #tpu.memory_space<vmem>> -> memref<1x8x125x24xf32, #tpu.memory_space<vmem>>
      %dma_start3A_1109 = tpu.memref_squeeze %dma_start3A_1108 : memref<1x8x125x24xf32, #tpu.memory_space<vmem>> -> memref<8x125x24xf32, #tpu.memory_space<vmem>>
      %dma_start3A_1110 = arith.constant 0 : i32
      %dma_start3A_1111 = arith.constant 0 : i32
      %dma_start3A_1112 = tpu.memref_slice %dma_start3A_1109[%dma_start3A_1102, %dma_start3A_1110, %dma_start3A_1111] : memref<8x125x24xf32, #tpu.memory_space<vmem>> -> memref<1x125x24xf32, #tpu.memory_space<vmem>>
      %dma_start3A_1113 = tpu.memref_squeeze %dma_start3A_1112 : memref<1x125x24xf32, #tpu.memory_space<vmem>> -> memref<125x24xf32, #tpu.memory_space<vmem>>
      %dma_start3A_1114 = arith.constant 0 : i32
      %dma_start3A_1115 = arith.constant 0 : i32
      %dma_start3A_1116 = tpu.memref_slice %arg7[%dma_start3A_1103, %dma_start3A_1114, %dma_start3A_1115] : memref<2x8x125xi32, #tpu.memory_space<vmem>> -> memref<1x8x125xi32, #tpu.memory_space<vmem>>
      %dma_start3A_1117 = tpu.memref_squeeze %dma_start3A_1116 : memref<1x8x125xi32, #tpu.memory_space<vmem>> -> memref<8x125xi32, #tpu.memory_space<vmem>>
      %dma_start3A_1118 = arith.constant 0 : i32
      %dma_start3A_1119 = tpu.memref_slice %dma_start3A_1117[%dma_start3A_1104, %dma_start3A_1118] : memref<8x125xi32, #tpu.memory_space<vmem>> -> memref<1x125xi32, #tpu.memory_space<vmem>>
      %dma_start3A_1120 = tpu.memref_squeeze %dma_start3A_1119 : memref<1x125xi32, #tpu.memory_space<vmem>> -> memref<125xi32, #tpu.memory_space<vmem>>
      %dma_start3A_1121 = arith.constant 0 : i32
      %dma_start3A_1122 = arith.constant 0 : i32
      %dma_start3A_1123 = tpu.memref_slice %arg9[%dma_start3A_1121, %dma_start3A_1122] : memref<50048x24xf32, #tpu.memory_space<vmem_shared>> -> memref<50048x24xf32, #tpu.memory_space<vmem_shared>>
      tpu.enqueue_indirect_dma source(%dma_start3A_1113 : memref<125x24xf32, #tpu.memory_space<vmem>>) target(%dma_start3A_1123 : memref<50048x24xf32, #tpu.memory_space<vmem_shared>>) offsets(%dma_start3A_1120 : memref<125xi32, #tpu.memory_space<vmem>>) semaphore(%arg11 : memref<!tpu.dma_semaphore, #tpu.memory_space<semaphore_mem>>) {add = true}
      %dma_start3A_1124 = arith.constant 1 : i32
      %dma_start3A_1125 = arith.constant 5 : i32
      %dma_start3A_1126 = arith.constant 1 : i32
      %dma_start3A_1127 = arith.constant 5 : i32
      %dma_start3A_1128 = arith.constant 0 : i32
      %dma_start3A_1129 = arith.constant 0 : i32
      %dma_start3A_1130 = arith.constant 0 : i32
      %dma_start3A_1131 = tpu.memref_slice %arg8[%dma_start3A_1124, %dma_start3A_1128, %dma_start3A_1129, %dma_start3A_1130] : memref<2x8x125x24xf32, #tpu.memory_space<vmem>> -> memref<1x8x125x24xf32, #tpu.memory_space<vmem>>
      %dma_start3A_1132 = tpu.memref_squeeze %dma_start3A_1131 : memref<1x8x125x24xf32, #tpu.memory_space<vmem>> -> memref<8x125x24xf32, #tpu.memory_space<vmem>>
      %dma_start3A_1133 = arith.constant 0 : i32
      %dma_start3A_1134 = arith.constant 0 : i32
      %dma_start3A_1135 = tpu.memref_slice %dma_start3A_1132[%dma_start3A_1125, %dma_start3A_1133, %dma_start3A_1134] : memref<8x125x24xf32, #tpu.memory_space<vmem>> -> memref<1x125x24xf32, #tpu.memory_space<vmem>>
      %dma_start3A_1136 = tpu.memref_squeeze %dma_start3A_1135 : memref<1x125x24xf32, #tpu.memory_space<vmem>> -> memref<125x24xf32, #tpu.memory_space<vmem>>
      %dma_start3A_1137 = arith.constant 0 : i32
      %dma_start3A_1138 = arith.constant 0 : i32
      %dma_start3A_1139 = tpu.memref_slice %arg7[%dma_start3A_1126, %dma_start3A_1137, %dma_start3A_1138] : memref<2x8x125xi32, #tpu.memory_space<vmem>> -> memref<1x8x125xi32, #tpu.memory_space<vmem>>
      %dma_start3A_1140 = tpu.memref_squeeze %dma_start3A_1139 : memref<1x8x125xi32, #tpu.memory_space<vmem>> -> memref<8x125xi32, #tpu.memory_space<vmem>>
      %dma_start3A_1141 = arith.constant 0 : i32
      %dma_start3A_1142 = tpu.memref_slice %dma_start3A_1140[%dma_start3A_1127, %dma_start3A_1141] : memref<8x125xi32, #tpu.memory_space<vmem>> -> memref<1x125xi32, #tpu.memory_space<vmem>>
      %dma_start3A_1143 = tpu.memref_squeeze %dma_start3A_1142 : memref<1x125xi32, #tpu.memory_space<vmem>> -> memref<125xi32, #tpu.memory_space<vmem>>
      %dma_start3A_1144 = arith.constant 0 : i32
      %dma_start3A_1145 = arith.constant 0 : i32
      %dma_start3A_1146 = tpu.memref_slice %arg9[%dma_start3A_1144, %dma_start3A_1145] : memref<50048x24xf32, #tpu.memory_space<vmem_shared>> -> memref<50048x24xf32, #tpu.memory_space<vmem_shared>>
      tpu.enqueue_indirect_dma source(%dma_start3A_1136 : memref<125x24xf32, #tpu.memory_space<vmem>>) target(%dma_start3A_1146 : memref<50048x24xf32, #tpu.memory_space<vmem_shared>>) offsets(%dma_start3A_1143 : memref<125xi32, #tpu.memory_space<vmem>>) semaphore(%arg11 : memref<!tpu.dma_semaphore, #tpu.memory_space<semaphore_mem>>) {add = true}
      %dma_start3A_1147 = arith.constant 1 : i32
      %dma_start3A_1148 = arith.constant 6 : i32
      %dma_start3A_1149 = arith.constant 1 : i32
      %dma_start3A_1150 = arith.constant 6 : i32
      %dma_start3A_1151 = arith.constant 0 : i32
      %dma_start3A_1152 = arith.constant 0 : i32
      %dma_start3A_1153 = arith.constant 0 : i32
      %dma_start3A_1154 = tpu.memref_slice %arg8[%dma_start3A_1147, %dma_start3A_1151, %dma_start3A_1152, %dma_start3A_1153] : memref<2x8x125x24xf32, #tpu.memory_space<vmem>> -> memref<1x8x125x24xf32, #tpu.memory_space<vmem>>
      %dma_start3A_1155 = tpu.memref_squeeze %dma_start3A_1154 : memref<1x8x125x24xf32, #tpu.memory_space<vmem>> -> memref<8x125x24xf32, #tpu.memory_space<vmem>>
      %dma_start3A_1156 = arith.constant 0 : i32
      %dma_start3A_1157 = arith.constant 0 : i32
      %dma_start3A_1158 = tpu.memref_slice %dma_start3A_1155[%dma_start3A_1148, %dma_start3A_1156, %dma_start3A_1157] : memref<8x125x24xf32, #tpu.memory_space<vmem>> -> memref<1x125x24xf32, #tpu.memory_space<vmem>>
      %dma_start3A_1159 = tpu.memref_squeeze %dma_start3A_1158 : memref<1x125x24xf32, #tpu.memory_space<vmem>> -> memref<125x24xf32, #tpu.memory_space<vmem>>
      %dma_start3A_1160 = arith.constant 0 : i32
      %dma_start3A_1161 = arith.constant 0 : i32
      %dma_start3A_1162 = tpu.memref_slice %arg7[%dma_start3A_1149, %dma_start3A_1160, %dma_start3A_1161] : memref<2x8x125xi32, #tpu.memory_space<vmem>> -> memref<1x8x125xi32, #tpu.memory_space<vmem>>
      %dma_start3A_1163 = tpu.memref_squeeze %dma_start3A_1162 : memref<1x8x125xi32, #tpu.memory_space<vmem>> -> memref<8x125xi32, #tpu.memory_space<vmem>>
      %dma_start3A_1164 = arith.constant 0 : i32
      %dma_start3A_1165 = tpu.memref_slice %dma_start3A_1163[%dma_start3A_1150, %dma_start3A_1164] : memref<8x125xi32, #tpu.memory_space<vmem>> -> memref<1x125xi32, #tpu.memory_space<vmem>>
      %dma_start3A_1166 = tpu.memref_squeeze %dma_start3A_1165 : memref<1x125xi32, #tpu.memory_space<vmem>> -> memref<125xi32, #tpu.memory_space<vmem>>
      %dma_start3A_1167 = arith.constant 0 : i32
      %dma_start3A_1168 = arith.constant 0 : i32
      %dma_start3A_1169 = tpu.memref_slice %arg9[%dma_start3A_1167, %dma_start3A_1168] : memref<50048x24xf32, #tpu.memory_space<vmem_shared>> -> memref<50048x24xf32, #tpu.memory_space<vmem_shared>>
      tpu.enqueue_indirect_dma source(%dma_start3A_1159 : memref<125x24xf32, #tpu.memory_space<vmem>>) target(%dma_start3A_1169 : memref<50048x24xf32, #tpu.memory_space<vmem_shared>>) offsets(%dma_start3A_1166 : memref<125xi32, #tpu.memory_space<vmem>>) semaphore(%arg11 : memref<!tpu.dma_semaphore, #tpu.memory_space<semaphore_mem>>) {add = true}
      %dma_start3A_1170 = arith.constant 1 : i32
      %dma_start3A_1171 = arith.constant 7 : i32
      %dma_start3A_1172 = arith.constant 1 : i32
      %dma_start3A_1173 = arith.constant 7 : i32
      %dma_start3A_1174 = arith.constant 0 : i32
      %dma_start3A_1175 = arith.constant 0 : i32
      %dma_start3A_1176 = arith.constant 0 : i32
      %dma_start3A_1177 = tpu.memref_slice %arg8[%dma_start3A_1170, %dma_start3A_1174, %dma_start3A_1175, %dma_start3A_1176] : memref<2x8x125x24xf32, #tpu.memory_space<vmem>> -> memref<1x8x125x24xf32, #tpu.memory_space<vmem>>
      %dma_start3A_1178 = tpu.memref_squeeze %dma_start3A_1177 : memref<1x8x125x24xf32, #tpu.memory_space<vmem>> -> memref<8x125x24xf32, #tpu.memory_space<vmem>>
      %dma_start3A_1179 = arith.constant 0 : i32
      %dma_start3A_1180 = arith.constant 0 : i32
      %dma_start3A_1181 = tpu.memref_slice %dma_start3A_1178[%dma_start3A_1171, %dma_start3A_1179, %dma_start3A_1180] : memref<8x125x24xf32, #tpu.memory_space<vmem>> -> memref<1x125x24xf32, #tpu.memory_space<vmem>>
      %dma_start3A_1182 = tpu.memref_squeeze %dma_start3A_1181 : memref<1x125x24xf32, #tpu.memory_space<vmem>> -> memref<125x24xf32, #tpu.memory_space<vmem>>
      %dma_start3A_1183 = arith.constant 0 : i32
      %dma_start3A_1184 = arith.constant 0 : i32
      %dma_start3A_1185 = tpu.memref_slice %arg7[%dma_start3A_1172, %dma_start3A_1183, %dma_start3A_1184] : memref<2x8x125xi32, #tpu.memory_space<vmem>> -> memref<1x8x125xi32, #tpu.memory_space<vmem>>
      %dma_start3A_1186 = tpu.memref_squeeze %dma_start3A_1185 : memref<1x8x125xi32, #tpu.memory_space<vmem>> -> memref<8x125xi32, #tpu.memory_space<vmem>>
      %dma_start3A_1187 = arith.constant 0 : i32
      %dma_start3A_1188 = tpu.memref_slice %dma_start3A_1186[%dma_start3A_1173, %dma_start3A_1187] : memref<8x125xi32, #tpu.memory_space<vmem>> -> memref<1x125xi32, #tpu.memory_space<vmem>>
      %dma_start3A_1189 = tpu.memref_squeeze %dma_start3A_1188 : memref<1x125xi32, #tpu.memory_space<vmem>> -> memref<125xi32, #tpu.memory_space<vmem>>
      %dma_start3A_1190 = arith.constant 0 : i32
      %dma_start3A_1191 = arith.constant 0 : i32
      %dma_start3A_1192 = tpu.memref_slice %arg9[%dma_start3A_1190, %dma_start3A_1191] : memref<50048x24xf32, #tpu.memory_space<vmem_shared>> -> memref<50048x24xf32, #tpu.memory_space<vmem_shared>>
      tpu.enqueue_indirect_dma source(%dma_start3A_1182 : memref<125x24xf32, #tpu.memory_space<vmem>>) target(%dma_start3A_1192 : memref<50048x24xf32, #tpu.memory_space<vmem_shared>>) offsets(%dma_start3A_1189 : memref<125xi32, #tpu.memory_space<vmem>>) semaphore(%arg11 : memref<!tpu.dma_semaphore, #tpu.memory_space<semaphore_mem>>) {add = true}
      %gt3A_1193 = arith.constant 0 : i32
      %gt3A_1194 = arith.cmpi sgt, %add3A_808, %gt3A_1193 : i32
      %convert_element_type3A_1195 = arith.extui %gt3A_1194 : i1 to i32
      %cond3A_1196 = arith.constant 0 : i32
      %cond3A_1197 = arith.cmpi ne, %convert_element_type3A_1195, %cond3A_1196 : i32
      scf.if %cond3A_1197 {
        %dma_wait3A_1205 = arith.constant 0 : i32
        %dma_wait3A_1206 = arith.constant 0 : i32
        %dma_wait3A_1207 = arith.constant 0 : i32
        %dma_wait3A_1208 = arith.constant 0 : i32
        %dma_wait3A_1209 = arith.constant 0 : i32
        %dma_wait3A_1210 = arith.constant 0 : i32
        %dma_wait3A_1211 = arith.constant 0 : i32
        %dma_wait3A_1212 = tpu.memref_slice %arg8[%dma_wait3A_1205, %dma_wait3A_1209, %dma_wait3A_1210, %dma_wait3A_1211] : memref<2x8x125x24xf32, #tpu.memory_space<vmem>> -> memref<1x8x125x24xf32, #tpu.memory_space<vmem>>
        %dma_wait3A_1213 = tpu.memref_squeeze %dma_wait3A_1212 : memref<1x8x125x24xf32, #tpu.memory_space<vmem>> -> memref<8x125x24xf32, #tpu.memory_space<vmem>>
        %dma_wait3A_1214 = arith.constant 0 : i32
        %dma_wait3A_1215 = arith.constant 0 : i32
        %dma_wait3A_1216 = tpu.memref_slice %dma_wait3A_1213[%dma_wait3A_1206, %dma_wait3A_1214, %dma_wait3A_1215] : memref<8x125x24xf32, #tpu.memory_space<vmem>> -> memref<1x125x24xf32, #tpu.memory_space<vmem>>
        %dma_wait3A_1217 = tpu.memref_squeeze %dma_wait3A_1216 : memref<1x125x24xf32, #tpu.memory_space<vmem>> -> memref<125x24xf32, #tpu.memory_space<vmem>>
        %dma_wait3A_1218 = arith.constant 0 : i32
        %dma_wait3A_1219 = arith.constant 0 : i32
        %dma_wait3A_1220 = tpu.memref_slice %arg7[%dma_wait3A_1207, %dma_wait3A_1218, %dma_wait3A_1219] : memref<2x8x125xi32, #tpu.memory_space<vmem>> -> memref<1x8x125xi32, #tpu.memory_space<vmem>>
        %dma_wait3A_1221 = tpu.memref_squeeze %dma_wait3A_1220 : memref<1x8x125xi32, #tpu.memory_space<vmem>> -> memref<8x125xi32, #tpu.memory_space<vmem>>
        %dma_wait3A_1222 = arith.constant 0 : i32
        %dma_wait3A_1223 = tpu.memref_slice %dma_wait3A_1221[%dma_wait3A_1208, %dma_wait3A_1222] : memref<8x125xi32, #tpu.memory_space<vmem>> -> memref<1x125xi32, #tpu.memory_space<vmem>>
        %dma_wait3A_1224 = tpu.memref_squeeze %dma_wait3A_1223 : memref<1x125xi32, #tpu.memory_space<vmem>> -> memref<125xi32, #tpu.memory_space<vmem>>
        %dma_wait3A_1225 = arith.constant 0 : i32
        %dma_wait3A_1226 = arith.constant 0 : i32
        %dma_wait3A_1227 = tpu.memref_slice %arg9[%dma_wait3A_1225, %dma_wait3A_1226] : memref<50048x24xf32, #tpu.memory_space<vmem_shared>> -> memref<50048x24xf32, #tpu.memory_space<vmem_shared>>
        tpu.wait_indirect_dma semaphore(%arg11 : memref<!tpu.dma_semaphore, #tpu.memory_space<semaphore_mem>>) src(%dma_wait3A_1217 : memref<125x24xf32, #tpu.memory_space<vmem>>) dst(%dma_wait3A_1227 : memref<50048x24xf32, #tpu.memory_space<vmem_shared>>)
        %dma_wait3A_1228 = arith.constant 0 : i32
        %dma_wait3A_1229 = arith.constant 1 : i32
        %dma_wait3A_1230 = arith.constant 0 : i32
        %dma_wait3A_1231 = arith.constant 1 : i32
        %dma_wait3A_1232 = arith.constant 0 : i32
        %dma_wait3A_1233 = arith.constant 0 : i32
        %dma_wait3A_1234 = arith.constant 0 : i32
        %dma_wait3A_1235 = tpu.memref_slice %arg8[%dma_wait3A_1228, %dma_wait3A_1232, %dma_wait3A_1233, %dma_wait3A_1234] : memref<2x8x125x24xf32, #tpu.memory_space<vmem>> -> memref<1x8x125x24xf32, #tpu.memory_space<vmem>>
        %dma_wait3A_1236 = tpu.memref_squeeze %dma_wait3A_1235 : memref<1x8x125x24xf32, #tpu.memory_space<vmem>> -> memref<8x125x24xf32, #tpu.memory_space<vmem>>
        %dma_wait3A_1237 = arith.constant 0 : i32
        %dma_wait3A_1238 = arith.constant 0 : i32
        %dma_wait3A_1239 = tpu.memref_slice %dma_wait3A_1236[%dma_wait3A_1229, %dma_wait3A_1237, %dma_wait3A_1238] : memref<8x125x24xf32, #tpu.memory_space<vmem>> -> memref<1x125x24xf32, #tpu.memory_space<vmem>>
        %dma_wait3A_1240 = tpu.memref_squeeze %dma_wait3A_1239 : memref<1x125x24xf32, #tpu.memory_space<vmem>> -> memref<125x24xf32, #tpu.memory_space<vmem>>
        %dma_wait3A_1241 = arith.constant 0 : i32
        %dma_wait3A_1242 = arith.constant 0 : i32
        %dma_wait3A_1243 = tpu.memref_slice %arg7[%dma_wait3A_1230, %dma_wait3A_1241, %dma_wait3A_1242] : memref<2x8x125xi32, #tpu.memory_space<vmem>> -> memref<1x8x125xi32, #tpu.memory_space<vmem>>
        %dma_wait3A_1244 = tpu.memref_squeeze %dma_wait3A_1243 : memref<1x8x125xi32, #tpu.memory_space<vmem>> -> memref<8x125xi32, #tpu.memory_space<vmem>>
        %dma_wait3A_1245 = arith.constant 0 : i32
        %dma_wait3A_1246 = tpu.memref_slice %dma_wait3A_1244[%dma_wait3A_1231, %dma_wait3A_1245] : memref<8x125xi32, #tpu.memory_space<vmem>> -> memref<1x125xi32, #tpu.memory_space<vmem>>
        %dma_wait3A_1247 = tpu.memref_squeeze %dma_wait3A_1246 : memref<1x125xi32, #tpu.memory_space<vmem>> -> memref<125xi32, #tpu.memory_space<vmem>>
        %dma_wait3A_1248 = arith.constant 0 : i32
        %dma_wait3A_1249 = arith.constant 0 : i32
        %dma_wait3A_1250 = tpu.memref_slice %arg9[%dma_wait3A_1248, %dma_wait3A_1249] : memref<50048x24xf32, #tpu.memory_space<vmem_shared>> -> memref<50048x24xf32, #tpu.memory_space<vmem_shared>>
        tpu.wait_indirect_dma semaphore(%arg11 : memref<!tpu.dma_semaphore, #tpu.memory_space<semaphore_mem>>) src(%dma_wait3A_1240 : memref<125x24xf32, #tpu.memory_space<vmem>>) dst(%dma_wait3A_1250 : memref<50048x24xf32, #tpu.memory_space<vmem_shared>>)
        %dma_wait3A_1251 = arith.constant 0 : i32
        %dma_wait3A_1252 = arith.constant 2 : i32
        %dma_wait3A_1253 = arith.constant 0 : i32
        %dma_wait3A_1254 = arith.constant 2 : i32
        %dma_wait3A_1255 = arith.constant 0 : i32
        %dma_wait3A_1256 = arith.constant 0 : i32
        %dma_wait3A_1257 = arith.constant 0 : i32
        %dma_wait3A_1258 = tpu.memref_slice %arg8[%dma_wait3A_1251, %dma_wait3A_1255, %dma_wait3A_1256, %dma_wait3A_1257] : memref<2x8x125x24xf32, #tpu.memory_space<vmem>> -> memref<1x8x125x24xf32, #tpu.memory_space<vmem>>
        %dma_wait3A_1259 = tpu.memref_squeeze %dma_wait3A_1258 : memref<1x8x125x24xf32, #tpu.memory_space<vmem>> -> memref<8x125x24xf32, #tpu.memory_space<vmem>>
        %dma_wait3A_1260 = arith.constant 0 : i32
        %dma_wait3A_1261 = arith.constant 0 : i32
        %dma_wait3A_1262 = tpu.memref_slice %dma_wait3A_1259[%dma_wait3A_1252, %dma_wait3A_1260, %dma_wait3A_1261] : memref<8x125x24xf32, #tpu.memory_space<vmem>> -> memref<1x125x24xf32, #tpu.memory_space<vmem>>
        %dma_wait3A_1263 = tpu.memref_squeeze %dma_wait3A_1262 : memref<1x125x24xf32, #tpu.memory_space<vmem>> -> memref<125x24xf32, #tpu.memory_space<vmem>>
        %dma_wait3A_1264 = arith.constant 0 : i32
        %dma_wait3A_1265 = arith.constant 0 : i32
        %dma_wait3A_1266 = tpu.memref_slice %arg7[%dma_wait3A_1253, %dma_wait3A_1264, %dma_wait3A_1265] : memref<2x8x125xi32, #tpu.memory_space<vmem>> -> memref<1x8x125xi32, #tpu.memory_space<vmem>>
        %dma_wait3A_1267 = tpu.memref_squeeze %dma_wait3A_1266 : memref<1x8x125xi32, #tpu.memory_space<vmem>> -> memref<8x125xi32, #tpu.memory_space<vmem>>
        %dma_wait3A_1268 = arith.constant 0 : i32
        %dma_wait3A_1269 = tpu.memref_slice %dma_wait3A_1267[%dma_wait3A_1254, %dma_wait3A_1268] : memref<8x125xi32, #tpu.memory_space<vmem>> -> memref<1x125xi32, #tpu.memory_space<vmem>>
        %dma_wait3A_1270 = tpu.memref_squeeze %dma_wait3A_1269 : memref<1x125xi32, #tpu.memory_space<vmem>> -> memref<125xi32, #tpu.memory_space<vmem>>
        %dma_wait3A_1271 = arith.constant 0 : i32
        %dma_wait3A_1272 = arith.constant 0 : i32
        %dma_wait3A_1273 = tpu.memref_slice %arg9[%dma_wait3A_1271, %dma_wait3A_1272] : memref<50048x24xf32, #tpu.memory_space<vmem_shared>> -> memref<50048x24xf32, #tpu.memory_space<vmem_shared>>
        tpu.wait_indirect_dma semaphore(%arg11 : memref<!tpu.dma_semaphore, #tpu.memory_space<semaphore_mem>>) src(%dma_wait3A_1263 : memref<125x24xf32, #tpu.memory_space<vmem>>) dst(%dma_wait3A_1273 : memref<50048x24xf32, #tpu.memory_space<vmem_shared>>)
        %dma_wait3A_1274 = arith.constant 0 : i32
        %dma_wait3A_1275 = arith.constant 3 : i32
        %dma_wait3A_1276 = arith.constant 0 : i32
        %dma_wait3A_1277 = arith.constant 3 : i32
        %dma_wait3A_1278 = arith.constant 0 : i32
        %dma_wait3A_1279 = arith.constant 0 : i32
        %dma_wait3A_1280 = arith.constant 0 : i32
        %dma_wait3A_1281 = tpu.memref_slice %arg8[%dma_wait3A_1274, %dma_wait3A_1278, %dma_wait3A_1279, %dma_wait3A_1280] : memref<2x8x125x24xf32, #tpu.memory_space<vmem>> -> memref<1x8x125x24xf32, #tpu.memory_space<vmem>>
        %dma_wait3A_1282 = tpu.memref_squeeze %dma_wait3A_1281 : memref<1x8x125x24xf32, #tpu.memory_space<vmem>> -> memref<8x125x24xf32, #tpu.memory_space<vmem>>
        %dma_wait3A_1283 = arith.constant 0 : i32
        %dma_wait3A_1284 = arith.constant 0 : i32
        %dma_wait3A_1285 = tpu.memref_slice %dma_wait3A_1282[%dma_wait3A_1275, %dma_wait3A_1283, %dma_wait3A_1284] : memref<8x125x24xf32, #tpu.memory_space<vmem>> -> memref<1x125x24xf32, #tpu.memory_space<vmem>>
        %dma_wait3A_1286 = tpu.memref_squeeze %dma_wait3A_1285 : memref<1x125x24xf32, #tpu.memory_space<vmem>> -> memref<125x24xf32, #tpu.memory_space<vmem>>
        %dma_wait3A_1287 = arith.constant 0 : i32
        %dma_wait3A_1288 = arith.constant 0 : i32
        %dma_wait3A_1289 = tpu.memref_slice %arg7[%dma_wait3A_1276, %dma_wait3A_1287, %dma_wait3A_1288] : memref<2x8x125xi32, #tpu.memory_space<vmem>> -> memref<1x8x125xi32, #tpu.memory_space<vmem>>
        %dma_wait3A_1290 = tpu.memref_squeeze %dma_wait3A_1289 : memref<1x8x125xi32, #tpu.memory_space<vmem>> -> memref<8x125xi32, #tpu.memory_space<vmem>>
        %dma_wait3A_1291 = arith.constant 0 : i32
        %dma_wait3A_1292 = tpu.memref_slice %dma_wait3A_1290[%dma_wait3A_1277, %dma_wait3A_1291] : memref<8x125xi32, #tpu.memory_space<vmem>> -> memref<1x125xi32, #tpu.memory_space<vmem>>
        %dma_wait3A_1293 = tpu.memref_squeeze %dma_wait3A_1292 : memref<1x125xi32, #tpu.memory_space<vmem>> -> memref<125xi32, #tpu.memory_space<vmem>>
        %dma_wait3A_1294 = arith.constant 0 : i32
        %dma_wait3A_1295 = arith.constant 0 : i32
        %dma_wait3A_1296 = tpu.memref_slice %arg9[%dma_wait3A_1294, %dma_wait3A_1295] : memref<50048x24xf32, #tpu.memory_space<vmem_shared>> -> memref<50048x24xf32, #tpu.memory_space<vmem_shared>>
        tpu.wait_indirect_dma semaphore(%arg11 : memref<!tpu.dma_semaphore, #tpu.memory_space<semaphore_mem>>) src(%dma_wait3A_1286 : memref<125x24xf32, #tpu.memory_space<vmem>>) dst(%dma_wait3A_1296 : memref<50048x24xf32, #tpu.memory_space<vmem_shared>>)
        %dma_wait3A_1297 = arith.constant 0 : i32
        %dma_wait3A_1298 = arith.constant 4 : i32
        %dma_wait3A_1299 = arith.constant 0 : i32
        %dma_wait3A_1300 = arith.constant 4 : i32
        %dma_wait3A_1301 = arith.constant 0 : i32
        %dma_wait3A_1302 = arith.constant 0 : i32
        %dma_wait3A_1303 = arith.constant 0 : i32
        %dma_wait3A_1304 = tpu.memref_slice %arg8[%dma_wait3A_1297, %dma_wait3A_1301, %dma_wait3A_1302, %dma_wait3A_1303] : memref<2x8x125x24xf32, #tpu.memory_space<vmem>> -> memref<1x8x125x24xf32, #tpu.memory_space<vmem>>
        %dma_wait3A_1305 = tpu.memref_squeeze %dma_wait3A_1304 : memref<1x8x125x24xf32, #tpu.memory_space<vmem>> -> memref<8x125x24xf32, #tpu.memory_space<vmem>>
        %dma_wait3A_1306 = arith.constant 0 : i32
        %dma_wait3A_1307 = arith.constant 0 : i32
        %dma_wait3A_1308 = tpu.memref_slice %dma_wait3A_1305[%dma_wait3A_1298, %dma_wait3A_1306, %dma_wait3A_1307] : memref<8x125x24xf32, #tpu.memory_space<vmem>> -> memref<1x125x24xf32, #tpu.memory_space<vmem>>
        %dma_wait3A_1309 = tpu.memref_squeeze %dma_wait3A_1308 : memref<1x125x24xf32, #tpu.memory_space<vmem>> -> memref<125x24xf32, #tpu.memory_space<vmem>>
        %dma_wait3A_1310 = arith.constant 0 : i32
        %dma_wait3A_1311 = arith.constant 0 : i32
        %dma_wait3A_1312 = tpu.memref_slice %arg7[%dma_wait3A_1299, %dma_wait3A_1310, %dma_wait3A_1311] : memref<2x8x125xi32, #tpu.memory_space<vmem>> -> memref<1x8x125xi32, #tpu.memory_space<vmem>>
        %dma_wait3A_1313 = tpu.memref_squeeze %dma_wait3A_1312 : memref<1x8x125xi32, #tpu.memory_space<vmem>> -> memref<8x125xi32, #tpu.memory_space<vmem>>
        %dma_wait3A_1314 = arith.constant 0 : i32
        %dma_wait3A_1315 = tpu.memref_slice %dma_wait3A_1313[%dma_wait3A_1300, %dma_wait3A_1314] : memref<8x125xi32, #tpu.memory_space<vmem>> -> memref<1x125xi32, #tpu.memory_space<vmem>>
        %dma_wait3A_1316 = tpu.memref_squeeze %dma_wait3A_1315 : memref<1x125xi32, #tpu.memory_space<vmem>> -> memref<125xi32, #tpu.memory_space<vmem>>
        %dma_wait3A_1317 = arith.constant 0 : i32
        %dma_wait3A_1318 = arith.constant 0 : i32
        %dma_wait3A_1319 = tpu.memref_slice %arg9[%dma_wait3A_1317, %dma_wait3A_1318] : memref<50048x24xf32, #tpu.memory_space<vmem_shared>> -> memref<50048x24xf32, #tpu.memory_space<vmem_shared>>
        tpu.wait_indirect_dma semaphore(%arg11 : memref<!tpu.dma_semaphore, #tpu.memory_space<semaphore_mem>>) src(%dma_wait3A_1309 : memref<125x24xf32, #tpu.memory_space<vmem>>) dst(%dma_wait3A_1319 : memref<50048x24xf32, #tpu.memory_space<vmem_shared>>)
        %dma_wait3A_1320 = arith.constant 0 : i32
        %dma_wait3A_1321 = arith.constant 5 : i32
        %dma_wait3A_1322 = arith.constant 0 : i32
        %dma_wait3A_1323 = arith.constant 5 : i32
        %dma_wait3A_1324 = arith.constant 0 : i32
        %dma_wait3A_1325 = arith.constant 0 : i32
        %dma_wait3A_1326 = arith.constant 0 : i32
        %dma_wait3A_1327 = tpu.memref_slice %arg8[%dma_wait3A_1320, %dma_wait3A_1324, %dma_wait3A_1325, %dma_wait3A_1326] : memref<2x8x125x24xf32, #tpu.memory_space<vmem>> -> memref<1x8x125x24xf32, #tpu.memory_space<vmem>>
        %dma_wait3A_1328 = tpu.memref_squeeze %dma_wait3A_1327 : memref<1x8x125x24xf32, #tpu.memory_space<vmem>> -> memref<8x125x24xf32, #tpu.memory_space<vmem>>
        %dma_wait3A_1329 = arith.constant 0 : i32
        %dma_wait3A_1330 = arith.constant 0 : i32
        %dma_wait3A_1331 = tpu.memref_slice %dma_wait3A_1328[%dma_wait3A_1321, %dma_wait3A_1329, %dma_wait3A_1330] : memref<8x125x24xf32, #tpu.memory_space<vmem>> -> memref<1x125x24xf32, #tpu.memory_space<vmem>>
        %dma_wait3A_1332 = tpu.memref_squeeze %dma_wait3A_1331 : memref<1x125x24xf32, #tpu.memory_space<vmem>> -> memref<125x24xf32, #tpu.memory_space<vmem>>
        %dma_wait3A_1333 = arith.constant 0 : i32
        %dma_wait3A_1334 = arith.constant 0 : i32
        %dma_wait3A_1335 = tpu.memref_slice %arg7[%dma_wait3A_1322, %dma_wait3A_1333, %dma_wait3A_1334] : memref<2x8x125xi32, #tpu.memory_space<vmem>> -> memref<1x8x125xi32, #tpu.memory_space<vmem>>
        %dma_wait3A_1336 = tpu.memref_squeeze %dma_wait3A_1335 : memref<1x8x125xi32, #tpu.memory_space<vmem>> -> memref<8x125xi32, #tpu.memory_space<vmem>>
        %dma_wait3A_1337 = arith.constant 0 : i32
        %dma_wait3A_1338 = tpu.memref_slice %dma_wait3A_1336[%dma_wait3A_1323, %dma_wait3A_1337] : memref<8x125xi32, #tpu.memory_space<vmem>> -> memref<1x125xi32, #tpu.memory_space<vmem>>
        %dma_wait3A_1339 = tpu.memref_squeeze %dma_wait3A_1338 : memref<1x125xi32, #tpu.memory_space<vmem>> -> memref<125xi32, #tpu.memory_space<vmem>>
        %dma_wait3A_1340 = arith.constant 0 : i32
        %dma_wait3A_1341 = arith.constant 0 : i32
        %dma_wait3A_1342 = tpu.memref_slice %arg9[%dma_wait3A_1340, %dma_wait3A_1341] : memref<50048x24xf32, #tpu.memory_space<vmem_shared>> -> memref<50048x24xf32, #tpu.memory_space<vmem_shared>>
        tpu.wait_indirect_dma semaphore(%arg11 : memref<!tpu.dma_semaphore, #tpu.memory_space<semaphore_mem>>) src(%dma_wait3A_1332 : memref<125x24xf32, #tpu.memory_space<vmem>>) dst(%dma_wait3A_1342 : memref<50048x24xf32, #tpu.memory_space<vmem_shared>>)
        %dma_wait3A_1343 = arith.constant 0 : i32
        %dma_wait3A_1344 = arith.constant 6 : i32
        %dma_wait3A_1345 = arith.constant 0 : i32
        %dma_wait3A_1346 = arith.constant 6 : i32
        %dma_wait3A_1347 = arith.constant 0 : i32
        %dma_wait3A_1348 = arith.constant 0 : i32
        %dma_wait3A_1349 = arith.constant 0 : i32
        %dma_wait3A_1350 = tpu.memref_slice %arg8[%dma_wait3A_1343, %dma_wait3A_1347, %dma_wait3A_1348, %dma_wait3A_1349] : memref<2x8x125x24xf32, #tpu.memory_space<vmem>> -> memref<1x8x125x24xf32, #tpu.memory_space<vmem>>
        %dma_wait3A_1351 = tpu.memref_squeeze %dma_wait3A_1350 : memref<1x8x125x24xf32, #tpu.memory_space<vmem>> -> memref<8x125x24xf32, #tpu.memory_space<vmem>>
        %dma_wait3A_1352 = arith.constant 0 : i32
        %dma_wait3A_1353 = arith.constant 0 : i32
        %dma_wait3A_1354 = tpu.memref_slice %dma_wait3A_1351[%dma_wait3A_1344, %dma_wait3A_1352, %dma_wait3A_1353] : memref<8x125x24xf32, #tpu.memory_space<vmem>> -> memref<1x125x24xf32, #tpu.memory_space<vmem>>
        %dma_wait3A_1355 = tpu.memref_squeeze %dma_wait3A_1354 : memref<1x125x24xf32, #tpu.memory_space<vmem>> -> memref<125x24xf32, #tpu.memory_space<vmem>>
        %dma_wait3A_1356 = arith.constant 0 : i32
        %dma_wait3A_1357 = arith.constant 0 : i32
        %dma_wait3A_1358 = tpu.memref_slice %arg7[%dma_wait3A_1345, %dma_wait3A_1356, %dma_wait3A_1357] : memref<2x8x125xi32, #tpu.memory_space<vmem>> -> memref<1x8x125xi32, #tpu.memory_space<vmem>>
        %dma_wait3A_1359 = tpu.memref_squeeze %dma_wait3A_1358 : memref<1x8x125xi32, #tpu.memory_space<vmem>> -> memref<8x125xi32, #tpu.memory_space<vmem>>
        %dma_wait3A_1360 = arith.constant 0 : i32
        %dma_wait3A_1361 = tpu.memref_slice %dma_wait3A_1359[%dma_wait3A_1346, %dma_wait3A_1360] : memref<8x125xi32, #tpu.memory_space<vmem>> -> memref<1x125xi32, #tpu.memory_space<vmem>>
        %dma_wait3A_1362 = tpu.memref_squeeze %dma_wait3A_1361 : memref<1x125xi32, #tpu.memory_space<vmem>> -> memref<125xi32, #tpu.memory_space<vmem>>
        %dma_wait3A_1363 = arith.constant 0 : i32
        %dma_wait3A_1364 = arith.constant 0 : i32
        %dma_wait3A_1365 = tpu.memref_slice %arg9[%dma_wait3A_1363, %dma_wait3A_1364] : memref<50048x24xf32, #tpu.memory_space<vmem_shared>> -> memref<50048x24xf32, #tpu.memory_space<vmem_shared>>
        tpu.wait_indirect_dma semaphore(%arg11 : memref<!tpu.dma_semaphore, #tpu.memory_space<semaphore_mem>>) src(%dma_wait3A_1355 : memref<125x24xf32, #tpu.memory_space<vmem>>) dst(%dma_wait3A_1365 : memref<50048x24xf32, #tpu.memory_space<vmem_shared>>)
        %dma_wait3A_1366 = arith.constant 0 : i32
        %dma_wait3A_1367 = arith.constant 7 : i32
        %dma_wait3A_1368 = arith.constant 0 : i32
        %dma_wait3A_1369 = arith.constant 7 : i32
        %dma_wait3A_1370 = arith.constant 0 : i32
        %dma_wait3A_1371 = arith.constant 0 : i32
        %dma_wait3A_1372 = arith.constant 0 : i32
        %dma_wait3A_1373 = tpu.memref_slice %arg8[%dma_wait3A_1366, %dma_wait3A_1370, %dma_wait3A_1371, %dma_wait3A_1372] : memref<2x8x125x24xf32, #tpu.memory_space<vmem>> -> memref<1x8x125x24xf32, #tpu.memory_space<vmem>>
        %dma_wait3A_1374 = tpu.memref_squeeze %dma_wait3A_1373 : memref<1x8x125x24xf32, #tpu.memory_space<vmem>> -> memref<8x125x24xf32, #tpu.memory_space<vmem>>
        %dma_wait3A_1375 = arith.constant 0 : i32
        %dma_wait3A_1376 = arith.constant 0 : i32
        %dma_wait3A_1377 = tpu.memref_slice %dma_wait3A_1374[%dma_wait3A_1367, %dma_wait3A_1375, %dma_wait3A_1376] : memref<8x125x24xf32, #tpu.memory_space<vmem>> -> memref<1x125x24xf32, #tpu.memory_space<vmem>>
        %dma_wait3A_1378 = tpu.memref_squeeze %dma_wait3A_1377 : memref<1x125x24xf32, #tpu.memory_space<vmem>> -> memref<125x24xf32, #tpu.memory_space<vmem>>
        %dma_wait3A_1379 = arith.constant 0 : i32
        %dma_wait3A_1380 = arith.constant 0 : i32
        %dma_wait3A_1381 = tpu.memref_slice %arg7[%dma_wait3A_1368, %dma_wait3A_1379, %dma_wait3A_1380] : memref<2x8x125xi32, #tpu.memory_space<vmem>> -> memref<1x8x125xi32, #tpu.memory_space<vmem>>
        %dma_wait3A_1382 = tpu.memref_squeeze %dma_wait3A_1381 : memref<1x8x125xi32, #tpu.memory_space<vmem>> -> memref<8x125xi32, #tpu.memory_space<vmem>>
        %dma_wait3A_1383 = arith.constant 0 : i32
        %dma_wait3A_1384 = tpu.memref_slice %dma_wait3A_1382[%dma_wait3A_1369, %dma_wait3A_1383] : memref<8x125xi32, #tpu.memory_space<vmem>> -> memref<1x125xi32, #tpu.memory_space<vmem>>
        %dma_wait3A_1385 = tpu.memref_squeeze %dma_wait3A_1384 : memref<1x125xi32, #tpu.memory_space<vmem>> -> memref<125xi32, #tpu.memory_space<vmem>>
        %dma_wait3A_1386 = arith.constant 0 : i32
        %dma_wait3A_1387 = arith.constant 0 : i32
        %dma_wait3A_1388 = tpu.memref_slice %arg9[%dma_wait3A_1386, %dma_wait3A_1387] : memref<50048x24xf32, #tpu.memory_space<vmem_shared>> -> memref<50048x24xf32, #tpu.memory_space<vmem_shared>>
        tpu.wait_indirect_dma semaphore(%arg11 : memref<!tpu.dma_semaphore, #tpu.memory_space<semaphore_mem>>) src(%dma_wait3A_1378 : memref<125x24xf32, #tpu.memory_space<vmem>>) dst(%dma_wait3A_1388 : memref<50048x24xf32, #tpu.memory_space<vmem_shared>>)
      } else {
      }
      %add3A_1198 = arith.constant 1 : i32
      %add3A_1199 = arith.addi %add3A_808, %add3A_1198 : i32
      %lt3A_1200 = arith.constant 100 : i32
      %lt3A_1201 = arith.cmpi slt, %add3A_1199, %lt3A_1200 : i32
      %convert_element_type3A_1202 = arith.extui %lt3A_1201 : i1 to i32
      %cond3A_1203 = arith.constant 0 : i32
      %cond3A_1204 = arith.cmpi ne, %convert_element_type3A_1202, %cond3A_1203 : i32
      scf.if %cond3A_1204 {
        %add3A_1205 = arith.constant 1 : i32
        %add3A_1206 = arith.addi %add3A_808, %add3A_1205 : i32
        %mul3A_1207 = arith.constant 8 : i32
        %mul3A_1208 = arith.muli %add3A_1206, %mul3A_1207 : i32
        %add3A_1209 = arith.addi %mul3A_6, %mul3A_1208 : i32
        %run_scoped3A_1210 = arith.constant 0 : i32
        %run_scoped3A_1211 = arith.constant 0 : i32
        "tpu.region"() ({
          %run_scoped3A_1417 = tpu.sem_alloc : memref<!tpu.dma_semaphore, #tpu.memory_space<semaphore_mem>>
          %dma_start3A_1418 = arith.constant 0 : i32
          %dma_start3A_1419 = arith.constant 0 : i32
          %dma_start3A_1420 = tpu.memref_slice %arg6[%run_scoped3A_1211, %dma_start3A_1418, %dma_start3A_1419] : memref<2x8x125xi32, #tpu.memory_space<vmem>> -> memref<1x8x125xi32, #tpu.memory_space<vmem>>
          %dma_start3A_1421 = tpu.memref_squeeze %dma_start3A_1420 : memref<1x8x125xi32, #tpu.memory_space<vmem>> -> memref<8x125xi32, #tpu.memory_space<vmem>>
          %dma_start3A_1422 = arith.constant 0 : i32
          %dma_start3A_1423 = tpu.memref_slice %arg2[%run_scoped3A_1210, %add3A_1209, %dma_start3A_1422] : memref<2x12800x125xi32, #tpu.memory_space<hbm>> -> memref<1x8x125xi32, #tpu.memory_space<hbm>>
          %dma_start3A_1424 = tpu.memref_squeeze %dma_start3A_1423 : memref<1x8x125xi32, #tpu.memory_space<hbm>> -> memref<8x125xi32, #tpu.memory_space<hbm>>
          %dma_start3A_1425 = arith.constant 0 : i32
          %dma_start3A_1426 = arith.constant 0 : i32
          %dma_start3A_1427 = tpu.memref_slice %arg6[%run_scoped3A_1211, %dma_start3A_1425, %dma_start3A_1426] : memref<2x8x125xi32, #tpu.memory_space<vmem>> -> memref<1x8x125xi32, #tpu.memory_space<vmem>>
          %dma_start3A_1428 = tpu.memref_squeeze %dma_start3A_1427 : memref<1x8x125xi32, #tpu.memory_space<vmem>> -> memref<8x125xi32, #tpu.memory_space<vmem>>
          %dma_start3A_1429 = arith.constant 0 : i32
          %dma_start3A_1430 = tpu.memref_slice %arg2[%run_scoped3A_1210, %add3A_1209, %dma_start3A_1429] : memref<2x12800x125xi32, #tpu.memory_space<hbm>> -> memref<1x8x125xi32, #tpu.memory_space<hbm>>
          %dma_start3A_1431 = tpu.memref_squeeze %dma_start3A_1430 : memref<1x8x125xi32, #tpu.memory_space<hbm>> -> memref<8x125xi32, #tpu.memory_space<hbm>>
          tpu.enqueue_dma source(%dma_start3A_1431 : memref<8x125xi32, #tpu.memory_space<hbm>>) target(%dma_start3A_1428 : memref<8x125xi32, #tpu.memory_space<vmem>>) target_semaphore(%run_scoped3A_1417 : memref<!tpu.dma_semaphore, #tpu.memory_space<semaphore_mem>>)
          %dma_wait3A_1432 = arith.constant 0 : i32
          %dma_wait3A_1433 = arith.constant 0 : i32
          %dma_wait3A_1434 = tpu.memref_slice %arg6[%run_scoped3A_1211, %dma_wait3A_1432, %dma_wait3A_1433] : memref<2x8x125xi32, #tpu.memory_space<vmem>> -> memref<1x8x125xi32, #tpu.memory_space<vmem>>
          %dma_wait3A_1435 = tpu.memref_squeeze %dma_wait3A_1434 : memref<1x8x125xi32, #tpu.memory_space<vmem>> -> memref<8x125xi32, #tpu.memory_space<vmem>>
          %dma_wait3A_1436 = arith.constant 0 : i32
          %dma_wait3A_1437 = tpu.memref_slice %arg2[%run_scoped3A_1210, %add3A_1209, %dma_wait3A_1436] : memref<2x12800x125xi32, #tpu.memory_space<hbm>> -> memref<1x8x125xi32, #tpu.memory_space<hbm>>
          %dma_wait3A_1438 = tpu.memref_squeeze %dma_wait3A_1437 : memref<1x8x125xi32, #tpu.memory_space<hbm>> -> memref<8x125xi32, #tpu.memory_space<hbm>>
          %dma_wait3A_1439 = arith.constant 0 : i32
          %dma_wait3A_1440 = arith.constant 0 : i32
          %dma_wait3A_1441 = tpu.memref_slice %arg6[%run_scoped3A_1211, %dma_wait3A_1439, %dma_wait3A_1440] : memref<2x8x125xi32, #tpu.memory_space<vmem>> -> memref<1x8x125xi32, #tpu.memory_space<vmem>>
          %dma_wait3A_1442 = tpu.memref_squeeze %dma_wait3A_1441 : memref<1x8x125xi32, #tpu.memory_space<vmem>> -> memref<8x125xi32, #tpu.memory_space<vmem>>
          %dma_wait3A_1443 = arith.constant 0 : i32
          %dma_wait3A_1444 = tpu.memref_slice %arg2[%run_scoped3A_1210, %add3A_1209, %dma_wait3A_1443] : memref<2x12800x125xi32, #tpu.memory_space<hbm>> -> memref<1x8x125xi32, #tpu.memory_space<hbm>>
          %dma_wait3A_1445 = tpu.memref_squeeze %dma_wait3A_1444 : memref<1x8x125xi32, #tpu.memory_space<hbm>> -> memref<8x125xi32, #tpu.memory_space<hbm>>
          tpu.wait_dma2 semaphore(%run_scoped3A_1417 : memref<!tpu.dma_semaphore, #tpu.memory_space<semaphore_mem>>) src(%dma_wait3A_1445 : memref<8x125xi32, #tpu.memory_space<hbm>>) dst(%dma_wait3A_1442 : memref<8x125xi32, #tpu.memory_space<vmem>>)
          tpu.yield
        }) : () -> ()
        %mul3A_1212 = arith.constant 8 : i32
        %mul3A_1213 = arith.muli %add3A_1206, %mul3A_1212 : i32
        %add3A_1214 = arith.addi %mul3A_6, %mul3A_1213 : i32
        %run_scoped3A_1215 = arith.constant 1 : i32
        %run_scoped3A_1216 = arith.constant 0 : i32
        "tpu.region"() ({
          %run_scoped3A_1417 = tpu.sem_alloc : memref<!tpu.dma_semaphore, #tpu.memory_space<semaphore_mem>>
          %dma_start3A_1418 = arith.constant 0 : i32
          %dma_start3A_1419 = arith.constant 0 : i32
          %dma_start3A_1420 = tpu.memref_slice %arg7[%run_scoped3A_1216, %dma_start3A_1418, %dma_start3A_1419] : memref<2x8x125xi32, #tpu.memory_space<vmem>> -> memref<1x8x125xi32, #tpu.memory_space<vmem>>
          %dma_start3A_1421 = tpu.memref_squeeze %dma_start3A_1420 : memref<1x8x125xi32, #tpu.memory_space<vmem>> -> memref<8x125xi32, #tpu.memory_space<vmem>>
          %dma_start3A_1422 = arith.constant 0 : i32
          %dma_start3A_1423 = tpu.memref_slice %arg2[%run_scoped3A_1215, %add3A_1214, %dma_start3A_1422] : memref<2x12800x125xi32, #tpu.memory_space<hbm>> -> memref<1x8x125xi32, #tpu.memory_space<hbm>>
          %dma_start3A_1424 = tpu.memref_squeeze %dma_start3A_1423 : memref<1x8x125xi32, #tpu.memory_space<hbm>> -> memref<8x125xi32, #tpu.memory_space<hbm>>
          %dma_start3A_1425 = arith.constant 0 : i32
          %dma_start3A_1426 = arith.constant 0 : i32
          %dma_start3A_1427 = tpu.memref_slice %arg7[%run_scoped3A_1216, %dma_start3A_1425, %dma_start3A_1426] : memref<2x8x125xi32, #tpu.memory_space<vmem>> -> memref<1x8x125xi32, #tpu.memory_space<vmem>>
          %dma_start3A_1428 = tpu.memref_squeeze %dma_start3A_1427 : memref<1x8x125xi32, #tpu.memory_space<vmem>> -> memref<8x125xi32, #tpu.memory_space<vmem>>
          %dma_start3A_1429 = arith.constant 0 : i32
          %dma_start3A_1430 = tpu.memref_slice %arg2[%run_scoped3A_1215, %add3A_1214, %dma_start3A_1429] : memref<2x12800x125xi32, #tpu.memory_space<hbm>> -> memref<1x8x125xi32, #tpu.memory_space<hbm>>
          %dma_start3A_1431 = tpu.memref_squeeze %dma_start3A_1430 : memref<1x8x125xi32, #tpu.memory_space<hbm>> -> memref<8x125xi32, #tpu.memory_space<hbm>>
          tpu.enqueue_dma source(%dma_start3A_1431 : memref<8x125xi32, #tpu.memory_space<hbm>>) target(%dma_start3A_1428 : memref<8x125xi32, #tpu.memory_space<vmem>>) target_semaphore(%run_scoped3A_1417 : memref<!tpu.dma_semaphore, #tpu.memory_space<semaphore_mem>>)
          %dma_wait3A_1432 = arith.constant 0 : i32
          %dma_wait3A_1433 = arith.constant 0 : i32
          %dma_wait3A_1434 = tpu.memref_slice %arg7[%run_scoped3A_1216, %dma_wait3A_1432, %dma_wait3A_1433] : memref<2x8x125xi32, #tpu.memory_space<vmem>> -> memref<1x8x125xi32, #tpu.memory_space<vmem>>
          %dma_wait3A_1435 = tpu.memref_squeeze %dma_wait3A_1434 : memref<1x8x125xi32, #tpu.memory_space<vmem>> -> memref<8x125xi32, #tpu.memory_space<vmem>>
          %dma_wait3A_1436 = arith.constant 0 : i32
          %dma_wait3A_1437 = tpu.memref_slice %arg2[%run_scoped3A_1215, %add3A_1214, %dma_wait3A_1436] : memref<2x12800x125xi32, #tpu.memory_space<hbm>> -> memref<1x8x125xi32, #tpu.memory_space<hbm>>
          %dma_wait3A_1438 = tpu.memref_squeeze %dma_wait3A_1437 : memref<1x8x125xi32, #tpu.memory_space<hbm>> -> memref<8x125xi32, #tpu.memory_space<hbm>>
          %dma_wait3A_1439 = arith.constant 0 : i32
          %dma_wait3A_1440 = arith.constant 0 : i32
          %dma_wait3A_1441 = tpu.memref_slice %arg7[%run_scoped3A_1216, %dma_wait3A_1439, %dma_wait3A_1440] : memref<2x8x125xi32, #tpu.memory_space<vmem>> -> memref<1x8x125xi32, #tpu.memory_space<vmem>>
          %dma_wait3A_1442 = tpu.memref_squeeze %dma_wait3A_1441 : memref<1x8x125xi32, #tpu.memory_space<vmem>> -> memref<8x125xi32, #tpu.memory_space<vmem>>
          %dma_wait3A_1443 = arith.constant 0 : i32
          %dma_wait3A_1444 = tpu.memref_slice %arg2[%run_scoped3A_1215, %add3A_1214, %dma_wait3A_1443] : memref<2x12800x125xi32, #tpu.memory_space<hbm>> -> memref<1x8x125xi32, #tpu.memory_space<hbm>>
          %dma_wait3A_1445 = tpu.memref_squeeze %dma_wait3A_1444 : memref<1x8x125xi32, #tpu.memory_space<hbm>> -> memref<8x125xi32, #tpu.memory_space<hbm>>
          tpu.wait_dma2 semaphore(%run_scoped3A_1417 : memref<!tpu.dma_semaphore, #tpu.memory_space<semaphore_mem>>) src(%dma_wait3A_1445 : memref<8x125xi32, #tpu.memory_space<hbm>>) dst(%dma_wait3A_1442 : memref<8x125xi32, #tpu.memory_space<vmem>>)
          tpu.yield
        }) : () -> ()
        %dma_start3A_1217 = arith.constant 0 : i32
        %dma_start3A_1218 = arith.constant 0 : i32
        %dma_start3A_1219 = arith.constant 0 : i32
        %dma_start3A_1220 = arith.constant 0 : i32
        %dma_start3A_1221 = arith.constant 0 : i32
        %dma_start3A_1222 = arith.constant 0 : i32
        %dma_start3A_1223 = arith.constant 0 : i32
        %dma_start3A_1224 = tpu.memref_slice %arg8[%dma_start3A_1219, %dma_start3A_1221, %dma_start3A_1222, %dma_start3A_1223] : memref<2x8x125x24xf32, #tpu.memory_space<vmem>> -> memref<1x8x125x24xf32, #tpu.memory_space<vmem>>
        %dma_start3A_1225 = tpu.memref_squeeze %dma_start3A_1224 : memref<1x8x125x24xf32, #tpu.memory_space<vmem>> -> memref<8x125x24xf32, #tpu.memory_space<vmem>>
        %dma_start3A_1226 = arith.constant 0 : i32
        %dma_start3A_1227 = arith.constant 0 : i32
        %dma_start3A_1228 = tpu.memref_slice %dma_start3A_1225[%dma_start3A_1220, %dma_start3A_1226, %dma_start3A_1227] : memref<8x125x24xf32, #tpu.memory_space<vmem>> -> memref<1x125x24xf32, #tpu.memory_space<vmem>>
        %dma_start3A_1229 = tpu.memref_squeeze %dma_start3A_1228 : memref<1x125x24xf32, #tpu.memory_space<vmem>> -> memref<125x24xf32, #tpu.memory_space<vmem>>
        %dma_start3A_1230 = arith.constant 0 : i32
        %dma_start3A_1231 = arith.constant 0 : i32
        %dma_start3A_1232 = tpu.memref_slice %arg6[%dma_start3A_1217, %dma_start3A_1230, %dma_start3A_1231] : memref<2x8x125xi32, #tpu.memory_space<vmem>> -> memref<1x8x125xi32, #tpu.memory_space<vmem>>
        %dma_start3A_1233 = tpu.memref_squeeze %dma_start3A_1232 : memref<1x8x125xi32, #tpu.memory_space<vmem>> -> memref<8x125xi32, #tpu.memory_space<vmem>>
        %dma_start3A_1234 = arith.constant 0 : i32
        %dma_start3A_1235 = tpu.memref_slice %dma_start3A_1233[%dma_start3A_1218, %dma_start3A_1234] : memref<8x125xi32, #tpu.memory_space<vmem>> -> memref<1x125xi32, #tpu.memory_space<vmem>>
        %dma_start3A_1236 = tpu.memref_squeeze %dma_start3A_1235 : memref<1x125xi32, #tpu.memory_space<vmem>> -> memref<125xi32, #tpu.memory_space<vmem>>
        %dma_start3A_1237 = arith.constant 0 : i32
        %dma_start3A_1238 = tpu.memref_slice %arg3[%mul3A_0, %dma_start3A_1237] : memref<100000x24xf32, #tpu.memory_space<hbm>> -> memref<50000x24xf32, #tpu.memory_space<hbm>>
        %dma_start3A_1239 = arith.constant 0 : i32
        %dma_start3A_1240 = arith.constant 0 : i32
        %dma_start3A_1241 = tpu.memref_slice %dma_start3A_1238[%dma_start3A_1239, %dma_start3A_1240] : memref<50000x24xf32, #tpu.memory_space<hbm>> -> memref<50000x24xf32, #tpu.memory_space<hbm>>
        tpu.enqueue_indirect_dma source(%dma_start3A_1241 : memref<50000x24xf32, #tpu.memory_space<hbm>>) target(%dma_start3A_1229 : memref<125x24xf32, #tpu.memory_space<vmem>>) offsets(%dma_start3A_1236 : memref<125xi32, #tpu.memory_space<vmem>>) semaphore(%arg10 : memref<!tpu.dma_semaphore, #tpu.memory_space<semaphore_mem>>)
        %dma_start3A_1242 = arith.constant 0 : i32
        %dma_start3A_1243 = arith.constant 1 : i32
        %dma_start3A_1244 = arith.constant 0 : i32
        %dma_start3A_1245 = arith.constant 1 : i32
        %dma_start3A_1246 = arith.constant 0 : i32
        %dma_start3A_1247 = arith.constant 0 : i32
        %dma_start3A_1248 = arith.constant 0 : i32
        %dma_start3A_1249 = tpu.memref_slice %arg8[%dma_start3A_1244, %dma_start3A_1246, %dma_start3A_1247, %dma_start3A_1248] : memref<2x8x125x24xf32, #tpu.memory_space<vmem>> -> memref<1x8x125x24xf32, #tpu.memory_space<vmem>>
        %dma_start3A_1250 = tpu.memref_squeeze %dma_start3A_1249 : memref<1x8x125x24xf32, #tpu.memory_space<vmem>> -> memref<8x125x24xf32, #tpu.memory_space<vmem>>
        %dma_start3A_1251 = arith.constant 0 : i32
        %dma_start3A_1252 = arith.constant 0 : i32
        %dma_start3A_1253 = tpu.memref_slice %dma_start3A_1250[%dma_start3A_1245, %dma_start3A_1251, %dma_start3A_1252] : memref<8x125x24xf32, #tpu.memory_space<vmem>> -> memref<1x125x24xf32, #tpu.memory_space<vmem>>
        %dma_start3A_1254 = tpu.memref_squeeze %dma_start3A_1253 : memref<1x125x24xf32, #tpu.memory_space<vmem>> -> memref<125x24xf32, #tpu.memory_space<vmem>>
        %dma_start3A_1255 = arith.constant 0 : i32
        %dma_start3A_1256 = arith.constant 0 : i32
        %dma_start3A_1257 = tpu.memref_slice %arg6[%dma_start3A_1242, %dma_start3A_1255, %dma_start3A_1256] : memref<2x8x125xi32, #tpu.memory_space<vmem>> -> memref<1x8x125xi32, #tpu.memory_space<vmem>>
        %dma_start3A_1258 = tpu.memref_squeeze %dma_start3A_1257 : memref<1x8x125xi32, #tpu.memory_space<vmem>> -> memref<8x125xi32, #tpu.memory_space<vmem>>
        %dma_start3A_1259 = arith.constant 0 : i32
        %dma_start3A_1260 = tpu.memref_slice %dma_start3A_1258[%dma_start3A_1243, %dma_start3A_1259] : memref<8x125xi32, #tpu.memory_space<vmem>> -> memref<1x125xi32, #tpu.memory_space<vmem>>
        %dma_start3A_1261 = tpu.memref_squeeze %dma_start3A_1260 : memref<1x125xi32, #tpu.memory_space<vmem>> -> memref<125xi32, #tpu.memory_space<vmem>>
        %dma_start3A_1262 = arith.constant 0 : i32
        %dma_start3A_1263 = tpu.memref_slice %arg3[%mul3A_0, %dma_start3A_1262] : memref<100000x24xf32, #tpu.memory_space<hbm>> -> memref<50000x24xf32, #tpu.memory_space<hbm>>
        %dma_start3A_1264 = arith.constant 0 : i32
        %dma_start3A_1265 = arith.constant 0 : i32
        %dma_start3A_1266 = tpu.memref_slice %dma_start3A_1263[%dma_start3A_1264, %dma_start3A_1265] : memref<50000x24xf32, #tpu.memory_space<hbm>> -> memref<50000x24xf32, #tpu.memory_space<hbm>>
        tpu.enqueue_indirect_dma source(%dma_start3A_1266 : memref<50000x24xf32, #tpu.memory_space<hbm>>) target(%dma_start3A_1254 : memref<125x24xf32, #tpu.memory_space<vmem>>) offsets(%dma_start3A_1261 : memref<125xi32, #tpu.memory_space<vmem>>) semaphore(%arg10 : memref<!tpu.dma_semaphore, #tpu.memory_space<semaphore_mem>>)
        %dma_start3A_1267 = arith.constant 0 : i32
        %dma_start3A_1268 = arith.constant 2 : i32
        %dma_start3A_1269 = arith.constant 0 : i32
        %dma_start3A_1270 = arith.constant 2 : i32
        %dma_start3A_1271 = arith.constant 0 : i32
        %dma_start3A_1272 = arith.constant 0 : i32
        %dma_start3A_1273 = arith.constant 0 : i32
        %dma_start3A_1274 = tpu.memref_slice %arg8[%dma_start3A_1269, %dma_start3A_1271, %dma_start3A_1272, %dma_start3A_1273] : memref<2x8x125x24xf32, #tpu.memory_space<vmem>> -> memref<1x8x125x24xf32, #tpu.memory_space<vmem>>
        %dma_start3A_1275 = tpu.memref_squeeze %dma_start3A_1274 : memref<1x8x125x24xf32, #tpu.memory_space<vmem>> -> memref<8x125x24xf32, #tpu.memory_space<vmem>>
        %dma_start3A_1276 = arith.constant 0 : i32
        %dma_start3A_1277 = arith.constant 0 : i32
        %dma_start3A_1278 = tpu.memref_slice %dma_start3A_1275[%dma_start3A_1270, %dma_start3A_1276, %dma_start3A_1277] : memref<8x125x24xf32, #tpu.memory_space<vmem>> -> memref<1x125x24xf32, #tpu.memory_space<vmem>>
        %dma_start3A_1279 = tpu.memref_squeeze %dma_start3A_1278 : memref<1x125x24xf32, #tpu.memory_space<vmem>> -> memref<125x24xf32, #tpu.memory_space<vmem>>
        %dma_start3A_1280 = arith.constant 0 : i32
        %dma_start3A_1281 = arith.constant 0 : i32
        %dma_start3A_1282 = tpu.memref_slice %arg6[%dma_start3A_1267, %dma_start3A_1280, %dma_start3A_1281] : memref<2x8x125xi32, #tpu.memory_space<vmem>> -> memref<1x8x125xi32, #tpu.memory_space<vmem>>
        %dma_start3A_1283 = tpu.memref_squeeze %dma_start3A_1282 : memref<1x8x125xi32, #tpu.memory_space<vmem>> -> memref<8x125xi32, #tpu.memory_space<vmem>>
        %dma_start3A_1284 = arith.constant 0 : i32
        %dma_start3A_1285 = tpu.memref_slice %dma_start3A_1283[%dma_start3A_1268, %dma_start3A_1284] : memref<8x125xi32, #tpu.memory_space<vmem>> -> memref<1x125xi32, #tpu.memory_space<vmem>>
        %dma_start3A_1286 = tpu.memref_squeeze %dma_start3A_1285 : memref<1x125xi32, #tpu.memory_space<vmem>> -> memref<125xi32, #tpu.memory_space<vmem>>
        %dma_start3A_1287 = arith.constant 0 : i32
        %dma_start3A_1288 = tpu.memref_slice %arg3[%mul3A_0, %dma_start3A_1287] : memref<100000x24xf32, #tpu.memory_space<hbm>> -> memref<50000x24xf32, #tpu.memory_space<hbm>>
        %dma_start3A_1289 = arith.constant 0 : i32
        %dma_start3A_1290 = arith.constant 0 : i32
        %dma_start3A_1291 = tpu.memref_slice %dma_start3A_1288[%dma_start3A_1289, %dma_start3A_1290] : memref<50000x24xf32, #tpu.memory_space<hbm>> -> memref<50000x24xf32, #tpu.memory_space<hbm>>
        tpu.enqueue_indirect_dma source(%dma_start3A_1291 : memref<50000x24xf32, #tpu.memory_space<hbm>>) target(%dma_start3A_1279 : memref<125x24xf32, #tpu.memory_space<vmem>>) offsets(%dma_start3A_1286 : memref<125xi32, #tpu.memory_space<vmem>>) semaphore(%arg10 : memref<!tpu.dma_semaphore, #tpu.memory_space<semaphore_mem>>)
        %dma_start3A_1292 = arith.constant 0 : i32
        %dma_start3A_1293 = arith.constant 3 : i32
        %dma_start3A_1294 = arith.constant 0 : i32
        %dma_start3A_1295 = arith.constant 3 : i32
        %dma_start3A_1296 = arith.constant 0 : i32
        %dma_start3A_1297 = arith.constant 0 : i32
        %dma_start3A_1298 = arith.constant 0 : i32
        %dma_start3A_1299 = tpu.memref_slice %arg8[%dma_start3A_1294, %dma_start3A_1296, %dma_start3A_1297, %dma_start3A_1298] : memref<2x8x125x24xf32, #tpu.memory_space<vmem>> -> memref<1x8x125x24xf32, #tpu.memory_space<vmem>>
        %dma_start3A_1300 = tpu.memref_squeeze %dma_start3A_1299 : memref<1x8x125x24xf32, #tpu.memory_space<vmem>> -> memref<8x125x24xf32, #tpu.memory_space<vmem>>
        %dma_start3A_1301 = arith.constant 0 : i32
        %dma_start3A_1302 = arith.constant 0 : i32
        %dma_start3A_1303 = tpu.memref_slice %dma_start3A_1300[%dma_start3A_1295, %dma_start3A_1301, %dma_start3A_1302] : memref<8x125x24xf32, #tpu.memory_space<vmem>> -> memref<1x125x24xf32, #tpu.memory_space<vmem>>
        %dma_start3A_1304 = tpu.memref_squeeze %dma_start3A_1303 : memref<1x125x24xf32, #tpu.memory_space<vmem>> -> memref<125x24xf32, #tpu.memory_space<vmem>>
        %dma_start3A_1305 = arith.constant 0 : i32
        %dma_start3A_1306 = arith.constant 0 : i32
        %dma_start3A_1307 = tpu.memref_slice %arg6[%dma_start3A_1292, %dma_start3A_1305, %dma_start3A_1306] : memref<2x8x125xi32, #tpu.memory_space<vmem>> -> memref<1x8x125xi32, #tpu.memory_space<vmem>>
        %dma_start3A_1308 = tpu.memref_squeeze %dma_start3A_1307 : memref<1x8x125xi32, #tpu.memory_space<vmem>> -> memref<8x125xi32, #tpu.memory_space<vmem>>
        %dma_start3A_1309 = arith.constant 0 : i32
        %dma_start3A_1310 = tpu.memref_slice %dma_start3A_1308[%dma_start3A_1293, %dma_start3A_1309] : memref<8x125xi32, #tpu.memory_space<vmem>> -> memref<1x125xi32, #tpu.memory_space<vmem>>
        %dma_start3A_1311 = tpu.memref_squeeze %dma_start3A_1310 : memref<1x125xi32, #tpu.memory_space<vmem>> -> memref<125xi32, #tpu.memory_space<vmem>>
        %dma_start3A_1312 = arith.constant 0 : i32
        %dma_start3A_1313 = tpu.memref_slice %arg3[%mul3A_0, %dma_start3A_1312] : memref<100000x24xf32, #tpu.memory_space<hbm>> -> memref<50000x24xf32, #tpu.memory_space<hbm>>
        %dma_start3A_1314 = arith.constant 0 : i32
        %dma_start3A_1315 = arith.constant 0 : i32
        %dma_start3A_1316 = tpu.memref_slice %dma_start3A_1313[%dma_start3A_1314, %dma_start3A_1315] : memref<50000x24xf32, #tpu.memory_space<hbm>> -> memref<50000x24xf32, #tpu.memory_space<hbm>>
        tpu.enqueue_indirect_dma source(%dma_start3A_1316 : memref<50000x24xf32, #tpu.memory_space<hbm>>) target(%dma_start3A_1304 : memref<125x24xf32, #tpu.memory_space<vmem>>) offsets(%dma_start3A_1311 : memref<125xi32, #tpu.memory_space<vmem>>) semaphore(%arg10 : memref<!tpu.dma_semaphore, #tpu.memory_space<semaphore_mem>>)
        %dma_start3A_1317 = arith.constant 0 : i32
        %dma_start3A_1318 = arith.constant 4 : i32
        %dma_start3A_1319 = arith.constant 0 : i32
        %dma_start3A_1320 = arith.constant 4 : i32
        %dma_start3A_1321 = arith.constant 0 : i32
        %dma_start3A_1322 = arith.constant 0 : i32
        %dma_start3A_1323 = arith.constant 0 : i32
        %dma_start3A_1324 = tpu.memref_slice %arg8[%dma_start3A_1319, %dma_start3A_1321, %dma_start3A_1322, %dma_start3A_1323] : memref<2x8x125x24xf32, #tpu.memory_space<vmem>> -> memref<1x8x125x24xf32, #tpu.memory_space<vmem>>
        %dma_start3A_1325 = tpu.memref_squeeze %dma_start3A_1324 : memref<1x8x125x24xf32, #tpu.memory_space<vmem>> -> memref<8x125x24xf32, #tpu.memory_space<vmem>>
        %dma_start3A_1326 = arith.constant 0 : i32
        %dma_start3A_1327 = arith.constant 0 : i32
        %dma_start3A_1328 = tpu.memref_slice %dma_start3A_1325[%dma_start3A_1320, %dma_start3A_1326, %dma_start3A_1327] : memref<8x125x24xf32, #tpu.memory_space<vmem>> -> memref<1x125x24xf32, #tpu.memory_space<vmem>>
        %dma_start3A_1329 = tpu.memref_squeeze %dma_start3A_1328 : memref<1x125x24xf32, #tpu.memory_space<vmem>> -> memref<125x24xf32, #tpu.memory_space<vmem>>
        %dma_start3A_1330 = arith.constant 0 : i32
        %dma_start3A_1331 = arith.constant 0 : i32
        %dma_start3A_1332 = tpu.memref_slice %arg6[%dma_start3A_1317, %dma_start3A_1330, %dma_start3A_1331] : memref<2x8x125xi32, #tpu.memory_space<vmem>> -> memref<1x8x125xi32, #tpu.memory_space<vmem>>
        %dma_start3A_1333 = tpu.memref_squeeze %dma_start3A_1332 : memref<1x8x125xi32, #tpu.memory_space<vmem>> -> memref<8x125xi32, #tpu.memory_space<vmem>>
        %dma_start3A_1334 = arith.constant 0 : i32
        %dma_start3A_1335 = tpu.memref_slice %dma_start3A_1333[%dma_start3A_1318, %dma_start3A_1334] : memref<8x125xi32, #tpu.memory_space<vmem>> -> memref<1x125xi32, #tpu.memory_space<vmem>>
        %dma_start3A_1336 = tpu.memref_squeeze %dma_start3A_1335 : memref<1x125xi32, #tpu.memory_space<vmem>> -> memref<125xi32, #tpu.memory_space<vmem>>
        %dma_start3A_1337 = arith.constant 0 : i32
        %dma_start3A_1338 = tpu.memref_slice %arg3[%mul3A_0, %dma_start3A_1337] : memref<100000x24xf32, #tpu.memory_space<hbm>> -> memref<50000x24xf32, #tpu.memory_space<hbm>>
        %dma_start3A_1339 = arith.constant 0 : i32
        %dma_start3A_1340 = arith.constant 0 : i32
        %dma_start3A_1341 = tpu.memref_slice %dma_start3A_1338[%dma_start3A_1339, %dma_start3A_1340] : memref<50000x24xf32, #tpu.memory_space<hbm>> -> memref<50000x24xf32, #tpu.memory_space<hbm>>
        tpu.enqueue_indirect_dma source(%dma_start3A_1341 : memref<50000x24xf32, #tpu.memory_space<hbm>>) target(%dma_start3A_1329 : memref<125x24xf32, #tpu.memory_space<vmem>>) offsets(%dma_start3A_1336 : memref<125xi32, #tpu.memory_space<vmem>>) semaphore(%arg10 : memref<!tpu.dma_semaphore, #tpu.memory_space<semaphore_mem>>)
        %dma_start3A_1342 = arith.constant 0 : i32
        %dma_start3A_1343 = arith.constant 5 : i32
        %dma_start3A_1344 = arith.constant 0 : i32
        %dma_start3A_1345 = arith.constant 5 : i32
        %dma_start3A_1346 = arith.constant 0 : i32
        %dma_start3A_1347 = arith.constant 0 : i32
        %dma_start3A_1348 = arith.constant 0 : i32
        %dma_start3A_1349 = tpu.memref_slice %arg8[%dma_start3A_1344, %dma_start3A_1346, %dma_start3A_1347, %dma_start3A_1348] : memref<2x8x125x24xf32, #tpu.memory_space<vmem>> -> memref<1x8x125x24xf32, #tpu.memory_space<vmem>>
        %dma_start3A_1350 = tpu.memref_squeeze %dma_start3A_1349 : memref<1x8x125x24xf32, #tpu.memory_space<vmem>> -> memref<8x125x24xf32, #tpu.memory_space<vmem>>
        %dma_start3A_1351 = arith.constant 0 : i32
        %dma_start3A_1352 = arith.constant 0 : i32
        %dma_start3A_1353 = tpu.memref_slice %dma_start3A_1350[%dma_start3A_1345, %dma_start3A_1351, %dma_start3A_1352] : memref<8x125x24xf32, #tpu.memory_space<vmem>> -> memref<1x125x24xf32, #tpu.memory_space<vmem>>
        %dma_start3A_1354 = tpu.memref_squeeze %dma_start3A_1353 : memref<1x125x24xf32, #tpu.memory_space<vmem>> -> memref<125x24xf32, #tpu.memory_space<vmem>>
        %dma_start3A_1355 = arith.constant 0 : i32
        %dma_start3A_1356 = arith.constant 0 : i32
        %dma_start3A_1357 = tpu.memref_slice %arg6[%dma_start3A_1342, %dma_start3A_1355, %dma_start3A_1356] : memref<2x8x125xi32, #tpu.memory_space<vmem>> -> memref<1x8x125xi32, #tpu.memory_space<vmem>>
        %dma_start3A_1358 = tpu.memref_squeeze %dma_start3A_1357 : memref<1x8x125xi32, #tpu.memory_space<vmem>> -> memref<8x125xi32, #tpu.memory_space<vmem>>
        %dma_start3A_1359 = arith.constant 0 : i32
        %dma_start3A_1360 = tpu.memref_slice %dma_start3A_1358[%dma_start3A_1343, %dma_start3A_1359] : memref<8x125xi32, #tpu.memory_space<vmem>> -> memref<1x125xi32, #tpu.memory_space<vmem>>
        %dma_start3A_1361 = tpu.memref_squeeze %dma_start3A_1360 : memref<1x125xi32, #tpu.memory_space<vmem>> -> memref<125xi32, #tpu.memory_space<vmem>>
        %dma_start3A_1362 = arith.constant 0 : i32
        %dma_start3A_1363 = tpu.memref_slice %arg3[%mul3A_0, %dma_start3A_1362] : memref<100000x24xf32, #tpu.memory_space<hbm>> -> memref<50000x24xf32, #tpu.memory_space<hbm>>
        %dma_start3A_1364 = arith.constant 0 : i32
        %dma_start3A_1365 = arith.constant 0 : i32
        %dma_start3A_1366 = tpu.memref_slice %dma_start3A_1363[%dma_start3A_1364, %dma_start3A_1365] : memref<50000x24xf32, #tpu.memory_space<hbm>> -> memref<50000x24xf32, #tpu.memory_space<hbm>>
        tpu.enqueue_indirect_dma source(%dma_start3A_1366 : memref<50000x24xf32, #tpu.memory_space<hbm>>) target(%dma_start3A_1354 : memref<125x24xf32, #tpu.memory_space<vmem>>) offsets(%dma_start3A_1361 : memref<125xi32, #tpu.memory_space<vmem>>) semaphore(%arg10 : memref<!tpu.dma_semaphore, #tpu.memory_space<semaphore_mem>>)
        %dma_start3A_1367 = arith.constant 0 : i32
        %dma_start3A_1368 = arith.constant 6 : i32
        %dma_start3A_1369 = arith.constant 0 : i32
        %dma_start3A_1370 = arith.constant 6 : i32
        %dma_start3A_1371 = arith.constant 0 : i32
        %dma_start3A_1372 = arith.constant 0 : i32
        %dma_start3A_1373 = arith.constant 0 : i32
        %dma_start3A_1374 = tpu.memref_slice %arg8[%dma_start3A_1369, %dma_start3A_1371, %dma_start3A_1372, %dma_start3A_1373] : memref<2x8x125x24xf32, #tpu.memory_space<vmem>> -> memref<1x8x125x24xf32, #tpu.memory_space<vmem>>
        %dma_start3A_1375 = tpu.memref_squeeze %dma_start3A_1374 : memref<1x8x125x24xf32, #tpu.memory_space<vmem>> -> memref<8x125x24xf32, #tpu.memory_space<vmem>>
        %dma_start3A_1376 = arith.constant 0 : i32
        %dma_start3A_1377 = arith.constant 0 : i32
        %dma_start3A_1378 = tpu.memref_slice %dma_start3A_1375[%dma_start3A_1370, %dma_start3A_1376, %dma_start3A_1377] : memref<8x125x24xf32, #tpu.memory_space<vmem>> -> memref<1x125x24xf32, #tpu.memory_space<vmem>>
        %dma_start3A_1379 = tpu.memref_squeeze %dma_start3A_1378 : memref<1x125x24xf32, #tpu.memory_space<vmem>> -> memref<125x24xf32, #tpu.memory_space<vmem>>
        %dma_start3A_1380 = arith.constant 0 : i32
        %dma_start3A_1381 = arith.constant 0 : i32
        %dma_start3A_1382 = tpu.memref_slice %arg6[%dma_start3A_1367, %dma_start3A_1380, %dma_start3A_1381] : memref<2x8x125xi32, #tpu.memory_space<vmem>> -> memref<1x8x125xi32, #tpu.memory_space<vmem>>
        %dma_start3A_1383 = tpu.memref_squeeze %dma_start3A_1382 : memref<1x8x125xi32, #tpu.memory_space<vmem>> -> memref<8x125xi32, #tpu.memory_space<vmem>>
        %dma_start3A_1384 = arith.constant 0 : i32
        %dma_start3A_1385 = tpu.memref_slice %dma_start3A_1383[%dma_start3A_1368, %dma_start3A_1384] : memref<8x125xi32, #tpu.memory_space<vmem>> -> memref<1x125xi32, #tpu.memory_space<vmem>>
        %dma_start3A_1386 = tpu.memref_squeeze %dma_start3A_1385 : memref<1x125xi32, #tpu.memory_space<vmem>> -> memref<125xi32, #tpu.memory_space<vmem>>
        %dma_start3A_1387 = arith.constant 0 : i32
        %dma_start3A_1388 = tpu.memref_slice %arg3[%mul3A_0, %dma_start3A_1387] : memref<100000x24xf32, #tpu.memory_space<hbm>> -> memref<50000x24xf32, #tpu.memory_space<hbm>>
        %dma_start3A_1389 = arith.constant 0 : i32
        %dma_start3A_1390 = arith.constant 0 : i32
        %dma_start3A_1391 = tpu.memref_slice %dma_start3A_1388[%dma_start3A_1389, %dma_start3A_1390] : memref<50000x24xf32, #tpu.memory_space<hbm>> -> memref<50000x24xf32, #tpu.memory_space<hbm>>
        tpu.enqueue_indirect_dma source(%dma_start3A_1391 : memref<50000x24xf32, #tpu.memory_space<hbm>>) target(%dma_start3A_1379 : memref<125x24xf32, #tpu.memory_space<vmem>>) offsets(%dma_start3A_1386 : memref<125xi32, #tpu.memory_space<vmem>>) semaphore(%arg10 : memref<!tpu.dma_semaphore, #tpu.memory_space<semaphore_mem>>)
        %dma_start3A_1392 = arith.constant 0 : i32
        %dma_start3A_1393 = arith.constant 7 : i32
        %dma_start3A_1394 = arith.constant 0 : i32
        %dma_start3A_1395 = arith.constant 7 : i32
        %dma_start3A_1396 = arith.constant 0 : i32
        %dma_start3A_1397 = arith.constant 0 : i32
        %dma_start3A_1398 = arith.constant 0 : i32
        %dma_start3A_1399 = tpu.memref_slice %arg8[%dma_start3A_1394, %dma_start3A_1396, %dma_start3A_1397, %dma_start3A_1398] : memref<2x8x125x24xf32, #tpu.memory_space<vmem>> -> memref<1x8x125x24xf32, #tpu.memory_space<vmem>>
        %dma_start3A_1400 = tpu.memref_squeeze %dma_start3A_1399 : memref<1x8x125x24xf32, #tpu.memory_space<vmem>> -> memref<8x125x24xf32, #tpu.memory_space<vmem>>
        %dma_start3A_1401 = arith.constant 0 : i32
        %dma_start3A_1402 = arith.constant 0 : i32
        %dma_start3A_1403 = tpu.memref_slice %dma_start3A_1400[%dma_start3A_1395, %dma_start3A_1401, %dma_start3A_1402] : memref<8x125x24xf32, #tpu.memory_space<vmem>> -> memref<1x125x24xf32, #tpu.memory_space<vmem>>
        %dma_start3A_1404 = tpu.memref_squeeze %dma_start3A_1403 : memref<1x125x24xf32, #tpu.memory_space<vmem>> -> memref<125x24xf32, #tpu.memory_space<vmem>>
        %dma_start3A_1405 = arith.constant 0 : i32
        %dma_start3A_1406 = arith.constant 0 : i32
        %dma_start3A_1407 = tpu.memref_slice %arg6[%dma_start3A_1392, %dma_start3A_1405, %dma_start3A_1406] : memref<2x8x125xi32, #tpu.memory_space<vmem>> -> memref<1x8x125xi32, #tpu.memory_space<vmem>>
        %dma_start3A_1408 = tpu.memref_squeeze %dma_start3A_1407 : memref<1x8x125xi32, #tpu.memory_space<vmem>> -> memref<8x125xi32, #tpu.memory_space<vmem>>
        %dma_start3A_1409 = arith.constant 0 : i32
        %dma_start3A_1410 = tpu.memref_slice %dma_start3A_1408[%dma_start3A_1393, %dma_start3A_1409] : memref<8x125xi32, #tpu.memory_space<vmem>> -> memref<1x125xi32, #tpu.memory_space<vmem>>
        %dma_start3A_1411 = tpu.memref_squeeze %dma_start3A_1410 : memref<1x125xi32, #tpu.memory_space<vmem>> -> memref<125xi32, #tpu.memory_space<vmem>>
        %dma_start3A_1412 = arith.constant 0 : i32
        %dma_start3A_1413 = tpu.memref_slice %arg3[%mul3A_0, %dma_start3A_1412] : memref<100000x24xf32, #tpu.memory_space<hbm>> -> memref<50000x24xf32, #tpu.memory_space<hbm>>
        %dma_start3A_1414 = arith.constant 0 : i32
        %dma_start3A_1415 = arith.constant 0 : i32
        %dma_start3A_1416 = tpu.memref_slice %dma_start3A_1413[%dma_start3A_1414, %dma_start3A_1415] : memref<50000x24xf32, #tpu.memory_space<hbm>> -> memref<50000x24xf32, #tpu.memory_space<hbm>>
        tpu.enqueue_indirect_dma source(%dma_start3A_1416 : memref<50000x24xf32, #tpu.memory_space<hbm>>) target(%dma_start3A_1404 : memref<125x24xf32, #tpu.memory_space<vmem>>) offsets(%dma_start3A_1411 : memref<125xi32, #tpu.memory_space<vmem>>) semaphore(%arg10 : memref<!tpu.dma_semaphore, #tpu.memory_space<semaphore_mem>>)
      } else {
      }
    }
    %scan3A_216 = arith.constant 50 : i32
    %dma_wait3A = arith.constant 1 : i32
    %dma_wait3A_217 = arith.constant 0 : i32
    %dma_wait3A_218 = arith.constant 1 : i32
    %dma_wait3A_219 = arith.constant 0 : i32
    %dma_wait3A_220 = arith.constant 0 : i32
    %dma_wait3A_221 = arith.constant 0 : i32
    %dma_wait3A_222 = arith.constant 0 : i32
    %dma_wait3A_223 = tpu.memref_slice %arg8[%dma_wait3A, %dma_wait3A_220, %dma_wait3A_221, %dma_wait3A_222] : memref<2x8x125x24xf32, #tpu.memory_space<vmem>> -> memref<1x8x125x24xf32, #tpu.memory_space<vmem>>
    %dma_wait3A_224 = tpu.memref_squeeze %dma_wait3A_223 : memref<1x8x125x24xf32, #tpu.memory_space<vmem>> -> memref<8x125x24xf32, #tpu.memory_space<vmem>>
    %dma_wait3A_225 = arith.constant 0 : i32
    %dma_wait3A_226 = arith.constant 0 : i32
    %dma_wait3A_227 = tpu.memref_slice %dma_wait3A_224[%dma_wait3A_217, %dma_wait3A_225, %dma_wait3A_226] : memref<8x125x24xf32, #tpu.memory_space<vmem>> -> memref<1x125x24xf32, #tpu.memory_space<vmem>>
    %dma_wait3A_228 = tpu.memref_squeeze %dma_wait3A_227 : memref<1x125x24xf32, #tpu.memory_space<vmem>> -> memref<125x24xf32, #tpu.memory_space<vmem>>
    %dma_wait3A_229 = arith.constant 0 : i32
    %dma_wait3A_230 = arith.constant 0 : i32
    %dma_wait3A_231 = tpu.memref_slice %arg7[%dma_wait3A_218, %dma_wait3A_229, %dma_wait3A_230] : memref<2x8x125xi32, #tpu.memory_space<vmem>> -> memref<1x8x125xi32, #tpu.memory_space<vmem>>
    %dma_wait3A_232 = tpu.memref_squeeze %dma_wait3A_231 : memref<1x8x125xi32, #tpu.memory_space<vmem>> -> memref<8x125xi32, #tpu.memory_space<vmem>>
    %dma_wait3A_233 = arith.constant 0 : i32
    %dma_wait3A_234 = tpu.memref_slice %dma_wait3A_232[%dma_wait3A_219, %dma_wait3A_233] : memref<8x125xi32, #tpu.memory_space<vmem>> -> memref<1x125xi32, #tpu.memory_space<vmem>>
    %dma_wait3A_235 = tpu.memref_squeeze %dma_wait3A_234 : memref<1x125xi32, #tpu.memory_space<vmem>> -> memref<125xi32, #tpu.memory_space<vmem>>
    %dma_wait3A_236 = arith.constant 0 : i32
    %dma_wait3A_237 = arith.constant 0 : i32
    %dma_wait3A_238 = tpu.memref_slice %arg9[%dma_wait3A_236, %dma_wait3A_237] : memref<50048x24xf32, #tpu.memory_space<vmem_shared>> -> memref<50048x24xf32, #tpu.memory_space<vmem_shared>>
    tpu.wait_indirect_dma semaphore(%arg11 : memref<!tpu.dma_semaphore, #tpu.memory_space<semaphore_mem>>) src(%dma_wait3A_228 : memref<125x24xf32, #tpu.memory_space<vmem>>) dst(%dma_wait3A_238 : memref<50048x24xf32, #tpu.memory_space<vmem_shared>>)
    %dma_wait3A_239 = arith.constant 1 : i32
    %dma_wait3A_240 = arith.constant 1 : i32
    %dma_wait3A_241 = arith.constant 1 : i32
    %dma_wait3A_242 = arith.constant 1 : i32
    %dma_wait3A_243 = arith.constant 0 : i32
    %dma_wait3A_244 = arith.constant 0 : i32
    %dma_wait3A_245 = arith.constant 0 : i32
    %dma_wait3A_246 = tpu.memref_slice %arg8[%dma_wait3A_239, %dma_wait3A_243, %dma_wait3A_244, %dma_wait3A_245] : memref<2x8x125x24xf32, #tpu.memory_space<vmem>> -> memref<1x8x125x24xf32, #tpu.memory_space<vmem>>
    %dma_wait3A_247 = tpu.memref_squeeze %dma_wait3A_246 : memref<1x8x125x24xf32, #tpu.memory_space<vmem>> -> memref<8x125x24xf32, #tpu.memory_space<vmem>>
    %dma_wait3A_248 = arith.constant 0 : i32
    %dma_wait3A_249 = arith.constant 0 : i32
    %dma_wait3A_250 = tpu.memref_slice %dma_wait3A_247[%dma_wait3A_240, %dma_wait3A_248, %dma_wait3A_249] : memref<8x125x24xf32, #tpu.memory_space<vmem>> -> memref<1x125x24xf32, #tpu.memory_space<vmem>>
    %dma_wait3A_251 = tpu.memref_squeeze %dma_wait3A_250 : memref<1x125x24xf32, #tpu.memory_space<vmem>> -> memref<125x24xf32, #tpu.memory_space<vmem>>
    %dma_wait3A_252 = arith.constant 0 : i32
    %dma_wait3A_253 = arith.constant 0 : i32
    %dma_wait3A_254 = tpu.memref_slice %arg7[%dma_wait3A_241, %dma_wait3A_252, %dma_wait3A_253] : memref<2x8x125xi32, #tpu.memory_space<vmem>> -> memref<1x8x125xi32, #tpu.memory_space<vmem>>
    %dma_wait3A_255 = tpu.memref_squeeze %dma_wait3A_254 : memref<1x8x125xi32, #tpu.memory_space<vmem>> -> memref<8x125xi32, #tpu.memory_space<vmem>>
    %dma_wait3A_256 = arith.constant 0 : i32
    %dma_wait3A_257 = tpu.memref_slice %dma_wait3A_255[%dma_wait3A_242, %dma_wait3A_256] : memref<8x125xi32, #tpu.memory_space<vmem>> -> memref<1x125xi32, #tpu.memory_space<vmem>>
    %dma_wait3A_258 = tpu.memref_squeeze %dma_wait3A_257 : memref<1x125xi32, #tpu.memory_space<vmem>> -> memref<125xi32, #tpu.memory_space<vmem>>
    %dma_wait3A_259 = arith.constant 0 : i32
    %dma_wait3A_260 = arith.constant 0 : i32
    %dma_wait3A_261 = tpu.memref_slice %arg9[%dma_wait3A_259, %dma_wait3A_260] : memref<50048x24xf32, #tpu.memory_space<vmem_shared>> -> memref<50048x24xf32, #tpu.memory_space<vmem_shared>>
    tpu.wait_indirect_dma semaphore(%arg11 : memref<!tpu.dma_semaphore, #tpu.memory_space<semaphore_mem>>) src(%dma_wait3A_251 : memref<125x24xf32, #tpu.memory_space<vmem>>) dst(%dma_wait3A_261 : memref<50048x24xf32, #tpu.memory_space<vmem_shared>>)
    %dma_wait3A_262 = arith.constant 1 : i32
    %dma_wait3A_263 = arith.constant 2 : i32
    %dma_wait3A_264 = arith.constant 1 : i32
    %dma_wait3A_265 = arith.constant 2 : i32
    %dma_wait3A_266 = arith.constant 0 : i32
    %dma_wait3A_267 = arith.constant 0 : i32
    %dma_wait3A_268 = arith.constant 0 : i32
    %dma_wait3A_269 = tpu.memref_slice %arg8[%dma_wait3A_262, %dma_wait3A_266, %dma_wait3A_267, %dma_wait3A_268] : memref<2x8x125x24xf32, #tpu.memory_space<vmem>> -> memref<1x8x125x24xf32, #tpu.memory_space<vmem>>
    %dma_wait3A_270 = tpu.memref_squeeze %dma_wait3A_269 : memref<1x8x125x24xf32, #tpu.memory_space<vmem>> -> memref<8x125x24xf32, #tpu.memory_space<vmem>>
    %dma_wait3A_271 = arith.constant 0 : i32
    %dma_wait3A_272 = arith.constant 0 : i32
    %dma_wait3A_273 = tpu.memref_slice %dma_wait3A_270[%dma_wait3A_263, %dma_wait3A_271, %dma_wait3A_272] : memref<8x125x24xf32, #tpu.memory_space<vmem>> -> memref<1x125x24xf32, #tpu.memory_space<vmem>>
    %dma_wait3A_274 = tpu.memref_squeeze %dma_wait3A_273 : memref<1x125x24xf32, #tpu.memory_space<vmem>> -> memref<125x24xf32, #tpu.memory_space<vmem>>
    %dma_wait3A_275 = arith.constant 0 : i32
    %dma_wait3A_276 = arith.constant 0 : i32
    %dma_wait3A_277 = tpu.memref_slice %arg7[%dma_wait3A_264, %dma_wait3A_275, %dma_wait3A_276] : memref<2x8x125xi32, #tpu.memory_space<vmem>> -> memref<1x8x125xi32, #tpu.memory_space<vmem>>
    %dma_wait3A_278 = tpu.memref_squeeze %dma_wait3A_277 : memref<1x8x125xi32, #tpu.memory_space<vmem>> -> memref<8x125xi32, #tpu.memory_space<vmem>>
    %dma_wait3A_279 = arith.constant 0 : i32
    %dma_wait3A_280 = tpu.memref_slice %dma_wait3A_278[%dma_wait3A_265, %dma_wait3A_279] : memref<8x125xi32, #tpu.memory_space<vmem>> -> memref<1x125xi32, #tpu.memory_space<vmem>>
    %dma_wait3A_281 = tpu.memref_squeeze %dma_wait3A_280 : memref<1x125xi32, #tpu.memory_space<vmem>> -> memref<125xi32, #tpu.memory_space<vmem>>
    %dma_wait3A_282 = arith.constant 0 : i32
    %dma_wait3A_283 = arith.constant 0 : i32
    %dma_wait3A_284 = tpu.memref_slice %arg9[%dma_wait3A_282, %dma_wait3A_283] : memref<50048x24xf32, #tpu.memory_space<vmem_shared>> -> memref<50048x24xf32, #tpu.memory_space<vmem_shared>>
    tpu.wait_indirect_dma semaphore(%arg11 : memref<!tpu.dma_semaphore, #tpu.memory_space<semaphore_mem>>) src(%dma_wait3A_274 : memref<125x24xf32, #tpu.memory_space<vmem>>) dst(%dma_wait3A_284 : memref<50048x24xf32, #tpu.memory_space<vmem_shared>>)
    %dma_wait3A_285 = arith.constant 1 : i32
    %dma_wait3A_286 = arith.constant 3 : i32
    %dma_wait3A_287 = arith.constant 1 : i32
    %dma_wait3A_288 = arith.constant 3 : i32
    %dma_wait3A_289 = arith.constant 0 : i32
    %dma_wait3A_290 = arith.constant 0 : i32
    %dma_wait3A_291 = arith.constant 0 : i32
    %dma_wait3A_292 = tpu.memref_slice %arg8[%dma_wait3A_285, %dma_wait3A_289, %dma_wait3A_290, %dma_wait3A_291] : memref<2x8x125x24xf32, #tpu.memory_space<vmem>> -> memref<1x8x125x24xf32, #tpu.memory_space<vmem>>
    %dma_wait3A_293 = tpu.memref_squeeze %dma_wait3A_292 : memref<1x8x125x24xf32, #tpu.memory_space<vmem>> -> memref<8x125x24xf32, #tpu.memory_space<vmem>>
    %dma_wait3A_294 = arith.constant 0 : i32
    %dma_wait3A_295 = arith.constant 0 : i32
    %dma_wait3A_296 = tpu.memref_slice %dma_wait3A_293[%dma_wait3A_286, %dma_wait3A_294, %dma_wait3A_295] : memref<8x125x24xf32, #tpu.memory_space<vmem>> -> memref<1x125x24xf32, #tpu.memory_space<vmem>>
    %dma_wait3A_297 = tpu.memref_squeeze %dma_wait3A_296 : memref<1x125x24xf32, #tpu.memory_space<vmem>> -> memref<125x24xf32, #tpu.memory_space<vmem>>
    %dma_wait3A_298 = arith.constant 0 : i32
    %dma_wait3A_299 = arith.constant 0 : i32
    %dma_wait3A_300 = tpu.memref_slice %arg7[%dma_wait3A_287, %dma_wait3A_298, %dma_wait3A_299] : memref<2x8x125xi32, #tpu.memory_space<vmem>> -> memref<1x8x125xi32, #tpu.memory_space<vmem>>
    %dma_wait3A_301 = tpu.memref_squeeze %dma_wait3A_300 : memref<1x8x125xi32, #tpu.memory_space<vmem>> -> memref<8x125xi32, #tpu.memory_space<vmem>>
    %dma_wait3A_302 = arith.constant 0 : i32
    %dma_wait3A_303 = tpu.memref_slice %dma_wait3A_301[%dma_wait3A_288, %dma_wait3A_302] : memref<8x125xi32, #tpu.memory_space<vmem>> -> memref<1x125xi32, #tpu.memory_space<vmem>>
    %dma_wait3A_304 = tpu.memref_squeeze %dma_wait3A_303 : memref<1x125xi32, #tpu.memory_space<vmem>> -> memref<125xi32, #tpu.memory_space<vmem>>
    %dma_wait3A_305 = arith.constant 0 : i32
    %dma_wait3A_306 = arith.constant 0 : i32
    %dma_wait3A_307 = tpu.memref_slice %arg9[%dma_wait3A_305, %dma_wait3A_306] : memref<50048x24xf32, #tpu.memory_space<vmem_shared>> -> memref<50048x24xf32, #tpu.memory_space<vmem_shared>>
    tpu.wait_indirect_dma semaphore(%arg11 : memref<!tpu.dma_semaphore, #tpu.memory_space<semaphore_mem>>) src(%dma_wait3A_297 : memref<125x24xf32, #tpu.memory_space<vmem>>) dst(%dma_wait3A_307 : memref<50048x24xf32, #tpu.memory_space<vmem_shared>>)
    %dma_wait3A_308 = arith.constant 1 : i32
    %dma_wait3A_309 = arith.constant 4 : i32
    %dma_wait3A_310 = arith.constant 1 : i32
    %dma_wait3A_311 = arith.constant 4 : i32
    %dma_wait3A_312 = arith.constant 0 : i32
    %dma_wait3A_313 = arith.constant 0 : i32
    %dma_wait3A_314 = arith.constant 0 : i32
    %dma_wait3A_315 = tpu.memref_slice %arg8[%dma_wait3A_308, %dma_wait3A_312, %dma_wait3A_313, %dma_wait3A_314] : memref<2x8x125x24xf32, #tpu.memory_space<vmem>> -> memref<1x8x125x24xf32, #tpu.memory_space<vmem>>
    %dma_wait3A_316 = tpu.memref_squeeze %dma_wait3A_315 : memref<1x8x125x24xf32, #tpu.memory_space<vmem>> -> memref<8x125x24xf32, #tpu.memory_space<vmem>>
    %dma_wait3A_317 = arith.constant 0 : i32
    %dma_wait3A_318 = arith.constant 0 : i32
    %dma_wait3A_319 = tpu.memref_slice %dma_wait3A_316[%dma_wait3A_309, %dma_wait3A_317, %dma_wait3A_318] : memref<8x125x24xf32, #tpu.memory_space<vmem>> -> memref<1x125x24xf32, #tpu.memory_space<vmem>>
    %dma_wait3A_320 = tpu.memref_squeeze %dma_wait3A_319 : memref<1x125x24xf32, #tpu.memory_space<vmem>> -> memref<125x24xf32, #tpu.memory_space<vmem>>
    %dma_wait3A_321 = arith.constant 0 : i32
    %dma_wait3A_322 = arith.constant 0 : i32
    %dma_wait3A_323 = tpu.memref_slice %arg7[%dma_wait3A_310, %dma_wait3A_321, %dma_wait3A_322] : memref<2x8x125xi32, #tpu.memory_space<vmem>> -> memref<1x8x125xi32, #tpu.memory_space<vmem>>
    %dma_wait3A_324 = tpu.memref_squeeze %dma_wait3A_323 : memref<1x8x125xi32, #tpu.memory_space<vmem>> -> memref<8x125xi32, #tpu.memory_space<vmem>>
    %dma_wait3A_325 = arith.constant 0 : i32
    %dma_wait3A_326 = tpu.memref_slice %dma_wait3A_324[%dma_wait3A_311, %dma_wait3A_325] : memref<8x125xi32, #tpu.memory_space<vmem>> -> memref<1x125xi32, #tpu.memory_space<vmem>>
    %dma_wait3A_327 = tpu.memref_squeeze %dma_wait3A_326 : memref<1x125xi32, #tpu.memory_space<vmem>> -> memref<125xi32, #tpu.memory_space<vmem>>
    %dma_wait3A_328 = arith.constant 0 : i32
    %dma_wait3A_329 = arith.constant 0 : i32
    %dma_wait3A_330 = tpu.memref_slice %arg9[%dma_wait3A_328, %dma_wait3A_329] : memref<50048x24xf32, #tpu.memory_space<vmem_shared>> -> memref<50048x24xf32, #tpu.memory_space<vmem_shared>>
    tpu.wait_indirect_dma semaphore(%arg11 : memref<!tpu.dma_semaphore, #tpu.memory_space<semaphore_mem>>) src(%dma_wait3A_320 : memref<125x24xf32, #tpu.memory_space<vmem>>) dst(%dma_wait3A_330 : memref<50048x24xf32, #tpu.memory_space<vmem_shared>>)
    %dma_wait3A_331 = arith.constant 1 : i32
    %dma_wait3A_332 = arith.constant 5 : i32
    %dma_wait3A_333 = arith.constant 1 : i32
    %dma_wait3A_334 = arith.constant 5 : i32
    %dma_wait3A_335 = arith.constant 0 : i32
    %dma_wait3A_336 = arith.constant 0 : i32
    %dma_wait3A_337 = arith.constant 0 : i32
    %dma_wait3A_338 = tpu.memref_slice %arg8[%dma_wait3A_331, %dma_wait3A_335, %dma_wait3A_336, %dma_wait3A_337] : memref<2x8x125x24xf32, #tpu.memory_space<vmem>> -> memref<1x8x125x24xf32, #tpu.memory_space<vmem>>
    %dma_wait3A_339 = tpu.memref_squeeze %dma_wait3A_338 : memref<1x8x125x24xf32, #tpu.memory_space<vmem>> -> memref<8x125x24xf32, #tpu.memory_space<vmem>>
    %dma_wait3A_340 = arith.constant 0 : i32
    %dma_wait3A_341 = arith.constant 0 : i32
    %dma_wait3A_342 = tpu.memref_slice %dma_wait3A_339[%dma_wait3A_332, %dma_wait3A_340, %dma_wait3A_341] : memref<8x125x24xf32, #tpu.memory_space<vmem>> -> memref<1x125x24xf32, #tpu.memory_space<vmem>>
    %dma_wait3A_343 = tpu.memref_squeeze %dma_wait3A_342 : memref<1x125x24xf32, #tpu.memory_space<vmem>> -> memref<125x24xf32, #tpu.memory_space<vmem>>
    %dma_wait3A_344 = arith.constant 0 : i32
    %dma_wait3A_345 = arith.constant 0 : i32
    %dma_wait3A_346 = tpu.memref_slice %arg7[%dma_wait3A_333, %dma_wait3A_344, %dma_wait3A_345] : memref<2x8x125xi32, #tpu.memory_space<vmem>> -> memref<1x8x125xi32, #tpu.memory_space<vmem>>
    %dma_wait3A_347 = tpu.memref_squeeze %dma_wait3A_346 : memref<1x8x125xi32, #tpu.memory_space<vmem>> -> memref<8x125xi32, #tpu.memory_space<vmem>>
    %dma_wait3A_348 = arith.constant 0 : i32
    %dma_wait3A_349 = tpu.memref_slice %dma_wait3A_347[%dma_wait3A_334, %dma_wait3A_348] : memref<8x125xi32, #tpu.memory_space<vmem>> -> memref<1x125xi32, #tpu.memory_space<vmem>>
    %dma_wait3A_350 = tpu.memref_squeeze %dma_wait3A_349 : memref<1x125xi32, #tpu.memory_space<vmem>> -> memref<125xi32, #tpu.memory_space<vmem>>
    %dma_wait3A_351 = arith.constant 0 : i32
    %dma_wait3A_352 = arith.constant 0 : i32
    %dma_wait3A_353 = tpu.memref_slice %arg9[%dma_wait3A_351, %dma_wait3A_352] : memref<50048x24xf32, #tpu.memory_space<vmem_shared>> -> memref<50048x24xf32, #tpu.memory_space<vmem_shared>>
    tpu.wait_indirect_dma semaphore(%arg11 : memref<!tpu.dma_semaphore, #tpu.memory_space<semaphore_mem>>) src(%dma_wait3A_343 : memref<125x24xf32, #tpu.memory_space<vmem>>) dst(%dma_wait3A_353 : memref<50048x24xf32, #tpu.memory_space<vmem_shared>>)
    %dma_wait3A_354 = arith.constant 1 : i32
    %dma_wait3A_355 = arith.constant 6 : i32
    %dma_wait3A_356 = arith.constant 1 : i32
    %dma_wait3A_357 = arith.constant 6 : i32
    %dma_wait3A_358 = arith.constant 0 : i32
    %dma_wait3A_359 = arith.constant 0 : i32
    %dma_wait3A_360 = arith.constant 0 : i32
    %dma_wait3A_361 = tpu.memref_slice %arg8[%dma_wait3A_354, %dma_wait3A_358, %dma_wait3A_359, %dma_wait3A_360] : memref<2x8x125x24xf32, #tpu.memory_space<vmem>> -> memref<1x8x125x24xf32, #tpu.memory_space<vmem>>
    %dma_wait3A_362 = tpu.memref_squeeze %dma_wait3A_361 : memref<1x8x125x24xf32, #tpu.memory_space<vmem>> -> memref<8x125x24xf32, #tpu.memory_space<vmem>>
    %dma_wait3A_363 = arith.constant 0 : i32
    %dma_wait3A_364 = arith.constant 0 : i32
    %dma_wait3A_365 = tpu.memref_slice %dma_wait3A_362[%dma_wait3A_355, %dma_wait3A_363, %dma_wait3A_364] : memref<8x125x24xf32, #tpu.memory_space<vmem>> -> memref<1x125x24xf32, #tpu.memory_space<vmem>>
    %dma_wait3A_366 = tpu.memref_squeeze %dma_wait3A_365 : memref<1x125x24xf32, #tpu.memory_space<vmem>> -> memref<125x24xf32, #tpu.memory_space<vmem>>
    %dma_wait3A_367 = arith.constant 0 : i32
    %dma_wait3A_368 = arith.constant 0 : i32
    %dma_wait3A_369 = tpu.memref_slice %arg7[%dma_wait3A_356, %dma_wait3A_367, %dma_wait3A_368] : memref<2x8x125xi32, #tpu.memory_space<vmem>> -> memref<1x8x125xi32, #tpu.memory_space<vmem>>
    %dma_wait3A_370 = tpu.memref_squeeze %dma_wait3A_369 : memref<1x8x125xi32, #tpu.memory_space<vmem>> -> memref<8x125xi32, #tpu.memory_space<vmem>>
    %dma_wait3A_371 = arith.constant 0 : i32
    %dma_wait3A_372 = tpu.memref_slice %dma_wait3A_370[%dma_wait3A_357, %dma_wait3A_371] : memref<8x125xi32, #tpu.memory_space<vmem>> -> memref<1x125xi32, #tpu.memory_space<vmem>>
    %dma_wait3A_373 = tpu.memref_squeeze %dma_wait3A_372 : memref<1x125xi32, #tpu.memory_space<vmem>> -> memref<125xi32, #tpu.memory_space<vmem>>
    %dma_wait3A_374 = arith.constant 0 : i32
    %dma_wait3A_375 = arith.constant 0 : i32
    %dma_wait3A_376 = tpu.memref_slice %arg9[%dma_wait3A_374, %dma_wait3A_375] : memref<50048x24xf32, #tpu.memory_space<vmem_shared>> -> memref<50048x24xf32, #tpu.memory_space<vmem_shared>>
    tpu.wait_indirect_dma semaphore(%arg11 : memref<!tpu.dma_semaphore, #tpu.memory_space<semaphore_mem>>) src(%dma_wait3A_366 : memref<125x24xf32, #tpu.memory_space<vmem>>) dst(%dma_wait3A_376 : memref<50048x24xf32, #tpu.memory_space<vmem_shared>>)
    %dma_wait3A_377 = arith.constant 1 : i32
    %dma_wait3A_378 = arith.constant 7 : i32
    %dma_wait3A_379 = arith.constant 1 : i32
    %dma_wait3A_380 = arith.constant 7 : i32
    %dma_wait3A_381 = arith.constant 0 : i32
    %dma_wait3A_382 = arith.constant 0 : i32
    %dma_wait3A_383 = arith.constant 0 : i32
    %dma_wait3A_384 = tpu.memref_slice %arg8[%dma_wait3A_377, %dma_wait3A_381, %dma_wait3A_382, %dma_wait3A_383] : memref<2x8x125x24xf32, #tpu.memory_space<vmem>> -> memref<1x8x125x24xf32, #tpu.memory_space<vmem>>
    %dma_wait3A_385 = tpu.memref_squeeze %dma_wait3A_384 : memref<1x8x125x24xf32, #tpu.memory_space<vmem>> -> memref<8x125x24xf32, #tpu.memory_space<vmem>>
    %dma_wait3A_386 = arith.constant 0 : i32
    %dma_wait3A_387 = arith.constant 0 : i32
    %dma_wait3A_388 = tpu.memref_slice %dma_wait3A_385[%dma_wait3A_378, %dma_wait3A_386, %dma_wait3A_387] : memref<8x125x24xf32, #tpu.memory_space<vmem>> -> memref<1x125x24xf32, #tpu.memory_space<vmem>>
    %dma_wait3A_389 = tpu.memref_squeeze %dma_wait3A_388 : memref<1x125x24xf32, #tpu.memory_space<vmem>> -> memref<125x24xf32, #tpu.memory_space<vmem>>
    %dma_wait3A_390 = arith.constant 0 : i32
    %dma_wait3A_391 = arith.constant 0 : i32
    %dma_wait3A_392 = tpu.memref_slice %arg7[%dma_wait3A_379, %dma_wait3A_390, %dma_wait3A_391] : memref<2x8x125xi32, #tpu.memory_space<vmem>> -> memref<1x8x125xi32, #tpu.memory_space<vmem>>
    %dma_wait3A_393 = tpu.memref_squeeze %dma_wait3A_392 : memref<1x8x125xi32, #tpu.memory_space<vmem>> -> memref<8x125xi32, #tpu.memory_space<vmem>>
    %dma_wait3A_394 = arith.constant 0 : i32
    %dma_wait3A_395 = tpu.memref_slice %dma_wait3A_393[%dma_wait3A_380, %dma_wait3A_394] : memref<8x125xi32, #tpu.memory_space<vmem>> -> memref<1x125xi32, #tpu.memory_space<vmem>>
    %dma_wait3A_396 = tpu.memref_squeeze %dma_wait3A_395 : memref<1x125xi32, #tpu.memory_space<vmem>> -> memref<125xi32, #tpu.memory_space<vmem>>
    %dma_wait3A_397 = arith.constant 0 : i32
    %dma_wait3A_398 = arith.constant 0 : i32
    %dma_wait3A_399 = tpu.memref_slice %arg9[%dma_wait3A_397, %dma_wait3A_398] : memref<50048x24xf32, #tpu.memory_space<vmem_shared>> -> memref<50048x24xf32, #tpu.memory_space<vmem_shared>>
    tpu.wait_indirect_dma semaphore(%arg11 : memref<!tpu.dma_semaphore, #tpu.memory_space<semaphore_mem>>) src(%dma_wait3A_389 : memref<125x24xf32, #tpu.memory_space<vmem>>) dst(%dma_wait3A_399 : memref<50048x24xf32, #tpu.memory_space<vmem_shared>>)
    %barrier3A_400 = arith.constant 0 : index
    tpu.barrier barrier_id(%barrier3A_400)
    %mul3A_401 = arith.constant 3128 : i32
    %mul3A_402 = arith.muli %arg1, %mul3A_401 : i32
    %mul3A_403 = arith.constant 50048 : i32
    %mul3A_404 = arith.muli %arg0, %mul3A_403 : i32
    %mul3A_405 = arith.constant 3128 : i32
    %mul3A_406 = arith.muli %arg1, %mul3A_405 : i32
    %add3A_407 = arith.addi %mul3A_404, %mul3A_406 : i32
    "tpu.region"() ({
      %run_scoped3A_408 = tpu.sem_alloc : memref<!tpu.dma_semaphore, #tpu.memory_space<semaphore_mem>>
      %dma_start3A_409 = arith.constant 0 : i32
      %dma_start3A_410 = tpu.memref_slice %arg5[%add3A_407, %dma_start3A_409] : memref<100096x24xf32, #tpu.memory_space<hbm>> -> memref<3128x24xf32, #tpu.memory_space<hbm>>
      %dma_start3A_411 = arith.constant 0 : i32
      %dma_start3A_412 = tpu.memref_slice %arg9[%mul3A_402, %dma_start3A_411] : memref<50048x24xf32, #tpu.memory_space<vmem_shared>> -> memref<3128x24xf32, #tpu.memory_space<vmem_shared>>
      tpu.enqueue_dma source(%dma_start3A_412 : memref<3128x24xf32, #tpu.memory_space<vmem_shared>>) target(%dma_start3A_410 : memref<3128x24xf32, #tpu.memory_space<hbm>>) target_semaphore(%run_scoped3A_408 : memref<!tpu.dma_semaphore, #tpu.memory_space<semaphore_mem>>)
      %dma_wait3A_413 = arith.constant 0 : i32
      %dma_wait3A_414 = tpu.memref_slice %arg5[%add3A_407, %dma_wait3A_413] : memref<100096x24xf32, #tpu.memory_space<hbm>> -> memref<3128x24xf32, #tpu.memory_space<hbm>>
      %dma_wait3A_415 = arith.constant 0 : i32
      %dma_wait3A_416 = tpu.memref_slice %arg9[%mul3A_402, %dma_wait3A_415] : memref<50048x24xf32, #tpu.memory_space<vmem_shared>> -> memref<3128x24xf32, #tpu.memory_space<vmem_shared>>
      tpu.wait_dma2 semaphore(%run_scoped3A_408 : memref<!tpu.dma_semaphore, #tpu.memory_space<semaphore_mem>>) src(%dma_wait3A_416 : memref<3128x24xf32, #tpu.memory_space<vmem_shared>>) dst(%dma_wait3A_414 : memref<3128x24xf32, #tpu.memory_space<hbm>>)
      tpu.yield
    }) : () -> ()
    return
  }
}

#map = affine_map<(d0, d1) -> (0, 0, 0)>
#map1 = affine_map<(d0, d1) -> (0, 0)>
module attributes {stable_mosaic.version = 14 : i64} {
  func.func @_deg_body(%arg0: i32, %arg1: i32, %arg2: memref<2x12800x125xi32, #tpu.memory_space<hbm>>, %arg3: memref<50048x8xf32, #tpu.memory_space<hbm>>, %arg4: memref<125x8xf32, #tpu.memory_space<hbm>>, %arg5: memref<100096x8xf32, #tpu.memory_space<hbm>>, %arg6: memref<2x8x125xi32, #tpu.memory_space<vmem>>, %arg7: memref<125x8xf32, #tpu.memory_space<vmem>>, %arg8: memref<50048x8xf32, #tpu.memory_space<vmem_shared>>, %arg9: memref<!tpu.dma_semaphore, #tpu.memory_space<semaphore_mem>>) attributes {dimension_semantics = [#tpu.dimension_semantics<core_parallel>, #tpu.dimension_semantics<subcore_parallel>], iteration_bounds = array<i64: 2, 16>, scalar_prefetch = 0 : i64, scratch_operands = 4 : i64, tpu.core_type = #tpu.core_type<sc_vector_subcore>, window_params = [{transform_indices = #map}, {transform_indices = #map1}, {transform_indices = #map1}, {transform_indices = #map1}]} {
    %mul3A = arith.constant 3128 : i32
    %mul3A_0 = arith.muli %arg1, %mul3A : i32
    %mul3A_1 = arith.constant 3128 : i32
    %mul3A_2 = arith.muli %arg1, %mul3A_1 : i32
    "tpu.region"() ({
      %run_scoped3A = tpu.sem_alloc : memref<!tpu.dma_semaphore, #tpu.memory_space<semaphore_mem>>
      %dma_start3A = arith.constant 0 : i32
      %dma_start3A_115 = tpu.memref_slice %arg8[%mul3A_2, %dma_start3A] : memref<50048x8xf32, #tpu.memory_space<vmem_shared>> -> memref<3128x8xf32, #tpu.memory_space<vmem_shared>>
      %dma_start3A_116 = arith.constant 0 : i32
      %dma_start3A_117 = tpu.memref_slice %arg3[%mul3A_0, %dma_start3A_116] : memref<50048x8xf32, #tpu.memory_space<hbm>> -> memref<3128x8xf32, #tpu.memory_space<hbm>>
      tpu.enqueue_dma source(%dma_start3A_117 : memref<3128x8xf32, #tpu.memory_space<hbm>>) target(%dma_start3A_115 : memref<3128x8xf32, #tpu.memory_space<vmem_shared>>) target_semaphore(%run_scoped3A : memref<!tpu.dma_semaphore, #tpu.memory_space<semaphore_mem>>)
      %dma_wait3A_118 = arith.constant 0 : i32
      %dma_wait3A_119 = tpu.memref_slice %arg8[%mul3A_2, %dma_wait3A_118] : memref<50048x8xf32, #tpu.memory_space<vmem_shared>> -> memref<3128x8xf32, #tpu.memory_space<vmem_shared>>
      %dma_wait3A_120 = arith.constant 0 : i32
      %dma_wait3A_121 = tpu.memref_slice %arg3[%mul3A_0, %dma_wait3A_120] : memref<50048x8xf32, #tpu.memory_space<hbm>> -> memref<3128x8xf32, #tpu.memory_space<hbm>>
      tpu.wait_dma2 semaphore(%run_scoped3A : memref<!tpu.dma_semaphore, #tpu.memory_space<semaphore_mem>>) src(%dma_wait3A_121 : memref<3128x8xf32, #tpu.memory_space<hbm>>) dst(%dma_wait3A_119 : memref<3128x8xf32, #tpu.memory_space<vmem_shared>>)
      tpu.yield
    }) : () -> ()
    "tpu.region"() ({
      %run_scoped3A = tpu.sem_alloc : memref<!tpu.dma_semaphore, #tpu.memory_space<semaphore_mem>>
      tpu.enqueue_dma source(%arg4 : memref<125x8xf32, #tpu.memory_space<hbm>>) target(%arg7 : memref<125x8xf32, #tpu.memory_space<vmem>>) target_semaphore(%run_scoped3A : memref<!tpu.dma_semaphore, #tpu.memory_space<semaphore_mem>>)
      tpu.wait_dma2 semaphore(%run_scoped3A : memref<!tpu.dma_semaphore, #tpu.memory_space<semaphore_mem>>) src(%arg4 : memref<125x8xf32, #tpu.memory_space<hbm>>) dst(%arg7 : memref<125x8xf32, #tpu.memory_space<vmem>>)
      tpu.yield
    }) : () -> ()
    %barrier3A = arith.constant 0 : index
    tpu.barrier barrier_id(%barrier3A)
    %mul3A_3 = arith.constant 6400 : i32
    %mul3A_4 = arith.muli %arg0, %mul3A_3 : i32
    %mul3A_5 = arith.constant 400 : i32
    %mul3A_6 = arith.muli %arg1, %mul3A_5 : i32
    %add3A = arith.addi %mul3A_4, %mul3A_6 : i32
    %scan3A = arith.constant 0 : i32
    %scan3A_7 = arith.constant 0 : i32
    %scan3A_8 = arith.constant 25 : i32
    %scan3A_9 = arith.addi %scan3A_7, %scan3A_8 : i32
    %scan3A_10 = arith.constant 1 : i32
    scf.for %scan3A_115 = %scan3A_7 to %scan3A_9 step %scan3A_10  : i32 {
      %mul3A_116 = arith.constant 2 : i32
      %mul3A_117 = arith.muli %scan3A_115, %mul3A_116 : i32
      %add3A_118 = arith.constant 0 : i32
      %add3A_119 = arith.addi %mul3A_117, %add3A_118 : i32
      %gt3A = arith.constant 0 : i32
      %gt3A_120 = arith.cmpi sgt, %add3A_119, %gt3A : i32
      %convert_element_type3A = arith.extui %gt3A_120 : i1 to i32
      %cond3A = arith.constant 0 : i32
      %cond3A_121 = arith.cmpi ne, %convert_element_type3A, %cond3A : i32
      scf.if %cond3A_121 {
        %dma_wait3A_331 = arith.constant 1 : i32
        %dma_wait3A_332 = arith.constant 0 : i32
        %dma_wait3A_333 = arith.constant 0 : i32
        %dma_wait3A_334 = arith.constant 0 : i32
        %dma_wait3A_335 = tpu.memref_slice %arg6[%dma_wait3A_331, %dma_wait3A_333, %dma_wait3A_334] : memref<2x8x125xi32, #tpu.memory_space<vmem>> -> memref<1x8x125xi32, #tpu.memory_space<vmem>>
        %dma_wait3A_336 = tpu.memref_squeeze %dma_wait3A_335 : memref<1x8x125xi32, #tpu.memory_space<vmem>> -> memref<8x125xi32, #tpu.memory_space<vmem>>
        %dma_wait3A_337 = arith.constant 0 : i32
        %dma_wait3A_338 = tpu.memref_slice %dma_wait3A_336[%dma_wait3A_332, %dma_wait3A_337] : memref<8x125xi32, #tpu.memory_space<vmem>> -> memref<1x125xi32, #tpu.memory_space<vmem>>
        %dma_wait3A_339 = tpu.memref_squeeze %dma_wait3A_338 : memref<1x125xi32, #tpu.memory_space<vmem>> -> memref<125xi32, #tpu.memory_space<vmem>>
        %dma_wait3A_340 = arith.constant 0 : i32
        %dma_wait3A_341 = arith.constant 0 : i32
        %dma_wait3A_342 = tpu.memref_slice %arg8[%dma_wait3A_340, %dma_wait3A_341] : memref<50048x8xf32, #tpu.memory_space<vmem_shared>> -> memref<50048x8xf32, #tpu.memory_space<vmem_shared>>
        tpu.wait_indirect_dma semaphore(%arg9 : memref<!tpu.dma_semaphore, #tpu.memory_space<semaphore_mem>>) src(%arg7 : memref<125x8xf32, #tpu.memory_space<vmem>>) dst(%dma_wait3A_342 : memref<50048x8xf32, #tpu.memory_space<vmem_shared>>)
        %dma_wait3A_343 = arith.constant 1 : i32
        %dma_wait3A_344 = arith.constant 1 : i32
        %dma_wait3A_345 = arith.constant 0 : i32
        %dma_wait3A_346 = arith.constant 0 : i32
        %dma_wait3A_347 = tpu.memref_slice %arg6[%dma_wait3A_343, %dma_wait3A_345, %dma_wait3A_346] : memref<2x8x125xi32, #tpu.memory_space<vmem>> -> memref<1x8x125xi32, #tpu.memory_space<vmem>>
        %dma_wait3A_348 = tpu.memref_squeeze %dma_wait3A_347 : memref<1x8x125xi32, #tpu.memory_space<vmem>> -> memref<8x125xi32, #tpu.memory_space<vmem>>
        %dma_wait3A_349 = arith.constant 0 : i32
        %dma_wait3A_350 = tpu.memref_slice %dma_wait3A_348[%dma_wait3A_344, %dma_wait3A_349] : memref<8x125xi32, #tpu.memory_space<vmem>> -> memref<1x125xi32, #tpu.memory_space<vmem>>
        %dma_wait3A_351 = tpu.memref_squeeze %dma_wait3A_350 : memref<1x125xi32, #tpu.memory_space<vmem>> -> memref<125xi32, #tpu.memory_space<vmem>>
        %dma_wait3A_352 = arith.constant 0 : i32
        %dma_wait3A_353 = arith.constant 0 : i32
        %dma_wait3A_354 = tpu.memref_slice %arg8[%dma_wait3A_352, %dma_wait3A_353] : memref<50048x8xf32, #tpu.memory_space<vmem_shared>> -> memref<50048x8xf32, #tpu.memory_space<vmem_shared>>
        tpu.wait_indirect_dma semaphore(%arg9 : memref<!tpu.dma_semaphore, #tpu.memory_space<semaphore_mem>>) src(%arg7 : memref<125x8xf32, #tpu.memory_space<vmem>>) dst(%dma_wait3A_354 : memref<50048x8xf32, #tpu.memory_space<vmem_shared>>)
        %dma_wait3A_355 = arith.constant 1 : i32
        %dma_wait3A_356 = arith.constant 2 : i32
        %dma_wait3A_357 = arith.constant 0 : i32
        %dma_wait3A_358 = arith.constant 0 : i32
        %dma_wait3A_359 = tpu.memref_slice %arg6[%dma_wait3A_355, %dma_wait3A_357, %dma_wait3A_358] : memref<2x8x125xi32, #tpu.memory_space<vmem>> -> memref<1x8x125xi32, #tpu.memory_space<vmem>>
        %dma_wait3A_360 = tpu.memref_squeeze %dma_wait3A_359 : memref<1x8x125xi32, #tpu.memory_space<vmem>> -> memref<8x125xi32, #tpu.memory_space<vmem>>
        %dma_wait3A_361 = arith.constant 0 : i32
        %dma_wait3A_362 = tpu.memref_slice %dma_wait3A_360[%dma_wait3A_356, %dma_wait3A_361] : memref<8x125xi32, #tpu.memory_space<vmem>> -> memref<1x125xi32, #tpu.memory_space<vmem>>
        %dma_wait3A_363 = tpu.memref_squeeze %dma_wait3A_362 : memref<1x125xi32, #tpu.memory_space<vmem>> -> memref<125xi32, #tpu.memory_space<vmem>>
        %dma_wait3A_364 = arith.constant 0 : i32
        %dma_wait3A_365 = arith.constant 0 : i32
        %dma_wait3A_366 = tpu.memref_slice %arg8[%dma_wait3A_364, %dma_wait3A_365] : memref<50048x8xf32, #tpu.memory_space<vmem_shared>> -> memref<50048x8xf32, #tpu.memory_space<vmem_shared>>
        tpu.wait_indirect_dma semaphore(%arg9 : memref<!tpu.dma_semaphore, #tpu.memory_space<semaphore_mem>>) src(%arg7 : memref<125x8xf32, #tpu.memory_space<vmem>>) dst(%dma_wait3A_366 : memref<50048x8xf32, #tpu.memory_space<vmem_shared>>)
        %dma_wait3A_367 = arith.constant 1 : i32
        %dma_wait3A_368 = arith.constant 3 : i32
        %dma_wait3A_369 = arith.constant 0 : i32
        %dma_wait3A_370 = arith.constant 0 : i32
        %dma_wait3A_371 = tpu.memref_slice %arg6[%dma_wait3A_367, %dma_wait3A_369, %dma_wait3A_370] : memref<2x8x125xi32, #tpu.memory_space<vmem>> -> memref<1x8x125xi32, #tpu.memory_space<vmem>>
        %dma_wait3A_372 = tpu.memref_squeeze %dma_wait3A_371 : memref<1x8x125xi32, #tpu.memory_space<vmem>> -> memref<8x125xi32, #tpu.memory_space<vmem>>
        %dma_wait3A_373 = arith.constant 0 : i32
        %dma_wait3A_374 = tpu.memref_slice %dma_wait3A_372[%dma_wait3A_368, %dma_wait3A_373] : memref<8x125xi32, #tpu.memory_space<vmem>> -> memref<1x125xi32, #tpu.memory_space<vmem>>
        %dma_wait3A_375 = tpu.memref_squeeze %dma_wait3A_374 : memref<1x125xi32, #tpu.memory_space<vmem>> -> memref<125xi32, #tpu.memory_space<vmem>>
        %dma_wait3A_376 = arith.constant 0 : i32
        %dma_wait3A_377 = arith.constant 0 : i32
        %dma_wait3A_378 = tpu.memref_slice %arg8[%dma_wait3A_376, %dma_wait3A_377] : memref<50048x8xf32, #tpu.memory_space<vmem_shared>> -> memref<50048x8xf32, #tpu.memory_space<vmem_shared>>
        tpu.wait_indirect_dma semaphore(%arg9 : memref<!tpu.dma_semaphore, #tpu.memory_space<semaphore_mem>>) src(%arg7 : memref<125x8xf32, #tpu.memory_space<vmem>>) dst(%dma_wait3A_378 : memref<50048x8xf32, #tpu.memory_space<vmem_shared>>)
        %dma_wait3A_379 = arith.constant 1 : i32
        %dma_wait3A_380 = arith.constant 4 : i32
        %dma_wait3A_381 = arith.constant 0 : i32
        %dma_wait3A_382 = arith.constant 0 : i32
        %dma_wait3A_383 = tpu.memref_slice %arg6[%dma_wait3A_379, %dma_wait3A_381, %dma_wait3A_382] : memref<2x8x125xi32, #tpu.memory_space<vmem>> -> memref<1x8x125xi32, #tpu.memory_space<vmem>>
        %dma_wait3A_384 = tpu.memref_squeeze %dma_wait3A_383 : memref<1x8x125xi32, #tpu.memory_space<vmem>> -> memref<8x125xi32, #tpu.memory_space<vmem>>
        %dma_wait3A_385 = arith.constant 0 : i32
        %dma_wait3A_386 = tpu.memref_slice %dma_wait3A_384[%dma_wait3A_380, %dma_wait3A_385] : memref<8x125xi32, #tpu.memory_space<vmem>> -> memref<1x125xi32, #tpu.memory_space<vmem>>
        %dma_wait3A_387 = tpu.memref_squeeze %dma_wait3A_386 : memref<1x125xi32, #tpu.memory_space<vmem>> -> memref<125xi32, #tpu.memory_space<vmem>>
        %dma_wait3A_388 = arith.constant 0 : i32
        %dma_wait3A_389 = arith.constant 0 : i32
        %dma_wait3A_390 = tpu.memref_slice %arg8[%dma_wait3A_388, %dma_wait3A_389] : memref<50048x8xf32, #tpu.memory_space<vmem_shared>> -> memref<50048x8xf32, #tpu.memory_space<vmem_shared>>
        tpu.wait_indirect_dma semaphore(%arg9 : memref<!tpu.dma_semaphore, #tpu.memory_space<semaphore_mem>>) src(%arg7 : memref<125x8xf32, #tpu.memory_space<vmem>>) dst(%dma_wait3A_390 : memref<50048x8xf32, #tpu.memory_space<vmem_shared>>)
        %dma_wait3A_391 = arith.constant 1 : i32
        %dma_wait3A_392 = arith.constant 5 : i32
        %dma_wait3A_393 = arith.constant 0 : i32
        %dma_wait3A_394 = arith.constant 0 : i32
        %dma_wait3A_395 = tpu.memref_slice %arg6[%dma_wait3A_391, %dma_wait3A_393, %dma_wait3A_394] : memref<2x8x125xi32, #tpu.memory_space<vmem>> -> memref<1x8x125xi32, #tpu.memory_space<vmem>>
        %dma_wait3A_396 = tpu.memref_squeeze %dma_wait3A_395 : memref<1x8x125xi32, #tpu.memory_space<vmem>> -> memref<8x125xi32, #tpu.memory_space<vmem>>
        %dma_wait3A_397 = arith.constant 0 : i32
        %dma_wait3A_398 = tpu.memref_slice %dma_wait3A_396[%dma_wait3A_392, %dma_wait3A_397] : memref<8x125xi32, #tpu.memory_space<vmem>> -> memref<1x125xi32, #tpu.memory_space<vmem>>
        %dma_wait3A_399 = tpu.memref_squeeze %dma_wait3A_398 : memref<1x125xi32, #tpu.memory_space<vmem>> -> memref<125xi32, #tpu.memory_space<vmem>>
        %dma_wait3A_400 = arith.constant 0 : i32
        %dma_wait3A_401 = arith.constant 0 : i32
        %dma_wait3A_402 = tpu.memref_slice %arg8[%dma_wait3A_400, %dma_wait3A_401] : memref<50048x8xf32, #tpu.memory_space<vmem_shared>> -> memref<50048x8xf32, #tpu.memory_space<vmem_shared>>
        tpu.wait_indirect_dma semaphore(%arg9 : memref<!tpu.dma_semaphore, #tpu.memory_space<semaphore_mem>>) src(%arg7 : memref<125x8xf32, #tpu.memory_space<vmem>>) dst(%dma_wait3A_402 : memref<50048x8xf32, #tpu.memory_space<vmem_shared>>)
        %dma_wait3A_403 = arith.constant 1 : i32
        %dma_wait3A_404 = arith.constant 6 : i32
        %dma_wait3A_405 = arith.constant 0 : i32
        %dma_wait3A_406 = arith.constant 0 : i32
        %dma_wait3A_407 = tpu.memref_slice %arg6[%dma_wait3A_403, %dma_wait3A_405, %dma_wait3A_406] : memref<2x8x125xi32, #tpu.memory_space<vmem>> -> memref<1x8x125xi32, #tpu.memory_space<vmem>>
        %dma_wait3A_408 = tpu.memref_squeeze %dma_wait3A_407 : memref<1x8x125xi32, #tpu.memory_space<vmem>> -> memref<8x125xi32, #tpu.memory_space<vmem>>
        %dma_wait3A_409 = arith.constant 0 : i32
        %dma_wait3A_410 = tpu.memref_slice %dma_wait3A_408[%dma_wait3A_404, %dma_wait3A_409] : memref<8x125xi32, #tpu.memory_space<vmem>> -> memref<1x125xi32, #tpu.memory_space<vmem>>
        %dma_wait3A_411 = tpu.memref_squeeze %dma_wait3A_410 : memref<1x125xi32, #tpu.memory_space<vmem>> -> memref<125xi32, #tpu.memory_space<vmem>>
        %dma_wait3A_412 = arith.constant 0 : i32
        %dma_wait3A_413 = arith.constant 0 : i32
        %dma_wait3A_414 = tpu.memref_slice %arg8[%dma_wait3A_412, %dma_wait3A_413] : memref<50048x8xf32, #tpu.memory_space<vmem_shared>> -> memref<50048x8xf32, #tpu.memory_space<vmem_shared>>
        tpu.wait_indirect_dma semaphore(%arg9 : memref<!tpu.dma_semaphore, #tpu.memory_space<semaphore_mem>>) src(%arg7 : memref<125x8xf32, #tpu.memory_space<vmem>>) dst(%dma_wait3A_414 : memref<50048x8xf32, #tpu.memory_space<vmem_shared>>)
        %dma_wait3A_415 = arith.constant 1 : i32
        %dma_wait3A_416 = arith.constant 7 : i32
        %dma_wait3A_417 = arith.constant 0 : i32
        %dma_wait3A_418 = arith.constant 0 : i32
        %dma_wait3A_419 = tpu.memref_slice %arg6[%dma_wait3A_415, %dma_wait3A_417, %dma_wait3A_418] : memref<2x8x125xi32, #tpu.memory_space<vmem>> -> memref<1x8x125xi32, #tpu.memory_space<vmem>>
        %dma_wait3A_420 = tpu.memref_squeeze %dma_wait3A_419 : memref<1x8x125xi32, #tpu.memory_space<vmem>> -> memref<8x125xi32, #tpu.memory_space<vmem>>
        %dma_wait3A_421 = arith.constant 0 : i32
        %dma_wait3A_422 = tpu.memref_slice %dma_wait3A_420[%dma_wait3A_416, %dma_wait3A_421] : memref<8x125xi32, #tpu.memory_space<vmem>> -> memref<1x125xi32, #tpu.memory_space<vmem>>
        %dma_wait3A_423 = tpu.memref_squeeze %dma_wait3A_422 : memref<1x125xi32, #tpu.memory_space<vmem>> -> memref<125xi32, #tpu.memory_space<vmem>>
        %dma_wait3A_424 = arith.constant 0 : i32
        %dma_wait3A_425 = arith.constant 0 : i32
        %dma_wait3A_426 = tpu.memref_slice %arg8[%dma_wait3A_424, %dma_wait3A_425] : memref<50048x8xf32, #tpu.memory_space<vmem_shared>> -> memref<50048x8xf32, #tpu.memory_space<vmem_shared>>
        tpu.wait_indirect_dma semaphore(%arg9 : memref<!tpu.dma_semaphore, #tpu.memory_space<semaphore_mem>>) src(%arg7 : memref<125x8xf32, #tpu.memory_space<vmem>>) dst(%dma_wait3A_426 : memref<50048x8xf32, #tpu.memory_space<vmem_shared>>)
      } else {
      }
      %mul3A_122 = arith.constant 8 : i32
      %mul3A_123 = arith.muli %add3A_119, %mul3A_122 : i32
      %add3A_124 = arith.addi %add3A, %mul3A_123 : i32
      %run_scoped3A = arith.constant 1 : i32
      %run_scoped3A_125 = arith.constant 0 : i32
      "tpu.region"() ({
        %run_scoped3A_331 = tpu.sem_alloc : memref<!tpu.dma_semaphore, #tpu.memory_space<semaphore_mem>>
        %dma_start3A_332 = arith.constant 0 : i32
        %dma_start3A_333 = arith.constant 0 : i32
        %dma_start3A_334 = tpu.memref_slice %arg6[%run_scoped3A_125, %dma_start3A_332, %dma_start3A_333] : memref<2x8x125xi32, #tpu.memory_space<vmem>> -> memref<1x8x125xi32, #tpu.memory_space<vmem>>
        %dma_start3A_335 = tpu.memref_squeeze %dma_start3A_334 : memref<1x8x125xi32, #tpu.memory_space<vmem>> -> memref<8x125xi32, #tpu.memory_space<vmem>>
        %dma_start3A_336 = arith.constant 0 : i32
        %dma_start3A_337 = tpu.memref_slice %arg2[%run_scoped3A, %add3A_124, %dma_start3A_336] : memref<2x12800x125xi32, #tpu.memory_space<hbm>> -> memref<1x8x125xi32, #tpu.memory_space<hbm>>
        %dma_start3A_338 = tpu.memref_squeeze %dma_start3A_337 : memref<1x8x125xi32, #tpu.memory_space<hbm>> -> memref<8x125xi32, #tpu.memory_space<hbm>>
        %dma_start3A_339 = arith.constant 0 : i32
        %dma_start3A_340 = arith.constant 0 : i32
        %dma_start3A_341 = tpu.memref_slice %arg6[%run_scoped3A_125, %dma_start3A_339, %dma_start3A_340] : memref<2x8x125xi32, #tpu.memory_space<vmem>> -> memref<1x8x125xi32, #tpu.memory_space<vmem>>
        %dma_start3A_342 = tpu.memref_squeeze %dma_start3A_341 : memref<1x8x125xi32, #tpu.memory_space<vmem>> -> memref<8x125xi32, #tpu.memory_space<vmem>>
        %dma_start3A_343 = arith.constant 0 : i32
        %dma_start3A_344 = tpu.memref_slice %arg2[%run_scoped3A, %add3A_124, %dma_start3A_343] : memref<2x12800x125xi32, #tpu.memory_space<hbm>> -> memref<1x8x125xi32, #tpu.memory_space<hbm>>
        %dma_start3A_345 = tpu.memref_squeeze %dma_start3A_344 : memref<1x8x125xi32, #tpu.memory_space<hbm>> -> memref<8x125xi32, #tpu.memory_space<hbm>>
        tpu.enqueue_dma source(%dma_start3A_345 : memref<8x125xi32, #tpu.memory_space<hbm>>) target(%dma_start3A_342 : memref<8x125xi32, #tpu.memory_space<vmem>>) target_semaphore(%run_scoped3A_331 : memref<!tpu.dma_semaphore, #tpu.memory_space<semaphore_mem>>)
        %dma_wait3A_346 = arith.constant 0 : i32
        %dma_wait3A_347 = arith.constant 0 : i32
        %dma_wait3A_348 = tpu.memref_slice %arg6[%run_scoped3A_125, %dma_wait3A_346, %dma_wait3A_347] : memref<2x8x125xi32, #tpu.memory_space<vmem>> -> memref<1x8x125xi32, #tpu.memory_space<vmem>>
        %dma_wait3A_349 = tpu.memref_squeeze %dma_wait3A_348 : memref<1x8x125xi32, #tpu.memory_space<vmem>> -> memref<8x125xi32, #tpu.memory_space<vmem>>
        %dma_wait3A_350 = arith.constant 0 : i32
        %dma_wait3A_351 = tpu.memref_slice %arg2[%run_scoped3A, %add3A_124, %dma_wait3A_350] : memref<2x12800x125xi32, #tpu.memory_space<hbm>> -> memref<1x8x125xi32, #tpu.memory_space<hbm>>
        %dma_wait3A_352 = tpu.memref_squeeze %dma_wait3A_351 : memref<1x8x125xi32, #tpu.memory_space<hbm>> -> memref<8x125xi32, #tpu.memory_space<hbm>>
        %dma_wait3A_353 = arith.constant 0 : i32
        %dma_wait3A_354 = arith.constant 0 : i32
        %dma_wait3A_355 = tpu.memref_slice %arg6[%run_scoped3A_125, %dma_wait3A_353, %dma_wait3A_354] : memref<2x8x125xi32, #tpu.memory_space<vmem>> -> memref<1x8x125xi32, #tpu.memory_space<vmem>>
        %dma_wait3A_356 = tpu.memref_squeeze %dma_wait3A_355 : memref<1x8x125xi32, #tpu.memory_space<vmem>> -> memref<8x125xi32, #tpu.memory_space<vmem>>
        %dma_wait3A_357 = arith.constant 0 : i32
        %dma_wait3A_358 = tpu.memref_slice %arg2[%run_scoped3A, %add3A_124, %dma_wait3A_357] : memref<2x12800x125xi32, #tpu.memory_space<hbm>> -> memref<1x8x125xi32, #tpu.memory_space<hbm>>
        %dma_wait3A_359 = tpu.memref_squeeze %dma_wait3A_358 : memref<1x8x125xi32, #tpu.memory_space<hbm>> -> memref<8x125xi32, #tpu.memory_space<hbm>>
        tpu.wait_dma2 semaphore(%run_scoped3A_331 : memref<!tpu.dma_semaphore, #tpu.memory_space<semaphore_mem>>) src(%dma_wait3A_359 : memref<8x125xi32, #tpu.memory_space<hbm>>) dst(%dma_wait3A_356 : memref<8x125xi32, #tpu.memory_space<vmem>>)
        tpu.yield
      }) : () -> ()
      %dma_start3A = arith.constant 0 : i32
      %dma_start3A_126 = arith.constant 0 : i32
      %dma_start3A_127 = arith.constant 0 : i32
      %dma_start3A_128 = arith.constant 0 : i32
      %dma_start3A_129 = tpu.memref_slice %arg6[%dma_start3A, %dma_start3A_127, %dma_start3A_128] : memref<2x8x125xi32, #tpu.memory_space<vmem>> -> memref<1x8x125xi32, #tpu.memory_space<vmem>>
      %dma_start3A_130 = tpu.memref_squeeze %dma_start3A_129 : memref<1x8x125xi32, #tpu.memory_space<vmem>> -> memref<8x125xi32, #tpu.memory_space<vmem>>
      %dma_start3A_131 = arith.constant 0 : i32
      %dma_start3A_132 = tpu.memref_slice %dma_start3A_130[%dma_start3A_126, %dma_start3A_131] : memref<8x125xi32, #tpu.memory_space<vmem>> -> memref<1x125xi32, #tpu.memory_space<vmem>>
      %dma_start3A_133 = tpu.memref_squeeze %dma_start3A_132 : memref<1x125xi32, #tpu.memory_space<vmem>> -> memref<125xi32, #tpu.memory_space<vmem>>
      %dma_start3A_134 = arith.constant 0 : i32
      %dma_start3A_135 = arith.constant 0 : i32
      %dma_start3A_136 = tpu.memref_slice %arg8[%dma_start3A_134, %dma_start3A_135] : memref<50048x8xf32, #tpu.memory_space<vmem_shared>> -> memref<50048x8xf32, #tpu.memory_space<vmem_shared>>
      tpu.enqueue_indirect_dma source(%arg7 : memref<125x8xf32, #tpu.memory_space<vmem>>) target(%dma_start3A_136 : memref<50048x8xf32, #tpu.memory_space<vmem_shared>>) offsets(%dma_start3A_133 : memref<125xi32, #tpu.memory_space<vmem>>) semaphore(%arg9 : memref<!tpu.dma_semaphore, #tpu.memory_space<semaphore_mem>>) {add = true}
      %dma_start3A_137 = arith.constant 0 : i32
      %dma_start3A_138 = arith.constant 1 : i32
      %dma_start3A_139 = arith.constant 0 : i32
      %dma_start3A_140 = arith.constant 0 : i32
      %dma_start3A_141 = tpu.memref_slice %arg6[%dma_start3A_137, %dma_start3A_139, %dma_start3A_140] : memref<2x8x125xi32, #tpu.memory_space<vmem>> -> memref<1x8x125xi32, #tpu.memory_space<vmem>>
      %dma_start3A_142 = tpu.memref_squeeze %dma_start3A_141 : memref<1x8x125xi32, #tpu.memory_space<vmem>> -> memref<8x125xi32, #tpu.memory_space<vmem>>
      %dma_start3A_143 = arith.constant 0 : i32
      %dma_start3A_144 = tpu.memref_slice %dma_start3A_142[%dma_start3A_138, %dma_start3A_143] : memref<8x125xi32, #tpu.memory_space<vmem>> -> memref<1x125xi32, #tpu.memory_space<vmem>>
      %dma_start3A_145 = tpu.memref_squeeze %dma_start3A_144 : memref<1x125xi32, #tpu.memory_space<vmem>> -> memref<125xi32, #tpu.memory_space<vmem>>
      %dma_start3A_146 = arith.constant 0 : i32
      %dma_start3A_147 = arith.constant 0 : i32
      %dma_start3A_148 = tpu.memref_slice %arg8[%dma_start3A_146, %dma_start3A_147] : memref<50048x8xf32, #tpu.memory_space<vmem_shared>> -> memref<50048x8xf32, #tpu.memory_space<vmem_shared>>
      tpu.enqueue_indirect_dma source(%arg7 : memref<125x8xf32, #tpu.memory_space<vmem>>) target(%dma_start3A_148 : memref<50048x8xf32, #tpu.memory_space<vmem_shared>>) offsets(%dma_start3A_145 : memref<125xi32, #tpu.memory_space<vmem>>) semaphore(%arg9 : memref<!tpu.dma_semaphore, #tpu.memory_space<semaphore_mem>>) {add = true}
      %dma_start3A_149 = arith.constant 0 : i32
      %dma_start3A_150 = arith.constant 2 : i32
      %dma_start3A_151 = arith.constant 0 : i32
      %dma_start3A_152 = arith.constant 0 : i32
      %dma_start3A_153 = tpu.memref_slice %arg6[%dma_start3A_149, %dma_start3A_151, %dma_start3A_152] : memref<2x8x125xi32, #tpu.memory_space<vmem>> -> memref<1x8x125xi32, #tpu.memory_space<vmem>>
      %dma_start3A_154 = tpu.memref_squeeze %dma_start3A_153 : memref<1x8x125xi32, #tpu.memory_space<vmem>> -> memref<8x125xi32, #tpu.memory_space<vmem>>
      %dma_start3A_155 = arith.constant 0 : i32
      %dma_start3A_156 = tpu.memref_slice %dma_start3A_154[%dma_start3A_150, %dma_start3A_155] : memref<8x125xi32, #tpu.memory_space<vmem>> -> memref<1x125xi32, #tpu.memory_space<vmem>>
      %dma_start3A_157 = tpu.memref_squeeze %dma_start3A_156 : memref<1x125xi32, #tpu.memory_space<vmem>> -> memref<125xi32, #tpu.memory_space<vmem>>
      %dma_start3A_158 = arith.constant 0 : i32
      %dma_start3A_159 = arith.constant 0 : i32
      %dma_start3A_160 = tpu.memref_slice %arg8[%dma_start3A_158, %dma_start3A_159] : memref<50048x8xf32, #tpu.memory_space<vmem_shared>> -> memref<50048x8xf32, #tpu.memory_space<vmem_shared>>
      tpu.enqueue_indirect_dma source(%arg7 : memref<125x8xf32, #tpu.memory_space<vmem>>) target(%dma_start3A_160 : memref<50048x8xf32, #tpu.memory_space<vmem_shared>>) offsets(%dma_start3A_157 : memref<125xi32, #tpu.memory_space<vmem>>) semaphore(%arg9 : memref<!tpu.dma_semaphore, #tpu.memory_space<semaphore_mem>>) {add = true}
      %dma_start3A_161 = arith.constant 0 : i32
      %dma_start3A_162 = arith.constant 3 : i32
      %dma_start3A_163 = arith.constant 0 : i32
      %dma_start3A_164 = arith.constant 0 : i32
      %dma_start3A_165 = tpu.memref_slice %arg6[%dma_start3A_161, %dma_start3A_163, %dma_start3A_164] : memref<2x8x125xi32, #tpu.memory_space<vmem>> -> memref<1x8x125xi32, #tpu.memory_space<vmem>>
      %dma_start3A_166 = tpu.memref_squeeze %dma_start3A_165 : memref<1x8x125xi32, #tpu.memory_space<vmem>> -> memref<8x125xi32, #tpu.memory_space<vmem>>
      %dma_start3A_167 = arith.constant 0 : i32
      %dma_start3A_168 = tpu.memref_slice %dma_start3A_166[%dma_start3A_162, %dma_start3A_167] : memref<8x125xi32, #tpu.memory_space<vmem>> -> memref<1x125xi32, #tpu.memory_space<vmem>>
      %dma_start3A_169 = tpu.memref_squeeze %dma_start3A_168 : memref<1x125xi32, #tpu.memory_space<vmem>> -> memref<125xi32, #tpu.memory_space<vmem>>
      %dma_start3A_170 = arith.constant 0 : i32
      %dma_start3A_171 = arith.constant 0 : i32
      %dma_start3A_172 = tpu.memref_slice %arg8[%dma_start3A_170, %dma_start3A_171] : memref<50048x8xf32, #tpu.memory_space<vmem_shared>> -> memref<50048x8xf32, #tpu.memory_space<vmem_shared>>
      tpu.enqueue_indirect_dma source(%arg7 : memref<125x8xf32, #tpu.memory_space<vmem>>) target(%dma_start3A_172 : memref<50048x8xf32, #tpu.memory_space<vmem_shared>>) offsets(%dma_start3A_169 : memref<125xi32, #tpu.memory_space<vmem>>) semaphore(%arg9 : memref<!tpu.dma_semaphore, #tpu.memory_space<semaphore_mem>>) {add = true}
      %dma_start3A_173 = arith.constant 0 : i32
      %dma_start3A_174 = arith.constant 4 : i32
      %dma_start3A_175 = arith.constant 0 : i32
      %dma_start3A_176 = arith.constant 0 : i32
      %dma_start3A_177 = tpu.memref_slice %arg6[%dma_start3A_173, %dma_start3A_175, %dma_start3A_176] : memref<2x8x125xi32, #tpu.memory_space<vmem>> -> memref<1x8x125xi32, #tpu.memory_space<vmem>>
      %dma_start3A_178 = tpu.memref_squeeze %dma_start3A_177 : memref<1x8x125xi32, #tpu.memory_space<vmem>> -> memref<8x125xi32, #tpu.memory_space<vmem>>
      %dma_start3A_179 = arith.constant 0 : i32
      %dma_start3A_180 = tpu.memref_slice %dma_start3A_178[%dma_start3A_174, %dma_start3A_179] : memref<8x125xi32, #tpu.memory_space<vmem>> -> memref<1x125xi32, #tpu.memory_space<vmem>>
      %dma_start3A_181 = tpu.memref_squeeze %dma_start3A_180 : memref<1x125xi32, #tpu.memory_space<vmem>> -> memref<125xi32, #tpu.memory_space<vmem>>
      %dma_start3A_182 = arith.constant 0 : i32
      %dma_start3A_183 = arith.constant 0 : i32
      %dma_start3A_184 = tpu.memref_slice %arg8[%dma_start3A_182, %dma_start3A_183] : memref<50048x8xf32, #tpu.memory_space<vmem_shared>> -> memref<50048x8xf32, #tpu.memory_space<vmem_shared>>
      tpu.enqueue_indirect_dma source(%arg7 : memref<125x8xf32, #tpu.memory_space<vmem>>) target(%dma_start3A_184 : memref<50048x8xf32, #tpu.memory_space<vmem_shared>>) offsets(%dma_start3A_181 : memref<125xi32, #tpu.memory_space<vmem>>) semaphore(%arg9 : memref<!tpu.dma_semaphore, #tpu.memory_space<semaphore_mem>>) {add = true}
      %dma_start3A_185 = arith.constant 0 : i32
      %dma_start3A_186 = arith.constant 5 : i32
      %dma_start3A_187 = arith.constant 0 : i32
      %dma_start3A_188 = arith.constant 0 : i32
      %dma_start3A_189 = tpu.memref_slice %arg6[%dma_start3A_185, %dma_start3A_187, %dma_start3A_188] : memref<2x8x125xi32, #tpu.memory_space<vmem>> -> memref<1x8x125xi32, #tpu.memory_space<vmem>>
      %dma_start3A_190 = tpu.memref_squeeze %dma_start3A_189 : memref<1x8x125xi32, #tpu.memory_space<vmem>> -> memref<8x125xi32, #tpu.memory_space<vmem>>
      %dma_start3A_191 = arith.constant 0 : i32
      %dma_start3A_192 = tpu.memref_slice %dma_start3A_190[%dma_start3A_186, %dma_start3A_191] : memref<8x125xi32, #tpu.memory_space<vmem>> -> memref<1x125xi32, #tpu.memory_space<vmem>>
      %dma_start3A_193 = tpu.memref_squeeze %dma_start3A_192 : memref<1x125xi32, #tpu.memory_space<vmem>> -> memref<125xi32, #tpu.memory_space<vmem>>
      %dma_start3A_194 = arith.constant 0 : i32
      %dma_start3A_195 = arith.constant 0 : i32
      %dma_start3A_196 = tpu.memref_slice %arg8[%dma_start3A_194, %dma_start3A_195] : memref<50048x8xf32, #tpu.memory_space<vmem_shared>> -> memref<50048x8xf32, #tpu.memory_space<vmem_shared>>
      tpu.enqueue_indirect_dma source(%arg7 : memref<125x8xf32, #tpu.memory_space<vmem>>) target(%dma_start3A_196 : memref<50048x8xf32, #tpu.memory_space<vmem_shared>>) offsets(%dma_start3A_193 : memref<125xi32, #tpu.memory_space<vmem>>) semaphore(%arg9 : memref<!tpu.dma_semaphore, #tpu.memory_space<semaphore_mem>>) {add = true}
      %dma_start3A_197 = arith.constant 0 : i32
      %dma_start3A_198 = arith.constant 6 : i32
      %dma_start3A_199 = arith.constant 0 : i32
      %dma_start3A_200 = arith.constant 0 : i32
      %dma_start3A_201 = tpu.memref_slice %arg6[%dma_start3A_197, %dma_start3A_199, %dma_start3A_200] : memref<2x8x125xi32, #tpu.memory_space<vmem>> -> memref<1x8x125xi32, #tpu.memory_space<vmem>>
      %dma_start3A_202 = tpu.memref_squeeze %dma_start3A_201 : memref<1x8x125xi32, #tpu.memory_space<vmem>> -> memref<8x125xi32, #tpu.memory_space<vmem>>
      %dma_start3A_203 = arith.constant 0 : i32
      %dma_start3A_204 = tpu.memref_slice %dma_start3A_202[%dma_start3A_198, %dma_start3A_203] : memref<8x125xi32, #tpu.memory_space<vmem>> -> memref<1x125xi32, #tpu.memory_space<vmem>>
      %dma_start3A_205 = tpu.memref_squeeze %dma_start3A_204 : memref<1x125xi32, #tpu.memory_space<vmem>> -> memref<125xi32, #tpu.memory_space<vmem>>
      %dma_start3A_206 = arith.constant 0 : i32
      %dma_start3A_207 = arith.constant 0 : i32
      %dma_start3A_208 = tpu.memref_slice %arg8[%dma_start3A_206, %dma_start3A_207] : memref<50048x8xf32, #tpu.memory_space<vmem_shared>> -> memref<50048x8xf32, #tpu.memory_space<vmem_shared>>
      tpu.enqueue_indirect_dma source(%arg7 : memref<125x8xf32, #tpu.memory_space<vmem>>) target(%dma_start3A_208 : memref<50048x8xf32, #tpu.memory_space<vmem_shared>>) offsets(%dma_start3A_205 : memref<125xi32, #tpu.memory_space<vmem>>) semaphore(%arg9 : memref<!tpu.dma_semaphore, #tpu.memory_space<semaphore_mem>>) {add = true}
      %dma_start3A_209 = arith.constant 0 : i32
      %dma_start3A_210 = arith.constant 7 : i32
      %dma_start3A_211 = arith.constant 0 : i32
      %dma_start3A_212 = arith.constant 0 : i32
      %dma_start3A_213 = tpu.memref_slice %arg6[%dma_start3A_209, %dma_start3A_211, %dma_start3A_212] : memref<2x8x125xi32, #tpu.memory_space<vmem>> -> memref<1x8x125xi32, #tpu.memory_space<vmem>>
      %dma_start3A_214 = tpu.memref_squeeze %dma_start3A_213 : memref<1x8x125xi32, #tpu.memory_space<vmem>> -> memref<8x125xi32, #tpu.memory_space<vmem>>
      %dma_start3A_215 = arith.constant 0 : i32
      %dma_start3A_216 = tpu.memref_slice %dma_start3A_214[%dma_start3A_210, %dma_start3A_215] : memref<8x125xi32, #tpu.memory_space<vmem>> -> memref<1x125xi32, #tpu.memory_space<vmem>>
      %dma_start3A_217 = tpu.memref_squeeze %dma_start3A_216 : memref<1x125xi32, #tpu.memory_space<vmem>> -> memref<125xi32, #tpu.memory_space<vmem>>
      %dma_start3A_218 = arith.constant 0 : i32
      %dma_start3A_219 = arith.constant 0 : i32
      %dma_start3A_220 = tpu.memref_slice %arg8[%dma_start3A_218, %dma_start3A_219] : memref<50048x8xf32, #tpu.memory_space<vmem_shared>> -> memref<50048x8xf32, #tpu.memory_space<vmem_shared>>
      tpu.enqueue_indirect_dma source(%arg7 : memref<125x8xf32, #tpu.memory_space<vmem>>) target(%dma_start3A_220 : memref<50048x8xf32, #tpu.memory_space<vmem_shared>>) offsets(%dma_start3A_217 : memref<125xi32, #tpu.memory_space<vmem>>) semaphore(%arg9 : memref<!tpu.dma_semaphore, #tpu.memory_space<semaphore_mem>>) {add = true}
      %mul3A_221 = arith.constant 2 : i32
      %mul3A_222 = arith.muli %scan3A_115, %mul3A_221 : i32
      %add3A_223 = arith.constant 1 : i32
      %add3A_224 = arith.addi %mul3A_222, %add3A_223 : i32
      %gt3A_225 = arith.constant 0 : i32
      %gt3A_226 = arith.cmpi sgt, %add3A_224, %gt3A_225 : i32
      %convert_element_type3A_227 = arith.extui %gt3A_226 : i1 to i32
      %cond3A_228 = arith.constant 0 : i32
      %cond3A_229 = arith.cmpi ne, %convert_element_type3A_227, %cond3A_228 : i32
      scf.if %cond3A_229 {
        %dma_wait3A_331 = arith.constant 0 : i32
        %dma_wait3A_332 = arith.constant 0 : i32
        %dma_wait3A_333 = arith.constant 0 : i32
        %dma_wait3A_334 = arith.constant 0 : i32
        %dma_wait3A_335 = tpu.memref_slice %arg6[%dma_wait3A_331, %dma_wait3A_333, %dma_wait3A_334] : memref<2x8x125xi32, #tpu.memory_space<vmem>> -> memref<1x8x125xi32, #tpu.memory_space<vmem>>
        %dma_wait3A_336 = tpu.memref_squeeze %dma_wait3A_335 : memref<1x8x125xi32, #tpu.memory_space<vmem>> -> memref<8x125xi32, #tpu.memory_space<vmem>>
        %dma_wait3A_337 = arith.constant 0 : i32
        %dma_wait3A_338 = tpu.memref_slice %dma_wait3A_336[%dma_wait3A_332, %dma_wait3A_337] : memref<8x125xi32, #tpu.memory_space<vmem>> -> memref<1x125xi32, #tpu.memory_space<vmem>>
        %dma_wait3A_339 = tpu.memref_squeeze %dma_wait3A_338 : memref<1x125xi32, #tpu.memory_space<vmem>> -> memref<125xi32, #tpu.memory_space<vmem>>
        %dma_wait3A_340 = arith.constant 0 : i32
        %dma_wait3A_341 = arith.constant 0 : i32
        %dma_wait3A_342 = tpu.memref_slice %arg8[%dma_wait3A_340, %dma_wait3A_341] : memref<50048x8xf32, #tpu.memory_space<vmem_shared>> -> memref<50048x8xf32, #tpu.memory_space<vmem_shared>>
        tpu.wait_indirect_dma semaphore(%arg9 : memref<!tpu.dma_semaphore, #tpu.memory_space<semaphore_mem>>) src(%arg7 : memref<125x8xf32, #tpu.memory_space<vmem>>) dst(%dma_wait3A_342 : memref<50048x8xf32, #tpu.memory_space<vmem_shared>>)
        %dma_wait3A_343 = arith.constant 0 : i32
        %dma_wait3A_344 = arith.constant 1 : i32
        %dma_wait3A_345 = arith.constant 0 : i32
        %dma_wait3A_346 = arith.constant 0 : i32
        %dma_wait3A_347 = tpu.memref_slice %arg6[%dma_wait3A_343, %dma_wait3A_345, %dma_wait3A_346] : memref<2x8x125xi32, #tpu.memory_space<vmem>> -> memref<1x8x125xi32, #tpu.memory_space<vmem>>
        %dma_wait3A_348 = tpu.memref_squeeze %dma_wait3A_347 : memref<1x8x125xi32, #tpu.memory_space<vmem>> -> memref<8x125xi32, #tpu.memory_space<vmem>>
        %dma_wait3A_349 = arith.constant 0 : i32
        %dma_wait3A_350 = tpu.memref_slice %dma_wait3A_348[%dma_wait3A_344, %dma_wait3A_349] : memref<8x125xi32, #tpu.memory_space<vmem>> -> memref<1x125xi32, #tpu.memory_space<vmem>>
        %dma_wait3A_351 = tpu.memref_squeeze %dma_wait3A_350 : memref<1x125xi32, #tpu.memory_space<vmem>> -> memref<125xi32, #tpu.memory_space<vmem>>
        %dma_wait3A_352 = arith.constant 0 : i32
        %dma_wait3A_353 = arith.constant 0 : i32
        %dma_wait3A_354 = tpu.memref_slice %arg8[%dma_wait3A_352, %dma_wait3A_353] : memref<50048x8xf32, #tpu.memory_space<vmem_shared>> -> memref<50048x8xf32, #tpu.memory_space<vmem_shared>>
        tpu.wait_indirect_dma semaphore(%arg9 : memref<!tpu.dma_semaphore, #tpu.memory_space<semaphore_mem>>) src(%arg7 : memref<125x8xf32, #tpu.memory_space<vmem>>) dst(%dma_wait3A_354 : memref<50048x8xf32, #tpu.memory_space<vmem_shared>>)
        %dma_wait3A_355 = arith.constant 0 : i32
        %dma_wait3A_356 = arith.constant 2 : i32
        %dma_wait3A_357 = arith.constant 0 : i32
        %dma_wait3A_358 = arith.constant 0 : i32
        %dma_wait3A_359 = tpu.memref_slice %arg6[%dma_wait3A_355, %dma_wait3A_357, %dma_wait3A_358] : memref<2x8x125xi32, #tpu.memory_space<vmem>> -> memref<1x8x125xi32, #tpu.memory_space<vmem>>
        %dma_wait3A_360 = tpu.memref_squeeze %dma_wait3A_359 : memref<1x8x125xi32, #tpu.memory_space<vmem>> -> memref<8x125xi32, #tpu.memory_space<vmem>>
        %dma_wait3A_361 = arith.constant 0 : i32
        %dma_wait3A_362 = tpu.memref_slice %dma_wait3A_360[%dma_wait3A_356, %dma_wait3A_361] : memref<8x125xi32, #tpu.memory_space<vmem>> -> memref<1x125xi32, #tpu.memory_space<vmem>>
        %dma_wait3A_363 = tpu.memref_squeeze %dma_wait3A_362 : memref<1x125xi32, #tpu.memory_space<vmem>> -> memref<125xi32, #tpu.memory_space<vmem>>
        %dma_wait3A_364 = arith.constant 0 : i32
        %dma_wait3A_365 = arith.constant 0 : i32
        %dma_wait3A_366 = tpu.memref_slice %arg8[%dma_wait3A_364, %dma_wait3A_365] : memref<50048x8xf32, #tpu.memory_space<vmem_shared>> -> memref<50048x8xf32, #tpu.memory_space<vmem_shared>>
        tpu.wait_indirect_dma semaphore(%arg9 : memref<!tpu.dma_semaphore, #tpu.memory_space<semaphore_mem>>) src(%arg7 : memref<125x8xf32, #tpu.memory_space<vmem>>) dst(%dma_wait3A_366 : memref<50048x8xf32, #tpu.memory_space<vmem_shared>>)
        %dma_wait3A_367 = arith.constant 0 : i32
        %dma_wait3A_368 = arith.constant 3 : i32
        %dma_wait3A_369 = arith.constant 0 : i32
        %dma_wait3A_370 = arith.constant 0 : i32
        %dma_wait3A_371 = tpu.memref_slice %arg6[%dma_wait3A_367, %dma_wait3A_369, %dma_wait3A_370] : memref<2x8x125xi32, #tpu.memory_space<vmem>> -> memref<1x8x125xi32, #tpu.memory_space<vmem>>
        %dma_wait3A_372 = tpu.memref_squeeze %dma_wait3A_371 : memref<1x8x125xi32, #tpu.memory_space<vmem>> -> memref<8x125xi32, #tpu.memory_space<vmem>>
        %dma_wait3A_373 = arith.constant 0 : i32
        %dma_wait3A_374 = tpu.memref_slice %dma_wait3A_372[%dma_wait3A_368, %dma_wait3A_373] : memref<8x125xi32, #tpu.memory_space<vmem>> -> memref<1x125xi32, #tpu.memory_space<vmem>>
        %dma_wait3A_375 = tpu.memref_squeeze %dma_wait3A_374 : memref<1x125xi32, #tpu.memory_space<vmem>> -> memref<125xi32, #tpu.memory_space<vmem>>
        %dma_wait3A_376 = arith.constant 0 : i32
        %dma_wait3A_377 = arith.constant 0 : i32
        %dma_wait3A_378 = tpu.memref_slice %arg8[%dma_wait3A_376, %dma_wait3A_377] : memref<50048x8xf32, #tpu.memory_space<vmem_shared>> -> memref<50048x8xf32, #tpu.memory_space<vmem_shared>>
        tpu.wait_indirect_dma semaphore(%arg9 : memref<!tpu.dma_semaphore, #tpu.memory_space<semaphore_mem>>) src(%arg7 : memref<125x8xf32, #tpu.memory_space<vmem>>) dst(%dma_wait3A_378 : memref<50048x8xf32, #tpu.memory_space<vmem_shared>>)
        %dma_wait3A_379 = arith.constant 0 : i32
        %dma_wait3A_380 = arith.constant 4 : i32
        %dma_wait3A_381 = arith.constant 0 : i32
        %dma_wait3A_382 = arith.constant 0 : i32
        %dma_wait3A_383 = tpu.memref_slice %arg6[%dma_wait3A_379, %dma_wait3A_381, %dma_wait3A_382] : memref<2x8x125xi32, #tpu.memory_space<vmem>> -> memref<1x8x125xi32, #tpu.memory_space<vmem>>
        %dma_wait3A_384 = tpu.memref_squeeze %dma_wait3A_383 : memref<1x8x125xi32, #tpu.memory_space<vmem>> -> memref<8x125xi32, #tpu.memory_space<vmem>>
        %dma_wait3A_385 = arith.constant 0 : i32
        %dma_wait3A_386 = tpu.memref_slice %dma_wait3A_384[%dma_wait3A_380, %dma_wait3A_385] : memref<8x125xi32, #tpu.memory_space<vmem>> -> memref<1x125xi32, #tpu.memory_space<vmem>>
        %dma_wait3A_387 = tpu.memref_squeeze %dma_wait3A_386 : memref<1x125xi32, #tpu.memory_space<vmem>> -> memref<125xi32, #tpu.memory_space<vmem>>
        %dma_wait3A_388 = arith.constant 0 : i32
        %dma_wait3A_389 = arith.constant 0 : i32
        %dma_wait3A_390 = tpu.memref_slice %arg8[%dma_wait3A_388, %dma_wait3A_389] : memref<50048x8xf32, #tpu.memory_space<vmem_shared>> -> memref<50048x8xf32, #tpu.memory_space<vmem_shared>>
        tpu.wait_indirect_dma semaphore(%arg9 : memref<!tpu.dma_semaphore, #tpu.memory_space<semaphore_mem>>) src(%arg7 : memref<125x8xf32, #tpu.memory_space<vmem>>) dst(%dma_wait3A_390 : memref<50048x8xf32, #tpu.memory_space<vmem_shared>>)
        %dma_wait3A_391 = arith.constant 0 : i32
        %dma_wait3A_392 = arith.constant 5 : i32
        %dma_wait3A_393 = arith.constant 0 : i32
        %dma_wait3A_394 = arith.constant 0 : i32
        %dma_wait3A_395 = tpu.memref_slice %arg6[%dma_wait3A_391, %dma_wait3A_393, %dma_wait3A_394] : memref<2x8x125xi32, #tpu.memory_space<vmem>> -> memref<1x8x125xi32, #tpu.memory_space<vmem>>
        %dma_wait3A_396 = tpu.memref_squeeze %dma_wait3A_395 : memref<1x8x125xi32, #tpu.memory_space<vmem>> -> memref<8x125xi32, #tpu.memory_space<vmem>>
        %dma_wait3A_397 = arith.constant 0 : i32
        %dma_wait3A_398 = tpu.memref_slice %dma_wait3A_396[%dma_wait3A_392, %dma_wait3A_397] : memref<8x125xi32, #tpu.memory_space<vmem>> -> memref<1x125xi32, #tpu.memory_space<vmem>>
        %dma_wait3A_399 = tpu.memref_squeeze %dma_wait3A_398 : memref<1x125xi32, #tpu.memory_space<vmem>> -> memref<125xi32, #tpu.memory_space<vmem>>
        %dma_wait3A_400 = arith.constant 0 : i32
        %dma_wait3A_401 = arith.constant 0 : i32
        %dma_wait3A_402 = tpu.memref_slice %arg8[%dma_wait3A_400, %dma_wait3A_401] : memref<50048x8xf32, #tpu.memory_space<vmem_shared>> -> memref<50048x8xf32, #tpu.memory_space<vmem_shared>>
        tpu.wait_indirect_dma semaphore(%arg9 : memref<!tpu.dma_semaphore, #tpu.memory_space<semaphore_mem>>) src(%arg7 : memref<125x8xf32, #tpu.memory_space<vmem>>) dst(%dma_wait3A_402 : memref<50048x8xf32, #tpu.memory_space<vmem_shared>>)
        %dma_wait3A_403 = arith.constant 0 : i32
        %dma_wait3A_404 = arith.constant 6 : i32
        %dma_wait3A_405 = arith.constant 0 : i32
        %dma_wait3A_406 = arith.constant 0 : i32
        %dma_wait3A_407 = tpu.memref_slice %arg6[%dma_wait3A_403, %dma_wait3A_405, %dma_wait3A_406] : memref<2x8x125xi32, #tpu.memory_space<vmem>> -> memref<1x8x125xi32, #tpu.memory_space<vmem>>
        %dma_wait3A_408 = tpu.memref_squeeze %dma_wait3A_407 : memref<1x8x125xi32, #tpu.memory_space<vmem>> -> memref<8x125xi32, #tpu.memory_space<vmem>>
        %dma_wait3A_409 = arith.constant 0 : i32
        %dma_wait3A_410 = tpu.memref_slice %dma_wait3A_408[%dma_wait3A_404, %dma_wait3A_409] : memref<8x125xi32, #tpu.memory_space<vmem>> -> memref<1x125xi32, #tpu.memory_space<vmem>>
        %dma_wait3A_411 = tpu.memref_squeeze %dma_wait3A_410 : memref<1x125xi32, #tpu.memory_space<vmem>> -> memref<125xi32, #tpu.memory_space<vmem>>
        %dma_wait3A_412 = arith.constant 0 : i32
        %dma_wait3A_413 = arith.constant 0 : i32
        %dma_wait3A_414 = tpu.memref_slice %arg8[%dma_wait3A_412, %dma_wait3A_413] : memref<50048x8xf32, #tpu.memory_space<vmem_shared>> -> memref<50048x8xf32, #tpu.memory_space<vmem_shared>>
        tpu.wait_indirect_dma semaphore(%arg9 : memref<!tpu.dma_semaphore, #tpu.memory_space<semaphore_mem>>) src(%arg7 : memref<125x8xf32, #tpu.memory_space<vmem>>) dst(%dma_wait3A_414 : memref<50048x8xf32, #tpu.memory_space<vmem_shared>>)
        %dma_wait3A_415 = arith.constant 0 : i32
        %dma_wait3A_416 = arith.constant 7 : i32
        %dma_wait3A_417 = arith.constant 0 : i32
        %dma_wait3A_418 = arith.constant 0 : i32
        %dma_wait3A_419 = tpu.memref_slice %arg6[%dma_wait3A_415, %dma_wait3A_417, %dma_wait3A_418] : memref<2x8x125xi32, #tpu.memory_space<vmem>> -> memref<1x8x125xi32, #tpu.memory_space<vmem>>
        %dma_wait3A_420 = tpu.memref_squeeze %dma_wait3A_419 : memref<1x8x125xi32, #tpu.memory_space<vmem>> -> memref<8x125xi32, #tpu.memory_space<vmem>>
        %dma_wait3A_421 = arith.constant 0 : i32
        %dma_wait3A_422 = tpu.memref_slice %dma_wait3A_420[%dma_wait3A_416, %dma_wait3A_421] : memref<8x125xi32, #tpu.memory_space<vmem>> -> memref<1x125xi32, #tpu.memory_space<vmem>>
        %dma_wait3A_423 = tpu.memref_squeeze %dma_wait3A_422 : memref<1x125xi32, #tpu.memory_space<vmem>> -> memref<125xi32, #tpu.memory_space<vmem>>
        %dma_wait3A_424 = arith.constant 0 : i32
        %dma_wait3A_425 = arith.constant 0 : i32
        %dma_wait3A_426 = tpu.memref_slice %arg8[%dma_wait3A_424, %dma_wait3A_425] : memref<50048x8xf32, #tpu.memory_space<vmem_shared>> -> memref<50048x8xf32, #tpu.memory_space<vmem_shared>>
        tpu.wait_indirect_dma semaphore(%arg9 : memref<!tpu.dma_semaphore, #tpu.memory_space<semaphore_mem>>) src(%arg7 : memref<125x8xf32, #tpu.memory_space<vmem>>) dst(%dma_wait3A_426 : memref<50048x8xf32, #tpu.memory_space<vmem_shared>>)
      } else {
      }
      %mul3A_230 = arith.constant 8 : i32
      %mul3A_231 = arith.muli %add3A_224, %mul3A_230 : i32
      %add3A_232 = arith.addi %add3A, %mul3A_231 : i32
      %run_scoped3A_233 = arith.constant 1 : i32
      %run_scoped3A_234 = arith.constant 1 : i32
      "tpu.region"() ({
        %run_scoped3A_331 = tpu.sem_alloc : memref<!tpu.dma_semaphore, #tpu.memory_space<semaphore_mem>>
        %dma_start3A_332 = arith.constant 0 : i32
        %dma_start3A_333 = arith.constant 0 : i32
        %dma_start3A_334 = tpu.memref_slice %arg6[%run_scoped3A_234, %dma_start3A_332, %dma_start3A_333] : memref<2x8x125xi32, #tpu.memory_space<vmem>> -> memref<1x8x125xi32, #tpu.memory_space<vmem>>
        %dma_start3A_335 = tpu.memref_squeeze %dma_start3A_334 : memref<1x8x125xi32, #tpu.memory_space<vmem>> -> memref<8x125xi32, #tpu.memory_space<vmem>>
        %dma_start3A_336 = arith.constant 0 : i32
        %dma_start3A_337 = tpu.memref_slice %arg2[%run_scoped3A_233, %add3A_232, %dma_start3A_336] : memref<2x12800x125xi32, #tpu.memory_space<hbm>> -> memref<1x8x125xi32, #tpu.memory_space<hbm>>
        %dma_start3A_338 = tpu.memref_squeeze %dma_start3A_337 : memref<1x8x125xi32, #tpu.memory_space<hbm>> -> memref<8x125xi32, #tpu.memory_space<hbm>>
        %dma_start3A_339 = arith.constant 0 : i32
        %dma_start3A_340 = arith.constant 0 : i32
        %dma_start3A_341 = tpu.memref_slice %arg6[%run_scoped3A_234, %dma_start3A_339, %dma_start3A_340] : memref<2x8x125xi32, #tpu.memory_space<vmem>> -> memref<1x8x125xi32, #tpu.memory_space<vmem>>
        %dma_start3A_342 = tpu.memref_squeeze %dma_start3A_341 : memref<1x8x125xi32, #tpu.memory_space<vmem>> -> memref<8x125xi32, #tpu.memory_space<vmem>>
        %dma_start3A_343 = arith.constant 0 : i32
        %dma_start3A_344 = tpu.memref_slice %arg2[%run_scoped3A_233, %add3A_232, %dma_start3A_343] : memref<2x12800x125xi32, #tpu.memory_space<hbm>> -> memref<1x8x125xi32, #tpu.memory_space<hbm>>
        %dma_start3A_345 = tpu.memref_squeeze %dma_start3A_344 : memref<1x8x125xi32, #tpu.memory_space<hbm>> -> memref<8x125xi32, #tpu.memory_space<hbm>>
        tpu.enqueue_dma source(%dma_start3A_345 : memref<8x125xi32, #tpu.memory_space<hbm>>) target(%dma_start3A_342 : memref<8x125xi32, #tpu.memory_space<vmem>>) target_semaphore(%run_scoped3A_331 : memref<!tpu.dma_semaphore, #tpu.memory_space<semaphore_mem>>)
        %dma_wait3A_346 = arith.constant 0 : i32
        %dma_wait3A_347 = arith.constant 0 : i32
        %dma_wait3A_348 = tpu.memref_slice %arg6[%run_scoped3A_234, %dma_wait3A_346, %dma_wait3A_347] : memref<2x8x125xi32, #tpu.memory_space<vmem>> -> memref<1x8x125xi32, #tpu.memory_space<vmem>>
        %dma_wait3A_349 = tpu.memref_squeeze %dma_wait3A_348 : memref<1x8x125xi32, #tpu.memory_space<vmem>> -> memref<8x125xi32, #tpu.memory_space<vmem>>
        %dma_wait3A_350 = arith.constant 0 : i32
        %dma_wait3A_351 = tpu.memref_slice %arg2[%run_scoped3A_233, %add3A_232, %dma_wait3A_350] : memref<2x12800x125xi32, #tpu.memory_space<hbm>> -> memref<1x8x125xi32, #tpu.memory_space<hbm>>
        %dma_wait3A_352 = tpu.memref_squeeze %dma_wait3A_351 : memref<1x8x125xi32, #tpu.memory_space<hbm>> -> memref<8x125xi32, #tpu.memory_space<hbm>>
        %dma_wait3A_353 = arith.constant 0 : i32
        %dma_wait3A_354 = arith.constant 0 : i32
        %dma_wait3A_355 = tpu.memref_slice %arg6[%run_scoped3A_234, %dma_wait3A_353, %dma_wait3A_354] : memref<2x8x125xi32, #tpu.memory_space<vmem>> -> memref<1x8x125xi32, #tpu.memory_space<vmem>>
        %dma_wait3A_356 = tpu.memref_squeeze %dma_wait3A_355 : memref<1x8x125xi32, #tpu.memory_space<vmem>> -> memref<8x125xi32, #tpu.memory_space<vmem>>
        %dma_wait3A_357 = arith.constant 0 : i32
        %dma_wait3A_358 = tpu.memref_slice %arg2[%run_scoped3A_233, %add3A_232, %dma_wait3A_357] : memref<2x12800x125xi32, #tpu.memory_space<hbm>> -> memref<1x8x125xi32, #tpu.memory_space<hbm>>
        %dma_wait3A_359 = tpu.memref_squeeze %dma_wait3A_358 : memref<1x8x125xi32, #tpu.memory_space<hbm>> -> memref<8x125xi32, #tpu.memory_space<hbm>>
        tpu.wait_dma2 semaphore(%run_scoped3A_331 : memref<!tpu.dma_semaphore, #tpu.memory_space<semaphore_mem>>) src(%dma_wait3A_359 : memref<8x125xi32, #tpu.memory_space<hbm>>) dst(%dma_wait3A_356 : memref<8x125xi32, #tpu.memory_space<vmem>>)
        tpu.yield
      }) : () -> ()
      %dma_start3A_235 = arith.constant 1 : i32
      %dma_start3A_236 = arith.constant 0 : i32
      %dma_start3A_237 = arith.constant 0 : i32
      %dma_start3A_238 = arith.constant 0 : i32
      %dma_start3A_239 = tpu.memref_slice %arg6[%dma_start3A_235, %dma_start3A_237, %dma_start3A_238] : memref<2x8x125xi32, #tpu.memory_space<vmem>> -> memref<1x8x125xi32, #tpu.memory_space<vmem>>
      %dma_start3A_240 = tpu.memref_squeeze %dma_start3A_239 : memref<1x8x125xi32, #tpu.memory_space<vmem>> -> memref<8x125xi32, #tpu.memory_space<vmem>>
      %dma_start3A_241 = arith.constant 0 : i32
      %dma_start3A_242 = tpu.memref_slice %dma_start3A_240[%dma_start3A_236, %dma_start3A_241] : memref<8x125xi32, #tpu.memory_space<vmem>> -> memref<1x125xi32, #tpu.memory_space<vmem>>
      %dma_start3A_243 = tpu.memref_squeeze %dma_start3A_242 : memref<1x125xi32, #tpu.memory_space<vmem>> -> memref<125xi32, #tpu.memory_space<vmem>>
      %dma_start3A_244 = arith.constant 0 : i32
      %dma_start3A_245 = arith.constant 0 : i32
      %dma_start3A_246 = tpu.memref_slice %arg8[%dma_start3A_244, %dma_start3A_245] : memref<50048x8xf32, #tpu.memory_space<vmem_shared>> -> memref<50048x8xf32, #tpu.memory_space<vmem_shared>>
      tpu.enqueue_indirect_dma source(%arg7 : memref<125x8xf32, #tpu.memory_space<vmem>>) target(%dma_start3A_246 : memref<50048x8xf32, #tpu.memory_space<vmem_shared>>) offsets(%dma_start3A_243 : memref<125xi32, #tpu.memory_space<vmem>>) semaphore(%arg9 : memref<!tpu.dma_semaphore, #tpu.memory_space<semaphore_mem>>) {add = true}
      %dma_start3A_247 = arith.constant 1 : i32
      %dma_start3A_248 = arith.constant 1 : i32
      %dma_start3A_249 = arith.constant 0 : i32
      %dma_start3A_250 = arith.constant 0 : i32
      %dma_start3A_251 = tpu.memref_slice %arg6[%dma_start3A_247, %dma_start3A_249, %dma_start3A_250] : memref<2x8x125xi32, #tpu.memory_space<vmem>> -> memref<1x8x125xi32, #tpu.memory_space<vmem>>
      %dma_start3A_252 = tpu.memref_squeeze %dma_start3A_251 : memref<1x8x125xi32, #tpu.memory_space<vmem>> -> memref<8x125xi32, #tpu.memory_space<vmem>>
      %dma_start3A_253 = arith.constant 0 : i32
      %dma_start3A_254 = tpu.memref_slice %dma_start3A_252[%dma_start3A_248, %dma_start3A_253] : memref<8x125xi32, #tpu.memory_space<vmem>> -> memref<1x125xi32, #tpu.memory_space<vmem>>
      %dma_start3A_255 = tpu.memref_squeeze %dma_start3A_254 : memref<1x125xi32, #tpu.memory_space<vmem>> -> memref<125xi32, #tpu.memory_space<vmem>>
      %dma_start3A_256 = arith.constant 0 : i32
      %dma_start3A_257 = arith.constant 0 : i32
      %dma_start3A_258 = tpu.memref_slice %arg8[%dma_start3A_256, %dma_start3A_257] : memref<50048x8xf32, #tpu.memory_space<vmem_shared>> -> memref<50048x8xf32, #tpu.memory_space<vmem_shared>>
      tpu.enqueue_indirect_dma source(%arg7 : memref<125x8xf32, #tpu.memory_space<vmem>>) target(%dma_start3A_258 : memref<50048x8xf32, #tpu.memory_space<vmem_shared>>) offsets(%dma_start3A_255 : memref<125xi32, #tpu.memory_space<vmem>>) semaphore(%arg9 : memref<!tpu.dma_semaphore, #tpu.memory_space<semaphore_mem>>) {add = true}
      %dma_start3A_259 = arith.constant 1 : i32
      %dma_start3A_260 = arith.constant 2 : i32
      %dma_start3A_261 = arith.constant 0 : i32
      %dma_start3A_262 = arith.constant 0 : i32
      %dma_start3A_263 = tpu.memref_slice %arg6[%dma_start3A_259, %dma_start3A_261, %dma_start3A_262] : memref<2x8x125xi32, #tpu.memory_space<vmem>> -> memref<1x8x125xi32, #tpu.memory_space<vmem>>
      %dma_start3A_264 = tpu.memref_squeeze %dma_start3A_263 : memref<1x8x125xi32, #tpu.memory_space<vmem>> -> memref<8x125xi32, #tpu.memory_space<vmem>>
      %dma_start3A_265 = arith.constant 0 : i32
      %dma_start3A_266 = tpu.memref_slice %dma_start3A_264[%dma_start3A_260, %dma_start3A_265] : memref<8x125xi32, #tpu.memory_space<vmem>> -> memref<1x125xi32, #tpu.memory_space<vmem>>
      %dma_start3A_267 = tpu.memref_squeeze %dma_start3A_266 : memref<1x125xi32, #tpu.memory_space<vmem>> -> memref<125xi32, #tpu.memory_space<vmem>>
      %dma_start3A_268 = arith.constant 0 : i32
      %dma_start3A_269 = arith.constant 0 : i32
      %dma_start3A_270 = tpu.memref_slice %arg8[%dma_start3A_268, %dma_start3A_269] : memref<50048x8xf32, #tpu.memory_space<vmem_shared>> -> memref<50048x8xf32, #tpu.memory_space<vmem_shared>>
      tpu.enqueue_indirect_dma source(%arg7 : memref<125x8xf32, #tpu.memory_space<vmem>>) target(%dma_start3A_270 : memref<50048x8xf32, #tpu.memory_space<vmem_shared>>) offsets(%dma_start3A_267 : memref<125xi32, #tpu.memory_space<vmem>>) semaphore(%arg9 : memref<!tpu.dma_semaphore, #tpu.memory_space<semaphore_mem>>) {add = true}
      %dma_start3A_271 = arith.constant 1 : i32
      %dma_start3A_272 = arith.constant 3 : i32
      %dma_start3A_273 = arith.constant 0 : i32
      %dma_start3A_274 = arith.constant 0 : i32
      %dma_start3A_275 = tpu.memref_slice %arg6[%dma_start3A_271, %dma_start3A_273, %dma_start3A_274] : memref<2x8x125xi32, #tpu.memory_space<vmem>> -> memref<1x8x125xi32, #tpu.memory_space<vmem>>
      %dma_start3A_276 = tpu.memref_squeeze %dma_start3A_275 : memref<1x8x125xi32, #tpu.memory_space<vmem>> -> memref<8x125xi32, #tpu.memory_space<vmem>>
      %dma_start3A_277 = arith.constant 0 : i32
      %dma_start3A_278 = tpu.memref_slice %dma_start3A_276[%dma_start3A_272, %dma_start3A_277] : memref<8x125xi32, #tpu.memory_space<vmem>> -> memref<1x125xi32, #tpu.memory_space<vmem>>
      %dma_start3A_279 = tpu.memref_squeeze %dma_start3A_278 : memref<1x125xi32, #tpu.memory_space<vmem>> -> memref<125xi32, #tpu.memory_space<vmem>>
      %dma_start3A_280 = arith.constant 0 : i32
      %dma_start3A_281 = arith.constant 0 : i32
      %dma_start3A_282 = tpu.memref_slice %arg8[%dma_start3A_280, %dma_start3A_281] : memref<50048x8xf32, #tpu.memory_space<vmem_shared>> -> memref<50048x8xf32, #tpu.memory_space<vmem_shared>>
      tpu.enqueue_indirect_dma source(%arg7 : memref<125x8xf32, #tpu.memory_space<vmem>>) target(%dma_start3A_282 : memref<50048x8xf32, #tpu.memory_space<vmem_shared>>) offsets(%dma_start3A_279 : memref<125xi32, #tpu.memory_space<vmem>>) semaphore(%arg9 : memref<!tpu.dma_semaphore, #tpu.memory_space<semaphore_mem>>) {add = true}
      %dma_start3A_283 = arith.constant 1 : i32
      %dma_start3A_284 = arith.constant 4 : i32
      %dma_start3A_285 = arith.constant 0 : i32
      %dma_start3A_286 = arith.constant 0 : i32
      %dma_start3A_287 = tpu.memref_slice %arg6[%dma_start3A_283, %dma_start3A_285, %dma_start3A_286] : memref<2x8x125xi32, #tpu.memory_space<vmem>> -> memref<1x8x125xi32, #tpu.memory_space<vmem>>
      %dma_start3A_288 = tpu.memref_squeeze %dma_start3A_287 : memref<1x8x125xi32, #tpu.memory_space<vmem>> -> memref<8x125xi32, #tpu.memory_space<vmem>>
      %dma_start3A_289 = arith.constant 0 : i32
      %dma_start3A_290 = tpu.memref_slice %dma_start3A_288[%dma_start3A_284, %dma_start3A_289] : memref<8x125xi32, #tpu.memory_space<vmem>> -> memref<1x125xi32, #tpu.memory_space<vmem>>
      %dma_start3A_291 = tpu.memref_squeeze %dma_start3A_290 : memref<1x125xi32, #tpu.memory_space<vmem>> -> memref<125xi32, #tpu.memory_space<vmem>>
      %dma_start3A_292 = arith.constant 0 : i32
      %dma_start3A_293 = arith.constant 0 : i32
      %dma_start3A_294 = tpu.memref_slice %arg8[%dma_start3A_292, %dma_start3A_293] : memref<50048x8xf32, #tpu.memory_space<vmem_shared>> -> memref<50048x8xf32, #tpu.memory_space<vmem_shared>>
      tpu.enqueue_indirect_dma source(%arg7 : memref<125x8xf32, #tpu.memory_space<vmem>>) target(%dma_start3A_294 : memref<50048x8xf32, #tpu.memory_space<vmem_shared>>) offsets(%dma_start3A_291 : memref<125xi32, #tpu.memory_space<vmem>>) semaphore(%arg9 : memref<!tpu.dma_semaphore, #tpu.memory_space<semaphore_mem>>) {add = true}
      %dma_start3A_295 = arith.constant 1 : i32
      %dma_start3A_296 = arith.constant 5 : i32
      %dma_start3A_297 = arith.constant 0 : i32
      %dma_start3A_298 = arith.constant 0 : i32
      %dma_start3A_299 = tpu.memref_slice %arg6[%dma_start3A_295, %dma_start3A_297, %dma_start3A_298] : memref<2x8x125xi32, #tpu.memory_space<vmem>> -> memref<1x8x125xi32, #tpu.memory_space<vmem>>
      %dma_start3A_300 = tpu.memref_squeeze %dma_start3A_299 : memref<1x8x125xi32, #tpu.memory_space<vmem>> -> memref<8x125xi32, #tpu.memory_space<vmem>>
      %dma_start3A_301 = arith.constant 0 : i32
      %dma_start3A_302 = tpu.memref_slice %dma_start3A_300[%dma_start3A_296, %dma_start3A_301] : memref<8x125xi32, #tpu.memory_space<vmem>> -> memref<1x125xi32, #tpu.memory_space<vmem>>
      %dma_start3A_303 = tpu.memref_squeeze %dma_start3A_302 : memref<1x125xi32, #tpu.memory_space<vmem>> -> memref<125xi32, #tpu.memory_space<vmem>>
      %dma_start3A_304 = arith.constant 0 : i32
      %dma_start3A_305 = arith.constant 0 : i32
      %dma_start3A_306 = tpu.memref_slice %arg8[%dma_start3A_304, %dma_start3A_305] : memref<50048x8xf32, #tpu.memory_space<vmem_shared>> -> memref<50048x8xf32, #tpu.memory_space<vmem_shared>>
      tpu.enqueue_indirect_dma source(%arg7 : memref<125x8xf32, #tpu.memory_space<vmem>>) target(%dma_start3A_306 : memref<50048x8xf32, #tpu.memory_space<vmem_shared>>) offsets(%dma_start3A_303 : memref<125xi32, #tpu.memory_space<vmem>>) semaphore(%arg9 : memref<!tpu.dma_semaphore, #tpu.memory_space<semaphore_mem>>) {add = true}
      %dma_start3A_307 = arith.constant 1 : i32
      %dma_start3A_308 = arith.constant 6 : i32
      %dma_start3A_309 = arith.constant 0 : i32
      %dma_start3A_310 = arith.constant 0 : i32
      %dma_start3A_311 = tpu.memref_slice %arg6[%dma_start3A_307, %dma_start3A_309, %dma_start3A_310] : memref<2x8x125xi32, #tpu.memory_space<vmem>> -> memref<1x8x125xi32, #tpu.memory_space<vmem>>
      %dma_start3A_312 = tpu.memref_squeeze %dma_start3A_311 : memref<1x8x125xi32, #tpu.memory_space<vmem>> -> memref<8x125xi32, #tpu.memory_space<vmem>>
      %dma_start3A_313 = arith.constant 0 : i32
      %dma_start3A_314 = tpu.memref_slice %dma_start3A_312[%dma_start3A_308, %dma_start3A_313] : memref<8x125xi32, #tpu.memory_space<vmem>> -> memref<1x125xi32, #tpu.memory_space<vmem>>
      %dma_start3A_315 = tpu.memref_squeeze %dma_start3A_314 : memref<1x125xi32, #tpu.memory_space<vmem>> -> memref<125xi32, #tpu.memory_space<vmem>>
      %dma_start3A_316 = arith.constant 0 : i32
      %dma_start3A_317 = arith.constant 0 : i32
      %dma_start3A_318 = tpu.memref_slice %arg8[%dma_start3A_316, %dma_start3A_317] : memref<50048x8xf32, #tpu.memory_space<vmem_shared>> -> memref<50048x8xf32, #tpu.memory_space<vmem_shared>>
      tpu.enqueue_indirect_dma source(%arg7 : memref<125x8xf32, #tpu.memory_space<vmem>>) target(%dma_start3A_318 : memref<50048x8xf32, #tpu.memory_space<vmem_shared>>) offsets(%dma_start3A_315 : memref<125xi32, #tpu.memory_space<vmem>>) semaphore(%arg9 : memref<!tpu.dma_semaphore, #tpu.memory_space<semaphore_mem>>) {add = true}
      %dma_start3A_319 = arith.constant 1 : i32
      %dma_start3A_320 = arith.constant 7 : i32
      %dma_start3A_321 = arith.constant 0 : i32
      %dma_start3A_322 = arith.constant 0 : i32
      %dma_start3A_323 = tpu.memref_slice %arg6[%dma_start3A_319, %dma_start3A_321, %dma_start3A_322] : memref<2x8x125xi32, #tpu.memory_space<vmem>> -> memref<1x8x125xi32, #tpu.memory_space<vmem>>
      %dma_start3A_324 = tpu.memref_squeeze %dma_start3A_323 : memref<1x8x125xi32, #tpu.memory_space<vmem>> -> memref<8x125xi32, #tpu.memory_space<vmem>>
      %dma_start3A_325 = arith.constant 0 : i32
      %dma_start3A_326 = tpu.memref_slice %dma_start3A_324[%dma_start3A_320, %dma_start3A_325] : memref<8x125xi32, #tpu.memory_space<vmem>> -> memref<1x125xi32, #tpu.memory_space<vmem>>
      %dma_start3A_327 = tpu.memref_squeeze %dma_start3A_326 : memref<1x125xi32, #tpu.memory_space<vmem>> -> memref<125xi32, #tpu.memory_space<vmem>>
      %dma_start3A_328 = arith.constant 0 : i32
      %dma_start3A_329 = arith.constant 0 : i32
      %dma_start3A_330 = tpu.memref_slice %arg8[%dma_start3A_328, %dma_start3A_329] : memref<50048x8xf32, #tpu.memory_space<vmem_shared>> -> memref<50048x8xf32, #tpu.memory_space<vmem_shared>>
      tpu.enqueue_indirect_dma source(%arg7 : memref<125x8xf32, #tpu.memory_space<vmem>>) target(%dma_start3A_330 : memref<50048x8xf32, #tpu.memory_space<vmem_shared>>) offsets(%dma_start3A_327 : memref<125xi32, #tpu.memory_space<vmem>>) semaphore(%arg9 : memref<!tpu.dma_semaphore, #tpu.memory_space<semaphore_mem>>) {add = true}
    }
    %scan3A_11 = arith.constant 25 : i32
    %dma_wait3A = arith.constant 1 : i32
    %dma_wait3A_12 = arith.constant 0 : i32
    %dma_wait3A_13 = arith.constant 0 : i32
    %dma_wait3A_14 = arith.constant 0 : i32
    %dma_wait3A_15 = tpu.memref_slice %arg6[%dma_wait3A, %dma_wait3A_13, %dma_wait3A_14] : memref<2x8x125xi32, #tpu.memory_space<vmem>> -> memref<1x8x125xi32, #tpu.memory_space<vmem>>
    %dma_wait3A_16 = tpu.memref_squeeze %dma_wait3A_15 : memref<1x8x125xi32, #tpu.memory_space<vmem>> -> memref<8x125xi32, #tpu.memory_space<vmem>>
    %dma_wait3A_17 = arith.constant 0 : i32
    %dma_wait3A_18 = tpu.memref_slice %dma_wait3A_16[%dma_wait3A_12, %dma_wait3A_17] : memref<8x125xi32, #tpu.memory_space<vmem>> -> memref<1x125xi32, #tpu.memory_space<vmem>>
    %dma_wait3A_19 = tpu.memref_squeeze %dma_wait3A_18 : memref<1x125xi32, #tpu.memory_space<vmem>> -> memref<125xi32, #tpu.memory_space<vmem>>
    %dma_wait3A_20 = arith.constant 0 : i32
    %dma_wait3A_21 = arith.constant 0 : i32
    %dma_wait3A_22 = tpu.memref_slice %arg8[%dma_wait3A_20, %dma_wait3A_21] : memref<50048x8xf32, #tpu.memory_space<vmem_shared>> -> memref<50048x8xf32, #tpu.memory_space<vmem_shared>>
    tpu.wait_indirect_dma semaphore(%arg9 : memref<!tpu.dma_semaphore, #tpu.memory_space<semaphore_mem>>) src(%arg7 : memref<125x8xf32, #tpu.memory_space<vmem>>) dst(%dma_wait3A_22 : memref<50048x8xf32, #tpu.memory_space<vmem_shared>>)
    %dma_wait3A_23 = arith.constant 1 : i32
    %dma_wait3A_24 = arith.constant 1 : i32
    %dma_wait3A_25 = arith.constant 0 : i32
    %dma_wait3A_26 = arith.constant 0 : i32
    %dma_wait3A_27 = tpu.memref_slice %arg6[%dma_wait3A_23, %dma_wait3A_25, %dma_wait3A_26] : memref<2x8x125xi32, #tpu.memory_space<vmem>> -> memref<1x8x125xi32, #tpu.memory_space<vmem>>
    %dma_wait3A_28 = tpu.memref_squeeze %dma_wait3A_27 : memref<1x8x125xi32, #tpu.memory_space<vmem>> -> memref<8x125xi32, #tpu.memory_space<vmem>>
    %dma_wait3A_29 = arith.constant 0 : i32
    %dma_wait3A_30 = tpu.memref_slice %dma_wait3A_28[%dma_wait3A_24, %dma_wait3A_29] : memref<8x125xi32, #tpu.memory_space<vmem>> -> memref<1x125xi32, #tpu.memory_space<vmem>>
    %dma_wait3A_31 = tpu.memref_squeeze %dma_wait3A_30 : memref<1x125xi32, #tpu.memory_space<vmem>> -> memref<125xi32, #tpu.memory_space<vmem>>
    %dma_wait3A_32 = arith.constant 0 : i32
    %dma_wait3A_33 = arith.constant 0 : i32
    %dma_wait3A_34 = tpu.memref_slice %arg8[%dma_wait3A_32, %dma_wait3A_33] : memref<50048x8xf32, #tpu.memory_space<vmem_shared>> -> memref<50048x8xf32, #tpu.memory_space<vmem_shared>>
    tpu.wait_indirect_dma semaphore(%arg9 : memref<!tpu.dma_semaphore, #tpu.memory_space<semaphore_mem>>) src(%arg7 : memref<125x8xf32, #tpu.memory_space<vmem>>) dst(%dma_wait3A_34 : memref<50048x8xf32, #tpu.memory_space<vmem_shared>>)
    %dma_wait3A_35 = arith.constant 1 : i32
    %dma_wait3A_36 = arith.constant 2 : i32
    %dma_wait3A_37 = arith.constant 0 : i32
    %dma_wait3A_38 = arith.constant 0 : i32
    %dma_wait3A_39 = tpu.memref_slice %arg6[%dma_wait3A_35, %dma_wait3A_37, %dma_wait3A_38] : memref<2x8x125xi32, #tpu.memory_space<vmem>> -> memref<1x8x125xi32, #tpu.memory_space<vmem>>
    %dma_wait3A_40 = tpu.memref_squeeze %dma_wait3A_39 : memref<1x8x125xi32, #tpu.memory_space<vmem>> -> memref<8x125xi32, #tpu.memory_space<vmem>>
    %dma_wait3A_41 = arith.constant 0 : i32
    %dma_wait3A_42 = tpu.memref_slice %dma_wait3A_40[%dma_wait3A_36, %dma_wait3A_41] : memref<8x125xi32, #tpu.memory_space<vmem>> -> memref<1x125xi32, #tpu.memory_space<vmem>>
    %dma_wait3A_43 = tpu.memref_squeeze %dma_wait3A_42 : memref<1x125xi32, #tpu.memory_space<vmem>> -> memref<125xi32, #tpu.memory_space<vmem>>
    %dma_wait3A_44 = arith.constant 0 : i32
    %dma_wait3A_45 = arith.constant 0 : i32
    %dma_wait3A_46 = tpu.memref_slice %arg8[%dma_wait3A_44, %dma_wait3A_45] : memref<50048x8xf32, #tpu.memory_space<vmem_shared>> -> memref<50048x8xf32, #tpu.memory_space<vmem_shared>>
    tpu.wait_indirect_dma semaphore(%arg9 : memref<!tpu.dma_semaphore, #tpu.memory_space<semaphore_mem>>) src(%arg7 : memref<125x8xf32, #tpu.memory_space<vmem>>) dst(%dma_wait3A_46 : memref<50048x8xf32, #tpu.memory_space<vmem_shared>>)
    %dma_wait3A_47 = arith.constant 1 : i32
    %dma_wait3A_48 = arith.constant 3 : i32
    %dma_wait3A_49 = arith.constant 0 : i32
    %dma_wait3A_50 = arith.constant 0 : i32
    %dma_wait3A_51 = tpu.memref_slice %arg6[%dma_wait3A_47, %dma_wait3A_49, %dma_wait3A_50] : memref<2x8x125xi32, #tpu.memory_space<vmem>> -> memref<1x8x125xi32, #tpu.memory_space<vmem>>
    %dma_wait3A_52 = tpu.memref_squeeze %dma_wait3A_51 : memref<1x8x125xi32, #tpu.memory_space<vmem>> -> memref<8x125xi32, #tpu.memory_space<vmem>>
    %dma_wait3A_53 = arith.constant 0 : i32
    %dma_wait3A_54 = tpu.memref_slice %dma_wait3A_52[%dma_wait3A_48, %dma_wait3A_53] : memref<8x125xi32, #tpu.memory_space<vmem>> -> memref<1x125xi32, #tpu.memory_space<vmem>>
    %dma_wait3A_55 = tpu.memref_squeeze %dma_wait3A_54 : memref<1x125xi32, #tpu.memory_space<vmem>> -> memref<125xi32, #tpu.memory_space<vmem>>
    %dma_wait3A_56 = arith.constant 0 : i32
    %dma_wait3A_57 = arith.constant 0 : i32
    %dma_wait3A_58 = tpu.memref_slice %arg8[%dma_wait3A_56, %dma_wait3A_57] : memref<50048x8xf32, #tpu.memory_space<vmem_shared>> -> memref<50048x8xf32, #tpu.memory_space<vmem_shared>>
    tpu.wait_indirect_dma semaphore(%arg9 : memref<!tpu.dma_semaphore, #tpu.memory_space<semaphore_mem>>) src(%arg7 : memref<125x8xf32, #tpu.memory_space<vmem>>) dst(%dma_wait3A_58 : memref<50048x8xf32, #tpu.memory_space<vmem_shared>>)
    %dma_wait3A_59 = arith.constant 1 : i32
    %dma_wait3A_60 = arith.constant 4 : i32
    %dma_wait3A_61 = arith.constant 0 : i32
    %dma_wait3A_62 = arith.constant 0 : i32
    %dma_wait3A_63 = tpu.memref_slice %arg6[%dma_wait3A_59, %dma_wait3A_61, %dma_wait3A_62] : memref<2x8x125xi32, #tpu.memory_space<vmem>> -> memref<1x8x125xi32, #tpu.memory_space<vmem>>
    %dma_wait3A_64 = tpu.memref_squeeze %dma_wait3A_63 : memref<1x8x125xi32, #tpu.memory_space<vmem>> -> memref<8x125xi32, #tpu.memory_space<vmem>>
    %dma_wait3A_65 = arith.constant 0 : i32
    %dma_wait3A_66 = tpu.memref_slice %dma_wait3A_64[%dma_wait3A_60, %dma_wait3A_65] : memref<8x125xi32, #tpu.memory_space<vmem>> -> memref<1x125xi32, #tpu.memory_space<vmem>>
    %dma_wait3A_67 = tpu.memref_squeeze %dma_wait3A_66 : memref<1x125xi32, #tpu.memory_space<vmem>> -> memref<125xi32, #tpu.memory_space<vmem>>
    %dma_wait3A_68 = arith.constant 0 : i32
    %dma_wait3A_69 = arith.constant 0 : i32
    %dma_wait3A_70 = tpu.memref_slice %arg8[%dma_wait3A_68, %dma_wait3A_69] : memref<50048x8xf32, #tpu.memory_space<vmem_shared>> -> memref<50048x8xf32, #tpu.memory_space<vmem_shared>>
    tpu.wait_indirect_dma semaphore(%arg9 : memref<!tpu.dma_semaphore, #tpu.memory_space<semaphore_mem>>) src(%arg7 : memref<125x8xf32, #tpu.memory_space<vmem>>) dst(%dma_wait3A_70 : memref<50048x8xf32, #tpu.memory_space<vmem_shared>>)
    %dma_wait3A_71 = arith.constant 1 : i32
    %dma_wait3A_72 = arith.constant 5 : i32
    %dma_wait3A_73 = arith.constant 0 : i32
    %dma_wait3A_74 = arith.constant 0 : i32
    %dma_wait3A_75 = tpu.memref_slice %arg6[%dma_wait3A_71, %dma_wait3A_73, %dma_wait3A_74] : memref<2x8x125xi32, #tpu.memory_space<vmem>> -> memref<1x8x125xi32, #tpu.memory_space<vmem>>
    %dma_wait3A_76 = tpu.memref_squeeze %dma_wait3A_75 : memref<1x8x125xi32, #tpu.memory_space<vmem>> -> memref<8x125xi32, #tpu.memory_space<vmem>>
    %dma_wait3A_77 = arith.constant 0 : i32
    %dma_wait3A_78 = tpu.memref_slice %dma_wait3A_76[%dma_wait3A_72, %dma_wait3A_77] : memref<8x125xi32, #tpu.memory_space<vmem>> -> memref<1x125xi32, #tpu.memory_space<vmem>>
    %dma_wait3A_79 = tpu.memref_squeeze %dma_wait3A_78 : memref<1x125xi32, #tpu.memory_space<vmem>> -> memref<125xi32, #tpu.memory_space<vmem>>
    %dma_wait3A_80 = arith.constant 0 : i32
    %dma_wait3A_81 = arith.constant 0 : i32
    %dma_wait3A_82 = tpu.memref_slice %arg8[%dma_wait3A_80, %dma_wait3A_81] : memref<50048x8xf32, #tpu.memory_space<vmem_shared>> -> memref<50048x8xf32, #tpu.memory_space<vmem_shared>>
    tpu.wait_indirect_dma semaphore(%arg9 : memref<!tpu.dma_semaphore, #tpu.memory_space<semaphore_mem>>) src(%arg7 : memref<125x8xf32, #tpu.memory_space<vmem>>) dst(%dma_wait3A_82 : memref<50048x8xf32, #tpu.memory_space<vmem_shared>>)
    %dma_wait3A_83 = arith.constant 1 : i32
    %dma_wait3A_84 = arith.constant 6 : i32
    %dma_wait3A_85 = arith.constant 0 : i32
    %dma_wait3A_86 = arith.constant 0 : i32
    %dma_wait3A_87 = tpu.memref_slice %arg6[%dma_wait3A_83, %dma_wait3A_85, %dma_wait3A_86] : memref<2x8x125xi32, #tpu.memory_space<vmem>> -> memref<1x8x125xi32, #tpu.memory_space<vmem>>
    %dma_wait3A_88 = tpu.memref_squeeze %dma_wait3A_87 : memref<1x8x125xi32, #tpu.memory_space<vmem>> -> memref<8x125xi32, #tpu.memory_space<vmem>>
    %dma_wait3A_89 = arith.constant 0 : i32
    %dma_wait3A_90 = tpu.memref_slice %dma_wait3A_88[%dma_wait3A_84, %dma_wait3A_89] : memref<8x125xi32, #tpu.memory_space<vmem>> -> memref<1x125xi32, #tpu.memory_space<vmem>>
    %dma_wait3A_91 = tpu.memref_squeeze %dma_wait3A_90 : memref<1x125xi32, #tpu.memory_space<vmem>> -> memref<125xi32, #tpu.memory_space<vmem>>
    %dma_wait3A_92 = arith.constant 0 : i32
    %dma_wait3A_93 = arith.constant 0 : i32
    %dma_wait3A_94 = tpu.memref_slice %arg8[%dma_wait3A_92, %dma_wait3A_93] : memref<50048x8xf32, #tpu.memory_space<vmem_shared>> -> memref<50048x8xf32, #tpu.memory_space<vmem_shared>>
    tpu.wait_indirect_dma semaphore(%arg9 : memref<!tpu.dma_semaphore, #tpu.memory_space<semaphore_mem>>) src(%arg7 : memref<125x8xf32, #tpu.memory_space<vmem>>) dst(%dma_wait3A_94 : memref<50048x8xf32, #tpu.memory_space<vmem_shared>>)
    %dma_wait3A_95 = arith.constant 1 : i32
    %dma_wait3A_96 = arith.constant 7 : i32
    %dma_wait3A_97 = arith.constant 0 : i32
    %dma_wait3A_98 = arith.constant 0 : i32
    %dma_wait3A_99 = tpu.memref_slice %arg6[%dma_wait3A_95, %dma_wait3A_97, %dma_wait3A_98] : memref<2x8x125xi32, #tpu.memory_space<vmem>> -> memref<1x8x125xi32, #tpu.memory_space<vmem>>
    %dma_wait3A_100 = tpu.memref_squeeze %dma_wait3A_99 : memref<1x8x125xi32, #tpu.memory_space<vmem>> -> memref<8x125xi32, #tpu.memory_space<vmem>>
    %dma_wait3A_101 = arith.constant 0 : i32
    %dma_wait3A_102 = tpu.memref_slice %dma_wait3A_100[%dma_wait3A_96, %dma_wait3A_101] : memref<8x125xi32, #tpu.memory_space<vmem>> -> memref<1x125xi32, #tpu.memory_space<vmem>>
    %dma_wait3A_103 = tpu.memref_squeeze %dma_wait3A_102 : memref<1x125xi32, #tpu.memory_space<vmem>> -> memref<125xi32, #tpu.memory_space<vmem>>
    %dma_wait3A_104 = arith.constant 0 : i32
    %dma_wait3A_105 = arith.constant 0 : i32
    %dma_wait3A_106 = tpu.memref_slice %arg8[%dma_wait3A_104, %dma_wait3A_105] : memref<50048x8xf32, #tpu.memory_space<vmem_shared>> -> memref<50048x8xf32, #tpu.memory_space<vmem_shared>>
    tpu.wait_indirect_dma semaphore(%arg9 : memref<!tpu.dma_semaphore, #tpu.memory_space<semaphore_mem>>) src(%arg7 : memref<125x8xf32, #tpu.memory_space<vmem>>) dst(%dma_wait3A_106 : memref<50048x8xf32, #tpu.memory_space<vmem_shared>>)
    %barrier3A_107 = arith.constant 0 : index
    tpu.barrier barrier_id(%barrier3A_107)
    %mul3A_108 = arith.constant 3128 : i32
    %mul3A_109 = arith.muli %arg1, %mul3A_108 : i32
    %mul3A_110 = arith.constant 50048 : i32
    %mul3A_111 = arith.muli %arg0, %mul3A_110 : i32
    %mul3A_112 = arith.constant 3128 : i32
    %mul3A_113 = arith.muli %arg1, %mul3A_112 : i32
    %add3A_114 = arith.addi %mul3A_111, %mul3A_113 : i32
    "tpu.region"() ({
      %run_scoped3A = tpu.sem_alloc : memref<!tpu.dma_semaphore, #tpu.memory_space<semaphore_mem>>
      %dma_start3A = arith.constant 0 : i32
      %dma_start3A_115 = tpu.memref_slice %arg5[%add3A_114, %dma_start3A] : memref<100096x8xf32, #tpu.memory_space<hbm>> -> memref<3128x8xf32, #tpu.memory_space<hbm>>
      %dma_start3A_116 = arith.constant 0 : i32
      %dma_start3A_117 = tpu.memref_slice %arg8[%mul3A_109, %dma_start3A_116] : memref<50048x8xf32, #tpu.memory_space<vmem_shared>> -> memref<3128x8xf32, #tpu.memory_space<vmem_shared>>
      tpu.enqueue_dma source(%dma_start3A_117 : memref<3128x8xf32, #tpu.memory_space<vmem_shared>>) target(%dma_start3A_115 : memref<3128x8xf32, #tpu.memory_space<hbm>>) target_semaphore(%run_scoped3A : memref<!tpu.dma_semaphore, #tpu.memory_space<semaphore_mem>>)
      %dma_wait3A_118 = arith.constant 0 : i32
      %dma_wait3A_119 = tpu.memref_slice %arg5[%add3A_114, %dma_wait3A_118] : memref<100096x8xf32, #tpu.memory_space<hbm>> -> memref<3128x8xf32, #tpu.memory_space<hbm>>
      %dma_wait3A_120 = arith.constant 0 : i32
      %dma_wait3A_121 = tpu.memref_slice %arg8[%mul3A_109, %dma_wait3A_120] : memref<50048x8xf32, #tpu.memory_space<vmem_shared>> -> memref<3128x8xf32, #tpu.memory_space<vmem_shared>>
      tpu.wait_dma2 semaphore(%run_scoped3A : memref<!tpu.dma_semaphore, #tpu.memory_space<semaphore_mem>>) src(%dma_wait3A_121 : memref<3128x8xf32, #tpu.memory_space<vmem_shared>>) dst(%dma_wait3A_119 : memref<3128x8xf32, #tpu.memory_space<hbm>>)
      tpu.yield
    }) : () -> ()
    return
  }
}

module attributes {stable_mosaic.version = 14 : i64} {
  func.func @_proj_body(%arg0: i32, %arg1: memref<2x2048x48xf32, #tpu.memory_space<vmem>>, %arg2: memref<2x2048x8xf32, #tpu.memory_space<vmem>>, %arg3: memref<48x24xf32, #tpu.memory_space<vmem>>, %arg4: memref<2x2048x24xf32, #tpu.memory_space<vmem>>, %arg5: memref<2048x1xf32, #tpu.memory_space<vmem>>) attributes {dimension_semantics = [#tpu.dimension_semantics<arbitrary>], iteration_bounds = array<i64: 25>, scalar_prefetch = 0 : i64, scratch_operands = 0 : i64, tpu.core_type = #tpu.core_type<tc>, window_params = [{transform_indices = @transform_0, window_bounds = array<i64: 2, 2048, 48>}, {transform_indices = @transform_1, window_bounds = array<i64: 2, 2048, 8>}, {pipeline_mode = #tpu.pipeline_mode<synchronous>, transform_indices = @transform_2, window_bounds = array<i64: 48, 24>}, {transform_indices = @transform_3, window_bounds = array<i64: 2, 2048, 24>}, {transform_indices = @transform_4, window_bounds = array<i64: 2048, 1>}]} {
    %get3A = arith.constant 0 : index
    %get3A_0 = arith.constant 0 : index
    %get3A_1 = arith.constant 0 : index
    %get3A_2 = vector.load %arg2[%get3A, %get3A_0, %get3A_1] : memref<2x2048x8xf32, #tpu.memory_space<vmem>>, vector<1x2048x1xf32>
    %get3A_3 = vector.shape_cast %get3A_2 : vector<1x2048x1xf32> to vector<2048xf32>
    %get3A_4 = arith.constant 1 : index
    %get3A_5 = arith.constant 0 : index
    %get3A_6 = arith.constant 0 : index
    %get3A_7 = vector.load %arg2[%get3A_4, %get3A_5, %get3A_6] : memref<2x2048x8xf32, #tpu.memory_space<vmem>>, vector<1x2048x1xf32>
    %get3A_8 = vector.shape_cast %get3A_7 : vector<1x2048x1xf32> to vector<2048xf32>
    %add3A = arith.addf %get3A_3, %get3A_8 : vector<2048xf32>
    %add3A_9 = arith.constant 1.000000e+00 : f32
    %add3A_10 = vector.broadcast %add3A_9 : f32 to vector<2048xf32>
    %add3A_11 = arith.addf %add3A, %add3A_10 : vector<2048xf32>
    %rsqrt3A = math.rsqrt %add3A_11 : vector<2048xf32>
    %swap3A = arith.constant 0 : index
    %swap3A_12 = arith.constant 0 : index
    %swap3A_13 = vector.load %arg5[%swap3A, %swap3A_12] : memref<2048x1xf32, #tpu.memory_space<vmem>>, vector<2048x1xf32>
    %swap3A_14 = vector.shape_cast %swap3A_13 : vector<2048x1xf32> to vector<2048xf32>
    %swap3A_15 = vector.shape_cast %rsqrt3A : vector<2048xf32> to vector<2048x1xf32>
    tpu.vector_store %arg5[%swap3A, %swap3A_12], %swap3A_15 {strides = array<i32>} : memref<2048x1xf32, #tpu.memory_space<vmem>>, vector<2048x1xf32>,
    %get3A_16 = arith.constant 0 : index
    %get3A_17 = arith.constant 0 : index
    %get3A_18 = arith.constant 0 : index
    %get3A_19 = vector.load %arg1[%get3A_16, %get3A_17, %get3A_18] : memref<2x2048x48xf32, #tpu.memory_space<vmem>>, vector<2x2048x48xf32>
    %get3A_20 = arith.constant 0 : index
    %get3A_21 = arith.constant 0 : index
    %get3A_22 = vector.load %arg3[%get3A_20, %get3A_21] : memref<48x24xf32, #tpu.memory_space<vmem>>, vector<48x24xf32>
    %slice3A = vector.extract_strided_slice %get3A_19 {offsets = [0, 0, 0], sizes = [1, 2048, 48], strides = [1, 1, 1]} : vector<2x2048x48xf32> to vector<1x2048x48xf32>
    %squeeze3A = vector.shape_cast %slice3A : vector<1x2048x48xf32> to vector<2048x48xf32>
    %dot_general3A = arith.constant dense<0.000000e+00> : vector<2048x24xf32>
    %dot_general3A_23 = tpu.matmul %squeeze3A, %get3A_22, %dot_general3A {dimension_numbers = #tpu.dot_dimension_numbers<[1], [0], [0], [1], [0, 0, 1, 1], [], []>, precision = #tpu.contract_precision<fp32>, transpose_lhs_hint = false} : vector<2048x48xf32>, vector<48x24xf32>, vector<2048x24xf32> -> vector<2048x24xf32>
    %slice3A_24 = vector.extract_strided_slice %get3A_19 {offsets = [1, 0, 0], sizes = [1, 2048, 48], strides = [1, 1, 1]} : vector<2x2048x48xf32> to vector<1x2048x48xf32>
    %squeeze3A_25 = vector.shape_cast %slice3A_24 : vector<1x2048x48xf32> to vector<2048x48xf32>
    %dot_general3A_26 = arith.constant dense<0.000000e+00> : vector<2048x24xf32>
    %dot_general3A_27 = tpu.matmul %squeeze3A_25, %get3A_22, %dot_general3A_26 {dimension_numbers = #tpu.dot_dimension_numbers<[1], [0], [0], [1], [0, 0, 1, 1], [], []>, precision = #tpu.contract_precision<fp32>, transpose_lhs_hint = false} : vector<2048x48xf32>, vector<48x24xf32>, vector<2048x24xf32> -> vector<2048x24xf32>
    %broadcast_in_dim3A = vector.shape_cast %rsqrt3A : vector<2048xf32> to vector<2048x1xf32>
    %slice3A_28 = vector.extract_strided_slice %dot_general3A_23 {offsets = [0, 0], sizes = [2048, 12], strides = [1, 1]} : vector<2048x24xf32> to vector<2048x12xf32>
    %slice3A_29 = vector.extract_strided_slice %dot_general3A_27 {offsets = [0, 0], sizes = [2048, 12], strides = [1, 1]} : vector<2048x24xf32> to vector<2048x12xf32>
    %concatenate3A = tpu.concatenate %slice3A_28, %slice3A_29 in 1 : vector<2048x12xf32>, vector<2048x12xf32> -> vector<2048x24xf32>
    %mul3A = vector.broadcast %broadcast_in_dim3A : vector<2048x1xf32> to vector<2048x24xf32>
    %mul3A_30 = arith.mulf %concatenate3A, %mul3A : vector<2048x24xf32>
    %swap3A_31 = arith.constant 0 : index
    %swap3A_32 = arith.constant 0 : index
    %swap3A_33 = arith.constant 0 : index
    %swap3A_34 = vector.load %arg4[%swap3A_31, %swap3A_32, %swap3A_33] : memref<2x2048x24xf32, #tpu.memory_space<vmem>>, vector<1x2048x24xf32>
    %swap3A_35 = vector.shape_cast %swap3A_34 : vector<1x2048x24xf32> to vector<2048x24xf32>
    %swap3A_36 = vector.shape_cast %mul3A_30 : vector<2048x24xf32> to vector<1x2048x24xf32>
    tpu.vector_store %arg4[%swap3A_31, %swap3A_32, %swap3A_33], %swap3A_36 {strides = array<i32>} : memref<2x2048x24xf32, #tpu.memory_space<vmem>>, vector<1x2048x24xf32>,
    %slice3A_37 = vector.extract_strided_slice %dot_general3A_23 {offsets = [0, 12], sizes = [2048, 12], strides = [1, 1]} : vector<2048x24xf32> to vector<2048x12xf32>
    %slice3A_38 = vector.extract_strided_slice %dot_general3A_27 {offsets = [0, 12], sizes = [2048, 12], strides = [1, 1]} : vector<2048x24xf32> to vector<2048x12xf32>
    %concatenate3A_39 = tpu.concatenate %slice3A_37, %slice3A_38 in 1 : vector<2048x12xf32>, vector<2048x12xf32> -> vector<2048x24xf32>
    %mul3A_40 = vector.broadcast %broadcast_in_dim3A : vector<2048x1xf32> to vector<2048x24xf32>
    %mul3A_41 = arith.mulf %concatenate3A_39, %mul3A_40 : vector<2048x24xf32>
    %swap3A_42 = arith.constant 1 : index
    %swap3A_43 = arith.constant 0 : index
    %swap3A_44 = arith.constant 0 : index
    %swap3A_45 = vector.load %arg4[%swap3A_42, %swap3A_43, %swap3A_44] : memref<2x2048x24xf32, #tpu.memory_space<vmem>>, vector<1x2048x24xf32>
    %swap3A_46 = vector.shape_cast %swap3A_45 : vector<1x2048x24xf32> to vector<2048x24xf32>
    %swap3A_47 = vector.shape_cast %mul3A_41 : vector<2048x24xf32> to vector<1x2048x24xf32>
    tpu.vector_store %arg4[%swap3A_42, %swap3A_43, %swap3A_44], %swap3A_47 {strides = array<i32>} : memref<2x2048x24xf32, #tpu.memory_space<vmem>>, vector<1x2048x24xf32>,
    return
  }
  func.func @transform_0(%arg0: i32) -> (i32, i32, i32) {
    %c0_i32 = arith.constant 0 : i32
    %c0_i32_0 = arith.constant 0 : i32
    %c0_i32_1 = arith.constant 0 : i32
    return %c0_i32, %arg0, %c0_i32_0 : i32, i32, i32
  }
  func.func @transform_1(%arg0: i32) -> (i32, i32, i32) {
    %c0_i32 = arith.constant 0 : i32
    %c0_i32_0 = arith.constant 0 : i32
    %c0_i32_1 = arith.constant 0 : i32
    return %c0_i32, %arg0, %c0_i32_0 : i32, i32, i32
  }
  func.func @transform_2(%arg0: i32) -> (i32, i32) {
    %c0_i32 = arith.constant 0 : i32
    %c0_i32_0 = arith.constant 0 : i32
    %c0_i32_1 = arith.constant 0 : i32
    return %c0_i32, %c0_i32_0 : i32, i32
  }
  func.func @transform_3(%arg0: i32) -> (i32, i32, i32) {
    %c0_i32 = arith.constant 0 : i32
    %c0_i32_0 = arith.constant 0 : i32
    %c0_i32_1 = arith.constant 0 : i32
    return %c0_i32, %arg0, %c0_i32_0 : i32, i32, i32
  }
  func.func @transform_4(%arg0: i32) -> (i32, i32) {
    %c0_i32 = arith.constant 0 : i32
    %c0_i32_0 = arith.constant 0 : i32
    return %arg0, %c0_i32 : i32, i32
  }
}

module attributes {stable_mosaic.version = 14 : i64} {
  func.func @_final_body(%arg0: i32, %arg1: memref<2x2048x24xf32, #tpu.memory_space<vmem>>, %arg2: memref<2x2048x24xf32, #tpu.memory_space<vmem>>, %arg3: memref<2048x1xf32, #tpu.memory_space<vmem>>, %arg4: memref<1x24xf32, #tpu.memory_space<vmem>>, %arg5: memref<6xf32, #tpu.memory_space<smem>>, %arg6: memref<2048x2xf32, #tpu.memory_space<vmem>>) attributes {dimension_semantics = [#tpu.dimension_semantics<arbitrary>], iteration_bounds = array<i64: 25>, scalar_prefetch = 0 : i64, scratch_operands = 0 : i64, tpu.core_type = #tpu.core_type<tc>, window_params = [{transform_indices = @transform_0, window_bounds = array<i64: 2, 2048, 24>}, {transform_indices = @transform_1, window_bounds = array<i64: 2, 2048, 24>}, {transform_indices = @transform_2, window_bounds = array<i64: 2048, 1>}, {pipeline_mode = #tpu.pipeline_mode<synchronous>, transform_indices = @transform_3, window_bounds = array<i64: 1, 24>}, {transform_indices = @transform_4, window_bounds = array<i64: 6>}, {transform_indices = @transform_5, window_bounds = array<i64: 2048, 2>}]} {
    %get3A = arith.constant 0 : index
    %get3A_0 = arith.constant 0 : index
    %get3A_1 = vector.load %arg3[%get3A, %get3A_0] : memref<2048x1xf32, #tpu.memory_space<vmem>>, vector<2048x1xf32>
    %get3A_2 = arith.constant 0 : index
    %get3A_3 = arith.constant 0 : index
    %get3A_4 = vector.load %arg4[%get3A_2, %get3A_3] : memref<1x24xf32, #tpu.memory_space<vmem>>, vector<1x24xf32>
    %reduce_max3A = vector.shape_cast %get3A_4 : vector<1x24xf32> to vector<1x1x24xf32>
    %reduce_max3A_5 = arith.constant dense<0xFF800000> : vector<1xf32>
    %reduce_max3A_6 = vector.multi_reduction <maximumf>, %reduce_max3A, %reduce_max3A_5 [1, 2] : vector<1x1x24xf32> to vector<1xf32>
    %reduce_max3A_7 = vector.shape_cast %reduce_max3A_6 : vector<1xf32> to vector<1x1x1xf32>
    %reduce_max3A_8 = vector.extract %reduce_max3A_7[0, 0, 0] : f32 from vector<1x1x1xf32>
    %sub3A = vector.broadcast %reduce_max3A_8 : f32 to vector<1x24xf32>
    %sub3A_9 = arith.subf %get3A_4, %sub3A : vector<1x24xf32>
    %exp3A = math.exp %sub3A_9 : vector<1x24xf32>
    %reduce_sum3A = vector.shape_cast %exp3A : vector<1x24xf32> to vector<1x1x24xf32>
    %reduce_sum3A_10 = arith.constant dense<0.000000e+00> : vector<1xf32>
    %reduce_sum3A_11 = vector.multi_reduction <add>, %reduce_sum3A, %reduce_sum3A_10 [1, 2] : vector<1x1x24xf32> to vector<1xf32>
    %reduce_sum3A_12 = vector.shape_cast %reduce_sum3A_11 : vector<1xf32> to vector<1x1x1xf32>
    %reduce_sum3A_13 = vector.extract %reduce_sum3A_12[0, 0, 0] : f32 from vector<1x1x1xf32>
    %div3A = vector.broadcast %reduce_sum3A_13 : f32 to vector<1x24xf32>
    %div3A_14 = arith.divf %exp3A, %div3A : vector<1x24xf32>
    %get3A_15 = arith.constant 0 : index
    %get3A_16 = memref.load %arg5[%get3A_15] : memref<6xf32, #tpu.memory_space<smem>>
    %get3A_17 = arith.constant 1 : index
    %get3A_18 = memref.load %arg5[%get3A_17] : memref<6xf32, #tpu.memory_space<smem>>
    %get3A_19 = arith.constant 2 : index
    %get3A_20 = memref.load %arg5[%get3A_19] : memref<6xf32, #tpu.memory_space<smem>>
    %get3A_21 = arith.constant 3 : index
    %get3A_22 = memref.load %arg5[%get3A_21] : memref<6xf32, #tpu.memory_space<smem>>
    %get3A_23 = arith.constant 4 : index
    %get3A_24 = memref.load %arg5[%get3A_23] : memref<6xf32, #tpu.memory_space<smem>>
    %get3A_25 = arith.constant 5 : index
    %get3A_26 = memref.load %arg5[%get3A_25] : memref<6xf32, #tpu.memory_space<smem>>
    %get3A_27 = arith.constant 0 : index
    %get3A_28 = arith.constant 0 : index
    %get3A_29 = arith.constant 0 : index
    %get3A_30 = vector.load %arg1[%get3A_27, %get3A_28, %get3A_29] : memref<2x2048x24xf32, #tpu.memory_space<vmem>>, vector<1x2048x24xf32>
    %get3A_31 = vector.shape_cast %get3A_30 : vector<1x2048x24xf32> to vector<2048x24xf32>
    %get3A_32 = arith.constant 0 : index
    %get3A_33 = arith.constant 0 : index
    %get3A_34 = arith.constant 0 : index
    %get3A_35 = vector.load %arg2[%get3A_32, %get3A_33, %get3A_34] : memref<2x2048x24xf32, #tpu.memory_space<vmem>>, vector<1x2048x24xf32>
    %get3A_36 = vector.shape_cast %get3A_35 : vector<1x2048x24xf32> to vector<2048x24xf32>
    %add3A = arith.addf %get3A_31, %get3A_36 : vector<2048x24xf32>
    %mul3A = vector.broadcast %get3A_1 : vector<2048x1xf32> to vector<2048x24xf32>
    %mul3A_37 = arith.mulf %mul3A, %add3A : vector<2048x24xf32>
    %add3A_38 = vector.broadcast %get3A_16 : f32 to vector<2048x24xf32>
    %add3A_39 = arith.addf %mul3A_37, %add3A_38 : vector<2048x24xf32>
    %get3A_40 = arith.constant 1 : index
    %get3A_41 = arith.constant 0 : index
    %get3A_42 = arith.constant 0 : index
    %get3A_43 = vector.load %arg1[%get3A_40, %get3A_41, %get3A_42] : memref<2x2048x24xf32, #tpu.memory_space<vmem>>, vector<1x2048x24xf32>
    %get3A_44 = vector.shape_cast %get3A_43 : vector<1x2048x24xf32> to vector<2048x24xf32>
    %get3A_45 = arith.constant 1 : index
    %get3A_46 = arith.constant 0 : index
    %get3A_47 = arith.constant 0 : index
    %get3A_48 = vector.load %arg2[%get3A_45, %get3A_46, %get3A_47] : memref<2x2048x24xf32, #tpu.memory_space<vmem>>, vector<1x2048x24xf32>
    %get3A_49 = vector.shape_cast %get3A_48 : vector<1x2048x24xf32> to vector<2048x24xf32>
    %add3A_50 = arith.addf %get3A_44, %get3A_49 : vector<2048x24xf32>
    %mul3A_51 = vector.broadcast %get3A_1 : vector<2048x1xf32> to vector<2048x24xf32>
    %mul3A_52 = arith.mulf %mul3A_51, %add3A_50 : vector<2048x24xf32>
    %add3A_53 = vector.broadcast %get3A_18 : f32 to vector<2048x24xf32>
    %add3A_54 = arith.addf %mul3A_52, %add3A_53 : vector<2048x24xf32>
    %mul3A_55 = vector.broadcast %get3A_20 : f32 to vector<2048x24xf32>
    %mul3A_56 = arith.mulf %mul3A_55, %add3A_39 : vector<2048x24xf32>
    %add3A_57 = vector.broadcast %get3A_22 : f32 to vector<2048x24xf32>
    %add3A_58 = arith.addf %mul3A_56, %add3A_57 : vector<2048x24xf32>
    %logistic3A = arith.negf %add3A_58 : vector<2048x24xf32>
    %logistic3A_59 = math.exp %logistic3A : vector<2048x24xf32>
    %logistic3A_60 = arith.constant 1.000000e+00 : f32
    %logistic3A_61 = vector.broadcast %logistic3A_60 : f32 to vector<2048x24xf32>
    %logistic3A_62 = arith.addf %logistic3A_61, %logistic3A_59 : vector<2048x24xf32>
    %logistic3A_63 = arith.divf %logistic3A_61, %logistic3A_62 : vector<2048x24xf32>
    %mul3A_64 = vector.broadcast %get3A_24 : f32 to vector<2048x24xf32>
    %mul3A_65 = arith.mulf %mul3A_64, %add3A_54 : vector<2048x24xf32>
    %add3A_66 = vector.broadcast %get3A_26 : f32 to vector<2048x24xf32>
    %add3A_67 = arith.addf %mul3A_65, %add3A_66 : vector<2048x24xf32>
    %tanh3A = math.tanh %add3A_67 : vector<2048x24xf32>
    %sub3A_68 = arith.constant 1.000000e+00 : f32
    %sub3A_69 = vector.broadcast %sub3A_68 : f32 to vector<2048x24xf32>
    %sub3A_70 = arith.subf %sub3A_69, %logistic3A_63 : vector<2048x24xf32>
    %mul3A_71 = arith.mulf %sub3A_70, %tanh3A : vector<2048x24xf32>
    %mul3A_72 = vector.broadcast %div3A_14 : vector<1x24xf32> to vector<2048x24xf32>
    %mul3A_73 = arith.mulf %mul3A_71, %mul3A_72 : vector<2048x24xf32>
    %slice3A = vector.extract_strided_slice %mul3A_73 {offsets = [0, 0], sizes = [2048, 12], strides = [1, 1]} : vector<2048x24xf32> to vector<2048x12xf32>
    %reduce_sum3A_74 = arith.constant dense<0.000000e+00> : vector<2048xf32>
    %reduce_sum3A_75 = vector.multi_reduction <add>, %slice3A, %reduce_sum3A_74 [1] : vector<2048x12xf32> to vector<2048xf32>
    %mul3A_76 = arith.constant 2.000000e+00 : f32
    %mul3A_77 = vector.broadcast %mul3A_76 : f32 to vector<2048xf32>
    %mul3A_78 = arith.mulf %mul3A_77, %reduce_sum3A_75 : vector<2048xf32>
    %slice3A_79 = vector.extract_strided_slice %mul3A_73 {offsets = [0, 12], sizes = [2048, 12], strides = [1, 1]} : vector<2048x24xf32> to vector<2048x12xf32>
    %reduce_sum3A_80 = arith.constant dense<0.000000e+00> : vector<2048xf32>
    %reduce_sum3A_81 = vector.multi_reduction <add>, %slice3A_79, %reduce_sum3A_80 [1] : vector<2048x12xf32> to vector<2048xf32>
    %mul3A_82 = arith.constant 2.000000e+00 : f32
    %mul3A_83 = vector.broadcast %mul3A_82 : f32 to vector<2048xf32>
    %mul3A_84 = arith.mulf %mul3A_83, %reduce_sum3A_81 : vector<2048xf32>
    %max3A = arith.constant 0.000000e+00 : f32
    %max3A_85 = vector.broadcast %max3A : f32 to vector<2048xf32>
    %max3A_86 = arith.maximumf %mul3A_78, %max3A_85 : vector<2048xf32>
    %logistic3A_87 = arith.negf %max3A_86 : vector<2048xf32>
    %logistic3A_88 = math.exp %logistic3A_87 : vector<2048xf32>
    %logistic3A_89 = arith.constant 1.000000e+00 : f32
    %logistic3A_90 = vector.broadcast %logistic3A_89 : f32 to vector<2048xf32>
    %logistic3A_91 = arith.addf %logistic3A_90, %logistic3A_88 : vector<2048xf32>
    %logistic3A_92 = arith.divf %logistic3A_90, %logistic3A_91 : vector<2048xf32>
    %swap3A = arith.constant 0 : index
    %swap3A_93 = arith.constant 0 : index
    %swap3A_94 = vector.load %arg6[%swap3A, %swap3A_93] : memref<2048x2xf32, #tpu.memory_space<vmem>>, vector<2048x1xf32>
    %swap3A_95 = vector.shape_cast %swap3A_94 : vector<2048x1xf32> to vector<2048xf32>
    %swap3A_96 = vector.shape_cast %logistic3A_92 : vector<2048xf32> to vector<2048x1xf32>
    tpu.vector_store %arg6[%swap3A, %swap3A_93], %swap3A_96 {strides = array<i32>} : memref<2048x2xf32, #tpu.memory_space<vmem>>, vector<2048x1xf32>,
    %max3A_97 = arith.constant 0.000000e+00 : f32
    %max3A_98 = vector.broadcast %max3A_97 : f32 to vector<2048xf32>
    %max3A_99 = arith.maximumf %mul3A_84, %max3A_98 : vector<2048xf32>
    %logistic3A_100 = arith.negf %max3A_99 : vector<2048xf32>
    %logistic3A_101 = math.exp %logistic3A_100 : vector<2048xf32>
    %logistic3A_102 = arith.constant 1.000000e+00 : f32
    %logistic3A_103 = vector.broadcast %logistic3A_102 : f32 to vector<2048xf32>
    %logistic3A_104 = arith.addf %logistic3A_103, %logistic3A_101 : vector<2048xf32>
    %logistic3A_105 = arith.divf %logistic3A_103, %logistic3A_104 : vector<2048xf32>
    %swap3A_106 = arith.constant 0 : index
    %swap3A_107 = arith.constant 1 : index
    %swap3A_108 = vector.load %arg6[%swap3A_106, %swap3A_107] : memref<2048x2xf32, #tpu.memory_space<vmem>>, vector<2048x1xf32>
    %swap3A_109 = vector.shape_cast %swap3A_108 : vector<2048x1xf32> to vector<2048xf32>
    %swap3A_110 = vector.shape_cast %logistic3A_105 : vector<2048xf32> to vector<2048x1xf32>
    tpu.vector_store %arg6[%swap3A_106, %swap3A_107], %swap3A_110 {strides = array<i32>} : memref<2048x2xf32, #tpu.memory_space<vmem>>, vector<2048x1xf32>,
    return
  }
  func.func @transform_0(%arg0: i32) -> (i32, i32, i32) {
    %c0_i32 = arith.constant 0 : i32
    %c0_i32_0 = arith.constant 0 : i32
    %c0_i32_1 = arith.constant 0 : i32
    return %c0_i32, %arg0, %c0_i32_0 : i32, i32, i32
  }
  func.func @transform_1(%arg0: i32) -> (i32, i32, i32) {
    %c0_i32 = arith.constant 0 : i32
    %c0_i32_0 = arith.constant 0 : i32
    %c0_i32_1 = arith.constant 0 : i32
    return %c0_i32, %arg0, %c0_i32_0 : i32, i32, i32
  }
  func.func @transform_2(%arg0: i32) -> (i32, i32) {
    %c0_i32 = arith.constant 0 : i32
    %c0_i32_0 = arith.constant 0 : i32
    return %arg0, %c0_i32 : i32, i32
  }
  func.func @transform_3(%arg0: i32) -> (i32, i32) {
    %c0_i32 = arith.constant 0 : i32
    %c0_i32_0 = arith.constant 0 : i32
    %c0_i32_1 = arith.constant 0 : i32
    return %c0_i32, %c0_i32_0 : i32, i32
  }
  func.func @transform_4(%arg0: i32) -> i32 {
    %c0_i32 = arith.constant 0 : i32
    %c0_i32_0 = arith.constant 0 : i32
    return %c0_i32 : i32
  }
  func.func @transform_5(%arg0: i32) -> (i32, i32) {
    %c0_i32 = arith.constant 0 : i32
    %c0_i32_0 = arith.constant 0 : i32
    return %arg0, %c0_i32 : i32, i32
  }
}

</mosaic_0001>

<sc_bundles>
// kernel: kernel.6.cloned.1.call-start
scs
__scs_entry_jumppad:
0x0: {  	(pc) =	sbr.rel $0x88, $3  }
0x1: {  	(tag) =	ssettag $0x0;
	lr =	simm.s32 $0x1  }
0x2: {  	[smem:$0x3F96] =	sst lr;
	_ =	strace $0xD0000000  }
0x3: {  	_ = 	snop  }
0x4: {  	_ = 	snop  }
0x5: {  	_ = 	snop  }
0x6: {  	_ = 	snop  }
0x7: {  	_ = 	snop  }
__scs_overlays_trampoline_lowered:
0x8: {  	[smem:$0x3FA5] =	sst s0  }
0x9: {  	[smem:$0x3FA6] =	sst s1  }
0xa: {  	[smem:$0x3FA7] =	sst s2  }
0xb: {  	[smem:$0x3FA8] =	sst s3  }
0xc: {  	[smem:$0x3FA9] =	sst s4  }
0xd: {  	[smem:$0x3FAA] =	sst s5  }
0xe: {  	[smem:$0x3FAB] =	sst s6  }
0xf: {  	[smem:$0x3FAC] =	sst s7  }
0x10: {  	[smem:$0x3FAD] =	sst s8  }
0x11: {  	[smem:$0x3FAE] =	sst s9;
	s0 =	simm.s32 @!p0 $0x0  }
0x12: {  	s1 =	sld [smem:$0x3F94];
	s0 =	simm.s32 @p0 $0x1  }
0x13: {  	[smem:$0x3FAF] =	sst s0;
	s0 =	simm.s32 @!p1 $0x0  }
0x14: {  	s2 =	sld [smem:$0x3F93];
	s0 =	simm.s32 @p1 $0x1  }
0x15: {  	[smem:$0x3FB0] =	sst s0;
	s0 =	simm.s32 @!p2 $0x0  }
0x16: {  	s3 =	sld [smem:$0x3FDB];
	s0 =	simm.s32 @p2 $0x1  }
0x17: {  	s4 =	simm.s32 $0x1BF5;
	[smem:$0x3FB2] =	sst s0  }
0x18: {  	s0 =	sld [smem:$0x3F95];
	_ =	swait.ge [sflag:s4], $0x0  }
0x19: {  	s7 =	sld [smem:$0x3F96]  }
0x1a: {  	s8 =	sadd.s32 $0xFFFFE003, lr  }
0x1b: {  	s9 =	sadd.s32 $0xFFFFFEF7, lr;
	s5 =	simm.s32 $0xFFFFFFFF;
	p2 =	slt.u32 s8, $0xFFFFF086  }
0x1c: {  	p1 =	slt.u32 s9, $0xF7A;
	s5 =	simm.s32 @!p2 $0x0  }
0x1d: {  	s5 =	simm.s32 @p1 $0x1;
	p0 =	seq.s32 s7, s2  }
0x1e: {  	s7 =	smul.u32 @!p0 $0xF7A, s2;
	p2 =	seq.s32 @!p0 s5, $0x0  }
0x1f: {  	s9 =	smul.u32 $0xF7A, s1;
	s8 =	simm.s32 @!p0 $0x1BF5;
	p2 =	por !p2, p0  }
0x20: {  	[sflag:s8] =	ssyncset.s32 @!p0 $0xFFFFF086;
	s6 =	sadd.s32 @!p0 s3, s7;
	s7 =	simm.s32 @!p0 $0x108  }
0x21: {  	s3 =	sadd.s32 s3, s9;
	s6 =	sadd.s32 @!p0 $0x88, s6;
	s7 =	simm.s32 @p2 $0x1082  }
0x22: {  	[simem:s7], [sflag:s8] =	dma.local @!p0 [hbm:s6], $0xF7A  }
0x23: {  	s9 =	sor.u32 $0xD0000000, s2;
	s6 =	simm.s32 $0x108;
	_ =	swait.ge @!p0 [sflag:s8], $0x0  }
0x24: {  	s3 =	sadd.s32 $0x88, s3;
	s6 =	simm.s32 @!p1 $0x1082;
	[sflag:s4] =	ssyncset.s32 $0xFFFFF086  }
0x25: {  	[simem:s6], [sflag:s4] =	dma.local [hbm:s3], $0xF7A  }
0x26: {  	[smem:$0x3F96] =	sst s1;
	(tag) =	ssettag s2;
	_ =	strace s9  }
0x27: {  	s1 =	sld [smem:$0x3FA6]  }
0x28: {  	s2 =	sld [smem:$0x3FA7]  }
0x29: {  	s4 =	sld [smem:$0x3FA9]  }
0x2a: {  	p0 =	seq.s32 s5, $0x0;
	s5 =	sld [smem:$0x3FAA]  }
0x2b: {  	s6 =	sld [smem:$0x3FAB]  }
0x2c: {  	s7 =	sld [smem:$0x3FAC]  }
0x2d: {  	s3 =	simm.s32 $0x108;
	s8 =	sld [smem:$0x3FAD]  }
0x2e: {  	s3 =	simm.s32 @!p0 $0x1082;
	s9 =	sld [smem:$0x3FAE]  }
0x2f: {  	lr =	sadd.s32 s0, s3;
	s0 =	sld [smem:$0x3FA5]  }
0x30: {  	s3 =	sld [smem:$0x3FA8]  }
0x31: {  	[smem:$0x3FB1] =	sst s10  }
0x32: {  	s10 =	sld [smem:$0x3FAF];
	_ =	sdelay $0x3  }
0x33: {  	p0 =	seq.s32 s10, $0x1;
	s10 =	sld [smem:$0x3FB1];
	_ =	sdelay $0x3  }
0x34: {  	[smem:$0x3FB1] =	sst s10  }
0x35: {  	s10 =	sld [smem:$0x3FB0];
	_ =	sdelay $0x3  }
0x36: {  	p1 =	seq.s32 s10, $0x1;
	s10 =	sld [smem:$0x3FB1];
	_ =	sdelay $0x3  }
0x37: {  	[smem:$0x3FB1] =	sst s10  }
0x38: {  	s10 =	sld [smem:$0x3FB2]  }
0x39: {  	_ = 	snop;
	(pc) =	sbr.ind lr, $3  }
0x3a: {  	_ = 	snop  }
0x3b: {  	_ = 	snop  }
0x3c: {  	p2 =	seq.s32 s10, $0x1;
	s10 =	sld [smem:$0x3FB1]  }
0x3d: {  	_ =	shalt  }
0x3e: {  	_ =	shalt  }
0x3f: {  	_ =	shalt  }
0x40: {  	_ =	shalt  }
0x41: {  	_ =	shalt  }
0x42: {  	_ =	shalt  }
0x43: {  	_ =	shalt  }
0x44: {  	_ =	shalt  }
0x45: {  	_ =	shalt  }
0x46: {  	_ =	shalt  }
0x47: {  	_ =	shalt  }
0x48: {  	_ =	shalt  }
0x49: {  	_ =	shalt  }
0x4a: {  	_ =	shalt  }
0x4b: {  	_ =	shalt  }
0x4c: {  	_ =	shalt  }
0x4d: {  	_ =	shalt  }
0x4e: {  	_ =	shalt  }
0x4f: {  	_ =	shalt  }
0x50: {  	_ =	shalt  }
0x51: {  	_ =	shalt  }
0x52: {  	_ =	shalt  }
0x53: {  	_ =	shalt  }
0x54: {  	_ =	shalt  }
0x55: {  	_ =	shalt  }
0x56: {  	_ =	shalt  }
0x57: {  	_ =	shalt  }
0x58: {  	_ =	shalt  }
0x59: {  	_ =	shalt  }
0x5a: {  	_ =	shalt  }
0x5b: {  	_ =	shalt  }
0x5c: {  	_ =	shalt  }
0x5d: {  	_ =	shalt  }
0x5e: {  	_ =	shalt  }
0x5f: {  	_ =	shalt  }
0x60: {  	_ =	shalt  }
0x61: {  	_ =	shalt  }
0x62: {  	_ =	shalt  }
0x63: {  	_ =	shalt  }
0x64: {  	_ =	shalt  }
0x65: {  	_ =	shalt  }
0x66: {  	_ =	shalt  }
0x67: {  	_ =	shalt  }
0x68: {  	_ =	shalt  }
0x69: {  	_ =	shalt  }
0x6a: {  	_ =	shalt  }
0x6b: {  	_ =	shalt  }
0x6c: {  	_ =	shalt  }
0x6d: {  	_ =	shalt  }
0x6e: {  	_ =	shalt  }
0x6f: {  	_ =	shalt  }
0x70: {  	_ =	shalt  }
0x71: {  	_ =	shalt  }
0x72: {  	_ =	shalt  }
0x73: {  	_ =	shalt  }
0x74: {  	_ =	shalt  }
0x75: {  	_ =	shalt  }
0x76: {  	_ =	shalt  }
0x77: {  	_ =	shalt  }
0x78: {  	_ =	shalt  }
0x79: {  	_ =	shalt  }
0x7a: {  	_ =	shalt  }
0x7b: {  	_ =	shalt  }
0x7c: {  	_ =	shalt  }
0x7d: {  	_ =	shalt  }
0x7e: {  	_ =	shalt  }
0x7f: {  	_ =	shalt  }
0x80: {  	_ =	shalt  }
0x81: {  	_ =	shalt  }
0x82: {  	_ =	shalt  }
0x83: {  	_ =	shalt  }
0x84: {  	_ =	shalt  }
0x85: {  	_ =	shalt  }
0x86: {  	_ =	shalt  }
0x87: {  	_ =	shalt  }
.Lfunc_end0:
.L_simem_size_0:
called_computation_lowered:
.L_overlay_start_0:
0x88: {  	s2 =	sld [smem:$0x3FD9]  }
0x89: {  	s3 =	sld [smem:$0x3FFE];
	_ =	sdelay $0x1  }
0x8a: {  	s1 =	srdreg.scid  }
0x8b: {  	s0 =	sand.u32 $0x1, s1  }
0x8c: {  	s17 =	sshll.u32 s0, $0xA;
	s2 =	sadd.s32 s3, s2  }
0x8d: {  	s2 =	sadd.s32 s2, s17  }
0x8e: {  	[smem:$0x3FBD] =	sst s2  }
0x8f: {  	_ = 	snop  }
0x90: {  	s2 =	sld [smem:$0x3FD0];
	(tm) =	ssettm $0x1  }
0x91: {  	s18 =	sld [smem:$0x3FFB];
	_ =	sdelay $0x3  }
0x92: {  	_ =	strace s18  }
0x93: {  	s3 =	sld [smem:$0x3FFC];
	_ =	sdelay $0x3  }
0x94: {  	_ =	strace s3  }
0x95: {  	s3 =	sld [smem:$0x3FFD];
	_ =	sdelay $0x3  }
0x96: {  	_ =	strace s3  }
0x97: {  	_ =	strace $0x8FFFFFFF  }
0x98: {  	s19 =	sld [smem:$0x3FDB];
	_ =	sdelay $0x1  }
0x99: {  	s4 =	simm.s32 $_scs_section_size  }
0x9a: {  	s5 =	simm.s32 $_size__tile_overlayer_lowered;
	s6 =	simm.s32 $_tile_overlayer_lowered  }
0x9b: {  	s22 =	simm.s32 $0x1BFF;
	s21 =	sshll.u32 s6, $0x1;
	s3 =	sadd.s32 s4, s19  }
0x9c: {  	s7 =	simm.s32 $0x0;
	s20 =	sshll.u32 s5, $0x1;
	s5 =	sadd.s32 s21, s3  }
0x9d: {  	[timem:s7], [sflag:s22] =	dma.local [hbm:s5], s20  }
0x9e: {  	_ =	swait.ge [sflag:s22], s20  }
0x9f: {  	s4 =	ssub.s32 $0x0, s20;
	[sflag:s22] =	ssyncset.done $0x0  }
0xa0: {  	[sflag:s22] =	ssyncadd.s32 s4;
	_ =	sdelay $0x1  }
0xa1: {  	s23 =	simm.s32 $0x1B8B  }
0xa2: {  	_ =	swait.ge [sflag:s23], $0x1  }
0xa3: {  	[sflag:s23] =	ssyncset.done $0x0  }
0xa4: {  	s25 =	simm.s32 $0x1B8E;
	s24 =	sld [smem:$0x3FFE];
	[sflag:s23] =	ssyncadd.s32 $0xFFFFFFFF  }
0xa5: {  	s26 =	simm.s32 $execute0_lowered;
	[smem:$0x3FD2] =	sst s25  }
0xa6: {  	s5 =	sshll.u32 s26, $0x1;
	_ =	strace $0x80000046;
	[dreg:$0x1] =	wrdreg $0xFFFFFFFF  }
0xa7: {  	s28 =	simm.s32 $_size_execute0_lowered;
	s3 =	sadd.s32 s3, s5;
	[dreg:$0x0] =	wrdreg $0x0  }
0xa8: {  	s5 =	sshll.u32 s28, $0x1;
	[dreg:$0x2] =	wrdreg s3  }
0xa9: {  	[dreg:$0x3] =	wrdreg s5  }
0xaa: {  	[dreg:$0x4] =	wrdreg $0xC0  }
0xab: {  	_ =	task [dreg:s7], $0x5FFFF  }
0xac: {  	[dreg:$0x1] =	wrdreg $0xFFFFFFFF  }
0xad: {  	[dreg:$0x0] =	wrdreg $0x60  }
0xae: {  	[dreg:$0x2] =	wrdreg s24  }
0xaf: {  	[dreg:$0x3] =	wrdreg s2  }
0xb0: {  	[dreg:$0x4] =	wrdreg $0xBE80  }
0xb1: {  	[dreg:$0x5] =	wrdreg $0x9  }
0xb2: {  	_ =	task.clear_ibuf [dreg:s7], $0x6FFFF;
	_ =	strace $0x90000046  }
0xb3: {  	s29 =	simm.s32 $0x9;
	_ =	strace $0x80000048  }
0xb4: {  	_ =	swait.ge [sflag:s29], $0x1  }
0xb5: {  	[sflag:s29] =	ssyncadd.s32 $0xFFFFFFFF  }
0xb6: {  	_ =	strace $0x90000048  }
0xb7: {  	_ =	sfence  }
0xb8: {  	s30 =	sld [smem:$0x0];
	_ =	sdelay $0x2  }
0xb9: {  	s31 =	sshll.u32 s1, $0xD;
	s1 =	sshrl.u32 s1, $0x2  }
0xba: {  	s3 =	sand.u32 $0x4000, s31;
	s1 =	sadd.s32 s1, s30  }
0xbb: {  	s0 =	sor.u32 s3, s0;
	s1 =	sshll.u32 s1, $0x11  }
0xbc: {  	s0 =	sor.u32 s1, s0  }
0xbd: {  	s0 =	sadd.s32 $0x8F2B, s0  }
0xbe: {  	[sflag:s0] =	ssyncadd.remote.s32 $0x1  }
0xbf: {  	_ =	sfence.sel $0xFFFF  }
0xc0: {  	[dreg:$0x0] =	wrdreg $0xFFFFFFFF;
	(pc) =	sbr.abs _section_cstart, $3  }
0xc1: {  	[dreg:$0x1] =	wrdreg $0xFFFFFFFF  }
0xc2: {  	_ =	task.clear_ibuf [dreg:s7], $0x2FFFF;
	_ =	strace $0x9FFFFFFF  }
0xc3: {  	(tm) =	ssettm $0x7FFFFFFF  }
tec
execute0_lowered:
.L_overlay_start_1:
0x0: {  	(tag) =	ssettag $0x1  }
0x1: {  	s0 =	rddreg [dreg:$0x0]  }
0x2: {  	s2 =	rddreg [dreg:$0x2];
	s1 =	srdreg.scid;
	s4 =	simm.s32 $0x0  }
0x3: {  	s11 =	stileid.u32;
	s12 =	simm.s32 $0x800;
	s13 =	simm.s32 $0x7D  }
0x4: {  	s14 =	simm.s32 $0x80;
	s15 =	simm.s32 $0x100;
	s16 =	simm.s32 $0x180  }
0x5: {  	s17 =	simm.s32 $0x200;
	s18 =	simm.s32 $0x280;
	s19 =	simm.s32 $0x300  }
0x6: {  	s20 =	simm.s32 $0x380;
	s21 =	simm.s32 $0x1;
	s22 =	simm.s32 $0x400  }
0x7: {  	s28 =	simm.s32 $0x680;
	s29 =	simm.s32 $0x700;
	s5 =	smul.u32 $0x61C0, s11  }
0x8: {  	s30 =	simm.s32 $0x780;
	s31 =	simm.s32 $0x0;
	s7 =	smul.u32 $0xC38, s11  }
0x9: {  	s1 =	sand.u32 $0x1, s1;
	[smem:$0x7FF] =	sst s4;
	s23 =	smul.u32 $0x1900, s11  }
0xa: {  	s25 =	sshll.u32 s11, $0x6;
	s11 =	simm.s32 $0x2;
	s3 =	smul.u32 $0x19000, s1  }
0xb: {  	_ =	strace $0x80000047;
	s8 =	ssub.s32 $0x2, s1;
	s1 =	smul.u32 $0xC380, s1  }
0xc: {  	s6 =	sshrl.u32 s5, $0x3;
	s9 =	sshrl.u32 s8, $0x1;
	s10 =	sadd.s32 s5, s2  }
0xd: {  	s3 =	sadd.s32 s3, s0;
	s6 =	sadd.s32 s6, s0;
	s0 =	sadd.s32 s7, s0  }
0xe: {  	s8 =	ssub.s32 s8, s9;
	s10 =	sshrl.u32 s10, $0x3;
	s24 =	sadd.s32 $0x65400, s6  }
0xf: {  	s6 =	sor.u32 $0x1C02, s25;
	s0 =	sadd.s32 s1, s0;
	s26 =	sadd.s32 s23, s3  }
0x10: {  	s8 =	smax.u32 s8, $0x1;
	s23 =	simm.s32 $0x480;
	s25 =	simm.s32 $0x580  }
0x11: {  	[dreg:$0x4] =	wrdreg s24;
	s0 =	sadd.s32 $0x71800, s0;
	s9 =	sadd.s32 $0x1400, s26  }
0x12: {  	s24 =	simm.s32 $0x500;
	s26 =	simm.s32 $0x600;
	[dreg:$0x5] =	wrdreg s0  }
.LBB2_1:
0x13: {  	s0 =	rddreg [dreg:$0x4]  }
0x14: {  	[spmem:s10], [sflag:s6] =	dma.local [hbm:s0], $0xC38  }
0x15: {  	_ =	swait.ge [sflag:s11], $0xC38  }
0x16: {  	[sflag:s11] =	ssyncset.done $0x0  }
0x17: {  	[sflag:s11] =	ssyncadd.s32 $0xFFFFF3C8  }
0x18: {  	s3 =	rddreg [dreg:$0x1]  }
0x19: {  	[tilespmem:s12], [sflag:$0x2] =	stream.linear.gather [hbm4b:s3+s4], $0x3E8, $0x38;
	[tilespmem:$0x6DA8] =	vst v63  }
0x1a: {  	_ =	swait.ge [sflag:s11], $0x3E8  }
0x1b: {  	p0 =	por $0x1, $0x1;
	[sflag:s11] =	ssyncset.done $0x0  }
0x1c: {  	p0 =	por p0, p0;
	[sflag:s11] =	ssyncadd.s32 $0xFFFFFC18  }
0x1d: {  	s0 =	simm.s32 @!p0 $0x1;
	[bflag:$0x0] =	sbarrier.arrive $0xFFFF  }
0x1e: {  	_ =	swait.ge @!p0 [sflag:s0], $0x3E8  }
0x1f: {  	[sflag:s0] =	ssyncset.done @!p0 $0x0  }
0x20: {  	[sflag:s0] =	ssyncadd.s32 @!p0 $0xFFFFFC18  }
0x21: {  	_ =	swait.ge @!p0 [sflag:s0], $0x3E8  }
0x22: {  	[sflag:s0] =	ssyncset.done @!p0 $0x0  }
0x23: {  	[sflag:s0] =	ssyncadd.s32 @!p0 $0xFFFFFC18  }
0x24: {  	_ =	swait.ge @!p0 [sflag:s0], $0x3E8  }
0x25: {  	[sflag:s0] =	ssyncset.done @!p0 $0x0  }
0x26: {  	[sflag:s0] =	ssyncadd.s32 @!p0 $0xFFFFFC18  }
0x27: {  	_ =	swait.ge @!p0 [sflag:s0], $0x3E8  }
0x28: {  	[sflag:s0] =	ssyncset.done @!p0 $0x0  }
0x29: {  	[sflag:s0] =	ssyncadd.s32 @!p0 $0xFFFFFC18  }
0x2a: {  	_ =	swait.ge @!p0 [sflag:s0], $0x3E8  }
0x2b: {  	[sflag:s0] =	ssyncset.done @!p0 $0x0  }
0x2c: {  	[sflag:s0] =	ssyncadd.s32 @!p0 $0xFFFFFC18  }
0x2d: {  	_ =	swait.ge @!p0 [sflag:s0], $0x3E8  }
0x2e: {  	[sflag:s0] =	ssyncset.done @!p0 $0x0  }
0x2f: {  	[sflag:s0] =	ssyncadd.s32 @!p0 $0xFFFFFC18  }
0x30: {  	_ =	swait.ge @!p0 [sflag:s0], $0x3E8  }
0x31: {  	[sflag:s0] =	ssyncset.done @!p0 $0x0  }
0x32: {  	[sflag:s0] =	ssyncadd.s32 @!p0 $0xFFFFFC18  }
0x33: {  	_ =	swait.ge @!p0 [sflag:s0], $0x3E8  }
0x34: {  	s1 =	sadd.s32 $0x0, s9;
	[sflag:s0] =	ssyncset.done @!p0 $0x0  }
0x35: {  	s5 =	sadd.s32 $0x32000, s1;
	[sflag:s0] =	ssyncadd.s32 @!p0 $0xFFFFFC18  }
0x36: {  	[tilespmem:s4], [sflag:$0x2] =	stream.linear.gather [hbm4b:s5+s4], $0x400, $0x38;
	[tilespmem:$0x6DA8] =	vst v63  }
0x37: {  	_ =	swait.ge [sflag:s11], $0x400  }
0x38: {  	[sflag:s11] =	ssyncset.done $0x0  }
0x39: {  	[sflag:s11] =	ssyncadd.s32 $0xFFFFFC00  }
0x3a: {  	[spmem:s2] =	stream.indirect.scatter.add.f32 [tilespmem:s12], [sflag:$0x1], $0x8, s4, s13, $0xb8;
	[tilespmem:$0x6DA8] =	vst v63  }
0x3b: {  	_ = 	snop  }
0x3c: {  	[spmem:s2] =	stream.indirect.scatter.add.f32 [tilespmem:s12], [sflag:$0x1], $0x8, s14, s13, $0xb8;
	[tilespmem:$0x6DA8] =	vst v63  }
0x3d: {  	_ = 	snop  }
0x3e: {  	[spmem:s2] =	stream.indirect.scatter.add.f32 [tilespmem:s12], [sflag:$0x1], $0x8, s15, s13, $0xb8;
	[tilespmem:$0x6DA8] =	vst v63  }
0x3f: {  	_ = 	snop  }
0x40: {  	[spmem:s2] =	stream.indirect.scatter.add.f32 [tilespmem:s12], [sflag:$0x1], $0x8, s16, s13, $0xb8;
	[tilespmem:$0x6DA8] =	vst v63  }
0x41: {  	_ = 	snop  }
0x42: {  	[spmem:s2] =	stream.indirect.scatter.add.f32 [tilespmem:s12], [sflag:$0x1], $0x8, s17, s13, $0xb8;
	[tilespmem:$0x6DA8] =	vst v63  }
0x43: {  	_ = 	snop  }
0x44: {  	[spmem:s2] =	stream.indirect.scatter.add.f32 [tilespmem:s12], [sflag:$0x1], $0x8, s18, s13, $0xb8;
	[tilespmem:$0x6DA8] =	vst v63  }
0x45: {  	_ = 	snop  }
0x46: {  	[spmem:s2] =	stream.indirect.scatter.add.f32 [tilespmem:s12], [sflag:$0x1], $0x8, s19, s13, $0xb8;
	[tilespmem:$0x6DA8] =	vst v63  }
0x47: {  	_ = 	snop  }
0x48: {  	[spmem:s2] =	stream.indirect.scatter.add.f32 [tilespmem:s12], [sflag:$0x1], $0x8, s20, s13, $0xb8;
	[tilespmem:$0x6DA8] =	vst v63  }
0x49: {  	_ =	swait.ge [sflag:s21], $0x3E8  }
0x4a: {  	[sflag:s21] =	ssyncset.done $0x0  }
0x4b: {  	[sflag:s21] =	ssyncadd.s32 $0xFFFFFC18  }
0x4c: {  	_ =	swait.ge [sflag:s21], $0x3E8  }
0x4d: {  	[sflag:s21] =	ssyncset.done $0x0  }
0x4e: {  	[sflag:s21] =	ssyncadd.s32 $0xFFFFFC18  }
0x4f: {  	_ =	swait.ge [sflag:s21], $0x3E8  }
0x50: {  	[sflag:s21] =	ssyncset.done $0x0  }
0x51: {  	[sflag:s21] =	ssyncadd.s32 $0xFFFFFC18  }
0x52: {  	_ =	swait.ge [sflag:s21], $0x3E8  }
0x53: {  	[sflag:s21] =	ssyncset.done $0x0  }
0x54: {  	[sflag:s21] =	ssyncadd.s32 $0xFFFFFC18  }
0x55: {  	_ =	swait.ge [sflag:s21], $0x3E8  }
0x56: {  	[sflag:s21] =	ssyncset.done $0x0  }
0x57: {  	[sflag:s21] =	ssyncadd.s32 $0xFFFFFC18  }
0x58: {  	_ =	swait.ge [sflag:s21], $0x3E8  }
0x59: {  	[sflag:s21] =	ssyncset.done $0x0  }
0x5a: {  	[sflag:s21] =	ssyncadd.s32 $0xFFFFFC18  }
0x5b: {  	_ =	swait.ge [sflag:s21], $0x3E8  }
0x5c: {  	[sflag:s21] =	ssyncset.done $0x0  }
0x5d: {  	[sflag:s21] =	ssyncadd.s32 $0xFFFFFC18  }
0x5e: {  	_ =	swait.ge [sflag:s21], $0x3E8  }
0x5f: {  	[sflag:s21] =	ssyncset.done $0x0  }
0x60: {  	s7 =	sadd.s32 $0x32080, s1;
	[sflag:s21] =	ssyncadd.s32 $0xFFFFFC18  }
0x61: {  	[tilespmem:s22], [sflag:$0x2] =	stream.linear.gather [hbm4b:s7+s4], $0x400, $0x38;
	[tilespmem:$0x6DA8] =	vst v63  }
0x62: {  	_ =	swait.ge [sflag:s11], $0x400  }
0x63: {  	[sflag:s11] =	ssyncset.done $0x0  }
0x64: {  	[sflag:s11] =	ssyncadd.s32 $0xFFFFFC00  }
0x65: {  	[spmem:s2] =	stream.indirect.scatter.add.f32 [tilespmem:s12], [sflag:$0x1], $0x8, s22, s13, $0xb8;
	[tilespmem:$0x6DA8] =	vst v63  }
0x66: {  	_ = 	snop  }
0x67: {  	[spmem:s2] =	stream.indirect.scatter.add.f32 [tilespmem:s12], [sflag:$0x1], $0x8, s23, s13, $0xb8;
	[tilespmem:$0x6DA8] =	vst v63  }
0x68: {  	_ = 	snop  }
0x69: {  	[spmem:s2] =	stream.indirect.scatter.add.f32 [tilespmem:s12], [sflag:$0x1], $0x8, s24, s13, $0xb8;
	[tilespmem:$0x6DA8] =	vst v63  }
0x6a: {  	_ = 	snop  }
0x6b: {  	[spmem:s2] =	stream.indirect.scatter.add.f32 [tilespmem:s12], [sflag:$0x1], $0x8, s25, s13, $0xb8;
	[tilespmem:$0x6DA8] =	vst v63  }
0x6c: {  	_ = 	snop  }
0x6d: {  	[spmem:s2] =	stream.indirect.scatter.add.f32 [tilespmem:s12], [sflag:$0x1], $0x8, s26, s13, $0xb8;
	[tilespmem:$0x6DA8] =	vst v63  }
0x6e: {  	p6 =	por $0x0, $0x0  }
0x6f: {  	[spmem:s2] =	stream.indirect.scatter.add.f32 [tilespmem:s12], [sflag:$0x1], $0x8, s28, s13, $0xb8;
	[tilespmem:$0x6DA8] =	vst v63  }
0x70: {  	s3 =	simm.s32 $0x200;
	s0 =	simm.s32 $0x100;
	p0 =	por p6, p6  }
0x71: {  	[spmem:s2] =	stream.indirect.scatter.add.f32 [tilespmem:s12], [sflag:$0x1], $0x8, s29, s13, $0xb8;
	[tilespmem:$0x6DA8] =	vst v63  }
.LBB2_2:
0x72: {  	[spmem:s2] =	stream.indirect.scatter.add.f32 [tilespmem:s12], [sflag:$0x1], $0x8, s30, s13, $0xb8;
	[tilespmem:$0x6DA8] =	vst v63  }
0x73: {  	s5 =	smov.u32 s3  }
0x74: {  	s3 =	sadd.s32 $0x100, s3;
	s7 =	simm.s32 @!p0 $0x1;
	p2 =	seq.s32 s5, $0x0  }
0x75: {  	p1 =	sne.s32 s3, $0x1900;
	_ =	swait.ge @!p0 [sflag:s7], $0x3E8  }
0x76: {  	[sflag:s7] =	ssyncset.done @!p0 $0x0  }
0x77: {  	[sflag:s7] =	ssyncadd.s32 @!p0 $0xFFFFFC18  }
0x78: {  	_ =	swait.ge @!p0 [sflag:s7], $0x3E8  }
0x79: {  	[sflag:s7] =	ssyncset.done @!p0 $0x0  }
0x7a: {  	[sflag:s7] =	ssyncadd.s32 @!p0 $0xFFFFFC18  }
0x7b: {  	_ =	swait.ge @!p0 [sflag:s7], $0x3E8  }
0x7c: {  	[sflag:s7] =	ssyncset.done @!p0 $0x0  }
0x7d: {  	[sflag:s7] =	ssyncadd.s32 @!p0 $0xFFFFFC18  }
0x7e: {  	_ =	swait.ge @!p0 [sflag:s7], $0x3E8  }
0x7f: {  	[sflag:s7] =	ssyncset.done @!p0 $0x0  }
0x80: {  	[sflag:s7] =	ssyncadd.s32 @!p0 $0xFFFFFC18  }
0x81: {  	_ =	swait.ge @!p0 [sflag:s7], $0x3E8  }
0x82: {  	[sflag:s7] =	ssyncset.done @!p0 $0x0  }
0x83: {  	[sflag:s7] =	ssyncadd.s32 @!p0 $0xFFFFFC18  }
0x84: {  	_ =	swait.ge @!p0 [sflag:s7], $0x3E8  }
0x85: {  	[sflag:s7] =	ssyncset.done @!p0 $0x0  }
0x86: {  	[sflag:s7] =	ssyncadd.s32 @!p0 $0xFFFFFC18  }
0x87: {  	_ =	swait.ge @!p0 [sflag:s7], $0x3E8  }
0x88: {  	[sflag:s7] =	ssyncset.done @!p0 $0x0  }
0x89: {  	[sflag:s7] =	ssyncadd.s32 @!p0 $0xFFFFFC18  }
0x8a: {  	_ =	swait.ge @!p0 [sflag:s7], $0x3E8  }
0x8b: {  	s1 =	sadd.s32 s0, s9;
	s0 =	smov.u32 s5;
	[sflag:s7] =	ssyncset.done @!p0 $0x0  }
0x8c: {  	s5 =	sadd.s32 $0x32000, s1;
	[sflag:s7] =	ssyncadd.s32 @!p0 $0xFFFFFC18;
	p0 =	por p2, p2  }
0x8d: {  	[tilespmem:s4], [sflag:$0x2] =	stream.linear.gather [hbm4b:s5+s4], $0x400, $0x38;
	[tilespmem:$0x6DA8] =	vst v63  }
0x8e: {  	_ =	swait.ge [sflag:s11], $0x400  }
0x8f: {  	[sflag:s11] =	ssyncset.done $0x0  }
0x90: {  	[sflag:s11] =	ssyncadd.s32 $0xFFFFFC00  }
0x91: {  	[spmem:s2] =	stream.indirect.scatter.add.f32 [tilespmem:s12], [sflag:$0x1], $0x8, s4, s13, $0xb8;
	[tilespmem:$0x6DA8] =	vst v63  }
0x92: {  	_ = 	snop  }
0x93: {  	[spmem:s2] =	stream.indirect.scatter.add.f32 [tilespmem:s12], [sflag:$0x1], $0x8, s14, s13, $0xb8;
	[tilespmem:$0x6DA8] =	vst v63  }
0x94: {  	_ = 	snop  }
0x95: {  	[spmem:s2] =	stream.indirect.scatter.add.f32 [tilespmem:s12], [sflag:$0x1], $0x8, s15, s13, $0xb8;
	[tilespmem:$0x6DA8] =	vst v63  }
0x96: {  	_ = 	snop  }
0x97: {  	[spmem:s2] =	stream.indirect.scatter.add.f32 [tilespmem:s12], [sflag:$0x1], $0x8, s16, s13, $0xb8;
	[tilespmem:$0x6DA8] =	vst v63  }
0x98: {  	_ = 	snop  }
0x99: {  	[spmem:s2] =	stream.indirect.scatter.add.f32 [tilespmem:s12], [sflag:$0x1], $0x8, s17, s13, $0xb8;
	[tilespmem:$0x6DA8] =	vst v63  }
0x9a: {  	_ = 	snop  }
0x9b: {  	[spmem:s2] =	stream.indirect.scatter.add.f32 [tilespmem:s12], [sflag:$0x1], $0x8, s18, s13, $0xb8;
	[tilespmem:$0x6DA8] =	vst v63  }
0x9c: {  	_ = 	snop  }
0x9d: {  	[spmem:s2] =	stream.indirect.scatter.add.f32 [tilespmem:s12], [sflag:$0x1], $0x8, s19, s13, $0xb8;
	[tilespmem:$0x6DA8] =	vst v63  }
0x9e: {  	_ = 	snop  }
0x9f: {  	[spmem:s2] =	stream.indirect.scatter.add.f32 [tilespmem:s12], [sflag:$0x1], $0x8, s20, s13, $0xb8;
	[tilespmem:$0x6DA8] =	vst v63  }
0xa0: {  	_ =	swait.ge [sflag:s21], $0x3E8  }
0xa1: {  	[sflag:s21] =	ssyncset.done $0x0  }
0xa2: {  	[sflag:s21] =	ssyncadd.s32 $0xFFFFFC18  }
0xa3: {  	_ =	swait.ge [sflag:s21], $0x3E8  }
0xa4: {  	[sflag:s21] =	ssyncset.done $0x0  }
0xa5: {  	[sflag:s21] =	ssyncadd.s32 $0xFFFFFC18  }
0xa6: {  	_ =	swait.ge [sflag:s21], $0x3E8  }
0xa7: {  	[sflag:s21] =	ssyncset.done $0x0  }
0xa8: {  	[sflag:s21] =	ssyncadd.s32 $0xFFFFFC18  }
0xa9: {  	_ =	swait.ge [sflag:s21], $0x3E8  }
0xaa: {  	[sflag:s21] =	ssyncset.done $0x0  }
0xab: {  	[sflag:s21] =	ssyncadd.s32 $0xFFFFFC18  }
0xac: {  	_ =	swait.ge [sflag:s21], $0x3E8  }
0xad: {  	[sflag:s21] =	ssyncset.done $0x0  }
0xae: {  	[sflag:s21] =	ssyncadd.s32 $0xFFFFFC18  }
0xaf: {  	_ =	swait.ge [sflag:s21], $0x3E8  }
0xb0: {  	[sflag:s21] =	ssyncset.done $0x0  }
0xb1: {  	[sflag:s21] =	ssyncadd.s32 $0xFFFFFC18  }
0xb2: {  	_ =	swait.ge [sflag:s21], $0x3E8  }
0xb3: {  	[sflag:s21] =	ssyncset.done $0x0  }
0xb4: {  	[sflag:s21] =	ssyncadd.s32 $0xFFFFFC18  }
0xb5: {  	_ =	swait.ge [sflag:s21], $0x3E8  }
0xb6: {  	[sflag:s21] =	ssyncset.done $0x0  }
0xb7: {  	s1 =	sadd.s32 $0x32080, s1;
	[sflag:s21] =	ssyncadd.s32 $0xFFFFFC18  }
0xb8: {  	[tilespmem:s22], [sflag:$0x2] =	stream.linear.gather [hbm4b:s1+s4], $0x400, $0x38;
	[tilespmem:$0x6DA8] =	vst v63  }
0xb9: {  	_ =	swait.ge [sflag:s11], $0x400  }
0xba: {  	[sflag:s11] =	ssyncset.done $0x0  }
0xbb: {  	[sflag:s11] =	ssyncadd.s32 $0xFFFFFC00  }
0xbc: {  	[spmem:s2] =	stream.indirect.scatter.add.f32 [tilespmem:s12], [sflag:$0x1], $0x8, s22, s13, $0xb8;
	[tilespmem:$0x6DA8] =	vst v63  }
0xbd: {  	_ = 	snop  }
0xbe: {  	[spmem:s2] =	stream.indirect.scatter.add.f32 [tilespmem:s12], [sflag:$0x1], $0x8, s23, s13, $0xb8;
	[tilespmem:$0x6DA8] =	vst v63  }
0xbf: {  	_ = 	snop  }
0xc0: {  	[spmem:s2] =	stream.indirect.scatter.add.f32 [tilespmem:s12], [sflag:$0x1], $0x8, s24, s13, $0xb8;
	[tilespmem:$0x6DA8] =	vst v63  }
0xc1: {  	_ = 	snop  }
0xc2: {  	[spmem:s2] =	stream.indirect.scatter.add.f32 [tilespmem:s12], [sflag:$0x1], $0x8, s25, s13, $0xb8;
	[tilespmem:$0x6DA8] =	vst v63  }
0xc3: {  	_ = 	snop  }
0xc4: {  	[spmem:s2] =	stream.indirect.scatter.add.f32 [tilespmem:s12], [sflag:$0x1], $0x8, s26, s13, $0xb8;
	[tilespmem:$0x6DA8] =	vst v63  }
.Ltmp0:
0xc5: {  	_ = 	snop;
	(pc) =	sbr.rel @p1 .LBB2_2-.Ltmp0, $4  }
0xc6: {  	_ = 	snop  }
0xc7: {  	[spmem:s2] =	stream.indirect.scatter.add.f32 [tilespmem:s12], [sflag:$0x1], $0x8, s28, s13, $0xb8;
	[tilespmem:$0x6DA8] =	vst v63  }
0xc8: {  	_ = 	snop  }
0xc9: {  	[spmem:s2] =	stream.indirect.scatter.add.f32 [tilespmem:s12], [sflag:$0x1], $0x8, s29, s13, $0xb8;
	[tilespmem:$0x6DA8] =	vst v63  }
0xca: {  	[spmem:s2] =	stream.indirect.scatter.add.f32 [tilespmem:s12], [sflag:$0x1], $0x8, s30, s13, $0xb8;
	[tilespmem:$0x6DA8] =	vst v63  }
0xcb: {  	s1 =	simm.s32 @!p0 $0x1  }
0xcc: {  	_ =	swait.ge @!p0 [sflag:s1], $0x3E8  }
0xcd: {  	[sflag:s1] =	ssyncset.done @!p0 $0x0  }
0xce: {  	[sflag:s1] =	ssyncadd.s32 @!p0 $0xFFFFFC18  }
0xcf: {  	_ =	swait.ge @!p0 [sflag:s1], $0x3E8  }
0xd0: {  	[sflag:s1] =	ssyncset.done @!p0 $0x0  }
0xd1: {  	[sflag:s1] =	ssyncadd.s32 @!p0 $0xFFFFFC18  }
0xd2: {  	_ =	swait.ge @!p0 [sflag:s1], $0x3E8  }
0xd3: {  	[sflag:s1] =	ssyncset.done @!p0 $0x0  }
0xd4: {  	[sflag:s1] =	ssyncadd.s32 @!p0 $0xFFFFFC18  }
0xd5: {  	_ =	swait.ge @!p0 [sflag:s1], $0x3E8  }
0xd6: {  	[sflag:s1] =	ssyncset.done @!p0 $0x0  }
0xd7: {  	[sflag:s1] =	ssyncadd.s32 @!p0 $0xFFFFFC18  }
0xd8: {  	_ =	swait.ge @!p0 [sflag:s1], $0x3E8  }
0xd9: {  	[sflag:s1] =	ssyncset.done @!p0 $0x0  }
0xda: {  	[sflag:s1] =	ssyncadd.s32 @!p0 $0xFFFFFC18  }
0xdb: {  	_ =	swait.ge @!p0 [sflag:s1], $0x3E8  }
0xdc: {  	[sflag:s1] =	ssyncset.done @!p0 $0x0  }
0xdd: {  	[sflag:s1] =	ssyncadd.s32 @!p0 $0xFFFFFC18  }
0xde: {  	_ =	swait.ge @!p0 [sflag:s1], $0x3E8  }
0xdf: {  	[sflag:s1] =	ssyncset.done @!p0 $0x0  }
0xe0: {  	[sflag:s1] =	ssyncadd.s32 @!p0 $0xFFFFFC18  }
0xe1: {  	_ =	swait.ge @!p0 [sflag:s1], $0x3E8  }
0xe2: {  	s0 =	sadd.s32 s0, s9;
	[sflag:s1] =	ssyncset.done @!p0 $0x0  }
0xe3: {  	s5 =	sadd.s32 $0x32000, s0;
	[sflag:s1] =	ssyncadd.s32 @!p0 $0xFFFFFC18  }
0xe4: {  	[tilespmem:s4], [sflag:$0x2] =	stream.linear.gather [hbm4b:s5+s4], $0x400, $0x38;
	[tilespmem:$0x6DA8] =	vst v63  }
0xe5: {  	_ =	swait.ge [sflag:s11], $0x400  }
0xe6: {  	[sflag:s11] =	ssyncset.done $0x0  }
0xe7: {  	[sflag:s11] =	ssyncadd.s32 $0xFFFFFC00  }
0xe8: {  	[spmem:s2] =	stream.indirect.scatter.add.f32 [tilespmem:s12], [sflag:$0x1], $0x8, s4, s13, $0xb8;
	[tilespmem:$0x6DA8] =	vst v63  }
0xe9: {  	_ = 	snop  }
0xea: {  	[spmem:s2] =	stream.indirect.scatter.add.f32 [tilespmem:s12], [sflag:$0x1], $0x8, s14, s13, $0xb8;
	[tilespmem:$0x6DA8] =	vst v63  }
0xeb: {  	_ = 	snop  }
0xec: {  	[spmem:s2] =	stream.indirect.scatter.add.f32 [tilespmem:s12], [sflag:$0x1], $0x8, s15, s13, $0xb8;
	[tilespmem:$0x6DA8] =	vst v63  }
0xed: {  	_ = 	snop  }
0xee: {  	[spmem:s2] =	stream.indirect.scatter.add.f32 [tilespmem:s12], [sflag:$0x1], $0x8, s16, s13, $0xb8;
	[tilespmem:$0x6DA8] =	vst v63  }
0xef: {  	_ = 	snop  }
0xf0: {  	[spmem:s2] =	stream.indirect.scatter.add.f32 [tilespmem:s12], [sflag:$0x1], $0x8, s17, s13, $0xb8;
	[tilespmem:$0x6DA8] =	vst v63  }
0xf1: {  	_ = 	snop  }
0xf2: {  	[spmem:s2] =	stream.indirect.scatter.add.f32 [tilespmem:s12], [sflag:$0x1], $0x8, s18, s13, $0xb8;
	[tilespmem:$0x6DA8] =	vst v63  }
0xf3: {  	_ = 	snop  }
0xf4: {  	[spmem:s2] =	stream.indirect.scatter.add.f32 [tilespmem:s12], [sflag:$0x1], $0x8, s19, s13, $0xb8;
	[tilespmem:$0x6DA8] =	vst v63  }
0xf5: {  	_ = 	snop  }
0xf6: {  	[spmem:s2] =	stream.indirect.scatter.add.f32 [tilespmem:s12], [sflag:$0x1], $0x8, s20, s13, $0xb8;
	[tilespmem:$0x6DA8] =	vst v63  }
0xf7: {  	_ =	swait.ge [sflag:s21], $0x3E8  }
0xf8: {  	[sflag:s21] =	ssyncset.done $0x0  }
0xf9: {  	[sflag:s21] =	ssyncadd.s32 $0xFFFFFC18  }
0xfa: {  	_ =	swait.ge [sflag:s21], $0x3E8  }
0xfb: {  	[sflag:s21] =	ssyncset.done $0x0  }
0xfc: {  	[sflag:s21] =	ssyncadd.s32 $0xFFFFFC18  }
0xfd: {  	_ =	swait.ge [sflag:s21], $0x3E8  }
0xfe: {  	[sflag:s21] =	ssyncset.done $0x0  }
0xff: {  	[sflag:s21] =	ssyncadd.s32 $0xFFFFFC18  }
0x100: {  	_ =	swait.ge [sflag:s21], $0x3E8  }
0x101: {  	[sflag:s21] =	ssyncset.done $0x0  }
0x102: {  	[sflag:s21] =	ssyncadd.s32 $0xFFFFFC18  }
0x103: {  	_ =	swait.ge [sflag:s21], $0x3E8  }
0x104: {  	[sflag:s21] =	ssyncset.done $0x0  }
0x105: {  	[sflag:s21] =	ssyncadd.s32 $0xFFFFFC18  }
0x106: {  	_ =	swait.ge [sflag:s21], $0x3E8  }
0x107: {  	[sflag:s21] =	ssyncset.done $0x0  }
0x108: {  	[sflag:s21] =	ssyncadd.s32 $0xFFFFFC18  }
0x109: {  	_ =	swait.ge [sflag:s21], $0x3E8  }
0x10a: {  	[sflag:s21] =	ssyncset.done $0x0  }
0x10b: {  	[sflag:s21] =	ssyncadd.s32 $0xFFFFFC18  }
0x10c: {  	_ =	swait.ge [sflag:s21], $0x3E8  }
0x10d: {  	[sflag:s21] =	ssyncset.done $0x0  }
0x10e: {  	s0 =	sadd.s32 $0x32080, s0;
	[sflag:s21] =	ssyncadd.s32 $0xFFFFFC18  }
0x10f: {  	[tilespmem:s22], [sflag:$0x2] =	stream.linear.gather [hbm4b:s0+s4], $0x400, $0x38;
	[tilespmem:$0x6DA8] =	vst v63  }
0x110: {  	_ =	swait.ge [sflag:s11], $0x400  }
0x111: {  	[sflag:s11] =	ssyncset.done $0x0  }
0x112: {  	[sflag:s11] =	ssyncadd.s32 $0xFFFFFC00  }
0x113: {  	[spmem:s2] =	stream.indirect.scatter.add.f32 [tilespmem:s12], [sflag:$0x1], $0x8, s22, s13, $0xb8;
	[tilespmem:$0x6DA8] =	vst v63  }
0x114: {  	_ = 	snop  }
0x115: {  	[spmem:s2] =	stream.indirect.scatter.add.f32 [tilespmem:s12], [sflag:$0x1], $0x8, s23, s13, $0xb8;
	[tilespmem:$0x6DA8] =	vst v63  }
0x116: {  	_ = 	snop  }
0x117: {  	[spmem:s2] =	stream.indirect.scatter.add.f32 [tilespmem:s12], [sflag:$0x1], $0x8, s24, s13, $0xb8;
	[tilespmem:$0x6DA8] =	vst v63  }
0x118: {  	_ = 	snop  }
0x119: {  	[spmem:s2] =	stream.indirect.scatter.add.f32 [tilespmem:s12], [sflag:$0x1], $0x8, s25, s13, $0xb8;
	[tilespmem:$0x6DA8] =	vst v63  }
0x11a: {  	_ = 	snop  }
0x11b: {  	[spmem:s2] =	stream.indirect.scatter.add.f32 [tilespmem:s12], [sflag:$0x1], $0x8, s26, s13, $0xb8;
	[tilespmem:$0x6DA8] =	vst v63  }
0x11c: {  	_ = 	snop  }
0x11d: {  	[spmem:s2] =	stream.indirect.scatter.add.f32 [tilespmem:s12], [sflag:$0x1], $0x8, s28, s13, $0xb8;
	[tilespmem:$0x6DA8] =	vst v63  }
0x11e: {  	_ = 	snop  }
0x11f: {  	[spmem:s2] =	stream.indirect.scatter.add.f32 [tilespmem:s12], [sflag:$0x1], $0x8, s29, s13, $0xb8;
	[tilespmem:$0x6DA8] =	vst v63  }
0x120: {  	_ = 	snop  }
0x121: {  	[spmem:s2] =	stream.indirect.scatter.add.f32 [tilespmem:s12], [sflag:$0x1], $0x8, s30, s13, $0xb8;
	[tilespmem:$0x6DA8] =	vst v63  }
0x122: {  	_ =	swait.ge [sflag:s21], $0x3E8  }
0x123: {  	[sflag:s21] =	ssyncset.done $0x0  }
0x124: {  	[sflag:s21] =	ssyncadd.s32 $0xFFFFFC18  }
0x125: {  	_ =	swait.ge [sflag:s21], $0x3E8  }
0x126: {  	[sflag:s21] =	ssyncset.done $0x0  }
0x127: {  	[sflag:s21] =	ssyncadd.s32 $0xFFFFFC18  }
0x128: {  	_ =	swait.ge [sflag:s21], $0x3E8  }
0x129: {  	[sflag:s21] =	ssyncset.done $0x0  }
0x12a: {  	[sflag:s21] =	ssyncadd.s32 $0xFFFFFC18  }
0x12b: {  	_ =	swait.ge [sflag:s21], $0x3E8  }
0x12c: {  	[sflag:s21] =	ssyncset.done $0x0  }
0x12d: {  	[sflag:s21] =	ssyncadd.s32 $0xFFFFFC18  }
0x12e: {  	_ =	swait.ge [sflag:s21], $0x3E8  }
0x12f: {  	[sflag:s21] =	ssyncset.done $0x0  }
0x130: {  	[sflag:s21] =	ssyncadd.s32 $0xFFFFFC18  }
0x131: {  	_ =	swait.ge [sflag:s21], $0x3E8  }
0x132: {  	[sflag:s21] =	ssyncset.done $0x0  }
0x133: {  	[sflag:s21] =	ssyncadd.s32 $0xFFFFFC18  }
0x134: {  	_ =	swait.ge [sflag:s21], $0x3E8  }
0x135: {  	[sflag:s21] =	ssyncset.done $0x0  }
0x136: {  	[sflag:s21] =	ssyncadd.s32 $0xFFFFFC18  }
0x137: {  	_ =	swait.ge [sflag:s21], $0x3E8  }
0x138: {  	[sflag:s21] =	ssyncset.done $0x0  }
0x139: {  	s31 =	sadd.s32 $0x1, s31;
	[sflag:s21] =	ssyncadd.s32 $0xFFFFFC18  }
0x13a: {  	p0 =	sne.s32 s31, s8;
	[bflag:$0x0] =	sbarrier.arrive $0xFFFF  }
.Ltmp1:
0x13b: {  	s7 =	rddreg [dreg:$0x5];
	(pc) =	sbr.rel @p0 .LBB2_1-.Ltmp1, $4  }
0x13c: {  	[hbm:s7], [sflag:s6] =	dma.local [spmem:s10], $0xC38  }
0x13d: {  	_ =	swait.ge [sflag:s11], $0xC38  }
0x13e: {  	[sflag:s11] =	ssyncset.done $0x0  }
0x13f: {  	[sflag:s11] =	ssyncadd.s32 $0xFFFFF3C8  }
0x140: {  	_ =	sfence.sel $0x180000  }
0x141: {  	[bflag:$0x0] =	sbarrier.arrive $0xFFFF  }
0x142: {  	_ =	strace $0x90000047  }
0x143: {  	s0 =	stileid.u32;
	[bflag:$0x2] =	sbarrier.arrive $0xFFFF  }
0x144: {  	p0 =	sne.s32 s0, $0x0;
	s0 =	rddreg [dreg:$0x3]  }
0x145: {  	s0 =	sadd.s32 @!p0 $0x100000, s0  }
0x146: {  	[sflag:s0] =	ssyncadd.tile.s32 @!p0 $0x1;
	_ =	shalt  }
.Lfunc_end2:
_tile_overlayer_lowered:
.L_overlay_start_2:
0x147: {  	(tag) =	ssettag $0x2  }
0x148: {  	s0 =	rddreg [dreg:$0x0];
	s2 =	stileid.u32  }
0x149: {  	s1 =	rddreg [dreg:$0x1];
	p0 =	sne.s32 s2, $0x0  }
0x14a: {  	s3 =	rddreg [dreg:$0x2];
	[bflag:$0x3] =	sbarrier.arrive $0xFFFF;
	s2 =	simm.s32 @!p0 $0x1C02  }
0x14b: {  	[timem:s3], [sflag:s2] =	dma.local @!p0 [hbm:s0], s1  }
0x14c: {  	s0 =	simm.s32 @!p0 $0x2  }
0x14d: {  	_ =	swait.ge @!p0 [sflag:s0], s1  }
0x14e: {  	s1 =	ssub.s32 @!p0 $0x0, s1;
	[sflag:s0] =	ssyncset.done @!p0 $0x0  }
0x14f: {  	[sflag:s0] =	ssyncadd.s32 @!p0 s1  }
0x150: {  	[bflag:$0x3] =	sbarrier.arrive $0xFFFF  }
0x151: {  	_ =	shalt  }

// kernel: kernel.9.cloned.1.call-start
scs
__scs_entry_jumppad:
0x0: {  	(pc) =	sbr.rel $0x88, $3  }
0x1: {  	(tag) =	ssettag $0x0;
	lr =	simm.s32 $0x1  }
0x2: {  	[smem:$0x3F96] =	sst lr;
	_ =	strace $0xD0000000  }
0x3: {  	_ = 	snop  }
0x4: {  	_ = 	snop  }
0x5: {  	_ = 	snop  }
0x6: {  	_ = 	snop  }
0x7: {  	_ = 	snop  }
__scs_overlays_trampoline_lowered:
0x8: {  	[smem:$0x3FA5] =	sst s0  }
0x9: {  	[smem:$0x3FA6] =	sst s1  }
0xa: {  	[smem:$0x3FA7] =	sst s2  }
0xb: {  	[smem:$0x3FA8] =	sst s3  }
0xc: {  	[smem:$0x3FA9] =	sst s4  }
0xd: {  	[smem:$0x3FAA] =	sst s5  }
0xe: {  	[smem:$0x3FAB] =	sst s6  }
0xf: {  	[smem:$0x3FAC] =	sst s7  }
0x10: {  	[smem:$0x3FAD] =	sst s8  }
0x11: {  	[smem:$0x3FAE] =	sst s9;
	s0 =	simm.s32 @!p0 $0x0  }
0x12: {  	s1 =	sld [smem:$0x3F94];
	s0 =	simm.s32 @p0 $0x1  }
0x13: {  	[smem:$0x3FAF] =	sst s0;
	s0 =	simm.s32 @!p1 $0x0  }
0x14: {  	s2 =	sld [smem:$0x3F93];
	s0 =	simm.s32 @p1 $0x1  }
0x15: {  	[smem:$0x3FB0] =	sst s0;
	s0 =	simm.s32 @!p2 $0x0  }
0x16: {  	s3 =	sld [smem:$0x3FDB];
	s0 =	simm.s32 @p2 $0x1  }
0x17: {  	s4 =	simm.s32 $0x1BF5;
	[smem:$0x3FB2] =	sst s0  }
0x18: {  	s0 =	sld [smem:$0x3F95];
	_ =	swait.ge [sflag:s4], $0x0  }
0x19: {  	s7 =	sld [smem:$0x3F96]  }
0x1a: {  	s8 =	sadd.s32 $0xFFFFE003, lr  }
0x1b: {  	s9 =	sadd.s32 $0xFFFFFEF7, lr;
	s5 =	simm.s32 $0xFFFFFFFF;
	p2 =	slt.u32 s8, $0xFFFFF086  }
0x1c: {  	p1 =	slt.u32 s9, $0xF7A;
	s5 =	simm.s32 @!p2 $0x0  }
0x1d: {  	s5 =	simm.s32 @p1 $0x1;
	p0 =	seq.s32 s7, s2  }
0x1e: {  	s7 =	smul.u32 @!p0 $0xF7A, s2;
	p2 =	seq.s32 @!p0 s5, $0x0  }
0x1f: {  	s9 =	smul.u32 $0xF7A, s1;
	s8 =	simm.s32 @!p0 $0x1BF5;
	p2 =	por !p2, p0  }
0x20: {  	[sflag:s8] =	ssyncset.s32 @!p0 $0xFFFFF086;
	s6 =	sadd.s32 @!p0 s3, s7;
	s7 =	simm.s32 @!p0 $0x108  }
0x21: {  	s3 =	sadd.s32 s3, s9;
	s6 =	sadd.s32 @!p0 $0x88, s6;
	s7 =	simm.s32 @p2 $0x1082  }
0x22: {  	[simem:s7], [sflag:s8] =	dma.local @!p0 [hbm:s6], $0xF7A  }
0x23: {  	s9 =	sor.u32 $0xD0000000, s2;
	s6 =	simm.s32 $0x108;
	_ =	swait.ge @!p0 [sflag:s8], $0x0  }
0x24: {  	s3 =	sadd.s32 $0x88, s3;
	s6 =	simm.s32 @!p1 $0x1082;
	[sflag:s4] =	ssyncset.s32 $0xFFFFF086  }
0x25: {  	[simem:s6], [sflag:s4] =	dma.local [hbm:s3], $0xF7A  }
0x26: {  	[smem:$0x3F96] =	sst s1;
	(tag) =	ssettag s2;
	_ =	strace s9  }
0x27: {  	s1 =	sld [smem:$0x3FA6]  }
0x28: {  	s2 =	sld [smem:$0x3FA7]  }
0x29: {  	s4 =	sld [smem:$0x3FA9]  }
0x2a: {  	p0 =	seq.s32 s5, $0x0;
	s5 =	sld [smem:$0x3FAA]  }
0x2b: {  	s6 =	sld [smem:$0x3FAB]  }
0x2c: {  	s7 =	sld [smem:$0x3FAC]  }
0x2d: {  	s3 =	simm.s32 $0x108;
	s8 =	sld [smem:$0x3FAD]  }
0x2e: {  	s3 =	simm.s32 @!p0 $0x1082;
	s9 =	sld [smem:$0x3FAE]  }
0x2f: {  	lr =	sadd.s32 s0, s3;
	s0 =	sld [smem:$0x3FA5]  }
0x30: {  	s3 =	sld [smem:$0x3FA8]  }
0x31: {  	[smem:$0x3FB1] =	sst s10  }
0x32: {  	s10 =	sld [smem:$0x3FAF];
	_ =	sdelay $0x3  }
0x33: {  	p0 =	seq.s32 s10, $0x1;
	s10 =	sld [smem:$0x3FB1];
	_ =	sdelay $0x3  }
0x34: {  	[smem:$0x3FB1] =	sst s10  }
0x35: {  	s10 =	sld [smem:$0x3FB0];
	_ =	sdelay $0x3  }
0x36: {  	p1 =	seq.s32 s10, $0x1;
	s10 =	sld [smem:$0x3FB1];
	_ =	sdelay $0x3  }
0x37: {  	[smem:$0x3FB1] =	sst s10  }
0x38: {  	s10 =	sld [smem:$0x3FB2]  }
0x39: {  	_ = 	snop;
	(pc) =	sbr.ind lr, $3  }
0x3a: {  	_ = 	snop  }
0x3b: {  	_ = 	snop  }
0x3c: {  	p2 =	seq.s32 s10, $0x1;
	s10 =	sld [smem:$0x3FB1]  }
0x3d: {  	_ =	shalt  }
0x3e: {  	_ =	shalt  }
0x3f: {  	_ =	shalt  }
0x40: {  	_ =	shalt  }
0x41: {  	_ =	shalt  }
0x42: {  	_ =	shalt  }
0x43: {  	_ =	shalt  }
0x44: {  	_ =	shalt  }
0x45: {  	_ =	shalt  }
0x46: {  	_ =	shalt  }
0x47: {  	_ =	shalt  }
0x48: {  	_ =	shalt  }
0x49: {  	_ =	shalt  }
0x4a: {  	_ =	shalt  }
0x4b: {  	_ =	shalt  }
0x4c: {  	_ =	shalt  }
0x4d: {  	_ =	shalt  }
0x4e: {  	_ =	shalt  }
0x4f: {  	_ =	shalt  }
0x50: {  	_ =	shalt  }
0x51: {  	_ =	shalt  }
0x52: {  	_ =	shalt  }
0x53: {  	_ =	shalt  }
0x54: {  	_ =	shalt  }
0x55: {  	_ =	shalt  }
0x56: {  	_ =	shalt  }
0x57: {  	_ =	shalt  }
0x58: {  	_ =	shalt  }
0x59: {  	_ =	shalt  }
0x5a: {  	_ =	shalt  }
0x5b: {  	_ =	shalt  }
0x5c: {  	_ =	shalt  }
0x5d: {  	_ =	shalt  }
0x5e: {  	_ =	shalt  }
0x5f: {  	_ =	shalt  }
0x60: {  	_ =	shalt  }
0x61: {  	_ =	shalt  }
0x62: {  	_ =	shalt  }
0x63: {  	_ =	shalt  }
0x64: {  	_ =	shalt  }
0x65: {  	_ =	shalt  }
0x66: {  	_ =	shalt  }
0x67: {  	_ =	shalt  }
0x68: {  	_ =	shalt  }
0x69: {  	_ =	shalt  }
0x6a: {  	_ =	shalt  }
0x6b: {  	_ =	shalt  }
0x6c: {  	_ =	shalt  }
0x6d: {  	_ =	shalt  }
0x6e: {  	_ =	shalt  }
0x6f: {  	_ =	shalt  }
0x70: {  	_ =	shalt  }
0x71: {  	_ =	shalt  }
0x72: {  	_ =	shalt  }
0x73: {  	_ =	shalt  }
0x74: {  	_ =	shalt  }
0x75: {  	_ =	shalt  }
0x76: {  	_ =	shalt  }
0x77: {  	_ =	shalt  }
0x78: {  	_ =	shalt  }
0x79: {  	_ =	shalt  }
0x7a: {  	_ =	shalt  }
0x7b: {  	_ =	shalt  }
0x7c: {  	_ =	shalt  }
0x7d: {  	_ =	shalt  }
0x7e: {  	_ =	shalt  }
0x7f: {  	_ =	shalt  }
0x80: {  	_ =	shalt  }
0x81: {  	_ =	shalt  }
0x82: {  	_ =	shalt  }
0x83: {  	_ =	shalt  }
0x84: {  	_ =	shalt  }
0x85: {  	_ =	shalt  }
0x86: {  	_ =	shalt  }
0x87: {  	_ =	shalt  }
.Lfunc_end0:
.L_simem_size_0:
called_computation.1_lowered:
.L_overlay_start_0:
0x88: {  	s2 =	sld [smem:$0x3FD9]  }
0x89: {  	s3 =	sld [smem:$0x3FFE];
	_ =	sdelay $0x1  }
0x8a: {  	s1 =	srdreg.scid  }
0x8b: {  	s0 =	sand.u32 $0x1, s1  }
0x8c: {  	s16 =	sshll.u32 s0, $0xA;
	s2 =	sadd.s32 s3, s2  }
0x8d: {  	s2 =	sadd.s32 s2, s16  }
0x8e: {  	[smem:$0x3FBD] =	sst s2  }
0x8f: {  	_ = 	snop  }
0x90: {  	(tm) =	ssettm $0x1  }
0x91: {  	s17 =	sld [smem:$0x3FFB];
	_ =	sdelay $0x3  }
0x92: {  	_ =	strace s17  }
0x93: {  	s2 =	sld [smem:$0x3FFC];
	_ =	sdelay $0x3  }
0x94: {  	_ =	strace s2  }
0x95: {  	s2 =	sld [smem:$0x3FFD];
	_ =	sdelay $0x3  }
0x96: {  	_ =	strace s2  }
0x97: {  	_ =	strace $0x8FFFFFFF  }
0x98: {  	s18 =	sld [smem:$0x3FDB];
	_ =	sdelay $0x1  }
0x99: {  	s19 =	simm.s32 $_scs_section_size  }
0x9a: {  	s4 =	simm.s32 $_size__tile_overlayer_lowered;
	s5 =	simm.s32 $_tile_overlayer_lowered  }
0x9b: {  	s22 =	simm.s32 $0x1BFF;
	s21 =	sshll.u32 s5, $0x1;
	s2 =	sadd.s32 s19, s18  }
0x9c: {  	s6 =	simm.s32 $0x0;
	s20 =	sshll.u32 s4, $0x1;
	s4 =	sadd.s32 s21, s2  }
0x9d: {  	[timem:s6], [sflag:s22] =	dma.local [hbm:s4], s20  }
0x9e: {  	_ =	swait.ge [sflag:s22], s20  }
0x9f: {  	s3 =	ssub.s32 $0x0, s20;
	[sflag:s22] =	ssyncset.done $0x0  }
0xa0: {  	[sflag:s22] =	ssyncadd.s32 s3;
	_ =	sdelay $0x1  }
0xa1: {  	s23 =	simm.s32 $0x1B8B  }
0xa2: {  	_ =	swait.ge [sflag:s23], $0x1  }
0xa3: {  	[sflag:s23] =	ssyncset.done $0x0  }
0xa4: {  	s25 =	simm.s32 $0x1B8E;
	s24 =	sld [smem:$0x3FFE];
	[sflag:s23] =	ssyncadd.s32 $0xFFFFFFFF  }
0xa5: {  	s26 =	simm.s32 $execute0_lowered;
	[smem:$0x3FD2] =	sst s25  }
0xa6: {  	s4 =	sshll.u32 s26, $0x1;
	_ =	strace $0x80000049;
	[dreg:$0x1] =	wrdreg $0xFFFFFFFF  }
0xa7: {  	s28 =	simm.s32 $_size_execute0_lowered;
	s2 =	sadd.s32 s2, s4;
	[dreg:$0x0] =	wrdreg $0x0  }
0xa8: {  	s4 =	sshll.u32 s28, $0x1;
	[dreg:$0x2] =	wrdreg s2  }
0xa9: {  	[dreg:$0x3] =	wrdreg s4  }
0xaa: {  	[dreg:$0x4] =	wrdreg $0xC0  }
0xab: {  	_ =	task [dreg:s6], $0x5FFFF  }
0xac: {  	[dreg:$0x1] =	wrdreg $0xFFFFFFFF  }
0xad: {  	[dreg:$0x0] =	wrdreg $0x60  }
0xae: {  	[dreg:$0x2] =	wrdreg s24  }
0xaf: {  	[dreg:$0x3] =	wrdreg $0xCB800  }
0xb0: {  	[dreg:$0x4] =	wrdreg $0x9  }
0xb1: {  	_ =	task.clear_ibuf [dreg:s6], $0x5FFFF;
	_ =	strace $0x90000049  }
0xb2: {  	s29 =	simm.s32 $0x9;
	_ =	strace $0x8000004B  }
0xb3: {  	_ =	swait.ge [sflag:s29], $0x1  }
0xb4: {  	[sflag:s29] =	ssyncadd.s32 $0xFFFFFFFF  }
0xb5: {  	_ =	strace $0x9000004B  }
0xb6: {  	_ =	sfence  }
0xb7: {  	s30 =	sld [smem:$0x0];
	_ =	sdelay $0x2  }
0xb8: {  	s31 =	sshll.u32 s1, $0xD;
	s1 =	sshrl.u32 s1, $0x2  }
0xb9: {  	s3 =	sand.u32 $0x4000, s31;
	s1 =	sadd.s32 s1, s30  }
0xba: {  	s0 =	sor.u32 s3, s0;
	s1 =	sshll.u32 s1, $0x11  }
0xbb: {  	s0 =	sor.u32 s1, s0  }
0xbc: {  	s0 =	sadd.s32 $0x8F2B, s0  }
0xbd: {  	[sflag:s0] =	ssyncadd.remote.s32 $0x1  }
0xbe: {  	_ =	sfence.sel $0xFFFF  }
0xbf: {  	[dreg:$0x0] =	wrdreg $0xFFFFFFFF;
	(pc) =	sbr.abs _section_cstart, $3  }
0xc0: {  	[dreg:$0x1] =	wrdreg $0xFFFFFFFF  }
0xc1: {  	_ =	task.clear_ibuf [dreg:s6], $0x2FFFF;
	_ =	strace $0x9FFFFFFF  }
0xc2: {  	(tm) =	ssettm $0x7FFFFFFF  }
0xc3: {  	_ =	shalt  }
tec
execute0_lowered:
.L_overlay_start_1:
0x0: {  	(tag) =	ssettag $0x1  }
0x1: {  	s0 =	rddreg [dreg:$0x0]  }
0x2: {  	s1 =	srdreg.scid;
	s2 =	rddreg [dreg:$0x1]  }
0x3: {  	s10 =	stileid.u32;
	s3 =	simm.s32 $0x0;
	s13 =	simm.s32 $0x3  }
0x4: {  	s14 =	simm.s32 $0x800;
	s15 =	simm.s32 $0x7D;
	s16 =	simm.s32 $0x1000  }
0x5: {  	s18 =	simm.s32 $0x1BB8;
	s29 =	simm.s32 $0x5650;
	s31 =	simm.s32 $0x6208  }
0x6: {  	s12 =	simm.s32 $0x400;
	s17 =	simm.s32 $0xC00;
	s5 =	smul.u32 $0x12540, s10  }
0x7: {  	s19 =	simm.s32 $0x6DC0;
	s28 =	simm.s32 $0x8530;
	s6 =	smul.u32 $0x24A8, s10  }
0x8: {  	s1 =	sand.u32 $0x1, s1;
	[smem:$0x7FF] =	sst s3;
	s20 =	smul.u32 $0x19000, s10  }
0x9: {  	s9 =	sadd.s32 $0x1400, s0;
	s24 =	sshll.u32 s10, $0x6;
	s25 =	smul.u32 $0x3200, s10  }
0xa: {  	s10 =	simm.s32 $0xA858;
	s4 =	smul.u32 $0x249F0, s1;
	_ =	strace $0x8000004A  }
0xb: {  	s7 =	smul.u32 $0x24A80, s1;
	s1 =	ssub.s32 $0x2, s1;
	s8 =	sshrl.u32 s5, $0x3  }
0xc: {  	s21 =	sshrl.u32 s1, $0x1;
	s5 =	sadd.s32 s5, s2;
	s22 =	sshrl.u32 s20, $0x3  }
0xd: {  	s11 =	sadd.s32 s25, s9;
	s20 =	simm.s32 $0x2770;
	s25 =	simm.s32 $0xBFC8  }
0xe: {  	s4 =	sadd.s32 s4, s0;
	s6 =	sadd.s32 s6, s7;
	s8 =	sadd.s32 s8, s0  }
0xf: {  	s1 =	ssub.s32 s1, s21;
	s21 =	sor.u32 $0x1C03, s24;
	s30 =	sshrl.u32 s5, $0x3  }
0x10: {  	s24 =	simm.s32 $0x3EE0;
	s7 =	simm.s32 $0x9CA0;
	s5 =	simm.s32 $0x0  }
0x11: {  	s0 =	sadd.s32 s6, s0;
	s23 =	sadd.s32 $0xAE800, s8;
	[dreg:$0xa] =	wrdreg s5  }
0x12: {  	s6 =	sadd.s32 s9, s22;
	s8 =	sadd.s32 $0x65400, s4;
	[dreg:$0x5] =	wrdreg s21  }
0x13: {  	s26 =	smax.u32 s1, $0x1;
	s22 =	simm.s32 $0x3328;
	[dreg:$0x9] =	wrdreg s30  }
.Ltmp0:
0x14: {  	s1 =	simm.s32 $0x90E8;
	[dreg:$0x3] =	wrdreg s23;
	(pc) =	sbr.rel .LBB2_1-.Ltmp0, $4  }
0x15: {  	s4 =	simm.s32 $0xF80;
	s9 =	simm.s32 $0x2;
	[dreg:$0x4] =	wrdreg s6  }
0x16: {  	s6 =	sadd.s32 $0x32000, s6;
	s0 =	sadd.s32 $0xD3400, s0;
	[dreg:$0x8] =	wrdreg s26  }
0x17: {  	s26 =	simm.s32 $0x4A98;
	s23 =	simm.s32 $0x7978;
	[dreg:$0x6] =	wrdreg s6  }
0x18: {  	[dreg:$0x7] =	wrdreg s0;
	s0 =	simm.s32 $0x1;
	s6 =	simm.s32 $0xB410  }
.LBB2_4:
0x19: {  	_ =	swait.ge [sflag:s9], $0xBB8  }
0x1a: {  	[sflag:s9] =	ssyncset.done $0x0  }
0x1b: {  	[sflag:s9] =	ssyncadd.s32 $0xFFFFF448  }
0x1c: {  	_ =	swait.ge [sflag:s9], $0xBB8  }
0x1d: {  	[sflag:s9] =	ssyncset.done $0x0  }
0x1e: {  	[sflag:s9] =	ssyncadd.s32 $0xFFFFF448  }
0x1f: {  	_ =	swait.ge [sflag:s9], $0xBB8  }
0x20: {  	[sflag:s9] =	ssyncset.done $0x0  }
0x21: {  	[sflag:s9] =	ssyncadd.s32 $0xFFFFF448  }
0x22: {  	_ =	swait.ge [sflag:s9], $0xBB8  }
0x23: {  	[sflag:s9] =	ssyncset.done $0x0  }
0x24: {  	[sflag:s9] =	ssyncadd.s32 $0xFFFFF448  }
0x25: {  	_ =	swait.ge [sflag:s9], $0xBB8  }
0x26: {  	[sflag:s9] =	ssyncset.done $0x0  }
0x27: {  	[sflag:s9] =	ssyncadd.s32 $0xFFFFF448  }
0x28: {  	_ =	swait.ge [sflag:s9], $0xBB8  }
0x29: {  	[sflag:s9] =	ssyncset.done $0x0  }
0x2a: {  	[sflag:s9] =	ssyncadd.s32 $0xFFFFF448  }
0x2b: {  	_ =	swait.ge [sflag:s9], $0xBB8  }
0x2c: {  	[sflag:s9] =	ssyncset.done $0x0  }
0x2d: {  	[sflag:s9] =	ssyncadd.s32 $0xFFFFF448  }
0x2e: {  	_ =	swait.ge [sflag:s9], $0xBB8  }
0x2f: {  	[sflag:s9] =	ssyncset.done $0x0  }
0x30: {  	[sflag:s9] =	ssyncadd.s32 $0xFFFFF448  }
0x31: {  	[bflag:$0x0] =	sbarrier.arrive $0xFFFF  }
0x32: {  	s4 =	rddreg [dreg:$0x5]  }
0x33: {  	s5 =	rddreg [dreg:$0x7]  }
0x34: {  	s30 =	rddreg [dreg:$0x9]  }
0x35: {  	[hbm:s5], [sflag:s4] =	dma.local [spmem:s30], $0x24A8  }
0x36: {  	_ =	swait.ge [sflag:s13], $0x24A8  }
0x37: {  	s21 =	rddreg [dreg:$0xa]  }
0x38: {  	s5 =	rddreg [dreg:$0x8];
	s21 =	sadd.s32 $0x1, s21  }
0x39: {  	p0 =	sne.s32 s21, s5  }
.Ltmp1:
0x3a: {  	_ = 	snop;
	(pc) =	sbr.rel @!p0 .LBB2_5-.Ltmp1, $4  }
0x3b: {  	_ = 	snop  }
0x3c: {  	[sflag:s13] =	ssyncset.done $0x0  }
0x3d: {  	[sflag:s13] =	ssyncadd.s32 $0xFFFFDB58  }
0x3e: {  	[dreg:$0xa] =	wrdreg s21;
	s21 =	smov.u32 s4;
	s4 =	simm.s32 $0xF80  }
.LBB2_1:
0x3f: {  	s5 =	rddreg [dreg:$0x3]  }
0x40: {  	[spmem:s30], [sflag:s21] =	dma.local [hbm:s5], $0x24A8  }
0x41: {  	_ =	swait.ge [sflag:s13], $0x24A8  }
0x42: {  	[sflag:s13] =	ssyncset.done $0x0  }
0x43: {  	[sflag:s13] =	ssyncadd.s32 $0xFFFFDB58  }
0x44: {  	[bflag:$0x0] =	sbarrier.arrive $0xFFFF  }
0x45: {  	s30 =	rddreg [dreg:$0x4]  }
0x46: {  	[tilespmem:s3], [sflag:$0x3] =	stream.linear.gather [hbm4b:s30+s3], $0x400, $0x38;
	[tilespmem:$0x1F0C0] =	vst v63  }
0x47: {  	_ =	swait.ge [sflag:s13], $0x400  }
0x48: {  	[sflag:s13] =	ssyncset.done $0x0  }
0x49: {  	s21 =	rddreg [dreg:$0x6];
	[sflag:s13] =	ssyncadd.s32 $0xFFFFFC00  }
0x4a: {  	[tilespmem:s14], [sflag:$0x3] =	stream.linear.gather [hbm4b:s21+s3], $0x400, $0x38;
	[tilespmem:$0x1F0C0] =	vst v63  }
0x4b: {  	_ =	swait.ge [sflag:s13], $0x400  }
0x4c: {  	[sflag:s13] =	ssyncset.done $0x0  }
0x4d: {  	[sflag:s13] =	ssyncadd.s32 $0xFFFFFC00  }
0x4e: {  	[tilespmem:s16], [sflag:$0x1] =	stream.indirect.gather [hbm4b:s8+s15], $0x18, s3, s15, $0xb8;
	[tilespmem:$0x1F0C0] =	vst v63  }
0x4f: {  	s30 =	simm.s32 $0x80  }
0x50: {  	[tilespmem:s18], [sflag:$0x1] =	stream.indirect.gather [hbm4b:s8+s15], $0x18, s30, s15, $0xb8;
	[tilespmem:$0x1F0C0] =	vst v63  }
0x51: {  	s21 =	simm.s32 $0x100  }
0x52: {  	[tilespmem:s20], [sflag:$0x1] =	stream.indirect.gather [hbm4b:s8+s15], $0x18, s21, s15, $0xb8;
	[tilespmem:$0x1F0C0] =	vst v63  }
0x53: {  	s30 =	simm.s32 $0x180  }
0x54: {  	[tilespmem:s22], [sflag:$0x1] =	stream.indirect.gather [hbm4b:s8+s15], $0x18, s30, s15, $0xb8;
	[tilespmem:$0x1F0C0] =	vst v63  }
0x55: {  	s21 =	simm.s32 $0x200  }
0x56: {  	[tilespmem:s24], [sflag:$0x1] =	stream.indirect.gather [hbm4b:s8+s15], $0x18, s21, s15, $0xb8;
	[tilespmem:$0x1F0C0] =	vst v63  }
0x57: {  	s30 =	simm.s32 $0x280  }
0x58: {  	[tilespmem:s26], [sflag:$0x1] =	stream.indirect.gather [hbm4b:s8+s15], $0x18, s30, s15, $0xb8;
	[tilespmem:$0x1F0C0] =	vst v63  }
0x59: {  	s21 =	simm.s32 $0x300  }
0x5a: {  	[tilespmem:s29], [sflag:$0x1] =	stream.indirect.gather [hbm4b:s8+s15], $0x18, s21, s15, $0xb8;
	[tilespmem:$0x1F0C0] =	vst v63  }
0x5b: {  	s5 =	simm.s32 $0x0;
	s30 =	simm.s32 $0x380  }
0x5c: {  	[tilespmem:s31], [sflag:$0x1] =	stream.indirect.gather [hbm4b:s8+s15], $0x18, s30, s15, $0xb8;
	[tilespmem:$0x1F0C0] =	vst v63  }
.LBB2_2:
0x5d: {  	_ =	swait.ge [sflag:s0], $0xBB8  }
0x5e: {  	[sflag:s0] =	ssyncset.done $0x0  }
0x5f: {  	[sflag:s0] =	ssyncadd.s32 $0xFFFFF448  }
0x60: {  	_ =	swait.ge [sflag:s0], $0xBB8  }
0x61: {  	[sflag:s0] =	ssyncset.done $0x0  }
0x62: {  	[sflag:s0] =	ssyncadd.s32 $0xFFFFF448  }
0x63: {  	_ =	swait.ge [sflag:s0], $0xBB8  }
0x64: {  	[sflag:s0] =	ssyncset.done $0x0  }
0x65: {  	[sflag:s0] =	ssyncadd.s32 $0xFFFFF448  }
0x66: {  	_ =	swait.ge [sflag:s0], $0xBB8  }
0x67: {  	[sflag:s0] =	ssyncset.done $0x0  }
0x68: {  	[sflag:s0] =	ssyncadd.s32 $0xFFFFF448  }
0x69: {  	_ =	swait.ge [sflag:s0], $0xBB8  }
0x6a: {  	[sflag:s0] =	ssyncset.done $0x0  }
0x6b: {  	[sflag:s0] =	ssyncadd.s32 $0xFFFFF448  }
0x6c: {  	_ =	swait.ge [sflag:s0], $0xBB8  }
0x6d: {  	[sflag:s0] =	ssyncset.done $0x0  }
0x6e: {  	[sflag:s0] =	ssyncadd.s32 $0xFFFFF448  }
0x6f: {  	_ =	swait.ge [sflag:s0], $0xBB8  }
0x70: {  	[sflag:s0] =	ssyncset.done $0x0  }
0x71: {  	[sflag:s0] =	ssyncadd.s32 $0xFFFFF448  }
0x72: {  	_ =	swait.ge [sflag:s0], $0xBB8  }
0x73: {  	[sflag:s0] =	ssyncset.done $0x0  }
0x74: {  	[sflag:s0] =	ssyncadd.s32 $0xFFFFF448  }
0x75: {  	[spmem:s2] =	stream.indirect.scatter.add.f32 [tilespmem:s16], [sflag:$0x2], $0x18, s14, s15, $0xb8;
	[tilespmem:$0x1F0C0] =	vst v63  }
0x76: {  	s21 =	simm.s32 $0x880  }
0x77: {  	[spmem:s2] =	stream.indirect.scatter.add.f32 [tilespmem:s18], [sflag:$0x2], $0x18, s21, s15, $0xb8;
	[tilespmem:$0x1F0C0] =	vst v63  }
0x78: {  	s30 =	simm.s32 $0x900  }
0x79: {  	[spmem:s2] =	stream.indirect.scatter.add.f32 [tilespmem:s20], [sflag:$0x2], $0x18, s30, s15, $0xb8;
	[tilespmem:$0x1F0C0] =	vst v63  }
0x7a: {  	s30 =	simm.s32 $0x980  }
0x7b: {  	[spmem:s2] =	stream.indirect.scatter.add.f32 [tilespmem:s22], [sflag:$0x2], $0x18, s30, s15, $0xb8;
	[tilespmem:$0x1F0C0] =	vst v63  }
0x7c: {  	s30 =	simm.s32 $0xA00  }
0x7d: {  	[spmem:s2] =	stream.indirect.scatter.add.f32 [tilespmem:s24], [sflag:$0x2], $0x18, s30, s15, $0xb8;
	[tilespmem:$0x1F0C0] =	vst v63  }
0x7e: {  	s30 =	simm.s32 $0xA80  }
0x7f: {  	[spmem:s2] =	stream.indirect.scatter.add.f32 [tilespmem:s26], [sflag:$0x2], $0x18, s30, s15, $0xb8;
	[tilespmem:$0x1F0C0] =	vst v63  }
0x80: {  	s30 =	simm.s32 $0xB00  }
0x81: {  	[spmem:s2] =	stream.indirect.scatter.add.f32 [tilespmem:s29], [sflag:$0x2], $0x18, s30, s15, $0xb8;
	[tilespmem:$0x1F0C0] =	vst v63  }
0x82: {  	p0 =	seq.s32 s5, $0x0;
	s30 =	simm.s32 $0xB80  }
0x83: {  	[spmem:s2] =	stream.indirect.scatter.add.f32 [tilespmem:s31], [sflag:$0x2], $0x18, s30, s15, $0xb8;
	[tilespmem:$0x1F0C0] =	vst v63  }
0x84: {  	s30 =	simm.s32 @!p0 $0x2  }
0x85: {  	_ =	swait.ge @!p0 [sflag:s30], $0xBB8  }
0x86: {  	[sflag:s30] =	ssyncset.done @!p0 $0x0  }
0x87: {  	[sflag:s30] =	ssyncadd.s32 @!p0 $0xFFFFF448  }
0x88: {  	_ =	swait.ge @!p0 [sflag:s30], $0xBB8  }
0x89: {  	[sflag:s30] =	ssyncset.done @!p0 $0x0  }
0x8a: {  	[sflag:s30] =	ssyncadd.s32 @!p0 $0xFFFFF448  }
0x8b: {  	_ =	swait.ge @!p0 [sflag:s30], $0xBB8  }
0x8c: {  	[sflag:s30] =	ssyncset.done @!p0 $0x0  }
0x8d: {  	[sflag:s30] =	ssyncadd.s32 @!p0 $0xFFFFF448  }
0x8e: {  	_ =	swait.ge @!p0 [sflag:s30], $0xBB8  }
0x8f: {  	[sflag:s30] =	ssyncset.done @!p0 $0x0  }
0x90: {  	[sflag:s30] =	ssyncadd.s32 @!p0 $0xFFFFF448  }
0x91: {  	_ =	swait.ge @!p0 [sflag:s30], $0xBB8  }
0x92: {  	[sflag:s30] =	ssyncset.done @!p0 $0x0  }
0x93: {  	[sflag:s30] =	ssyncadd.s32 @!p0 $0xFFFFF448  }
0x94: {  	_ =	swait.ge @!p0 [sflag:s30], $0xBB8  }
0x95: {  	[sflag:s30] =	ssyncset.done @!p0 $0x0  }
0x96: {  	[sflag:s30] =	ssyncadd.s32 @!p0 $0xFFFFF448  }
0x97: {  	_ =	swait.ge @!p0 [sflag:s30], $0xBB8  }
0x98: {  	[sflag:s30] =	ssyncset.done @!p0 $0x0  }
0x99: {  	[sflag:s30] =	ssyncadd.s32 @!p0 $0xFFFFF448  }
0x9a: {  	_ =	swait.ge @!p0 [sflag:s30], $0xBB8  }
0x9b: {  	s21 =	sadd.s32 s5, s11;
	[sflag:s30] =	ssyncset.done @!p0 $0x0  }
0x9c: {  	[sflag:s30] =	ssyncadd.s32 @!p0 $0xFFFFF448;
	s30 =	sadd.s32 $0x80, s21  }
0x9d: {  	[tilespmem:s12], [sflag:$0x3] =	stream.linear.gather [hbm4b:s30+s3], $0x400, $0x38;
	[tilespmem:$0x1F0C0] =	vst v63  }
0x9e: {  	_ =	swait.ge [sflag:s13], $0x400  }
0x9f: {  	[sflag:s13] =	ssyncset.done $0x0  }
0xa0: {  	s30 =	sadd.s32 $0x32080, s21;
	[sflag:s13] =	ssyncadd.s32 $0xFFFFFC00  }
0xa1: {  	[tilespmem:s17], [sflag:$0x3] =	stream.linear.gather [hbm4b:s30+s3], $0x400, $0x38;
	[tilespmem:$0x1F0C0] =	vst v63  }
0xa2: {  	_ =	swait.ge [sflag:s13], $0x400  }
0xa3: {  	[sflag:s13] =	ssyncset.done $0x0  }
0xa4: {  	[sflag:s13] =	ssyncadd.s32 $0xFFFFFC00  }
0xa5: {  	[tilespmem:s19], [sflag:$0x1] =	stream.indirect.gather [hbm4b:s8+s15], $0x18, s12, s15, $0xb8;
	[tilespmem:$0x1F0C0] =	vst v63  }
0xa6: {  	s30 =	simm.s32 $0x480  }
0xa7: {  	[tilespmem:s23], [sflag:$0x1] =	stream.indirect.gather [hbm4b:s8+s15], $0x18, s30, s15, $0xb8;
	[tilespmem:$0x1F0C0] =	vst v63  }
0xa8: {  	s30 =	simm.s32 $0x500  }
0xa9: {  	[tilespmem:s28], [sflag:$0x1] =	stream.indirect.gather [hbm4b:s8+s15], $0x18, s30, s15, $0xb8;
	[tilespmem:$0x1F0C0] =	vst v63  }
0xaa: {  	s30 =	simm.s32 $0x580  }
0xab: {  	[tilespmem:s1], [sflag:$0x1] =	stream.indirect.gather [hbm4b:s8+s15], $0x18, s30, s15, $0xb8;
	[tilespmem:$0x1F0C0] =	vst v63  }
0xac: {  	s30 =	simm.s32 $0x600  }
0xad: {  	[tilespmem:s7], [sflag:$0x1] =	stream.indirect.gather [hbm4b:s8+s15], $0x18, s30, s15, $0xb8;
	[tilespmem:$0x1F0C0] =	vst v63  }
0xae: {  	s30 =	simm.s32 $0x680  }
0xaf: {  	[tilespmem:s10], [sflag:$0x1] =	stream.indirect.gather [hbm4b:s8+s15], $0x18, s30, s15, $0xb8;
	[tilespmem:$0x1F0C0] =	vst v63  }
0xb0: {  	s30 =	simm.s32 $0x700  }
0xb1: {  	[tilespmem:s6], [sflag:$0x1] =	stream.indirect.gather [hbm4b:s8+s15], $0x18, s30, s15, $0xb8;
	[tilespmem:$0x1F0C0] =	vst v63  }
0xb2: {  	s30 =	simm.s32 $0x780  }
0xb3: {  	[tilespmem:s25], [sflag:$0x1] =	stream.indirect.gather [hbm4b:s8+s15], $0x18, s30, s15, $0xb8;
	[tilespmem:$0x1F0C0] =	vst v63  }
0xb4: {  	_ =	swait.ge [sflag:s0], $0xBB8  }
0xb5: {  	[sflag:s0] =	ssyncset.done $0x0  }
0xb6: {  	[sflag:s0] =	ssyncadd.s32 $0xFFFFF448  }
0xb7: {  	_ =	swait.ge [sflag:s0], $0xBB8  }
0xb8: {  	[sflag:s0] =	ssyncset.done $0x0  }
0xb9: {  	[sflag:s0] =	ssyncadd.s32 $0xFFFFF448  }
0xba: {  	_ =	swait.ge [sflag:s0], $0xBB8  }
0xbb: {  	[sflag:s0] =	ssyncset.done $0x0  }
0xbc: {  	[sflag:s0] =	ssyncadd.s32 $0xFFFFF448  }
0xbd: {  	_ =	swait.ge [sflag:s0], $0xBB8  }
0xbe: {  	[sflag:s0] =	ssyncset.done $0x0  }
0xbf: {  	[sflag:s0] =	ssyncadd.s32 $0xFFFFF448  }
0xc0: {  	_ =	swait.ge [sflag:s0], $0xBB8  }
0xc1: {  	[sflag:s0] =	ssyncset.done $0x0  }
0xc2: {  	[sflag:s0] =	ssyncadd.s32 $0xFFFFF448  }
0xc3: {  	_ =	swait.ge [sflag:s0], $0xBB8  }
0xc4: {  	[sflag:s0] =	ssyncset.done $0x0  }
0xc5: {  	[sflag:s0] =	ssyncadd.s32 $0xFFFFF448  }
0xc6: {  	_ =	swait.ge [sflag:s0], $0xBB8  }
0xc7: {  	[sflag:s0] =	ssyncset.done $0x0  }
0xc8: {  	[sflag:s0] =	ssyncadd.s32 $0xFFFFF448  }
0xc9: {  	_ =	swait.ge [sflag:s0], $0xBB8  }
0xca: {  	[sflag:s0] =	ssyncset.done $0x0  }
0xcb: {  	[sflag:s0] =	ssyncadd.s32 $0xFFFFF448  }
0xcc: {  	[spmem:s2] =	stream.indirect.scatter.add.f32 [tilespmem:s19], [sflag:$0x2], $0x18, s17, s15, $0xb8;
	[tilespmem:$0x1F0C0] =	vst v63  }
0xcd: {  	s30 =	simm.s32 $0xC80  }
0xce: {  	[spmem:s2] =	stream.indirect.scatter.add.f32 [tilespmem:s23], [sflag:$0x2], $0x18, s30, s15, $0xb8;
	[tilespmem:$0x1F0C0] =	vst v63  }
0xcf: {  	s30 =	simm.s32 $0xD00  }
0xd0: {  	[spmem:s2] =	stream.indirect.scatter.add.f32 [tilespmem:s28], [sflag:$0x2], $0x18, s30, s15, $0xb8;
	[tilespmem:$0x1F0C0] =	vst v63  }
0xd1: {  	s30 =	simm.s32 $0xD80  }
0xd2: {  	[spmem:s2] =	stream.indirect.scatter.add.f32 [tilespmem:s1], [sflag:$0x2], $0x18, s30, s15, $0xb8;
	[tilespmem:$0x1F0C0] =	vst v63  }
0xd3: {  	s30 =	simm.s32 $0xE00  }
0xd4: {  	[spmem:s2] =	stream.indirect.scatter.add.f32 [tilespmem:s7], [sflag:$0x2], $0x18, s30, s15, $0xb8;
	[tilespmem:$0x1F0C0] =	vst v63  }
0xd5: {  	s30 =	simm.s32 $0xE80  }
0xd6: {  	[spmem:s2] =	stream.indirect.scatter.add.f32 [tilespmem:s10], [sflag:$0x2], $0x18, s30, s15, $0xb8;
	[tilespmem:$0x1F0C0] =	vst v63  }
0xd7: {  	s30 =	simm.s32 $0xF00  }
0xd8: {  	[spmem:s2] =	stream.indirect.scatter.add.f32 [tilespmem:s6], [sflag:$0x2], $0x18, s30, s15, $0xb8;
	[tilespmem:$0x1F0C0] =	vst v63  }
0xd9: {  	_ = 	snop  }
0xda: {  	[spmem:s2] =	stream.indirect.scatter.add.f32 [tilespmem:s25], [sflag:$0x2], $0x18, s4, s15, $0xb8;
	[tilespmem:$0x1F0C0] =	vst v63  }
0xdb: {  	_ =	swait.ge [sflag:s9], $0xBB8  }
0xdc: {  	[sflag:s9] =	ssyncset.done $0x0  }
0xdd: {  	[sflag:s9] =	ssyncadd.s32 $0xFFFFF448  }
0xde: {  	_ =	swait.ge [sflag:s9], $0xBB8  }
0xdf: {  	[sflag:s9] =	ssyncset.done $0x0  }
0xe0: {  	[sflag:s9] =	ssyncadd.s32 $0xFFFFF448  }
0xe1: {  	_ =	swait.ge [sflag:s9], $0xBB8  }
0xe2: {  	[sflag:s9] =	ssyncset.done $0x0  }
0xe3: {  	[sflag:s9] =	ssyncadd.s32 $0xFFFFF448  }
0xe4: {  	_ =	swait.ge [sflag:s9], $0xBB8  }
0xe5: {  	[sflag:s9] =	ssyncset.done $0x0  }
0xe6: {  	[sflag:s9] =	ssyncadd.s32 $0xFFFFF448  }
0xe7: {  	_ =	swait.ge [sflag:s9], $0xBB8  }
0xe8: {  	[sflag:s9] =	ssyncset.done $0x0  }
0xe9: {  	[sflag:s9] =	ssyncadd.s32 $0xFFFFF448  }
0xea: {  	_ =	swait.ge [sflag:s9], $0xBB8  }
0xeb: {  	[sflag:s9] =	ssyncset.done $0x0  }
0xec: {  	[sflag:s9] =	ssyncadd.s32 $0xFFFFF448  }
0xed: {  	p0 =	seq.s32 s5, $0x3100;
	_ =	swait.ge [sflag:s9], $0xBB8  }
.Ltmp2:
0xee: {  	[sflag:s9] =	ssyncset.done $0x0;
	(pc) =	sbr.rel @p0 .LBB2_4-.Ltmp2, $4  }
0xef: {  	[sflag:s9] =	ssyncadd.s32 $0xFFFFF448  }
0xf0: {  	_ =	swait.ge [sflag:s9], $0xBB8  }
0xf1: {  	[sflag:s9] =	ssyncset.done $0x0  }
0xf2: {  	[sflag:s9] =	ssyncadd.s32 $0xFFFFF448  }
0xf3: {  	s30 =	sadd.s32 $0x100, s21  }
0xf4: {  	[tilespmem:s3], [sflag:$0x3] =	stream.linear.gather [hbm4b:s30+s3], $0x400, $0x38;
	[tilespmem:$0x1F0C0] =	vst v63  }
0xf5: {  	_ =	swait.ge [sflag:s13], $0x400  }
0xf6: {  	[sflag:s13] =	ssyncset.done $0x0  }
0xf7: {  	s30 =	sadd.s32 $0x32100, s21;
	[sflag:s13] =	ssyncadd.s32 $0xFFFFFC00  }
0xf8: {  	[tilespmem:s14], [sflag:$0x3] =	stream.linear.gather [hbm4b:s30+s3], $0x400, $0x38;
	[tilespmem:$0x1F0C0] =	vst v63  }
0xf9: {  	_ =	swait.ge [sflag:s13], $0x400  }
0xfa: {  	[sflag:s13] =	ssyncset.done $0x0  }
0xfb: {  	[sflag:s13] =	ssyncadd.s32 $0xFFFFFC00  }
0xfc: {  	[tilespmem:s16], [sflag:$0x1] =	stream.indirect.gather [hbm4b:s8+s15], $0x18, s3, s15, $0xb8;
	[tilespmem:$0x1F0C0] =	vst v63  }
0xfd: {  	s30 =	simm.s32 $0x80  }
0xfe: {  	[tilespmem:s18], [sflag:$0x1] =	stream.indirect.gather [hbm4b:s8+s15], $0x18, s30, s15, $0xb8;
	[tilespmem:$0x1F0C0] =	vst v63  }
0xff: {  	s30 =	simm.s32 $0x100  }
0x100: {  	[tilespmem:s20], [sflag:$0x1] =	stream.indirect.gather [hbm4b:s8+s15], $0x18, s30, s15, $0xb8;
	[tilespmem:$0x1F0C0] =	vst v63  }
0x101: {  	s30 =	simm.s32 $0x180  }
0x102: {  	[tilespmem:s22], [sflag:$0x1] =	stream.indirect.gather [hbm4b:s8+s15], $0x18, s30, s15, $0xb8;
	[tilespmem:$0x1F0C0] =	vst v63  }
0x103: {  	s30 =	simm.s32 $0x200  }
0x104: {  	[tilespmem:s24], [sflag:$0x1] =	stream.indirect.gather [hbm4b:s8+s15], $0x18, s30, s15, $0xb8;
	[tilespmem:$0x1F0C0] =	vst v63  }
0x105: {  	s30 =	simm.s32 $0x280  }
0x106: {  	[tilespmem:s26], [sflag:$0x1] =	stream.indirect.gather [hbm4b:s8+s15], $0x18, s30, s15, $0xb8;
	[tilespmem:$0x1F0C0] =	vst v63  }
.Ltmp3:
0x107: {  	_ = 	snop;
	(pc) =	sbr.rel .LBB2_2-.Ltmp3, $4  }
0x108: {  	s30 =	simm.s32 $0x300  }
0x109: {  	[tilespmem:s29], [sflag:$0x1] =	stream.indirect.gather [hbm4b:s8+s15], $0x18, s30, s15, $0xb8;
	[tilespmem:$0x1F0C0] =	vst v63  }
0x10a: {  	s5 =	sadd.s32 $0x100, s5;
	s30 =	simm.s32 $0x380  }
0x10b: {  	[tilespmem:s31], [sflag:$0x1] =	stream.indirect.gather [hbm4b:s8+s15], $0x18, s30, s15, $0xb8;
	[tilespmem:$0x1F0C0] =	vst v63  }
.LBB2_5:
0x10c: {  	_ =	sfence.sel $0x180000  }
0x10d: {  	[bflag:$0x0] =	sbarrier.arrive $0xFFFF  }
0x10e: {  	_ =	strace $0x9000004A  }
0x10f: {  	s0 =	stileid.u32;
	[bflag:$0x2] =	sbarrier.arrive $0xFFFF  }
0x110: {  	p0 =	sne.s32 s0, $0x0;
	s0 =	rddreg [dreg:$0x2]  }
0x111: {  	s0 =	sadd.s32 @!p0 $0x100000, s0  }
0x112: {  	[sflag:s0] =	ssyncadd.tile.s32 @!p0 $0x1;
	_ =	shalt  }
.Lfunc_end2:
_tile_overlayer_lowered:
.L_overlay_start_2:
0x113: {  	(tag) =	ssettag $0x2  }
0x114: {  	s0 =	rddreg [dreg:$0x0];
	s2 =	stileid.u32  }
0x115: {  	s1 =	rddreg [dreg:$0x1];
	p0 =	sne.s32 s2, $0x0  }
0x116: {  	s3 =	rddreg [dreg:$0x2];
	[bflag:$0x3] =	sbarrier.arrive $0xFFFF;
	s2 =	simm.s32 @!p0 $0x1C03  }
0x117: {  	[timem:s3], [sflag:s2] =	dma.local @!p0 [hbm:s0], s1  }
0x118: {  	s0 =	simm.s32 @!p0 $0x3  }
0x119: {  	_ =	swait.ge @!p0 [sflag:s0], s1  }
0x11a: {  	s1 =	ssub.s32 @!p0 $0x0, s1;
	[sflag:s0] =	ssyncset.done @!p0 $0x0  }
0x11b: {  	[sflag:s0] =	ssyncadd.s32 @!p0 s1  }
0x11c: {  	[bflag:$0x3] =	sbarrier.arrive $0xFFFF  }
0x11d: {  	_ =	shalt  }

</sc_bundles>
